<compile_context>
chip_gen: v7x
topology: tpu7x:2x2x1
jax: 0.10.2.dev20260603
libtpu: 0.0.44.dev20260713+nightly
codegen_flags: <defaults>
</compile_context>

<pallas_src>
import functools

import jax
import jax.numpy as jnp
from jax import lax
from jax.experimental import pallas as pl
from jax.experimental.pallas import tpu as pltpu
from jax.experimental.pallas import tpu_sc as plsc

N = 10000
E = 320000
D = 128
H = 128
L = 4
MASK_RATIO = 0.5

N_PAD = 10240
NW = 32
CHUNK = 128
GROUPS = 2
CH_PER_G = 40
CH_PER_W = GROUPS * CH_PER_G
E_PAD = NW * CH_PER_W * CHUNK
BLK = 512
NB = N_PAD // BLK
ROWS_PER_TILE = N_PAD // 16


_MESH = plsc.VectorSubcoreMesh(core_axis_name="c", subcore_axis_name="s")


@functools.partial(
    pl.kernel, mesh=_MESH,
    out_type=jax.ShapeDtypeStruct((2 * N_PAD, D), jnp.float32),
    scratch_types=[
        pltpu.VMEM((CH_PER_G, CHUNK), jnp.int32),
        pltpu.VMEM((CH_PER_G, CHUNK), jnp.int32),
        pltpu.VMEM((CHUNK, D), jnp.float32),
        pltpu.VMEM((CHUNK, D), jnp.float32),
        pltpu.VMEM_SHARED((N_PAD, D), jnp.float32),
        pltpu.SemaphoreType.DMA,
        pltpu.SemaphoreType.DMA,
        pltpu.SemaphoreType.DMA,
    ])
def _agg(h_hbm, srcs, dsts, zrow, part_out,
         sidxg, didxg, rows0, rows1, acc, gsem0, gsem1, isem):
    c = lax.axis_index("c")
    s = lax.axis_index("s")
    wid = c * 16 + s
    base = s * ROWS_PER_TILE
    pltpu.sync_copy(zrow.at[pl.ds(base, ROWS_PER_TILE)],
                    acc.at[pl.ds(base, ROWS_PER_TILE)])
    plsc.subcore_barrier()

    def gather_wait(buf, sem):
        pltpu.make_async_copy(h_hbm.at[sidxg.at[0]], buf, sem).wait()

    for g in range(GROUPS):
        pltpu.async_copy(srcs.at[wid, g], sidxg, isem)
        pltpu.async_copy(dsts.at[wid, g], didxg, isem)
        pltpu.make_async_copy(srcs.at[0, 0], sidxg, isem).wait()
        pltpu.make_async_copy(srcs.at[0, 0], didxg, isem).wait()
        pltpu.async_copy(h_hbm.at[sidxg.at[0]], rows0, gsem0)

        def body(t, carry):
            a = 2 * t
            b = 2 * t + 1
            na = jnp.minimum(2 * t + 2, CH_PER_G - 1)
            gather_wait(rows0, gsem0)
            pltpu.async_copy(h_hbm.at[sidxg.at[b]], rows1, gsem1)
            pltpu.sync_copy(rows0, acc.at[didxg.at[a]], add=True)
            pltpu.async_copy(h_hbm.at[sidxg.at[na]], rows0, gsem0)
            gather_wait(rows1, gsem1)
            pltpu.sync_copy(rows1, acc.at[didxg.at[b]], add=True)
            return carry

        lax.fori_loop(0, CH_PER_G // 2, body, 0)
        gather_wait(rows0, gsem0)

    plsc.subcore_barrier()
    off = c * N_PAD + base
    pltpu.sync_copy(acc.at[pl.ds(base, ROWS_PER_TILE)],
                    part_out.at[pl.ds(off, ROWS_PER_TILE)])


@functools.partial(
    pl.kernel, mesh=_MESH,
    out_type=jax.ShapeDtypeStruct((2 * N_PAD, D), jnp.float32),
    scratch_types=[
        pltpu.VMEM((CH_PER_G, CHUNK), jnp.int32),
        pltpu.VMEM((CHUNK, D), jnp.float32),
        pltpu.VMEM_SHARED((N_PAD, D), jnp.float32),
    ])
def _deg(dsts, zrow, ones_hbm, deg_out, didxg, ones_v, acc):
    c = lax.axis_index("c")
    s = lax.axis_index("s")
    wid = c * 16 + s
    base = s * ROWS_PER_TILE
    pltpu.sync_copy(zrow.at[pl.ds(base, ROWS_PER_TILE)],
                    acc.at[pl.ds(base, ROWS_PER_TILE)])
    pltpu.sync_copy(ones_hbm, ones_v)
    plsc.subcore_barrier()

    for g in range(GROUPS):
        pltpu.sync_copy(dsts.at[wid, g], didxg)

        def body(j, carry):
            pltpu.sync_copy(ones_v, acc.at[didxg.at[j]], add=True)
            return carry

        lax.fori_loop(0, CH_PER_G, body, 0)
    plsc.subcore_barrier()
    off = c * N_PAD + base
    pltpu.sync_copy(acc.at[pl.ds(base, ROWS_PER_TILE)],
                    deg_out.at[pl.ds(off, ROWS_PER_TILE)])


def _prep_call(x_pad, mk, enc):
    def body(x_r, mk_r, enc_r, o_r):
        o_r[...] = jnp.where(mk_r[:, 0:1] > 0.5, enc_r[...], x_r[...])

    return pl.pallas_call(
        body,
        grid=(NB,),
        in_specs=[
            pl.BlockSpec((BLK, D), lambda i: (i, 0)),
            pl.BlockSpec((BLK, 16), lambda i: (i, 0)),
            pl.BlockSpec((1, D), lambda i: (0, 0)),
        ],
        out_specs=pl.BlockSpec((BLK, D), lambda i: (i, 0)),
        out_shape=jax.ShapeDtypeStruct((N_PAD, D), jnp.float32),
    )(x_pad, mk, enc)


def _dense_call(p0, p1, dg0, dg1, h, Wn, Ws, b2, relu):
    def body(p0_r, p1_r, dg0_r, dg1_r, h_r, wn_r, ws_r, b_r, o_r):
        denom = jnp.maximum(dg0_r[:, 0:1] + dg1_r[:, 0:1], 1.0)
        agg = (p0_r[...] + p1_r[...]) / denom
        out = (jnp.dot(agg, wn_r[...], preferred_element_type=jnp.float32)
               + jnp.dot(h_r[...], ws_r[...], preferred_element_type=jnp.float32)
               + b_r[...])
        if relu:
            out = jnp.maximum(out, 0.0)
        o_r[...] = out

    return pl.pallas_call(
        body,
        grid=(NB,),
        in_specs=[
            pl.BlockSpec((BLK, D), lambda i: (i, 0)),
            pl.BlockSpec((BLK, D), lambda i: (i, 0)),
            pl.BlockSpec((BLK, 16), lambda i: (i, 0)),
            pl.BlockSpec((BLK, 16), lambda i: (i, 0)),
            pl.BlockSpec((BLK, D), lambda i: (i, 0)),
            pl.BlockSpec((D, D), lambda i: (0, 0)),
            pl.BlockSpec((D, D), lambda i: (0, 0)),
            pl.BlockSpec((1, D), lambda i: (0, 0)),
        ],
        out_specs=pl.BlockSpec((BLK, D), lambda i: (i, 0)),
        out_shape=jax.ShapeDtypeStruct((N_PAD, D), jnp.float32),
    )(p0, p1, dg0, dg1, h, Wn, Ws, b2)


def _loss_call(h, x_pad, mk, yv, Wd0, bd02, a02, Wd1, bd12):
    eps = 1e-8

    def body(h_r, x_r, mk_r, y_r, wd0_r, bd0_r, a0_r, wd1_r, bd1_r,
             num_r, den_r):
        i = pl.program_id(0)

        @pl.when(i == 0)
        def _():
            num_r[...] = jnp.zeros_like(num_r)
            den_r[...] = jnp.zeros_like(den_r)

        hd = (jnp.dot(h_r[...], wd0_r[...], preferred_element_type=jnp.float32)
              + bd0_r[...])
        hd = jnp.where(hd >= 0, hd, a0_r[...] * hd)
        recon = (jnp.dot(hd, wd1_r[...], preferred_element_type=jnp.float32)
                 + bd1_r[...])
        x = x_r[...]
        dot = jnp.sum(recon * x, axis=1, keepdims=True)
        nr = jnp.maximum(jnp.sqrt(jnp.sum(recon * recon, axis=1, keepdims=True)), eps)
        nt = jnp.maximum(jnp.sqrt(jnp.sum(x * x, axis=1, keepdims=True)), eps)
        cos = dot / (nr * nt)
        m = mk_r[:, 0:1] * (y_r[:, 0:1] == 0.0).astype(jnp.float32)
        num_r[...] += jnp.reshape(jnp.sum((1.0 - cos) * m), (1, 1))
        den_r[...] += jnp.reshape(jnp.sum(m), (1, 1))

    return pl.pallas_call(
        body,
        grid=(NB,),
        in_specs=[
            pl.BlockSpec((BLK, D), lambda i: (i, 0)),
            pl.BlockSpec((BLK, D), lambda i: (i, 0)),
            pl.BlockSpec((BLK, 16), lambda i: (i, 0)),
            pl.BlockSpec((BLK, 16), lambda i: (i, 0)),
            pl.BlockSpec((H, H), lambda i: (0, 0)),
            pl.BlockSpec((1, H), lambda i: (0, 0)),
            pl.BlockSpec((1, 1), lambda i: (0, 0)),
            pl.BlockSpec((H, D), lambda i: (0, 0)),
            pl.BlockSpec((1, D), lambda i: (0, 0)),
        ],
        out_specs=[
            pl.BlockSpec((1, 1), lambda i: (0, 0)),
            pl.BlockSpec((1, 1), lambda i: (0, 0)),
        ],
        out_shape=[
            jax.ShapeDtypeStruct((1, 1), jnp.float32),
            jax.ShapeDtypeStruct((1, 1), jnp.float32),
        ],
    )(h, x_pad, mk, yv, Wd0, bd02, a02, Wd1, bd12)


def kernel(x, edge_index, y, enc_token, Ws0, Wn0, b0, Ws1, Wn1, b1,
           Ws2, Wn2, b2, Ws3, Wn3, b3, Wd0, bd0, a0, Wd1, bd1):
    n_mask = max(1, int(N * MASK_RATIO))
    perm = jax.random.permutation(jax.random.key(1), N)
    mask = jnp.zeros((N,), bool).at[perm[:n_mask]].set(True)
    mk = jnp.zeros((N_PAD, 16), jnp.float32).at[:N, :].set(
        jnp.broadcast_to(mask[:, None].astype(jnp.float32), (N, 16)))

    x_pad = jnp.zeros((N_PAD, D), jnp.float32).at[:N].set(x)
    yv = jnp.ones((N_PAD, 16), jnp.float32).at[:N, :].set(
        jnp.broadcast_to(y[:, None].astype(jnp.float32), (N, 16)))

    src = edge_index[0].astype(jnp.int32)
    dst = edge_index[1].astype(jnp.int32)
    pad = E_PAD - E
    src_p = jnp.concatenate([src, jnp.zeros((pad,), jnp.int32)]
                            ).reshape(NW, GROUPS, CH_PER_G, CHUNK)
    dst_p = jnp.concatenate([dst, jnp.full((pad,), N, jnp.int32)]
                            ).reshape(NW, GROUPS, CH_PER_G, CHUNK)
    zrow = jnp.zeros((N_PAD, D), jnp.float32)
    ones128 = jnp.ones((CHUNK, D), jnp.float32)

    h = _prep_call(x_pad, mk, enc_token)
    degp = _deg(dst_p, zrow, ones128)
    dg0, dg1 = degp[:N_PAD, :16], degp[N_PAD:, :16]

    Wn = (Wn0, Wn1, Wn2, Wn3)
    Ws = (Ws0, Ws1, Ws2, Ws3)
    bs = (b0, b1, b2, b3)
    for l in range(L):
        part = _agg(h, src_p, dst_p, zrow)
        p0, p1 = part[:N_PAD], part[N_PAD:]
        h = _dense_call(p0, p1, dg0, dg1, h, Wn[l], Ws[l],
                        bs[l].reshape(1, D), relu=(l < L - 1))

    num, den = _loss_call(h, x_pad, mk, yv, Wd0, bd0.reshape(1, H),
                          a0.reshape(1, 1), Wd1, bd1.reshape(1, D))
    return num[0, 0] / jnp.maximum(den[0, 0], 1.0)

# --- scband reference (transcript-rebuilt; emitter-appended) ---
"""Pipeline reference for scband-pigraph-mae-43207370998220 (READ-ONLY COPY).

The authoritative reference and input builder live on the scoring server;
editing this copy changes nothing except your own understanding.
"""

import jax, jax.numpy as jnp
import numpy as np

N = 10000
E = 320000
D = 128
H = 128
L = 4
MASK_RATIO = 0.5


def _glorot(key, shape):
    std = float(np.sqrt(2.0 / (shape[0] + shape[1])))
    return jax.random.normal(key, shape, jnp.float32) * std


def setup_inputs(seed: int = 0) -> dict:
    key = jax.random.key(seed)
    ks = jax.random.split(key, 32)
    inp = {}
    inp["x"] = jax.random.normal(ks[0], (N, D), jnp.float32)
    inp["edge_index"] = jax.random.randint(ks[1], (2, E), 0, N)
    inp["y"] = jax.random.randint(ks[2], (N,), 0, 2)
    inp["enc_token"] = _glorot(ks[3], (1, D))
    dims = [(D, H)] + [(H, H)] * (L - 1)
    for l, (di, do) in enumerate(dims):
        inp[f"Ws{l}"] = _glorot(ks[4 + 2 * l], (di, do))
        inp[f"Wn{l}"] = _glorot(ks[5 + 2 * l], (di, do))
        inp[f"b{l}"] = jnp.zeros((do,), jnp.float32)
    inp["Wd0"] = _glorot(ks[20], (H, H))
    inp["bd0"] = jnp.zeros((H,), jnp.float32)
    inp["a0"] = jnp.asarray(0.25, jnp.float32)
    inp["Wd1"] = _glorot(ks[21], (H, D))
    inp["bd1"] = jnp.zeros((D,), jnp.float32)
    return inp


def _forward(x, enc_token, Ws, Wn, bs, Wd0, bd0, a0, Wd1, bd1, edge_index, y):
    # 1) mask nodes (deterministic permutation stands in for torch.randperm)
    n_mask = max(1, int(N * MASK_RATIO))
    perm = jax.random.permutation(jax.random.key(1), N)
    mask = jnp.zeros((N,), bool).at[perm[:n_mask]].set(True)
    h = jnp.where(mask[:, None], enc_token, x)
    # 2) GraphSAGE encoder (mean aggregation): out = lin_l(mean_agg) + lin_r(x)
    src = edge_index[0]
    dst = edge_index[1]
    deg = jax.ops.segment_sum(jnp.ones((E,), jnp.float32), dst, num_segments=N)
    denom = jnp.clip(deg, 1.0, None)[:, None]
    for l in range(L):
        agg = jax.ops.segment_sum(h[src], dst, num_segments=N) / denom
        h = agg @ Wn[l] + h @ Ws[l] + bs[l]
        if l < L - 1:
            h = jax.nn.relu(h)
    # 3) MLP decoder: Linear -> PReLU -> Linear
    hd = h @ Wd0 + bd0
    hd = jnp.where(hd >= 0, hd, a0 * hd)
    recon = hd @ Wd1 + bd1
    # 4) scaled cosine error on healthy masked nodes
    healthy = (y == 0)
    loss_mask = mask & healthy
    eps = 1e-8
    dot = jnp.sum(recon * x, axis=1)
    nr = jnp.maximum(jnp.linalg.norm(recon, axis=1), eps)
    nt = jnp.maximum(jnp.linalg.norm(x, axis=1), eps)
    cos = dot / (nr * nt)
    m = loss_mask.astype(jnp.float32)
    loss = jnp.sum((1.0 - cos) * m) / jnp.maximum(jnp.sum(m), 1.0)
    return loss


def reference(x, edge_index, y, enc_token, Ws0, Wn0, b0, Ws1, Wn1, b1, Ws2, Wn2, b2, Ws3, Wn3, b3, Wd0, bd0, a0, Wd1, bd1):
    return _forward(x, enc_token, [Ws0, Ws1, Ws2, Ws3], [Wn0, Wn1, Wn2, Wn3], [b0, b1, b2, b3], Wd0, bd0, a0, Wd1, bd1, edge_index, y)

if __name__ == "__main__":
    import jax
    _d = setup_inputs()
    print(jax.jit(kernel)(*tuple(_d.values())))

</pallas_src>

<mosaic_0001>
#map = affine_map<(d0, d1) -> (0, 0)>
#map1 = affine_map<(d0, d1) -> (0, 0, 0, 0)>
module attributes {stable_mosaic.version = 14 : i64} {
  func.func @_agg(%arg0: i32, %arg1: i32, %arg2: memref<10240x128xf32, #tpu.memory_space<hbm>>, %arg3: memref<32x2x40x128xi32, #tpu.memory_space<hbm>>, %arg4: memref<32x2x40x128xi32, #tpu.memory_space<hbm>>, %arg5: memref<10240x128xf32, #tpu.memory_space<hbm>>, %arg6: memref<20480x128xf32, #tpu.memory_space<hbm>>, %arg7: memref<40x128xi32, #tpu.memory_space<vmem>>, %arg8: memref<40x128xi32, #tpu.memory_space<vmem>>, %arg9: memref<128x128xf32, #tpu.memory_space<vmem>>, %arg10: memref<128x128xf32, #tpu.memory_space<vmem>>, %arg11: memref<10240x128xf32, #tpu.memory_space<vmem_shared>>, %arg12: memref<!tpu.dma_semaphore, #tpu.memory_space<semaphore_mem>>, %arg13: memref<!tpu.dma_semaphore, #tpu.memory_space<semaphore_mem>>, %arg14: memref<!tpu.dma_semaphore, #tpu.memory_space<semaphore_mem>>) attributes {dimension_semantics = [#tpu.dimension_semantics<core_parallel>, #tpu.dimension_semantics<subcore_parallel>], iteration_bounds = array<i64: 2, 16>, scalar_prefetch = 0 : i64, scratch_operands = 8 : i64, tpu.core_type = #tpu.core_type<sc_vector_subcore>, window_params = [{transform_indices = #map}, {transform_indices = #map1}, {transform_indices = #map1}, {transform_indices = #map}, {transform_indices = #map}]} {
    %mul3A = arith.constant 16 : i32
    %mul3A_0 = arith.muli %arg0, %mul3A : i32
    %add3A = arith.addi %mul3A_0, %arg1 : i32
    %mul3A_1 = arith.constant 640 : i32
    %mul3A_2 = arith.muli %arg1, %mul3A_1 : i32
    "tpu.region"() ({
      %run_scoped3A = tpu.sem_alloc : memref<!tpu.dma_semaphore, #tpu.memory_space<semaphore_mem>>
      %dma_start3A_120 = arith.constant 0 : i32
      %dma_start3A_121 = tpu.memref_slice %arg11[%mul3A_2, %dma_start3A_120] : memref<10240x128xf32, #tpu.memory_space<vmem_shared>> -> memref<640x128xf32, #tpu.memory_space<vmem_shared>>
      %dma_start3A_122 = arith.constant 0 : i32
      %dma_start3A_123 = tpu.memref_slice %arg5[%mul3A_2, %dma_start3A_122] : memref<10240x128xf32, #tpu.memory_space<hbm>> -> memref<640x128xf32, #tpu.memory_space<hbm>>
      tpu.enqueue_dma source(%dma_start3A_123 : memref<640x128xf32, #tpu.memory_space<hbm>>) target(%dma_start3A_121 : memref<640x128xf32, #tpu.memory_space<vmem_shared>>) target_semaphore(%run_scoped3A : memref<!tpu.dma_semaphore, #tpu.memory_space<semaphore_mem>>)
      %dma_wait3A_124 = arith.constant 0 : i32
      %dma_wait3A_125 = tpu.memref_slice %arg11[%mul3A_2, %dma_wait3A_124] : memref<10240x128xf32, #tpu.memory_space<vmem_shared>> -> memref<640x128xf32, #tpu.memory_space<vmem_shared>>
      %dma_wait3A_126 = arith.constant 0 : i32
      %dma_wait3A_127 = tpu.memref_slice %arg5[%mul3A_2, %dma_wait3A_126] : memref<10240x128xf32, #tpu.memory_space<hbm>> -> memref<640x128xf32, #tpu.memory_space<hbm>>
      tpu.wait_dma2 semaphore(%run_scoped3A : memref<!tpu.dma_semaphore, #tpu.memory_space<semaphore_mem>>) src(%dma_wait3A_127 : memref<640x128xf32, #tpu.memory_space<hbm>>) dst(%dma_wait3A_125 : memref<640x128xf32, #tpu.memory_space<vmem_shared>>)
      tpu.yield
    }) : () -> ()
    %barrier3A = arith.constant 0 : index
    tpu.barrier barrier_id(%barrier3A)
    %dma_start3A = arith.constant 0 : i32
    %dma_start3A_3 = arith.constant 0 : i32
    %dma_start3A_4 = arith.constant 0 : i32
    %dma_start3A_5 = tpu.memref_slice %arg3[%add3A, %dma_start3A, %dma_start3A_3, %dma_start3A_4] : memref<32x2x40x128xi32, #tpu.memory_space<hbm>> -> memref<1x1x40x128xi32, #tpu.memory_space<hbm>>
    %dma_start3A_6 = tpu.memref_squeeze %dma_start3A_5 : memref<1x1x40x128xi32, #tpu.memory_space<hbm>> -> memref<40x128xi32, #tpu.memory_space<hbm>>
    %dma_start3A_7 = arith.constant 0 : i32
    %dma_start3A_8 = arith.constant 0 : i32
    %dma_start3A_9 = tpu.memref_slice %arg3[%add3A, %dma_start3A, %dma_start3A_7, %dma_start3A_8] : memref<32x2x40x128xi32, #tpu.memory_space<hbm>> -> memref<1x1x40x128xi32, #tpu.memory_space<hbm>>
    %dma_start3A_10 = tpu.memref_squeeze %dma_start3A_9 : memref<1x1x40x128xi32, #tpu.memory_space<hbm>> -> memref<40x128xi32, #tpu.memory_space<hbm>>
    tpu.enqueue_dma source(%dma_start3A_10 : memref<40x128xi32, #tpu.memory_space<hbm>>) target(%arg7 : memref<40x128xi32, #tpu.memory_space<vmem>>) target_semaphore(%arg14 : memref<!tpu.dma_semaphore, #tpu.memory_space<semaphore_mem>>)
    %dma_start3A_11 = arith.constant 0 : i32
    %dma_start3A_12 = arith.constant 0 : i32
    %dma_start3A_13 = arith.constant 0 : i32
    %dma_start3A_14 = tpu.memref_slice %arg4[%add3A, %dma_start3A_11, %dma_start3A_12, %dma_start3A_13] : memref<32x2x40x128xi32, #tpu.memory_space<hbm>> -> memref<1x1x40x128xi32, #tpu.memory_space<hbm>>
    %dma_start3A_15 = tpu.memref_squeeze %dma_start3A_14 : memref<1x1x40x128xi32, #tpu.memory_space<hbm>> -> memref<40x128xi32, #tpu.memory_space<hbm>>
    %dma_start3A_16 = arith.constant 0 : i32
    %dma_start3A_17 = arith.constant 0 : i32
    %dma_start3A_18 = tpu.memref_slice %arg4[%add3A, %dma_start3A_11, %dma_start3A_16, %dma_start3A_17] : memref<32x2x40x128xi32, #tpu.memory_space<hbm>> -> memref<1x1x40x128xi32, #tpu.memory_space<hbm>>
    %dma_start3A_19 = tpu.memref_squeeze %dma_start3A_18 : memref<1x1x40x128xi32, #tpu.memory_space<hbm>> -> memref<40x128xi32, #tpu.memory_space<hbm>>
    tpu.enqueue_dma source(%dma_start3A_19 : memref<40x128xi32, #tpu.memory_space<hbm>>) target(%arg8 : memref<40x128xi32, #tpu.memory_space<vmem>>) target_semaphore(%arg14 : memref<!tpu.dma_semaphore, #tpu.memory_space<semaphore_mem>>)
    %dma_wait3A = arith.constant 0 : i32
    %dma_wait3A_20 = arith.constant 0 : i32
    %dma_wait3A_21 = arith.constant 0 : i32
    %dma_wait3A_22 = arith.constant 0 : i32
    %dma_wait3A_23 = tpu.memref_slice %arg3[%dma_wait3A, %dma_wait3A_20, %dma_wait3A_21, %dma_wait3A_22] : memref<32x2x40x128xi32, #tpu.memory_space<hbm>> -> memref<1x1x40x128xi32, #tpu.memory_space<hbm>>
    %dma_wait3A_24 = tpu.memref_squeeze %dma_wait3A_23 : memref<1x1x40x128xi32, #tpu.memory_space<hbm>> -> memref<40x128xi32, #tpu.memory_space<hbm>>
    %dma_wait3A_25 = arith.constant 0 : i32
    %dma_wait3A_26 = arith.constant 0 : i32
    %dma_wait3A_27 = tpu.memref_slice %arg3[%dma_wait3A, %dma_wait3A_20, %dma_wait3A_25, %dma_wait3A_26] : memref<32x2x40x128xi32, #tpu.memory_space<hbm>> -> memref<1x1x40x128xi32, #tpu.memory_space<hbm>>
    %dma_wait3A_28 = tpu.memref_squeeze %dma_wait3A_27 : memref<1x1x40x128xi32, #tpu.memory_space<hbm>> -> memref<40x128xi32, #tpu.memory_space<hbm>>
    tpu.wait_dma2 semaphore(%arg14 : memref<!tpu.dma_semaphore, #tpu.memory_space<semaphore_mem>>) src(%dma_wait3A_28 : memref<40x128xi32, #tpu.memory_space<hbm>>) dst(%arg7 : memref<40x128xi32, #tpu.memory_space<vmem>>)
    %dma_wait3A_29 = arith.constant 0 : i32
    %dma_wait3A_30 = arith.constant 0 : i32
    %dma_wait3A_31 = arith.constant 0 : i32
    %dma_wait3A_32 = arith.constant 0 : i32
    %dma_wait3A_33 = tpu.memref_slice %arg3[%dma_wait3A_29, %dma_wait3A_30, %dma_wait3A_31, %dma_wait3A_32] : memref<32x2x40x128xi32, #tpu.memory_space<hbm>> -> memref<1x1x40x128xi32, #tpu.memory_space<hbm>>
    %dma_wait3A_34 = tpu.memref_squeeze %dma_wait3A_33 : memref<1x1x40x128xi32, #tpu.memory_space<hbm>> -> memref<40x128xi32, #tpu.memory_space<hbm>>
    %dma_wait3A_35 = arith.constant 0 : i32
    %dma_wait3A_36 = arith.constant 0 : i32
    %dma_wait3A_37 = tpu.memref_slice %arg3[%dma_wait3A_29, %dma_wait3A_30, %dma_wait3A_35, %dma_wait3A_36] : memref<32x2x40x128xi32, #tpu.memory_space<hbm>> -> memref<1x1x40x128xi32, #tpu.memory_space<hbm>>
    %dma_wait3A_38 = tpu.memref_squeeze %dma_wait3A_37 : memref<1x1x40x128xi32, #tpu.memory_space<hbm>> -> memref<40x128xi32, #tpu.memory_space<hbm>>
    tpu.wait_dma2 semaphore(%arg14 : memref<!tpu.dma_semaphore, #tpu.memory_space<semaphore_mem>>) src(%dma_wait3A_38 : memref<40x128xi32, #tpu.memory_space<hbm>>) dst(%arg8 : memref<40x128xi32, #tpu.memory_space<vmem>>)
    %dma_start3A_39 = arith.constant 0 : i32
    %dma_start3A_40 = arith.constant 0 : i32
    %dma_start3A_41 = tpu.memref_slice %arg7[%dma_start3A_39, %dma_start3A_40] : memref<40x128xi32, #tpu.memory_space<vmem>> -> memref<1x128xi32, #tpu.memory_space<vmem>>
    %dma_start3A_42 = tpu.memref_squeeze %dma_start3A_41 : memref<1x128xi32, #tpu.memory_space<vmem>> -> memref<128xi32, #tpu.memory_space<vmem>>
    %dma_start3A_43 = arith.constant 0 : i32
    %dma_start3A_44 = arith.constant 0 : i32
    %dma_start3A_45 = tpu.memref_slice %arg2[%dma_start3A_43, %dma_start3A_44] : memref<10240x128xf32, #tpu.memory_space<hbm>> -> memref<10240x128xf32, #tpu.memory_space<hbm>>
    tpu.enqueue_indirect_dma source(%dma_start3A_45 : memref<10240x128xf32, #tpu.memory_space<hbm>>) target(%arg9 : memref<128x128xf32, #tpu.memory_space<vmem>>) offsets(%dma_start3A_42 : memref<128xi32, #tpu.memory_space<vmem>>) semaphore(%arg12 : memref<!tpu.dma_semaphore, #tpu.memory_space<semaphore_mem>>)
    %scan3A = arith.constant 0 : i32
    %scan3A_46 = arith.constant 0 : i32
    %scan3A_47 = arith.constant 20 : i32
    %scan3A_48 = arith.addi %scan3A_46, %scan3A_47 : i32
    %scan3A_49 = arith.constant 1 : i32
    scf.for %scan3A_120 = %scan3A_46 to %scan3A_48 step %scan3A_49  : i32 {
      %mul3A_121 = arith.constant 2 : i32
      %mul3A_122 = arith.muli %mul3A_121, %scan3A_120 : i32
      %mul3A_123 = arith.constant 2 : i32
      %mul3A_124 = arith.muli %mul3A_123, %scan3A_120 : i32
      %add3A_125 = arith.constant 1 : i32
      %add3A_126 = arith.addi %mul3A_124, %add3A_125 : i32
      %mul3A_127 = arith.constant 2 : i32
      %mul3A_128 = arith.muli %mul3A_127, %scan3A_120 : i32
      %add3A_129 = arith.constant 2 : i32
      %add3A_130 = arith.addi %mul3A_128, %add3A_129 : i32
      %min3A = arith.constant 39 : i32
      %min3A_131 = arith.minsi %add3A_130, %min3A : i32
      %dma_wait3A_132 = arith.constant 0 : i32
      %dma_wait3A_133 = arith.constant 0 : i32
      %dma_wait3A_134 = tpu.memref_slice %arg7[%dma_wait3A_132, %dma_wait3A_133] : memref<40x128xi32, #tpu.memory_space<vmem>> -> memref<1x128xi32, #tpu.memory_space<vmem>>
      %dma_wait3A_135 = tpu.memref_squeeze %dma_wait3A_134 : memref<1x128xi32, #tpu.memory_space<vmem>> -> memref<128xi32, #tpu.memory_space<vmem>>
      %dma_wait3A_136 = arith.constant 0 : i32
      %dma_wait3A_137 = arith.constant 0 : i32
      %dma_wait3A_138 = tpu.memref_slice %arg2[%dma_wait3A_136, %dma_wait3A_137] : memref<10240x128xf32, #tpu.memory_space<hbm>> -> memref<10240x128xf32, #tpu.memory_space<hbm>>
      tpu.wait_indirect_dma semaphore(%arg12 : memref<!tpu.dma_semaphore, #tpu.memory_space<semaphore_mem>>) src(%dma_wait3A_138 : memref<10240x128xf32, #tpu.memory_space<hbm>>) dst(%arg9 : memref<128x128xf32, #tpu.memory_space<vmem>>)
      %dma_start3A_139 = arith.constant 0 : i32
      %dma_start3A_140 = tpu.memref_slice %arg7[%add3A_126, %dma_start3A_139] : memref<40x128xi32, #tpu.memory_space<vmem>> -> memref<1x128xi32, #tpu.memory_space<vmem>>
      %dma_start3A_141 = tpu.memref_squeeze %dma_start3A_140 : memref<1x128xi32, #tpu.memory_space<vmem>> -> memref<128xi32, #tpu.memory_space<vmem>>
      %dma_start3A_142 = arith.constant 0 : i32
      %dma_start3A_143 = arith.constant 0 : i32
      %dma_start3A_144 = tpu.memref_slice %arg2[%dma_start3A_142, %dma_start3A_143] : memref<10240x128xf32, #tpu.memory_space<hbm>> -> memref<10240x128xf32, #tpu.memory_space<hbm>>
      tpu.enqueue_indirect_dma source(%dma_start3A_144 : memref<10240x128xf32, #tpu.memory_space<hbm>>) target(%arg10 : memref<128x128xf32, #tpu.memory_space<vmem>>) offsets(%dma_start3A_141 : memref<128xi32, #tpu.memory_space<vmem>>) semaphore(%arg13 : memref<!tpu.dma_semaphore, #tpu.memory_space<semaphore_mem>>)
      "tpu.region"() ({
        %run_scoped3A = tpu.sem_alloc : memref<!tpu.dma_semaphore, #tpu.memory_space<semaphore_mem>>
        %dma_start3A_158 = arith.constant 0 : i32
        %dma_start3A_159 = tpu.memref_slice %arg8[%mul3A_122, %dma_start3A_158] : memref<40x128xi32, #tpu.memory_space<vmem>> -> memref<1x128xi32, #tpu.memory_space<vmem>>
        %dma_start3A_160 = tpu.memref_squeeze %dma_start3A_159 : memref<1x128xi32, #tpu.memory_space<vmem>> -> memref<128xi32, #tpu.memory_space<vmem>>
        %dma_start3A_161 = arith.constant 0 : i32
        %dma_start3A_162 = arith.constant 0 : i32
        %dma_start3A_163 = tpu.memref_slice %arg11[%dma_start3A_161, %dma_start3A_162] : memref<10240x128xf32, #tpu.memory_space<vmem_shared>> -> memref<10240x128xf32, #tpu.memory_space<vmem_shared>>
        tpu.enqueue_indirect_dma source(%arg9 : memref<128x128xf32, #tpu.memory_space<vmem>>) target(%dma_start3A_163 : memref<10240x128xf32, #tpu.memory_space<vmem_shared>>) offsets(%dma_start3A_160 : memref<128xi32, #tpu.memory_space<vmem>>) semaphore(%run_scoped3A : memref<!tpu.dma_semaphore, #tpu.memory_space<semaphore_mem>>) {add = true}
        %dma_wait3A_164 = arith.constant 0 : i32
        %dma_wait3A_165 = tpu.memref_slice %arg8[%mul3A_122, %dma_wait3A_164] : memref<40x128xi32, #tpu.memory_space<vmem>> -> memref<1x128xi32, #tpu.memory_space<vmem>>
        %dma_wait3A_166 = tpu.memref_squeeze %dma_wait3A_165 : memref<1x128xi32, #tpu.memory_space<vmem>> -> memref<128xi32, #tpu.memory_space<vmem>>
        %dma_wait3A_167 = arith.constant 0 : i32
        %dma_wait3A_168 = arith.constant 0 : i32
        %dma_wait3A_169 = tpu.memref_slice %arg11[%dma_wait3A_167, %dma_wait3A_168] : memref<10240x128xf32, #tpu.memory_space<vmem_shared>> -> memref<10240x128xf32, #tpu.memory_space<vmem_shared>>
        tpu.wait_indirect_dma semaphore(%run_scoped3A : memref<!tpu.dma_semaphore, #tpu.memory_space<semaphore_mem>>) src(%arg9 : memref<128x128xf32, #tpu.memory_space<vmem>>) dst(%dma_wait3A_169 : memref<10240x128xf32, #tpu.memory_space<vmem_shared>>)
        tpu.yield
      }) : () -> ()
      %dma_start3A_145 = arith.constant 0 : i32
      %dma_start3A_146 = tpu.memref_slice %arg7[%min3A_131, %dma_start3A_145] : memref<40x128xi32, #tpu.memory_space<vmem>> -> memref<1x128xi32, #tpu.memory_space<vmem>>
      %dma_start3A_147 = tpu.memref_squeeze %dma_start3A_146 : memref<1x128xi32, #tpu.memory_space<vmem>> -> memref<128xi32, #tpu.memory_space<vmem>>
      %dma_start3A_148 = arith.constant 0 : i32
      %dma_start3A_149 = arith.constant 0 : i32
      %dma_start3A_150 = tpu.memref_slice %arg2[%dma_start3A_148, %dma_start3A_149] : memref<10240x128xf32, #tpu.memory_space<hbm>> -> memref<10240x128xf32, #tpu.memory_space<hbm>>
      tpu.enqueue_indirect_dma source(%dma_start3A_150 : memref<10240x128xf32, #tpu.memory_space<hbm>>) target(%arg9 : memref<128x128xf32, #tpu.memory_space<vmem>>) offsets(%dma_start3A_147 : memref<128xi32, #tpu.memory_space<vmem>>) semaphore(%arg12 : memref<!tpu.dma_semaphore, #tpu.memory_space<semaphore_mem>>)
      %dma_wait3A_151 = arith.constant 0 : i32
      %dma_wait3A_152 = arith.constant 0 : i32
      %dma_wait3A_153 = tpu.memref_slice %arg7[%dma_wait3A_151, %dma_wait3A_152] : memref<40x128xi32, #tpu.memory_space<vmem>> -> memref<1x128xi32, #tpu.memory_space<vmem>>
      %dma_wait3A_154 = tpu.memref_squeeze %dma_wait3A_153 : memref<1x128xi32, #tpu.memory_space<vmem>> -> memref<128xi32, #tpu.memory_space<vmem>>
      %dma_wait3A_155 = arith.constant 0 : i32
      %dma_wait3A_156 = arith.constant 0 : i32
      %dma_wait3A_157 = tpu.memref_slice %arg2[%dma_wait3A_155, %dma_wait3A_156] : memref<10240x128xf32, #tpu.memory_space<hbm>> -> memref<10240x128xf32, #tpu.memory_space<hbm>>
      tpu.wait_indirect_dma semaphore(%arg13 : memref<!tpu.dma_semaphore, #tpu.memory_space<semaphore_mem>>) src(%dma_wait3A_157 : memref<10240x128xf32, #tpu.memory_space<hbm>>) dst(%arg10 : memref<128x128xf32, #tpu.memory_space<vmem>>)
      "tpu.region"() ({
        %run_scoped3A = tpu.sem_alloc : memref<!tpu.dma_semaphore, #tpu.memory_space<semaphore_mem>>
        %dma_start3A_158 = arith.constant 0 : i32
        %dma_start3A_159 = tpu.memref_slice %arg8[%add3A_126, %dma_start3A_158] : memref<40x128xi32, #tpu.memory_space<vmem>> -> memref<1x128xi32, #tpu.memory_space<vmem>>
        %dma_start3A_160 = tpu.memref_squeeze %dma_start3A_159 : memref<1x128xi32, #tpu.memory_space<vmem>> -> memref<128xi32, #tpu.memory_space<vmem>>
        %dma_start3A_161 = arith.constant 0 : i32
        %dma_start3A_162 = arith.constant 0 : i32
        %dma_start3A_163 = tpu.memref_slice %arg11[%dma_start3A_161, %dma_start3A_162] : memref<10240x128xf32, #tpu.memory_space<vmem_shared>> -> memref<10240x128xf32, #tpu.memory_space<vmem_shared>>
        tpu.enqueue_indirect_dma source(%arg10 : memref<128x128xf32, #tpu.memory_space<vmem>>) target(%dma_start3A_163 : memref<10240x128xf32, #tpu.memory_space<vmem_shared>>) offsets(%dma_start3A_160 : memref<128xi32, #tpu.memory_space<vmem>>) semaphore(%run_scoped3A : memref<!tpu.dma_semaphore, #tpu.memory_space<semaphore_mem>>) {add = true}
        %dma_wait3A_164 = arith.constant 0 : i32
        %dma_wait3A_165 = tpu.memref_slice %arg8[%add3A_126, %dma_wait3A_164] : memref<40x128xi32, #tpu.memory_space<vmem>> -> memref<1x128xi32, #tpu.memory_space<vmem>>
        %dma_wait3A_166 = tpu.memref_squeeze %dma_wait3A_165 : memref<1x128xi32, #tpu.memory_space<vmem>> -> memref<128xi32, #tpu.memory_space<vmem>>
        %dma_wait3A_167 = arith.constant 0 : i32
        %dma_wait3A_168 = arith.constant 0 : i32
        %dma_wait3A_169 = tpu.memref_slice %arg11[%dma_wait3A_167, %dma_wait3A_168] : memref<10240x128xf32, #tpu.memory_space<vmem_shared>> -> memref<10240x128xf32, #tpu.memory_space<vmem_shared>>
        tpu.wait_indirect_dma semaphore(%run_scoped3A : memref<!tpu.dma_semaphore, #tpu.memory_space<semaphore_mem>>) src(%arg10 : memref<128x128xf32, #tpu.memory_space<vmem>>) dst(%dma_wait3A_169 : memref<10240x128xf32, #tpu.memory_space<vmem_shared>>)
        tpu.yield
      }) : () -> ()
    }
    %scan3A_50 = arith.constant 20 : i32
    %dma_wait3A_51 = arith.constant 0 : i32
    %dma_wait3A_52 = arith.constant 0 : i32
    %dma_wait3A_53 = tpu.memref_slice %arg7[%dma_wait3A_51, %dma_wait3A_52] : memref<40x128xi32, #tpu.memory_space<vmem>> -> memref<1x128xi32, #tpu.memory_space<vmem>>
    %dma_wait3A_54 = tpu.memref_squeeze %dma_wait3A_53 : memref<1x128xi32, #tpu.memory_space<vmem>> -> memref<128xi32, #tpu.memory_space<vmem>>
    %dma_wait3A_55 = arith.constant 0 : i32
    %dma_wait3A_56 = arith.constant 0 : i32
    %dma_wait3A_57 = tpu.memref_slice %arg2[%dma_wait3A_55, %dma_wait3A_56] : memref<10240x128xf32, #tpu.memory_space<hbm>> -> memref<10240x128xf32, #tpu.memory_space<hbm>>
    tpu.wait_indirect_dma semaphore(%arg12 : memref<!tpu.dma_semaphore, #tpu.memory_space<semaphore_mem>>) src(%dma_wait3A_57 : memref<10240x128xf32, #tpu.memory_space<hbm>>) dst(%arg9 : memref<128x128xf32, #tpu.memory_space<vmem>>)
    %dma_start3A_58 = arith.constant 1 : i32
    %dma_start3A_59 = arith.constant 0 : i32
    %dma_start3A_60 = arith.constant 0 : i32
    %dma_start3A_61 = tpu.memref_slice %arg3[%add3A, %dma_start3A_58, %dma_start3A_59, %dma_start3A_60] : memref<32x2x40x128xi32, #tpu.memory_space<hbm>> -> memref<1x1x40x128xi32, #tpu.memory_space<hbm>>
    %dma_start3A_62 = tpu.memref_squeeze %dma_start3A_61 : memref<1x1x40x128xi32, #tpu.memory_space<hbm>> -> memref<40x128xi32, #tpu.memory_space<hbm>>
    %dma_start3A_63 = arith.constant 0 : i32
    %dma_start3A_64 = arith.constant 0 : i32
    %dma_start3A_65 = tpu.memref_slice %arg3[%add3A, %dma_start3A_58, %dma_start3A_63, %dma_start3A_64] : memref<32x2x40x128xi32, #tpu.memory_space<hbm>> -> memref<1x1x40x128xi32, #tpu.memory_space<hbm>>
    %dma_start3A_66 = tpu.memref_squeeze %dma_start3A_65 : memref<1x1x40x128xi32, #tpu.memory_space<hbm>> -> memref<40x128xi32, #tpu.memory_space<hbm>>
    tpu.enqueue_dma source(%dma_start3A_66 : memref<40x128xi32, #tpu.memory_space<hbm>>) target(%arg7 : memref<40x128xi32, #tpu.memory_space<vmem>>) target_semaphore(%arg14 : memref<!tpu.dma_semaphore, #tpu.memory_space<semaphore_mem>>)
    %dma_start3A_67 = arith.constant 1 : i32
    %dma_start3A_68 = arith.constant 0 : i32
    %dma_start3A_69 = arith.constant 0 : i32
    %dma_start3A_70 = tpu.memref_slice %arg4[%add3A, %dma_start3A_67, %dma_start3A_68, %dma_start3A_69] : memref<32x2x40x128xi32, #tpu.memory_space<hbm>> -> memref<1x1x40x128xi32, #tpu.memory_space<hbm>>
    %dma_start3A_71 = tpu.memref_squeeze %dma_start3A_70 : memref<1x1x40x128xi32, #tpu.memory_space<hbm>> -> memref<40x128xi32, #tpu.memory_space<hbm>>
    %dma_start3A_72 = arith.constant 0 : i32
    %dma_start3A_73 = arith.constant 0 : i32
    %dma_start3A_74 = tpu.memref_slice %arg4[%add3A, %dma_start3A_67, %dma_start3A_72, %dma_start3A_73] : memref<32x2x40x128xi32, #tpu.memory_space<hbm>> -> memref<1x1x40x128xi32, #tpu.memory_space<hbm>>
    %dma_start3A_75 = tpu.memref_squeeze %dma_start3A_74 : memref<1x1x40x128xi32, #tpu.memory_space<hbm>> -> memref<40x128xi32, #tpu.memory_space<hbm>>
    tpu.enqueue_dma source(%dma_start3A_75 : memref<40x128xi32, #tpu.memory_space<hbm>>) target(%arg8 : memref<40x128xi32, #tpu.memory_space<vmem>>) target_semaphore(%arg14 : memref<!tpu.dma_semaphore, #tpu.memory_space<semaphore_mem>>)
    %dma_wait3A_76 = arith.constant 0 : i32
    %dma_wait3A_77 = arith.constant 0 : i32
    %dma_wait3A_78 = arith.constant 0 : i32
    %dma_wait3A_79 = arith.constant 0 : i32
    %dma_wait3A_80 = tpu.memref_slice %arg3[%dma_wait3A_76, %dma_wait3A_77, %dma_wait3A_78, %dma_wait3A_79] : memref<32x2x40x128xi32, #tpu.memory_space<hbm>> -> memref<1x1x40x128xi32, #tpu.memory_space<hbm>>
    %dma_wait3A_81 = tpu.memref_squeeze %dma_wait3A_80 : memref<1x1x40x128xi32, #tpu.memory_space<hbm>> -> memref<40x128xi32, #tpu.memory_space<hbm>>
    %dma_wait3A_82 = arith.constant 0 : i32
    %dma_wait3A_83 = arith.constant 0 : i32
    %dma_wait3A_84 = tpu.memref_slice %arg3[%dma_wait3A_76, %dma_wait3A_77, %dma_wait3A_82, %dma_wait3A_83] : memref<32x2x40x128xi32, #tpu.memory_space<hbm>> -> memref<1x1x40x128xi32, #tpu.memory_space<hbm>>
    %dma_wait3A_85 = tpu.memref_squeeze %dma_wait3A_84 : memref<1x1x40x128xi32, #tpu.memory_space<hbm>> -> memref<40x128xi32, #tpu.memory_space<hbm>>
    tpu.wait_dma2 semaphore(%arg14 : memref<!tpu.dma_semaphore, #tpu.memory_space<semaphore_mem>>) src(%dma_wait3A_85 : memref<40x128xi32, #tpu.memory_space<hbm>>) dst(%arg7 : memref<40x128xi32, #tpu.memory_space<vmem>>)
    %dma_wait3A_86 = arith.constant 0 : i32
    %dma_wait3A_87 = arith.constant 0 : i32
    %dma_wait3A_88 = arith.constant 0 : i32
    %dma_wait3A_89 = arith.constant 0 : i32
    %dma_wait3A_90 = tpu.memref_slice %arg3[%dma_wait3A_86, %dma_wait3A_87, %dma_wait3A_88, %dma_wait3A_89] : memref<32x2x40x128xi32, #tpu.memory_space<hbm>> -> memref<1x1x40x128xi32, #tpu.memory_space<hbm>>
    %dma_wait3A_91 = tpu.memref_squeeze %dma_wait3A_90 : memref<1x1x40x128xi32, #tpu.memory_space<hbm>> -> memref<40x128xi32, #tpu.memory_space<hbm>>
    %dma_wait3A_92 = arith.constant 0 : i32
    %dma_wait3A_93 = arith.constant 0 : i32
    %dma_wait3A_94 = tpu.memref_slice %arg3[%dma_wait3A_86, %dma_wait3A_87, %dma_wait3A_92, %dma_wait3A_93] : memref<32x2x40x128xi32, #tpu.memory_space<hbm>> -> memref<1x1x40x128xi32, #tpu.memory_space<hbm>>
    %dma_wait3A_95 = tpu.memref_squeeze %dma_wait3A_94 : memref<1x1x40x128xi32, #tpu.memory_space<hbm>> -> memref<40x128xi32, #tpu.memory_space<hbm>>
    tpu.wait_dma2 semaphore(%arg14 : memref<!tpu.dma_semaphore, #tpu.memory_space<semaphore_mem>>) src(%dma_wait3A_95 : memref<40x128xi32, #tpu.memory_space<hbm>>) dst(%arg8 : memref<40x128xi32, #tpu.memory_space<vmem>>)
    %dma_start3A_96 = arith.constant 0 : i32
    %dma_start3A_97 = arith.constant 0 : i32
    %dma_start3A_98 = tpu.memref_slice %arg7[%dma_start3A_96, %dma_start3A_97] : memref<40x128xi32, #tpu.memory_space<vmem>> -> memref<1x128xi32, #tpu.memory_space<vmem>>
    %dma_start3A_99 = tpu.memref_squeeze %dma_start3A_98 : memref<1x128xi32, #tpu.memory_space<vmem>> -> memref<128xi32, #tpu.memory_space<vmem>>
    %dma_start3A_100 = arith.constant 0 : i32
    %dma_start3A_101 = arith.constant 0 : i32
    %dma_start3A_102 = tpu.memref_slice %arg2[%dma_start3A_100, %dma_start3A_101] : memref<10240x128xf32, #tpu.memory_space<hbm>> -> memref<10240x128xf32, #tpu.memory_space<hbm>>
    tpu.enqueue_indirect_dma source(%dma_start3A_102 : memref<10240x128xf32, #tpu.memory_space<hbm>>) target(%arg9 : memref<128x128xf32, #tpu.memory_space<vmem>>) offsets(%dma_start3A_99 : memref<128xi32, #tpu.memory_space<vmem>>) semaphore(%arg12 : memref<!tpu.dma_semaphore, #tpu.memory_space<semaphore_mem>>)
    %scan3A_103 = arith.constant 0 : i32
    %scan3A_104 = arith.constant 0 : i32
    %scan3A_105 = arith.constant 20 : i32
    %scan3A_106 = arith.addi %scan3A_104, %scan3A_105 : i32
    %scan3A_107 = arith.constant 1 : i32
    scf.for %scan3A_120 = %scan3A_104 to %scan3A_106 step %scan3A_107  : i32 {
      %mul3A_121 = arith.constant 2 : i32
      %mul3A_122 = arith.muli %mul3A_121, %scan3A_120 : i32
      %mul3A_123 = arith.constant 2 : i32
      %mul3A_124 = arith.muli %mul3A_123, %scan3A_120 : i32
      %add3A_125 = arith.constant 1 : i32
      %add3A_126 = arith.addi %mul3A_124, %add3A_125 : i32
      %mul3A_127 = arith.constant 2 : i32
      %mul3A_128 = arith.muli %mul3A_127, %scan3A_120 : i32
      %add3A_129 = arith.constant 2 : i32
      %add3A_130 = arith.addi %mul3A_128, %add3A_129 : i32
      %min3A = arith.constant 39 : i32
      %min3A_131 = arith.minsi %add3A_130, %min3A : i32
      %dma_wait3A_132 = arith.constant 0 : i32
      %dma_wait3A_133 = arith.constant 0 : i32
      %dma_wait3A_134 = tpu.memref_slice %arg7[%dma_wait3A_132, %dma_wait3A_133] : memref<40x128xi32, #tpu.memory_space<vmem>> -> memref<1x128xi32, #tpu.memory_space<vmem>>
      %dma_wait3A_135 = tpu.memref_squeeze %dma_wait3A_134 : memref<1x128xi32, #tpu.memory_space<vmem>> -> memref<128xi32, #tpu.memory_space<vmem>>
      %dma_wait3A_136 = arith.constant 0 : i32
      %dma_wait3A_137 = arith.constant 0 : i32
      %dma_wait3A_138 = tpu.memref_slice %arg2[%dma_wait3A_136, %dma_wait3A_137] : memref<10240x128xf32, #tpu.memory_space<hbm>> -> memref<10240x128xf32, #tpu.memory_space<hbm>>
      tpu.wait_indirect_dma semaphore(%arg12 : memref<!tpu.dma_semaphore, #tpu.memory_space<semaphore_mem>>) src(%dma_wait3A_138 : memref<10240x128xf32, #tpu.memory_space<hbm>>) dst(%arg9 : memref<128x128xf32, #tpu.memory_space<vmem>>)
      %dma_start3A_139 = arith.constant 0 : i32
      %dma_start3A_140 = tpu.memref_slice %arg7[%add3A_126, %dma_start3A_139] : memref<40x128xi32, #tpu.memory_space<vmem>> -> memref<1x128xi32, #tpu.memory_space<vmem>>
      %dma_start3A_141 = tpu.memref_squeeze %dma_start3A_140 : memref<1x128xi32, #tpu.memory_space<vmem>> -> memref<128xi32, #tpu.memory_space<vmem>>
      %dma_start3A_142 = arith.constant 0 : i32
      %dma_start3A_143 = arith.constant 0 : i32
      %dma_start3A_144 = tpu.memref_slice %arg2[%dma_start3A_142, %dma_start3A_143] : memref<10240x128xf32, #tpu.memory_space<hbm>> -> memref<10240x128xf32, #tpu.memory_space<hbm>>
      tpu.enqueue_indirect_dma source(%dma_start3A_144 : memref<10240x128xf32, #tpu.memory_space<hbm>>) target(%arg10 : memref<128x128xf32, #tpu.memory_space<vmem>>) offsets(%dma_start3A_141 : memref<128xi32, #tpu.memory_space<vmem>>) semaphore(%arg13 : memref<!tpu.dma_semaphore, #tpu.memory_space<semaphore_mem>>)
      "tpu.region"() ({
        %run_scoped3A = tpu.sem_alloc : memref<!tpu.dma_semaphore, #tpu.memory_space<semaphore_mem>>
        %dma_start3A_158 = arith.constant 0 : i32
        %dma_start3A_159 = tpu.memref_slice %arg8[%mul3A_122, %dma_start3A_158] : memref<40x128xi32, #tpu.memory_space<vmem>> -> memref<1x128xi32, #tpu.memory_space<vmem>>
        %dma_start3A_160 = tpu.memref_squeeze %dma_start3A_159 : memref<1x128xi32, #tpu.memory_space<vmem>> -> memref<128xi32, #tpu.memory_space<vmem>>
        %dma_start3A_161 = arith.constant 0 : i32
        %dma_start3A_162 = arith.constant 0 : i32
        %dma_start3A_163 = tpu.memref_slice %arg11[%dma_start3A_161, %dma_start3A_162] : memref<10240x128xf32, #tpu.memory_space<vmem_shared>> -> memref<10240x128xf32, #tpu.memory_space<vmem_shared>>
        tpu.enqueue_indirect_dma source(%arg9 : memref<128x128xf32, #tpu.memory_space<vmem>>) target(%dma_start3A_163 : memref<10240x128xf32, #tpu.memory_space<vmem_shared>>) offsets(%dma_start3A_160 : memref<128xi32, #tpu.memory_space<vmem>>) semaphore(%run_scoped3A : memref<!tpu.dma_semaphore, #tpu.memory_space<semaphore_mem>>) {add = true}
        %dma_wait3A_164 = arith.constant 0 : i32
        %dma_wait3A_165 = tpu.memref_slice %arg8[%mul3A_122, %dma_wait3A_164] : memref<40x128xi32, #tpu.memory_space<vmem>> -> memref<1x128xi32, #tpu.memory_space<vmem>>
        %dma_wait3A_166 = tpu.memref_squeeze %dma_wait3A_165 : memref<1x128xi32, #tpu.memory_space<vmem>> -> memref<128xi32, #tpu.memory_space<vmem>>
        %dma_wait3A_167 = arith.constant 0 : i32
        %dma_wait3A_168 = arith.constant 0 : i32
        %dma_wait3A_169 = tpu.memref_slice %arg11[%dma_wait3A_167, %dma_wait3A_168] : memref<10240x128xf32, #tpu.memory_space<vmem_shared>> -> memref<10240x128xf32, #tpu.memory_space<vmem_shared>>
        tpu.wait_indirect_dma semaphore(%run_scoped3A : memref<!tpu.dma_semaphore, #tpu.memory_space<semaphore_mem>>) src(%arg9 : memref<128x128xf32, #tpu.memory_space<vmem>>) dst(%dma_wait3A_169 : memref<10240x128xf32, #tpu.memory_space<vmem_shared>>)
        tpu.yield
      }) : () -> ()
      %dma_start3A_145 = arith.constant 0 : i32
      %dma_start3A_146 = tpu.memref_slice %arg7[%min3A_131, %dma_start3A_145] : memref<40x128xi32, #tpu.memory_space<vmem>> -> memref<1x128xi32, #tpu.memory_space<vmem>>
      %dma_start3A_147 = tpu.memref_squeeze %dma_start3A_146 : memref<1x128xi32, #tpu.memory_space<vmem>> -> memref<128xi32, #tpu.memory_space<vmem>>
      %dma_start3A_148 = arith.constant 0 : i32
      %dma_start3A_149 = arith.constant 0 : i32
      %dma_start3A_150 = tpu.memref_slice %arg2[%dma_start3A_148, %dma_start3A_149] : memref<10240x128xf32, #tpu.memory_space<hbm>> -> memref<10240x128xf32, #tpu.memory_space<hbm>>
      tpu.enqueue_indirect_dma source(%dma_start3A_150 : memref<10240x128xf32, #tpu.memory_space<hbm>>) target(%arg9 : memref<128x128xf32, #tpu.memory_space<vmem>>) offsets(%dma_start3A_147 : memref<128xi32, #tpu.memory_space<vmem>>) semaphore(%arg12 : memref<!tpu.dma_semaphore, #tpu.memory_space<semaphore_mem>>)
      %dma_wait3A_151 = arith.constant 0 : i32
      %dma_wait3A_152 = arith.constant 0 : i32
      %dma_wait3A_153 = tpu.memref_slice %arg7[%dma_wait3A_151, %dma_wait3A_152] : memref<40x128xi32, #tpu.memory_space<vmem>> -> memref<1x128xi32, #tpu.memory_space<vmem>>
      %dma_wait3A_154 = tpu.memref_squeeze %dma_wait3A_153 : memref<1x128xi32, #tpu.memory_space<vmem>> -> memref<128xi32, #tpu.memory_space<vmem>>
      %dma_wait3A_155 = arith.constant 0 : i32
      %dma_wait3A_156 = arith.constant 0 : i32
      %dma_wait3A_157 = tpu.memref_slice %arg2[%dma_wait3A_155, %dma_wait3A_156] : memref<10240x128xf32, #tpu.memory_space<hbm>> -> memref<10240x128xf32, #tpu.memory_space<hbm>>
      tpu.wait_indirect_dma semaphore(%arg13 : memref<!tpu.dma_semaphore, #tpu.memory_space<semaphore_mem>>) src(%dma_wait3A_157 : memref<10240x128xf32, #tpu.memory_space<hbm>>) dst(%arg10 : memref<128x128xf32, #tpu.memory_space<vmem>>)
      "tpu.region"() ({
        %run_scoped3A = tpu.sem_alloc : memref<!tpu.dma_semaphore, #tpu.memory_space<semaphore_mem>>
        %dma_start3A_158 = arith.constant 0 : i32
        %dma_start3A_159 = tpu.memref_slice %arg8[%add3A_126, %dma_start3A_158] : memref<40x128xi32, #tpu.memory_space<vmem>> -> memref<1x128xi32, #tpu.memory_space<vmem>>
        %dma_start3A_160 = tpu.memref_squeeze %dma_start3A_159 : memref<1x128xi32, #tpu.memory_space<vmem>> -> memref<128xi32, #tpu.memory_space<vmem>>
        %dma_start3A_161 = arith.constant 0 : i32
        %dma_start3A_162 = arith.constant 0 : i32
        %dma_start3A_163 = tpu.memref_slice %arg11[%dma_start3A_161, %dma_start3A_162] : memref<10240x128xf32, #tpu.memory_space<vmem_shared>> -> memref<10240x128xf32, #tpu.memory_space<vmem_shared>>
        tpu.enqueue_indirect_dma source(%arg10 : memref<128x128xf32, #tpu.memory_space<vmem>>) target(%dma_start3A_163 : memref<10240x128xf32, #tpu.memory_space<vmem_shared>>) offsets(%dma_start3A_160 : memref<128xi32, #tpu.memory_space<vmem>>) semaphore(%run_scoped3A : memref<!tpu.dma_semaphore, #tpu.memory_space<semaphore_mem>>) {add = true}
        %dma_wait3A_164 = arith.constant 0 : i32
        %dma_wait3A_165 = tpu.memref_slice %arg8[%add3A_126, %dma_wait3A_164] : memref<40x128xi32, #tpu.memory_space<vmem>> -> memref<1x128xi32, #tpu.memory_space<vmem>>
        %dma_wait3A_166 = tpu.memref_squeeze %dma_wait3A_165 : memref<1x128xi32, #tpu.memory_space<vmem>> -> memref<128xi32, #tpu.memory_space<vmem>>
        %dma_wait3A_167 = arith.constant 0 : i32
        %dma_wait3A_168 = arith.constant 0 : i32
        %dma_wait3A_169 = tpu.memref_slice %arg11[%dma_wait3A_167, %dma_wait3A_168] : memref<10240x128xf32, #tpu.memory_space<vmem_shared>> -> memref<10240x128xf32, #tpu.memory_space<vmem_shared>>
        tpu.wait_indirect_dma semaphore(%run_scoped3A : memref<!tpu.dma_semaphore, #tpu.memory_space<semaphore_mem>>) src(%arg10 : memref<128x128xf32, #tpu.memory_space<vmem>>) dst(%dma_wait3A_169 : memref<10240x128xf32, #tpu.memory_space<vmem_shared>>)
        tpu.yield
      }) : () -> ()
    }
    %scan3A_108 = arith.constant 20 : i32
    %dma_wait3A_109 = arith.constant 0 : i32
    %dma_wait3A_110 = arith.constant 0 : i32
    %dma_wait3A_111 = tpu.memref_slice %arg7[%dma_wait3A_109, %dma_wait3A_110] : memref<40x128xi32, #tpu.memory_space<vmem>> -> memref<1x128xi32, #tpu.memory_space<vmem>>
    %dma_wait3A_112 = tpu.memref_squeeze %dma_wait3A_111 : memref<1x128xi32, #tpu.memory_space<vmem>> -> memref<128xi32, #tpu.memory_space<vmem>>
    %dma_wait3A_113 = arith.constant 0 : i32
    %dma_wait3A_114 = arith.constant 0 : i32
    %dma_wait3A_115 = tpu.memref_slice %arg2[%dma_wait3A_113, %dma_wait3A_114] : memref<10240x128xf32, #tpu.memory_space<hbm>> -> memref<10240x128xf32, #tpu.memory_space<hbm>>
    tpu.wait_indirect_dma semaphore(%arg12 : memref<!tpu.dma_semaphore, #tpu.memory_space<semaphore_mem>>) src(%dma_wait3A_115 : memref<10240x128xf32, #tpu.memory_space<hbm>>) dst(%arg9 : memref<128x128xf32, #tpu.memory_space<vmem>>)
    %barrier3A_116 = arith.constant 0 : index
    tpu.barrier barrier_id(%barrier3A_116)
    %mul3A_117 = arith.constant 10240 : i32
    %mul3A_118 = arith.muli %arg0, %mul3A_117 : i32
    %add3A_119 = arith.addi %mul3A_118, %mul3A_2 : i32
    "tpu.region"() ({
      %run_scoped3A = tpu.sem_alloc : memref<!tpu.dma_semaphore, #tpu.memory_space<semaphore_mem>>
      %dma_start3A_120 = arith.constant 0 : i32
      %dma_start3A_121 = tpu.memref_slice %arg6[%add3A_119, %dma_start3A_120] : memref<20480x128xf32, #tpu.memory_space<hbm>> -> memref<640x128xf32, #tpu.memory_space<hbm>>
      %dma_start3A_122 = arith.constant 0 : i32
      %dma_start3A_123 = tpu.memref_slice %arg11[%mul3A_2, %dma_start3A_122] : memref<10240x128xf32, #tpu.memory_space<vmem_shared>> -> memref<640x128xf32, #tpu.memory_space<vmem_shared>>
      tpu.enqueue_dma source(%dma_start3A_123 : memref<640x128xf32, #tpu.memory_space<vmem_shared>>) target(%dma_start3A_121 : memref<640x128xf32, #tpu.memory_space<hbm>>) target_semaphore(%run_scoped3A : memref<!tpu.dma_semaphore, #tpu.memory_space<semaphore_mem>>)
      %dma_wait3A_124 = arith.constant 0 : i32
      %dma_wait3A_125 = tpu.memref_slice %arg6[%add3A_119, %dma_wait3A_124] : memref<20480x128xf32, #tpu.memory_space<hbm>> -> memref<640x128xf32, #tpu.memory_space<hbm>>
      %dma_wait3A_126 = arith.constant 0 : i32
      %dma_wait3A_127 = tpu.memref_slice %arg11[%mul3A_2, %dma_wait3A_126] : memref<10240x128xf32, #tpu.memory_space<vmem_shared>> -> memref<640x128xf32, #tpu.memory_space<vmem_shared>>
      tpu.wait_dma2 semaphore(%run_scoped3A : memref<!tpu.dma_semaphore, #tpu.memory_space<semaphore_mem>>) src(%dma_wait3A_127 : memref<640x128xf32, #tpu.memory_space<vmem_shared>>) dst(%dma_wait3A_125 : memref<640x128xf32, #tpu.memory_space<hbm>>)
      tpu.yield
    }) : () -> ()
    return
  }
}

#map = affine_map<(d0, d1) -> (0, 0, 0, 0)>
#map1 = affine_map<(d0, d1) -> (0, 0)>
module attributes {stable_mosaic.version = 14 : i64} {
  func.func @_deg(%arg0: i32, %arg1: i32, %arg2: memref<32x2x40x128xi32, #tpu.memory_space<hbm>>, %arg3: memref<10240x128xf32, #tpu.memory_space<hbm>>, %arg4: memref<128x128xf32, #tpu.memory_space<hbm>>, %arg5: memref<20480x128xf32, #tpu.memory_space<hbm>>, %arg6: memref<40x128xi32, #tpu.memory_space<vmem>>, %arg7: memref<128x128xf32, #tpu.memory_space<vmem>>, %arg8: memref<10240x128xf32, #tpu.memory_space<vmem_shared>>) attributes {dimension_semantics = [#tpu.dimension_semantics<core_parallel>, #tpu.dimension_semantics<subcore_parallel>], iteration_bounds = array<i64: 2, 16>, scalar_prefetch = 0 : i64, scratch_operands = 3 : i64, tpu.core_type = #tpu.core_type<sc_vector_subcore>, window_params = [{transform_indices = #map}, {transform_indices = #map1}, {transform_indices = #map1}, {transform_indices = #map1}]} {
    %mul3A = arith.constant 16 : i32
    %mul3A_0 = arith.muli %arg0, %mul3A : i32
    %add3A = arith.addi %mul3A_0, %arg1 : i32
    %mul3A_1 = arith.constant 640 : i32
    %mul3A_2 = arith.muli %arg1, %mul3A_1 : i32
    "tpu.region"() ({
      %run_scoped3A_19 = tpu.sem_alloc : memref<!tpu.dma_semaphore, #tpu.memory_space<semaphore_mem>>
      %dma_start3A = arith.constant 0 : i32
      %dma_start3A_20 = tpu.memref_slice %arg8[%mul3A_2, %dma_start3A] : memref<10240x128xf32, #tpu.memory_space<vmem_shared>> -> memref<640x128xf32, #tpu.memory_space<vmem_shared>>
      %dma_start3A_21 = arith.constant 0 : i32
      %dma_start3A_22 = tpu.memref_slice %arg3[%mul3A_2, %dma_start3A_21] : memref<10240x128xf32, #tpu.memory_space<hbm>> -> memref<640x128xf32, #tpu.memory_space<hbm>>
      tpu.enqueue_dma source(%dma_start3A_22 : memref<640x128xf32, #tpu.memory_space<hbm>>) target(%dma_start3A_20 : memref<640x128xf32, #tpu.memory_space<vmem_shared>>) target_semaphore(%run_scoped3A_19 : memref<!tpu.dma_semaphore, #tpu.memory_space<semaphore_mem>>)
      %dma_wait3A = arith.constant 0 : i32
      %dma_wait3A_23 = tpu.memref_slice %arg8[%mul3A_2, %dma_wait3A] : memref<10240x128xf32, #tpu.memory_space<vmem_shared>> -> memref<640x128xf32, #tpu.memory_space<vmem_shared>>
      %dma_wait3A_24 = arith.constant 0 : i32
      %dma_wait3A_25 = tpu.memref_slice %arg3[%mul3A_2, %dma_wait3A_24] : memref<10240x128xf32, #tpu.memory_space<hbm>> -> memref<640x128xf32, #tpu.memory_space<hbm>>
      tpu.wait_dma2 semaphore(%run_scoped3A_19 : memref<!tpu.dma_semaphore, #tpu.memory_space<semaphore_mem>>) src(%dma_wait3A_25 : memref<640x128xf32, #tpu.memory_space<hbm>>) dst(%dma_wait3A_23 : memref<640x128xf32, #tpu.memory_space<vmem_shared>>)
      tpu.yield
    }) : () -> ()
    "tpu.region"() ({
      %run_scoped3A_19 = tpu.sem_alloc : memref<!tpu.dma_semaphore, #tpu.memory_space<semaphore_mem>>
      tpu.enqueue_dma source(%arg4 : memref<128x128xf32, #tpu.memory_space<hbm>>) target(%arg7 : memref<128x128xf32, #tpu.memory_space<vmem>>) target_semaphore(%run_scoped3A_19 : memref<!tpu.dma_semaphore, #tpu.memory_space<semaphore_mem>>)
      tpu.wait_dma2 semaphore(%run_scoped3A_19 : memref<!tpu.dma_semaphore, #tpu.memory_space<semaphore_mem>>) src(%arg4 : memref<128x128xf32, #tpu.memory_space<hbm>>) dst(%arg7 : memref<128x128xf32, #tpu.memory_space<vmem>>)
      tpu.yield
    }) : () -> ()
    %barrier3A = arith.constant 0 : index
    tpu.barrier barrier_id(%barrier3A)
    %run_scoped3A = arith.constant 0 : i32
    "tpu.region"() ({
      %run_scoped3A_19 = tpu.sem_alloc : memref<!tpu.dma_semaphore, #tpu.memory_space<semaphore_mem>>
      %dma_start3A = arith.constant 0 : i32
      %dma_start3A_20 = arith.constant 0 : i32
      %dma_start3A_21 = tpu.memref_slice %arg2[%add3A, %run_scoped3A, %dma_start3A, %dma_start3A_20] : memref<32x2x40x128xi32, #tpu.memory_space<hbm>> -> memref<1x1x40x128xi32, #tpu.memory_space<hbm>>
      %dma_start3A_22 = tpu.memref_squeeze %dma_start3A_21 : memref<1x1x40x128xi32, #tpu.memory_space<hbm>> -> memref<40x128xi32, #tpu.memory_space<hbm>>
      %dma_start3A_23 = arith.constant 0 : i32
      %dma_start3A_24 = arith.constant 0 : i32
      %dma_start3A_25 = tpu.memref_slice %arg2[%add3A, %run_scoped3A, %dma_start3A_23, %dma_start3A_24] : memref<32x2x40x128xi32, #tpu.memory_space<hbm>> -> memref<1x1x40x128xi32, #tpu.memory_space<hbm>>
      %dma_start3A_26 = tpu.memref_squeeze %dma_start3A_25 : memref<1x1x40x128xi32, #tpu.memory_space<hbm>> -> memref<40x128xi32, #tpu.memory_space<hbm>>
      tpu.enqueue_dma source(%dma_start3A_26 : memref<40x128xi32, #tpu.memory_space<hbm>>) target(%arg6 : memref<40x128xi32, #tpu.memory_space<vmem>>) target_semaphore(%run_scoped3A_19 : memref<!tpu.dma_semaphore, #tpu.memory_space<semaphore_mem>>)
      %dma_wait3A = arith.constant 0 : i32
      %dma_wait3A_27 = arith.constant 0 : i32
      %dma_wait3A_28 = tpu.memref_slice %arg2[%add3A, %run_scoped3A, %dma_wait3A, %dma_wait3A_27] : memref<32x2x40x128xi32, #tpu.memory_space<hbm>> -> memref<1x1x40x128xi32, #tpu.memory_space<hbm>>
      %dma_wait3A_29 = tpu.memref_squeeze %dma_wait3A_28 : memref<1x1x40x128xi32, #tpu.memory_space<hbm>> -> memref<40x128xi32, #tpu.memory_space<hbm>>
      %dma_wait3A_30 = arith.constant 0 : i32
      %dma_wait3A_31 = arith.constant 0 : i32
      %dma_wait3A_32 = tpu.memref_slice %arg2[%add3A, %run_scoped3A, %dma_wait3A_30, %dma_wait3A_31] : memref<32x2x40x128xi32, #tpu.memory_space<hbm>> -> memref<1x1x40x128xi32, #tpu.memory_space<hbm>>
      %dma_wait3A_33 = tpu.memref_squeeze %dma_wait3A_32 : memref<1x1x40x128xi32, #tpu.memory_space<hbm>> -> memref<40x128xi32, #tpu.memory_space<hbm>>
      tpu.wait_dma2 semaphore(%run_scoped3A_19 : memref<!tpu.dma_semaphore, #tpu.memory_space<semaphore_mem>>) src(%dma_wait3A_33 : memref<40x128xi32, #tpu.memory_space<hbm>>) dst(%arg6 : memref<40x128xi32, #tpu.memory_space<vmem>>)
      tpu.yield
    }) : () -> ()
    %scan3A = arith.constant 0 : i32
    %scan3A_3 = arith.constant 0 : i32
    %scan3A_4 = arith.constant 40 : i32
    %scan3A_5 = arith.addi %scan3A_3, %scan3A_4 : i32
    %scan3A_6 = arith.constant 1 : i32
    scf.for %scan3A_19 = %scan3A_3 to %scan3A_5 step %scan3A_6  : i32 {
      "tpu.region"() ({
        %run_scoped3A_20 = tpu.sem_alloc : memref<!tpu.dma_semaphore, #tpu.memory_space<semaphore_mem>>
        %dma_start3A = arith.constant 0 : i32
        %dma_start3A_21 = tpu.memref_slice %arg6[%scan3A_19, %dma_start3A] : memref<40x128xi32, #tpu.memory_space<vmem>> -> memref<1x128xi32, #tpu.memory_space<vmem>>
        %dma_start3A_22 = tpu.memref_squeeze %dma_start3A_21 : memref<1x128xi32, #tpu.memory_space<vmem>> -> memref<128xi32, #tpu.memory_space<vmem>>
        %dma_start3A_23 = arith.constant 0 : i32
        %dma_start3A_24 = arith.constant 0 : i32
        %dma_start3A_25 = tpu.memref_slice %arg8[%dma_start3A_23, %dma_start3A_24] : memref<10240x128xf32, #tpu.memory_space<vmem_shared>> -> memref<10240x128xf32, #tpu.memory_space<vmem_shared>>
        tpu.enqueue_indirect_dma source(%arg7 : memref<128x128xf32, #tpu.memory_space<vmem>>) target(%dma_start3A_25 : memref<10240x128xf32, #tpu.memory_space<vmem_shared>>) offsets(%dma_start3A_22 : memref<128xi32, #tpu.memory_space<vmem>>) semaphore(%run_scoped3A_20 : memref<!tpu.dma_semaphore, #tpu.memory_space<semaphore_mem>>) {add = true}
        %dma_wait3A = arith.constant 0 : i32
        %dma_wait3A_26 = tpu.memref_slice %arg6[%scan3A_19, %dma_wait3A] : memref<40x128xi32, #tpu.memory_space<vmem>> -> memref<1x128xi32, #tpu.memory_space<vmem>>
        %dma_wait3A_27 = tpu.memref_squeeze %dma_wait3A_26 : memref<1x128xi32, #tpu.memory_space<vmem>> -> memref<128xi32, #tpu.memory_space<vmem>>
        %dma_wait3A_28 = arith.constant 0 : i32
        %dma_wait3A_29 = arith.constant 0 : i32
        %dma_wait3A_30 = tpu.memref_slice %arg8[%dma_wait3A_28, %dma_wait3A_29] : memref<10240x128xf32, #tpu.memory_space<vmem_shared>> -> memref<10240x128xf32, #tpu.memory_space<vmem_shared>>
        tpu.wait_indirect_dma semaphore(%run_scoped3A_20 : memref<!tpu.dma_semaphore, #tpu.memory_space<semaphore_mem>>) src(%arg7 : memref<128x128xf32, #tpu.memory_space<vmem>>) dst(%dma_wait3A_30 : memref<10240x128xf32, #tpu.memory_space<vmem_shared>>)
        tpu.yield
      }) : () -> ()
    }
    %scan3A_7 = arith.constant 40 : i32
    %run_scoped3A_8 = arith.constant 1 : i32
    "tpu.region"() ({
      %run_scoped3A_19 = tpu.sem_alloc : memref<!tpu.dma_semaphore, #tpu.memory_space<semaphore_mem>>
      %dma_start3A = arith.constant 0 : i32
      %dma_start3A_20 = arith.constant 0 : i32
      %dma_start3A_21 = tpu.memref_slice %arg2[%add3A, %run_scoped3A_8, %dma_start3A, %dma_start3A_20] : memref<32x2x40x128xi32, #tpu.memory_space<hbm>> -> memref<1x1x40x128xi32, #tpu.memory_space<hbm>>
      %dma_start3A_22 = tpu.memref_squeeze %dma_start3A_21 : memref<1x1x40x128xi32, #tpu.memory_space<hbm>> -> memref<40x128xi32, #tpu.memory_space<hbm>>
      %dma_start3A_23 = arith.constant 0 : i32
      %dma_start3A_24 = arith.constant 0 : i32
      %dma_start3A_25 = tpu.memref_slice %arg2[%add3A, %run_scoped3A_8, %dma_start3A_23, %dma_start3A_24] : memref<32x2x40x128xi32, #tpu.memory_space<hbm>> -> memref<1x1x40x128xi32, #tpu.memory_space<hbm>>
      %dma_start3A_26 = tpu.memref_squeeze %dma_start3A_25 : memref<1x1x40x128xi32, #tpu.memory_space<hbm>> -> memref<40x128xi32, #tpu.memory_space<hbm>>
      tpu.enqueue_dma source(%dma_start3A_26 : memref<40x128xi32, #tpu.memory_space<hbm>>) target(%arg6 : memref<40x128xi32, #tpu.memory_space<vmem>>) target_semaphore(%run_scoped3A_19 : memref<!tpu.dma_semaphore, #tpu.memory_space<semaphore_mem>>)
      %dma_wait3A = arith.constant 0 : i32
      %dma_wait3A_27 = arith.constant 0 : i32
      %dma_wait3A_28 = tpu.memref_slice %arg2[%add3A, %run_scoped3A_8, %dma_wait3A, %dma_wait3A_27] : memref<32x2x40x128xi32, #tpu.memory_space<hbm>> -> memref<1x1x40x128xi32, #tpu.memory_space<hbm>>
      %dma_wait3A_29 = tpu.memref_squeeze %dma_wait3A_28 : memref<1x1x40x128xi32, #tpu.memory_space<hbm>> -> memref<40x128xi32, #tpu.memory_space<hbm>>
      %dma_wait3A_30 = arith.constant 0 : i32
      %dma_wait3A_31 = arith.constant 0 : i32
      %dma_wait3A_32 = tpu.memref_slice %arg2[%add3A, %run_scoped3A_8, %dma_wait3A_30, %dma_wait3A_31] : memref<32x2x40x128xi32, #tpu.memory_space<hbm>> -> memref<1x1x40x128xi32, #tpu.memory_space<hbm>>
      %dma_wait3A_33 = tpu.memref_squeeze %dma_wait3A_32 : memref<1x1x40x128xi32, #tpu.memory_space<hbm>> -> memref<40x128xi32, #tpu.memory_space<hbm>>
      tpu.wait_dma2 semaphore(%run_scoped3A_19 : memref<!tpu.dma_semaphore, #tpu.memory_space<semaphore_mem>>) src(%dma_wait3A_33 : memref<40x128xi32, #tpu.memory_space<hbm>>) dst(%arg6 : memref<40x128xi32, #tpu.memory_space<vmem>>)
      tpu.yield
    }) : () -> ()
    %scan3A_9 = arith.constant 0 : i32
    %scan3A_10 = arith.constant 0 : i32
    %scan3A_11 = arith.constant 40 : i32
    %scan3A_12 = arith.addi %scan3A_10, %scan3A_11 : i32
    %scan3A_13 = arith.constant 1 : i32
    scf.for %scan3A_19 = %scan3A_10 to %scan3A_12 step %scan3A_13  : i32 {
      "tpu.region"() ({
        %run_scoped3A_20 = tpu.sem_alloc : memref<!tpu.dma_semaphore, #tpu.memory_space<semaphore_mem>>
        %dma_start3A = arith.constant 0 : i32
        %dma_start3A_21 = tpu.memref_slice %arg6[%scan3A_19, %dma_start3A] : memref<40x128xi32, #tpu.memory_space<vmem>> -> memref<1x128xi32, #tpu.memory_space<vmem>>
        %dma_start3A_22 = tpu.memref_squeeze %dma_start3A_21 : memref<1x128xi32, #tpu.memory_space<vmem>> -> memref<128xi32, #tpu.memory_space<vmem>>
        %dma_start3A_23 = arith.constant 0 : i32
        %dma_start3A_24 = arith.constant 0 : i32
        %dma_start3A_25 = tpu.memref_slice %arg8[%dma_start3A_23, %dma_start3A_24] : memref<10240x128xf32, #tpu.memory_space<vmem_shared>> -> memref<10240x128xf32, #tpu.memory_space<vmem_shared>>
        tpu.enqueue_indirect_dma source(%arg7 : memref<128x128xf32, #tpu.memory_space<vmem>>) target(%dma_start3A_25 : memref<10240x128xf32, #tpu.memory_space<vmem_shared>>) offsets(%dma_start3A_22 : memref<128xi32, #tpu.memory_space<vmem>>) semaphore(%run_scoped3A_20 : memref<!tpu.dma_semaphore, #tpu.memory_space<semaphore_mem>>) {add = true}
        %dma_wait3A = arith.constant 0 : i32
        %dma_wait3A_26 = tpu.memref_slice %arg6[%scan3A_19, %dma_wait3A] : memref<40x128xi32, #tpu.memory_space<vmem>> -> memref<1x128xi32, #tpu.memory_space<vmem>>
        %dma_wait3A_27 = tpu.memref_squeeze %dma_wait3A_26 : memref<1x128xi32, #tpu.memory_space<vmem>> -> memref<128xi32, #tpu.memory_space<vmem>>
        %dma_wait3A_28 = arith.constant 0 : i32
        %dma_wait3A_29 = arith.constant 0 : i32
        %dma_wait3A_30 = tpu.memref_slice %arg8[%dma_wait3A_28, %dma_wait3A_29] : memref<10240x128xf32, #tpu.memory_space<vmem_shared>> -> memref<10240x128xf32, #tpu.memory_space<vmem_shared>>
        tpu.wait_indirect_dma semaphore(%run_scoped3A_20 : memref<!tpu.dma_semaphore, #tpu.memory_space<semaphore_mem>>) src(%arg7 : memref<128x128xf32, #tpu.memory_space<vmem>>) dst(%dma_wait3A_30 : memref<10240x128xf32, #tpu.memory_space<vmem_shared>>)
        tpu.yield
      }) : () -> ()
    }
    %scan3A_14 = arith.constant 40 : i32
    %barrier3A_15 = arith.constant 0 : index
    tpu.barrier barrier_id(%barrier3A_15)
    %mul3A_16 = arith.constant 10240 : i32
    %mul3A_17 = arith.muli %arg0, %mul3A_16 : i32
    %add3A_18 = arith.addi %mul3A_17, %mul3A_2 : i32
    "tpu.region"() ({
      %run_scoped3A_19 = tpu.sem_alloc : memref<!tpu.dma_semaphore, #tpu.memory_space<semaphore_mem>>
      %dma_start3A = arith.constant 0 : i32
      %dma_start3A_20 = tpu.memref_slice %arg5[%add3A_18, %dma_start3A] : memref<20480x128xf32, #tpu.memory_space<hbm>> -> memref<640x128xf32, #tpu.memory_space<hbm>>
      %dma_start3A_21 = arith.constant 0 : i32
      %dma_start3A_22 = tpu.memref_slice %arg8[%mul3A_2, %dma_start3A_21] : memref<10240x128xf32, #tpu.memory_space<vmem_shared>> -> memref<640x128xf32, #tpu.memory_space<vmem_shared>>
      tpu.enqueue_dma source(%dma_start3A_22 : memref<640x128xf32, #tpu.memory_space<vmem_shared>>) target(%dma_start3A_20 : memref<640x128xf32, #tpu.memory_space<hbm>>) target_semaphore(%run_scoped3A_19 : memref<!tpu.dma_semaphore, #tpu.memory_space<semaphore_mem>>)
      %dma_wait3A = arith.constant 0 : i32
      %dma_wait3A_23 = tpu.memref_slice %arg5[%add3A_18, %dma_wait3A] : memref<20480x128xf32, #tpu.memory_space<hbm>> -> memref<640x128xf32, #tpu.memory_space<hbm>>
      %dma_wait3A_24 = arith.constant 0 : i32
      %dma_wait3A_25 = tpu.memref_slice %arg8[%mul3A_2, %dma_wait3A_24] : memref<10240x128xf32, #tpu.memory_space<vmem_shared>> -> memref<640x128xf32, #tpu.memory_space<vmem_shared>>
      tpu.wait_dma2 semaphore(%run_scoped3A_19 : memref<!tpu.dma_semaphore, #tpu.memory_space<semaphore_mem>>) src(%dma_wait3A_25 : memref<640x128xf32, #tpu.memory_space<vmem_shared>>) dst(%dma_wait3A_23 : memref<640x128xf32, #tpu.memory_space<hbm>>)
      tpu.yield
    }) : () -> ()
    return
  }
}

#map = affine_map<(d0, d1) -> (0, 0)>
#map1 = affine_map<(d0, d1) -> (0, 0, 0, 0)>
module attributes {stable_mosaic.version = 14 : i64} {
  func.func @_agg(%arg0: i32, %arg1: i32, %arg2: memref<10240x128xf32, #tpu.memory_space<hbm>>, %arg3: memref<32x2x40x128xi32, #tpu.memory_space<hbm>>, %arg4: memref<32x2x40x128xi32, #tpu.memory_space<hbm>>, %arg5: memref<10240x128xf32, #tpu.memory_space<hbm>>, %arg6: memref<20480x128xf32, #tpu.memory_space<hbm>>, %arg7: memref<40x128xi32, #tpu.memory_space<vmem>>, %arg8: memref<40x128xi32, #tpu.memory_space<vmem>>, %arg9: memref<128x128xf32, #tpu.memory_space<vmem>>, %arg10: memref<128x128xf32, #tpu.memory_space<vmem>>, %arg11: memref<10240x128xf32, #tpu.memory_space<vmem_shared>>, %arg12: memref<!tpu.dma_semaphore, #tpu.memory_space<semaphore_mem>>, %arg13: memref<!tpu.dma_semaphore, #tpu.memory_space<semaphore_mem>>, %arg14: memref<!tpu.dma_semaphore, #tpu.memory_space<semaphore_mem>>) attributes {dimension_semantics = [#tpu.dimension_semantics<core_parallel>, #tpu.dimension_semantics<subcore_parallel>], iteration_bounds = array<i64: 2, 16>, scalar_prefetch = 0 : i64, scratch_operands = 8 : i64, tpu.core_type = #tpu.core_type<sc_vector_subcore>, window_params = [{transform_indices = #map}, {transform_indices = #map1}, {transform_indices = #map1}, {transform_indices = #map}, {transform_indices = #map}]} {
    %mul3A = arith.constant 16 : i32
    %mul3A_0 = arith.muli %arg0, %mul3A : i32
    %add3A = arith.addi %mul3A_0, %arg1 : i32
    %mul3A_1 = arith.constant 640 : i32
    %mul3A_2 = arith.muli %arg1, %mul3A_1 : i32
    "tpu.region"() ({
      %run_scoped3A = tpu.sem_alloc : memref<!tpu.dma_semaphore, #tpu.memory_space<semaphore_mem>>
      %dma_start3A_120 = arith.constant 0 : i32
      %dma_start3A_121 = tpu.memref_slice %arg11[%mul3A_2, %dma_start3A_120] : memref<10240x128xf32, #tpu.memory_space<vmem_shared>> -> memref<640x128xf32, #tpu.memory_space<vmem_shared>>
      %dma_start3A_122 = arith.constant 0 : i32
      %dma_start3A_123 = tpu.memref_slice %arg5[%mul3A_2, %dma_start3A_122] : memref<10240x128xf32, #tpu.memory_space<hbm>> -> memref<640x128xf32, #tpu.memory_space<hbm>>
      tpu.enqueue_dma source(%dma_start3A_123 : memref<640x128xf32, #tpu.memory_space<hbm>>) target(%dma_start3A_121 : memref<640x128xf32, #tpu.memory_space<vmem_shared>>) target_semaphore(%run_scoped3A : memref<!tpu.dma_semaphore, #tpu.memory_space<semaphore_mem>>)
      %dma_wait3A_124 = arith.constant 0 : i32
      %dma_wait3A_125 = tpu.memref_slice %arg11[%mul3A_2, %dma_wait3A_124] : memref<10240x128xf32, #tpu.memory_space<vmem_shared>> -> memref<640x128xf32, #tpu.memory_space<vmem_shared>>
      %dma_wait3A_126 = arith.constant 0 : i32
      %dma_wait3A_127 = tpu.memref_slice %arg5[%mul3A_2, %dma_wait3A_126] : memref<10240x128xf32, #tpu.memory_space<hbm>> -> memref<640x128xf32, #tpu.memory_space<hbm>>
      tpu.wait_dma2 semaphore(%run_scoped3A : memref<!tpu.dma_semaphore, #tpu.memory_space<semaphore_mem>>) src(%dma_wait3A_127 : memref<640x128xf32, #tpu.memory_space<hbm>>) dst(%dma_wait3A_125 : memref<640x128xf32, #tpu.memory_space<vmem_shared>>)
      tpu.yield
    }) : () -> ()
    %barrier3A = arith.constant 0 : index
    tpu.barrier barrier_id(%barrier3A)
    %dma_start3A = arith.constant 0 : i32
    %dma_start3A_3 = arith.constant 0 : i32
    %dma_start3A_4 = arith.constant 0 : i32
    %dma_start3A_5 = tpu.memref_slice %arg3[%add3A, %dma_start3A, %dma_start3A_3, %dma_start3A_4] : memref<32x2x40x128xi32, #tpu.memory_space<hbm>> -> memref<1x1x40x128xi32, #tpu.memory_space<hbm>>
    %dma_start3A_6 = tpu.memref_squeeze %dma_start3A_5 : memref<1x1x40x128xi32, #tpu.memory_space<hbm>> -> memref<40x128xi32, #tpu.memory_space<hbm>>
    %dma_start3A_7 = arith.constant 0 : i32
    %dma_start3A_8 = arith.constant 0 : i32
    %dma_start3A_9 = tpu.memref_slice %arg3[%add3A, %dma_start3A, %dma_start3A_7, %dma_start3A_8] : memref<32x2x40x128xi32, #tpu.memory_space<hbm>> -> memref<1x1x40x128xi32, #tpu.memory_space<hbm>>
    %dma_start3A_10 = tpu.memref_squeeze %dma_start3A_9 : memref<1x1x40x128xi32, #tpu.memory_space<hbm>> -> memref<40x128xi32, #tpu.memory_space<hbm>>
    tpu.enqueue_dma source(%dma_start3A_10 : memref<40x128xi32, #tpu.memory_space<hbm>>) target(%arg7 : memref<40x128xi32, #tpu.memory_space<vmem>>) target_semaphore(%arg14 : memref<!tpu.dma_semaphore, #tpu.memory_space<semaphore_mem>>)
    %dma_start3A_11 = arith.constant 0 : i32
    %dma_start3A_12 = arith.constant 0 : i32
    %dma_start3A_13 = arith.constant 0 : i32
    %dma_start3A_14 = tpu.memref_slice %arg4[%add3A, %dma_start3A_11, %dma_start3A_12, %dma_start3A_13] : memref<32x2x40x128xi32, #tpu.memory_space<hbm>> -> memref<1x1x40x128xi32, #tpu.memory_space<hbm>>
    %dma_start3A_15 = tpu.memref_squeeze %dma_start3A_14 : memref<1x1x40x128xi32, #tpu.memory_space<hbm>> -> memref<40x128xi32, #tpu.memory_space<hbm>>
    %dma_start3A_16 = arith.constant 0 : i32
    %dma_start3A_17 = arith.constant 0 : i32
    %dma_start3A_18 = tpu.memref_slice %arg4[%add3A, %dma_start3A_11, %dma_start3A_16, %dma_start3A_17] : memref<32x2x40x128xi32, #tpu.memory_space<hbm>> -> memref<1x1x40x128xi32, #tpu.memory_space<hbm>>
    %dma_start3A_19 = tpu.memref_squeeze %dma_start3A_18 : memref<1x1x40x128xi32, #tpu.memory_space<hbm>> -> memref<40x128xi32, #tpu.memory_space<hbm>>
    tpu.enqueue_dma source(%dma_start3A_19 : memref<40x128xi32, #tpu.memory_space<hbm>>) target(%arg8 : memref<40x128xi32, #tpu.memory_space<vmem>>) target_semaphore(%arg14 : memref<!tpu.dma_semaphore, #tpu.memory_space<semaphore_mem>>)
    %dma_wait3A = arith.constant 0 : i32
    %dma_wait3A_20 = arith.constant 0 : i32
    %dma_wait3A_21 = arith.constant 0 : i32
    %dma_wait3A_22 = arith.constant 0 : i32
    %dma_wait3A_23 = tpu.memref_slice %arg3[%dma_wait3A, %dma_wait3A_20, %dma_wait3A_21, %dma_wait3A_22] : memref<32x2x40x128xi32, #tpu.memory_space<hbm>> -> memref<1x1x40x128xi32, #tpu.memory_space<hbm>>
    %dma_wait3A_24 = tpu.memref_squeeze %dma_wait3A_23 : memref<1x1x40x128xi32, #tpu.memory_space<hbm>> -> memref<40x128xi32, #tpu.memory_space<hbm>>
    %dma_wait3A_25 = arith.constant 0 : i32
    %dma_wait3A_26 = arith.constant 0 : i32
    %dma_wait3A_27 = tpu.memref_slice %arg3[%dma_wait3A, %dma_wait3A_20, %dma_wait3A_25, %dma_wait3A_26] : memref<32x2x40x128xi32, #tpu.memory_space<hbm>> -> memref<1x1x40x128xi32, #tpu.memory_space<hbm>>
    %dma_wait3A_28 = tpu.memref_squeeze %dma_wait3A_27 : memref<1x1x40x128xi32, #tpu.memory_space<hbm>> -> memref<40x128xi32, #tpu.memory_space<hbm>>
    tpu.wait_dma2 semaphore(%arg14 : memref<!tpu.dma_semaphore, #tpu.memory_space<semaphore_mem>>) src(%dma_wait3A_28 : memref<40x128xi32, #tpu.memory_space<hbm>>) dst(%arg7 : memref<40x128xi32, #tpu.memory_space<vmem>>)
    %dma_wait3A_29 = arith.constant 0 : i32
    %dma_wait3A_30 = arith.constant 0 : i32
    %dma_wait3A_31 = arith.constant 0 : i32
    %dma_wait3A_32 = arith.constant 0 : i32
    %dma_wait3A_33 = tpu.memref_slice %arg3[%dma_wait3A_29, %dma_wait3A_30, %dma_wait3A_31, %dma_wait3A_32] : memref<32x2x40x128xi32, #tpu.memory_space<hbm>> -> memref<1x1x40x128xi32, #tpu.memory_space<hbm>>
    %dma_wait3A_34 = tpu.memref_squeeze %dma_wait3A_33 : memref<1x1x40x128xi32, #tpu.memory_space<hbm>> -> memref<40x128xi32, #tpu.memory_space<hbm>>
    %dma_wait3A_35 = arith.constant 0 : i32
    %dma_wait3A_36 = arith.constant 0 : i32
    %dma_wait3A_37 = tpu.memref_slice %arg3[%dma_wait3A_29, %dma_wait3A_30, %dma_wait3A_35, %dma_wait3A_36] : memref<32x2x40x128xi32, #tpu.memory_space<hbm>> -> memref<1x1x40x128xi32, #tpu.memory_space<hbm>>
    %dma_wait3A_38 = tpu.memref_squeeze %dma_wait3A_37 : memref<1x1x40x128xi32, #tpu.memory_space<hbm>> -> memref<40x128xi32, #tpu.memory_space<hbm>>
    tpu.wait_dma2 semaphore(%arg14 : memref<!tpu.dma_semaphore, #tpu.memory_space<semaphore_mem>>) src(%dma_wait3A_38 : memref<40x128xi32, #tpu.memory_space<hbm>>) dst(%arg8 : memref<40x128xi32, #tpu.memory_space<vmem>>)
    %dma_start3A_39 = arith.constant 0 : i32
    %dma_start3A_40 = arith.constant 0 : i32
    %dma_start3A_41 = tpu.memref_slice %arg7[%dma_start3A_39, %dma_start3A_40] : memref<40x128xi32, #tpu.memory_space<vmem>> -> memref<1x128xi32, #tpu.memory_space<vmem>>
    %dma_start3A_42 = tpu.memref_squeeze %dma_start3A_41 : memref<1x128xi32, #tpu.memory_space<vmem>> -> memref<128xi32, #tpu.memory_space<vmem>>
    %dma_start3A_43 = arith.constant 0 : i32
    %dma_start3A_44 = arith.constant 0 : i32
    %dma_start3A_45 = tpu.memref_slice %arg2[%dma_start3A_43, %dma_start3A_44] : memref<10240x128xf32, #tpu.memory_space<hbm>> -> memref<10240x128xf32, #tpu.memory_space<hbm>>
    tpu.enqueue_indirect_dma source(%dma_start3A_45 : memref<10240x128xf32, #tpu.memory_space<hbm>>) target(%arg9 : memref<128x128xf32, #tpu.memory_space<vmem>>) offsets(%dma_start3A_42 : memref<128xi32, #tpu.memory_space<vmem>>) semaphore(%arg12 : memref<!tpu.dma_semaphore, #tpu.memory_space<semaphore_mem>>)
    %scan3A = arith.constant 0 : i32
    %scan3A_46 = arith.constant 0 : i32
    %scan3A_47 = arith.constant 20 : i32
    %scan3A_48 = arith.addi %scan3A_46, %scan3A_47 : i32
    %scan3A_49 = arith.constant 1 : i32
    scf.for %scan3A_120 = %scan3A_46 to %scan3A_48 step %scan3A_49  : i32 {
      %mul3A_121 = arith.constant 2 : i32
      %mul3A_122 = arith.muli %mul3A_121, %scan3A_120 : i32
      %mul3A_123 = arith.constant 2 : i32
      %mul3A_124 = arith.muli %mul3A_123, %scan3A_120 : i32
      %add3A_125 = arith.constant 1 : i32
      %add3A_126 = arith.addi %mul3A_124, %add3A_125 : i32
      %mul3A_127 = arith.constant 2 : i32
      %mul3A_128 = arith.muli %mul3A_127, %scan3A_120 : i32
      %add3A_129 = arith.constant 2 : i32
      %add3A_130 = arith.addi %mul3A_128, %add3A_129 : i32
      %min3A = arith.constant 39 : i32
      %min3A_131 = arith.minsi %add3A_130, %min3A : i32
      %dma_wait3A_132 = arith.constant 0 : i32
      %dma_wait3A_133 = arith.constant 0 : i32
      %dma_wait3A_134 = tpu.memref_slice %arg7[%dma_wait3A_132, %dma_wait3A_133] : memref<40x128xi32, #tpu.memory_space<vmem>> -> memref<1x128xi32, #tpu.memory_space<vmem>>
      %dma_wait3A_135 = tpu.memref_squeeze %dma_wait3A_134 : memref<1x128xi32, #tpu.memory_space<vmem>> -> memref<128xi32, #tpu.memory_space<vmem>>
      %dma_wait3A_136 = arith.constant 0 : i32
      %dma_wait3A_137 = arith.constant 0 : i32
      %dma_wait3A_138 = tpu.memref_slice %arg2[%dma_wait3A_136, %dma_wait3A_137] : memref<10240x128xf32, #tpu.memory_space<hbm>> -> memref<10240x128xf32, #tpu.memory_space<hbm>>
      tpu.wait_indirect_dma semaphore(%arg12 : memref<!tpu.dma_semaphore, #tpu.memory_space<semaphore_mem>>) src(%dma_wait3A_138 : memref<10240x128xf32, #tpu.memory_space<hbm>>) dst(%arg9 : memref<128x128xf32, #tpu.memory_space<vmem>>)
      %dma_start3A_139 = arith.constant 0 : i32
      %dma_start3A_140 = tpu.memref_slice %arg7[%add3A_126, %dma_start3A_139] : memref<40x128xi32, #tpu.memory_space<vmem>> -> memref<1x128xi32, #tpu.memory_space<vmem>>
      %dma_start3A_141 = tpu.memref_squeeze %dma_start3A_140 : memref<1x128xi32, #tpu.memory_space<vmem>> -> memref<128xi32, #tpu.memory_space<vmem>>
      %dma_start3A_142 = arith.constant 0 : i32
      %dma_start3A_143 = arith.constant 0 : i32
      %dma_start3A_144 = tpu.memref_slice %arg2[%dma_start3A_142, %dma_start3A_143] : memref<10240x128xf32, #tpu.memory_space<hbm>> -> memref<10240x128xf32, #tpu.memory_space<hbm>>
      tpu.enqueue_indirect_dma source(%dma_start3A_144 : memref<10240x128xf32, #tpu.memory_space<hbm>>) target(%arg10 : memref<128x128xf32, #tpu.memory_space<vmem>>) offsets(%dma_start3A_141 : memref<128xi32, #tpu.memory_space<vmem>>) semaphore(%arg13 : memref<!tpu.dma_semaphore, #tpu.memory_space<semaphore_mem>>)
      "tpu.region"() ({
        %run_scoped3A = tpu.sem_alloc : memref<!tpu.dma_semaphore, #tpu.memory_space<semaphore_mem>>
        %dma_start3A_158 = arith.constant 0 : i32
        %dma_start3A_159 = tpu.memref_slice %arg8[%mul3A_122, %dma_start3A_158] : memref<40x128xi32, #tpu.memory_space<vmem>> -> memref<1x128xi32, #tpu.memory_space<vmem>>
        %dma_start3A_160 = tpu.memref_squeeze %dma_start3A_159 : memref<1x128xi32, #tpu.memory_space<vmem>> -> memref<128xi32, #tpu.memory_space<vmem>>
        %dma_start3A_161 = arith.constant 0 : i32
        %dma_start3A_162 = arith.constant 0 : i32
        %dma_start3A_163 = tpu.memref_slice %arg11[%dma_start3A_161, %dma_start3A_162] : memref<10240x128xf32, #tpu.memory_space<vmem_shared>> -> memref<10240x128xf32, #tpu.memory_space<vmem_shared>>
        tpu.enqueue_indirect_dma source(%arg9 : memref<128x128xf32, #tpu.memory_space<vmem>>) target(%dma_start3A_163 : memref<10240x128xf32, #tpu.memory_space<vmem_shared>>) offsets(%dma_start3A_160 : memref<128xi32, #tpu.memory_space<vmem>>) semaphore(%run_scoped3A : memref<!tpu.dma_semaphore, #tpu.memory_space<semaphore_mem>>) {add = true}
        %dma_wait3A_164 = arith.constant 0 : i32
        %dma_wait3A_165 = tpu.memref_slice %arg8[%mul3A_122, %dma_wait3A_164] : memref<40x128xi32, #tpu.memory_space<vmem>> -> memref<1x128xi32, #tpu.memory_space<vmem>>
        %dma_wait3A_166 = tpu.memref_squeeze %dma_wait3A_165 : memref<1x128xi32, #tpu.memory_space<vmem>> -> memref<128xi32, #tpu.memory_space<vmem>>
        %dma_wait3A_167 = arith.constant 0 : i32
        %dma_wait3A_168 = arith.constant 0 : i32
        %dma_wait3A_169 = tpu.memref_slice %arg11[%dma_wait3A_167, %dma_wait3A_168] : memref<10240x128xf32, #tpu.memory_space<vmem_shared>> -> memref<10240x128xf32, #tpu.memory_space<vmem_shared>>
        tpu.wait_indirect_dma semaphore(%run_scoped3A : memref<!tpu.dma_semaphore, #tpu.memory_space<semaphore_mem>>) src(%arg9 : memref<128x128xf32, #tpu.memory_space<vmem>>) dst(%dma_wait3A_169 : memref<10240x128xf32, #tpu.memory_space<vmem_shared>>)
        tpu.yield
      }) : () -> ()
      %dma_start3A_145 = arith.constant 0 : i32
      %dma_start3A_146 = tpu.memref_slice %arg7[%min3A_131, %dma_start3A_145] : memref<40x128xi32, #tpu.memory_space<vmem>> -> memref<1x128xi32, #tpu.memory_space<vmem>>
      %dma_start3A_147 = tpu.memref_squeeze %dma_start3A_146 : memref<1x128xi32, #tpu.memory_space<vmem>> -> memref<128xi32, #tpu.memory_space<vmem>>
      %dma_start3A_148 = arith.constant 0 : i32
      %dma_start3A_149 = arith.constant 0 : i32
      %dma_start3A_150 = tpu.memref_slice %arg2[%dma_start3A_148, %dma_start3A_149] : memref<10240x128xf32, #tpu.memory_space<hbm>> -> memref<10240x128xf32, #tpu.memory_space<hbm>>
      tpu.enqueue_indirect_dma source(%dma_start3A_150 : memref<10240x128xf32, #tpu.memory_space<hbm>>) target(%arg9 : memref<128x128xf32, #tpu.memory_space<vmem>>) offsets(%dma_start3A_147 : memref<128xi32, #tpu.memory_space<vmem>>) semaphore(%arg12 : memref<!tpu.dma_semaphore, #tpu.memory_space<semaphore_mem>>)
      %dma_wait3A_151 = arith.constant 0 : i32
      %dma_wait3A_152 = arith.constant 0 : i32
      %dma_wait3A_153 = tpu.memref_slice %arg7[%dma_wait3A_151, %dma_wait3A_152] : memref<40x128xi32, #tpu.memory_space<vmem>> -> memref<1x128xi32, #tpu.memory_space<vmem>>
      %dma_wait3A_154 = tpu.memref_squeeze %dma_wait3A_153 : memref<1x128xi32, #tpu.memory_space<vmem>> -> memref<128xi32, #tpu.memory_space<vmem>>
      %dma_wait3A_155 = arith.constant 0 : i32
      %dma_wait3A_156 = arith.constant 0 : i32
      %dma_wait3A_157 = tpu.memref_slice %arg2[%dma_wait3A_155, %dma_wait3A_156] : memref<10240x128xf32, #tpu.memory_space<hbm>> -> memref<10240x128xf32, #tpu.memory_space<hbm>>
      tpu.wait_indirect_dma semaphore(%arg13 : memref<!tpu.dma_semaphore, #tpu.memory_space<semaphore_mem>>) src(%dma_wait3A_157 : memref<10240x128xf32, #tpu.memory_space<hbm>>) dst(%arg10 : memref<128x128xf32, #tpu.memory_space<vmem>>)
      "tpu.region"() ({
        %run_scoped3A = tpu.sem_alloc : memref<!tpu.dma_semaphore, #tpu.memory_space<semaphore_mem>>
        %dma_start3A_158 = arith.constant 0 : i32
        %dma_start3A_159 = tpu.memref_slice %arg8[%add3A_126, %dma_start3A_158] : memref<40x128xi32, #tpu.memory_space<vmem>> -> memref<1x128xi32, #tpu.memory_space<vmem>>
        %dma_start3A_160 = tpu.memref_squeeze %dma_start3A_159 : memref<1x128xi32, #tpu.memory_space<vmem>> -> memref<128xi32, #tpu.memory_space<vmem>>
        %dma_start3A_161 = arith.constant 0 : i32
        %dma_start3A_162 = arith.constant 0 : i32
        %dma_start3A_163 = tpu.memref_slice %arg11[%dma_start3A_161, %dma_start3A_162] : memref<10240x128xf32, #tpu.memory_space<vmem_shared>> -> memref<10240x128xf32, #tpu.memory_space<vmem_shared>>
        tpu.enqueue_indirect_dma source(%arg10 : memref<128x128xf32, #tpu.memory_space<vmem>>) target(%dma_start3A_163 : memref<10240x128xf32, #tpu.memory_space<vmem_shared>>) offsets(%dma_start3A_160 : memref<128xi32, #tpu.memory_space<vmem>>) semaphore(%run_scoped3A : memref<!tpu.dma_semaphore, #tpu.memory_space<semaphore_mem>>) {add = true}
        %dma_wait3A_164 = arith.constant 0 : i32
        %dma_wait3A_165 = tpu.memref_slice %arg8[%add3A_126, %dma_wait3A_164] : memref<40x128xi32, #tpu.memory_space<vmem>> -> memref<1x128xi32, #tpu.memory_space<vmem>>
        %dma_wait3A_166 = tpu.memref_squeeze %dma_wait3A_165 : memref<1x128xi32, #tpu.memory_space<vmem>> -> memref<128xi32, #tpu.memory_space<vmem>>
        %dma_wait3A_167 = arith.constant 0 : i32
        %dma_wait3A_168 = arith.constant 0 : i32
        %dma_wait3A_169 = tpu.memref_slice %arg11[%dma_wait3A_167, %dma_wait3A_168] : memref<10240x128xf32, #tpu.memory_space<vmem_shared>> -> memref<10240x128xf32, #tpu.memory_space<vmem_shared>>
        tpu.wait_indirect_dma semaphore(%run_scoped3A : memref<!tpu.dma_semaphore, #tpu.memory_space<semaphore_mem>>) src(%arg10 : memref<128x128xf32, #tpu.memory_space<vmem>>) dst(%dma_wait3A_169 : memref<10240x128xf32, #tpu.memory_space<vmem_shared>>)
        tpu.yield
      }) : () -> ()
    }
    %scan3A_50 = arith.constant 20 : i32
    %dma_wait3A_51 = arith.constant 0 : i32
    %dma_wait3A_52 = arith.constant 0 : i32
    %dma_wait3A_53 = tpu.memref_slice %arg7[%dma_wait3A_51, %dma_wait3A_52] : memref<40x128xi32, #tpu.memory_space<vmem>> -> memref<1x128xi32, #tpu.memory_space<vmem>>
    %dma_wait3A_54 = tpu.memref_squeeze %dma_wait3A_53 : memref<1x128xi32, #tpu.memory_space<vmem>> -> memref<128xi32, #tpu.memory_space<vmem>>
    %dma_wait3A_55 = arith.constant 0 : i32
    %dma_wait3A_56 = arith.constant 0 : i32
    %dma_wait3A_57 = tpu.memref_slice %arg2[%dma_wait3A_55, %dma_wait3A_56] : memref<10240x128xf32, #tpu.memory_space<hbm>> -> memref<10240x128xf32, #tpu.memory_space<hbm>>
    tpu.wait_indirect_dma semaphore(%arg12 : memref<!tpu.dma_semaphore, #tpu.memory_space<semaphore_mem>>) src(%dma_wait3A_57 : memref<10240x128xf32, #tpu.memory_space<hbm>>) dst(%arg9 : memref<128x128xf32, #tpu.memory_space<vmem>>)
    %dma_start3A_58 = arith.constant 1 : i32
    %dma_start3A_59 = arith.constant 0 : i32
    %dma_start3A_60 = arith.constant 0 : i32
    %dma_start3A_61 = tpu.memref_slice %arg3[%add3A, %dma_start3A_58, %dma_start3A_59, %dma_start3A_60] : memref<32x2x40x128xi32, #tpu.memory_space<hbm>> -> memref<1x1x40x128xi32, #tpu.memory_space<hbm>>
    %dma_start3A_62 = tpu.memref_squeeze %dma_start3A_61 : memref<1x1x40x128xi32, #tpu.memory_space<hbm>> -> memref<40x128xi32, #tpu.memory_space<hbm>>
    %dma_start3A_63 = arith.constant 0 : i32
    %dma_start3A_64 = arith.constant 0 : i32
    %dma_start3A_65 = tpu.memref_slice %arg3[%add3A, %dma_start3A_58, %dma_start3A_63, %dma_start3A_64] : memref<32x2x40x128xi32, #tpu.memory_space<hbm>> -> memref<1x1x40x128xi32, #tpu.memory_space<hbm>>
    %dma_start3A_66 = tpu.memref_squeeze %dma_start3A_65 : memref<1x1x40x128xi32, #tpu.memory_space<hbm>> -> memref<40x128xi32, #tpu.memory_space<hbm>>
    tpu.enqueue_dma source(%dma_start3A_66 : memref<40x128xi32, #tpu.memory_space<hbm>>) target(%arg7 : memref<40x128xi32, #tpu.memory_space<vmem>>) target_semaphore(%arg14 : memref<!tpu.dma_semaphore, #tpu.memory_space<semaphore_mem>>)
    %dma_start3A_67 = arith.constant 1 : i32
    %dma_start3A_68 = arith.constant 0 : i32
    %dma_start3A_69 = arith.constant 0 : i32
    %dma_start3A_70 = tpu.memref_slice %arg4[%add3A, %dma_start3A_67, %dma_start3A_68, %dma_start3A_69] : memref<32x2x40x128xi32, #tpu.memory_space<hbm>> -> memref<1x1x40x128xi32, #tpu.memory_space<hbm>>
    %dma_start3A_71 = tpu.memref_squeeze %dma_start3A_70 : memref<1x1x40x128xi32, #tpu.memory_space<hbm>> -> memref<40x128xi32, #tpu.memory_space<hbm>>
    %dma_start3A_72 = arith.constant 0 : i32
    %dma_start3A_73 = arith.constant 0 : i32
    %dma_start3A_74 = tpu.memref_slice %arg4[%add3A, %dma_start3A_67, %dma_start3A_72, %dma_start3A_73] : memref<32x2x40x128xi32, #tpu.memory_space<hbm>> -> memref<1x1x40x128xi32, #tpu.memory_space<hbm>>
    %dma_start3A_75 = tpu.memref_squeeze %dma_start3A_74 : memref<1x1x40x128xi32, #tpu.memory_space<hbm>> -> memref<40x128xi32, #tpu.memory_space<hbm>>
    tpu.enqueue_dma source(%dma_start3A_75 : memref<40x128xi32, #tpu.memory_space<hbm>>) target(%arg8 : memref<40x128xi32, #tpu.memory_space<vmem>>) target_semaphore(%arg14 : memref<!tpu.dma_semaphore, #tpu.memory_space<semaphore_mem>>)
    %dma_wait3A_76 = arith.constant 0 : i32
    %dma_wait3A_77 = arith.constant 0 : i32
    %dma_wait3A_78 = arith.constant 0 : i32
    %dma_wait3A_79 = arith.constant 0 : i32
    %dma_wait3A_80 = tpu.memref_slice %arg3[%dma_wait3A_76, %dma_wait3A_77, %dma_wait3A_78, %dma_wait3A_79] : memref<32x2x40x128xi32, #tpu.memory_space<hbm>> -> memref<1x1x40x128xi32, #tpu.memory_space<hbm>>
    %dma_wait3A_81 = tpu.memref_squeeze %dma_wait3A_80 : memref<1x1x40x128xi32, #tpu.memory_space<hbm>> -> memref<40x128xi32, #tpu.memory_space<hbm>>
    %dma_wait3A_82 = arith.constant 0 : i32
    %dma_wait3A_83 = arith.constant 0 : i32
    %dma_wait3A_84 = tpu.memref_slice %arg3[%dma_wait3A_76, %dma_wait3A_77, %dma_wait3A_82, %dma_wait3A_83] : memref<32x2x40x128xi32, #tpu.memory_space<hbm>> -> memref<1x1x40x128xi32, #tpu.memory_space<hbm>>
    %dma_wait3A_85 = tpu.memref_squeeze %dma_wait3A_84 : memref<1x1x40x128xi32, #tpu.memory_space<hbm>> -> memref<40x128xi32, #tpu.memory_space<hbm>>
    tpu.wait_dma2 semaphore(%arg14 : memref<!tpu.dma_semaphore, #tpu.memory_space<semaphore_mem>>) src(%dma_wait3A_85 : memref<40x128xi32, #tpu.memory_space<hbm>>) dst(%arg7 : memref<40x128xi32, #tpu.memory_space<vmem>>)
    %dma_wait3A_86 = arith.constant 0 : i32
    %dma_wait3A_87 = arith.constant 0 : i32
    %dma_wait3A_88 = arith.constant 0 : i32
    %dma_wait3A_89 = arith.constant 0 : i32
    %dma_wait3A_90 = tpu.memref_slice %arg3[%dma_wait3A_86, %dma_wait3A_87, %dma_wait3A_88, %dma_wait3A_89] : memref<32x2x40x128xi32, #tpu.memory_space<hbm>> -> memref<1x1x40x128xi32, #tpu.memory_space<hbm>>
    %dma_wait3A_91 = tpu.memref_squeeze %dma_wait3A_90 : memref<1x1x40x128xi32, #tpu.memory_space<hbm>> -> memref<40x128xi32, #tpu.memory_space<hbm>>
    %dma_wait3A_92 = arith.constant 0 : i32
    %dma_wait3A_93 = arith.constant 0 : i32
    %dma_wait3A_94 = tpu.memref_slice %arg3[%dma_wait3A_86, %dma_wait3A_87, %dma_wait3A_92, %dma_wait3A_93] : memref<32x2x40x128xi32, #tpu.memory_space<hbm>> -> memref<1x1x40x128xi32, #tpu.memory_space<hbm>>
    %dma_wait3A_95 = tpu.memref_squeeze %dma_wait3A_94 : memref<1x1x40x128xi32, #tpu.memory_space<hbm>> -> memref<40x128xi32, #tpu.memory_space<hbm>>
    tpu.wait_dma2 semaphore(%arg14 : memref<!tpu.dma_semaphore, #tpu.memory_space<semaphore_mem>>) src(%dma_wait3A_95 : memref<40x128xi32, #tpu.memory_space<hbm>>) dst(%arg8 : memref<40x128xi32, #tpu.memory_space<vmem>>)
    %dma_start3A_96 = arith.constant 0 : i32
    %dma_start3A_97 = arith.constant 0 : i32
    %dma_start3A_98 = tpu.memref_slice %arg7[%dma_start3A_96, %dma_start3A_97] : memref<40x128xi32, #tpu.memory_space<vmem>> -> memref<1x128xi32, #tpu.memory_space<vmem>>
    %dma_start3A_99 = tpu.memref_squeeze %dma_start3A_98 : memref<1x128xi32, #tpu.memory_space<vmem>> -> memref<128xi32, #tpu.memory_space<vmem>>
    %dma_start3A_100 = arith.constant 0 : i32
    %dma_start3A_101 = arith.constant 0 : i32
    %dma_start3A_102 = tpu.memref_slice %arg2[%dma_start3A_100, %dma_start3A_101] : memref<10240x128xf32, #tpu.memory_space<hbm>> -> memref<10240x128xf32, #tpu.memory_space<hbm>>
    tpu.enqueue_indirect_dma source(%dma_start3A_102 : memref<10240x128xf32, #tpu.memory_space<hbm>>) target(%arg9 : memref<128x128xf32, #tpu.memory_space<vmem>>) offsets(%dma_start3A_99 : memref<128xi32, #tpu.memory_space<vmem>>) semaphore(%arg12 : memref<!tpu.dma_semaphore, #tpu.memory_space<semaphore_mem>>)
    %scan3A_103 = arith.constant 0 : i32
    %scan3A_104 = arith.constant 0 : i32
    %scan3A_105 = arith.constant 20 : i32
    %scan3A_106 = arith.addi %scan3A_104, %scan3A_105 : i32
    %scan3A_107 = arith.constant 1 : i32
    scf.for %scan3A_120 = %scan3A_104 to %scan3A_106 step %scan3A_107  : i32 {
      %mul3A_121 = arith.constant 2 : i32
      %mul3A_122 = arith.muli %mul3A_121, %scan3A_120 : i32
      %mul3A_123 = arith.constant 2 : i32
      %mul3A_124 = arith.muli %mul3A_123, %scan3A_120 : i32
      %add3A_125 = arith.constant 1 : i32
      %add3A_126 = arith.addi %mul3A_124, %add3A_125 : i32
      %mul3A_127 = arith.constant 2 : i32
      %mul3A_128 = arith.muli %mul3A_127, %scan3A_120 : i32
      %add3A_129 = arith.constant 2 : i32
      %add3A_130 = arith.addi %mul3A_128, %add3A_129 : i32
      %min3A = arith.constant 39 : i32
      %min3A_131 = arith.minsi %add3A_130, %min3A : i32
      %dma_wait3A_132 = arith.constant 0 : i32
      %dma_wait3A_133 = arith.constant 0 : i32
      %dma_wait3A_134 = tpu.memref_slice %arg7[%dma_wait3A_132, %dma_wait3A_133] : memref<40x128xi32, #tpu.memory_space<vmem>> -> memref<1x128xi32, #tpu.memory_space<vmem>>
      %dma_wait3A_135 = tpu.memref_squeeze %dma_wait3A_134 : memref<1x128xi32, #tpu.memory_space<vmem>> -> memref<128xi32, #tpu.memory_space<vmem>>
      %dma_wait3A_136 = arith.constant 0 : i32
      %dma_wait3A_137 = arith.constant 0 : i32
      %dma_wait3A_138 = tpu.memref_slice %arg2[%dma_wait3A_136, %dma_wait3A_137] : memref<10240x128xf32, #tpu.memory_space<hbm>> -> memref<10240x128xf32, #tpu.memory_space<hbm>>
      tpu.wait_indirect_dma semaphore(%arg12 : memref<!tpu.dma_semaphore, #tpu.memory_space<semaphore_mem>>) src(%dma_wait3A_138 : memref<10240x128xf32, #tpu.memory_space<hbm>>) dst(%arg9 : memref<128x128xf32, #tpu.memory_space<vmem>>)
      %dma_start3A_139 = arith.constant 0 : i32
      %dma_start3A_140 = tpu.memref_slice %arg7[%add3A_126, %dma_start3A_139] : memref<40x128xi32, #tpu.memory_space<vmem>> -> memref<1x128xi32, #tpu.memory_space<vmem>>
      %dma_start3A_141 = tpu.memref_squeeze %dma_start3A_140 : memref<1x128xi32, #tpu.memory_space<vmem>> -> memref<128xi32, #tpu.memory_space<vmem>>
      %dma_start3A_142 = arith.constant 0 : i32
      %dma_start3A_143 = arith.constant 0 : i32
      %dma_start3A_144 = tpu.memref_slice %arg2[%dma_start3A_142, %dma_start3A_143] : memref<10240x128xf32, #tpu.memory_space<hbm>> -> memref<10240x128xf32, #tpu.memory_space<hbm>>
      tpu.enqueue_indirect_dma source(%dma_start3A_144 : memref<10240x128xf32, #tpu.memory_space<hbm>>) target(%arg10 : memref<128x128xf32, #tpu.memory_space<vmem>>) offsets(%dma_start3A_141 : memref<128xi32, #tpu.memory_space<vmem>>) semaphore(%arg13 : memref<!tpu.dma_semaphore, #tpu.memory_space<semaphore_mem>>)
      "tpu.region"() ({
        %run_scoped3A = tpu.sem_alloc : memref<!tpu.dma_semaphore, #tpu.memory_space<semaphore_mem>>
        %dma_start3A_158 = arith.constant 0 : i32
        %dma_start3A_159 = tpu.memref_slice %arg8[%mul3A_122, %dma_start3A_158] : memref<40x128xi32, #tpu.memory_space<vmem>> -> memref<1x128xi32, #tpu.memory_space<vmem>>
        %dma_start3A_160 = tpu.memref_squeeze %dma_start3A_159 : memref<1x128xi32, #tpu.memory_space<vmem>> -> memref<128xi32, #tpu.memory_space<vmem>>
        %dma_start3A_161 = arith.constant 0 : i32
        %dma_start3A_162 = arith.constant 0 : i32
        %dma_start3A_163 = tpu.memref_slice %arg11[%dma_start3A_161, %dma_start3A_162] : memref<10240x128xf32, #tpu.memory_space<vmem_shared>> -> memref<10240x128xf32, #tpu.memory_space<vmem_shared>>
        tpu.enqueue_indirect_dma source(%arg9 : memref<128x128xf32, #tpu.memory_space<vmem>>) target(%dma_start3A_163 : memref<10240x128xf32, #tpu.memory_space<vmem_shared>>) offsets(%dma_start3A_160 : memref<128xi32, #tpu.memory_space<vmem>>) semaphore(%run_scoped3A : memref<!tpu.dma_semaphore, #tpu.memory_space<semaphore_mem>>) {add = true}
        %dma_wait3A_164 = arith.constant 0 : i32
        %dma_wait3A_165 = tpu.memref_slice %arg8[%mul3A_122, %dma_wait3A_164] : memref<40x128xi32, #tpu.memory_space<vmem>> -> memref<1x128xi32, #tpu.memory_space<vmem>>
        %dma_wait3A_166 = tpu.memref_squeeze %dma_wait3A_165 : memref<1x128xi32, #tpu.memory_space<vmem>> -> memref<128xi32, #tpu.memory_space<vmem>>
        %dma_wait3A_167 = arith.constant 0 : i32
        %dma_wait3A_168 = arith.constant 0 : i32
        %dma_wait3A_169 = tpu.memref_slice %arg11[%dma_wait3A_167, %dma_wait3A_168] : memref<10240x128xf32, #tpu.memory_space<vmem_shared>> -> memref<10240x128xf32, #tpu.memory_space<vmem_shared>>
        tpu.wait_indirect_dma semaphore(%run_scoped3A : memref<!tpu.dma_semaphore, #tpu.memory_space<semaphore_mem>>) src(%arg9 : memref<128x128xf32, #tpu.memory_space<vmem>>) dst(%dma_wait3A_169 : memref<10240x128xf32, #tpu.memory_space<vmem_shared>>)
        tpu.yield
      }) : () -> ()
      %dma_start3A_145 = arith.constant 0 : i32
      %dma_start3A_146 = tpu.memref_slice %arg7[%min3A_131, %dma_start3A_145] : memref<40x128xi32, #tpu.memory_space<vmem>> -> memref<1x128xi32, #tpu.memory_space<vmem>>
      %dma_start3A_147 = tpu.memref_squeeze %dma_start3A_146 : memref<1x128xi32, #tpu.memory_space<vmem>> -> memref<128xi32, #tpu.memory_space<vmem>>
      %dma_start3A_148 = arith.constant 0 : i32
      %dma_start3A_149 = arith.constant 0 : i32
      %dma_start3A_150 = tpu.memref_slice %arg2[%dma_start3A_148, %dma_start3A_149] : memref<10240x128xf32, #tpu.memory_space<hbm>> -> memref<10240x128xf32, #tpu.memory_space<hbm>>
      tpu.enqueue_indirect_dma source(%dma_start3A_150 : memref<10240x128xf32, #tpu.memory_space<hbm>>) target(%arg9 : memref<128x128xf32, #tpu.memory_space<vmem>>) offsets(%dma_start3A_147 : memref<128xi32, #tpu.memory_space<vmem>>) semaphore(%arg12 : memref<!tpu.dma_semaphore, #tpu.memory_space<semaphore_mem>>)
      %dma_wait3A_151 = arith.constant 0 : i32
      %dma_wait3A_152 = arith.constant 0 : i32
      %dma_wait3A_153 = tpu.memref_slice %arg7[%dma_wait3A_151, %dma_wait3A_152] : memref<40x128xi32, #tpu.memory_space<vmem>> -> memref<1x128xi32, #tpu.memory_space<vmem>>
      %dma_wait3A_154 = tpu.memref_squeeze %dma_wait3A_153 : memref<1x128xi32, #tpu.memory_space<vmem>> -> memref<128xi32, #tpu.memory_space<vmem>>
      %dma_wait3A_155 = arith.constant 0 : i32
      %dma_wait3A_156 = arith.constant 0 : i32
      %dma_wait3A_157 = tpu.memref_slice %arg2[%dma_wait3A_155, %dma_wait3A_156] : memref<10240x128xf32, #tpu.memory_space<hbm>> -> memref<10240x128xf32, #tpu.memory_space<hbm>>
      tpu.wait_indirect_dma semaphore(%arg13 : memref<!tpu.dma_semaphore, #tpu.memory_space<semaphore_mem>>) src(%dma_wait3A_157 : memref<10240x128xf32, #tpu.memory_space<hbm>>) dst(%arg10 : memref<128x128xf32, #tpu.memory_space<vmem>>)
      "tpu.region"() ({
        %run_scoped3A = tpu.sem_alloc : memref<!tpu.dma_semaphore, #tpu.memory_space<semaphore_mem>>
        %dma_start3A_158 = arith.constant 0 : i32
        %dma_start3A_159 = tpu.memref_slice %arg8[%add3A_126, %dma_start3A_158] : memref<40x128xi32, #tpu.memory_space<vmem>> -> memref<1x128xi32, #tpu.memory_space<vmem>>
        %dma_start3A_160 = tpu.memref_squeeze %dma_start3A_159 : memref<1x128xi32, #tpu.memory_space<vmem>> -> memref<128xi32, #tpu.memory_space<vmem>>
        %dma_start3A_161 = arith.constant 0 : i32
        %dma_start3A_162 = arith.constant 0 : i32
        %dma_start3A_163 = tpu.memref_slice %arg11[%dma_start3A_161, %dma_start3A_162] : memref<10240x128xf32, #tpu.memory_space<vmem_shared>> -> memref<10240x128xf32, #tpu.memory_space<vmem_shared>>
        tpu.enqueue_indirect_dma source(%arg10 : memref<128x128xf32, #tpu.memory_space<vmem>>) target(%dma_start3A_163 : memref<10240x128xf32, #tpu.memory_space<vmem_shared>>) offsets(%dma_start3A_160 : memref<128xi32, #tpu.memory_space<vmem>>) semaphore(%run_scoped3A : memref<!tpu.dma_semaphore, #tpu.memory_space<semaphore_mem>>) {add = true}
        %dma_wait3A_164 = arith.constant 0 : i32
        %dma_wait3A_165 = tpu.memref_slice %arg8[%add3A_126, %dma_wait3A_164] : memref<40x128xi32, #tpu.memory_space<vmem>> -> memref<1x128xi32, #tpu.memory_space<vmem>>
        %dma_wait3A_166 = tpu.memref_squeeze %dma_wait3A_165 : memref<1x128xi32, #tpu.memory_space<vmem>> -> memref<128xi32, #tpu.memory_space<vmem>>
        %dma_wait3A_167 = arith.constant 0 : i32
        %dma_wait3A_168 = arith.constant 0 : i32
        %dma_wait3A_169 = tpu.memref_slice %arg11[%dma_wait3A_167, %dma_wait3A_168] : memref<10240x128xf32, #tpu.memory_space<vmem_shared>> -> memref<10240x128xf32, #tpu.memory_space<vmem_shared>>
        tpu.wait_indirect_dma semaphore(%run_scoped3A : memref<!tpu.dma_semaphore, #tpu.memory_space<semaphore_mem>>) src(%arg10 : memref<128x128xf32, #tpu.memory_space<vmem>>) dst(%dma_wait3A_169 : memref<10240x128xf32, #tpu.memory_space<vmem_shared>>)
        tpu.yield
      }) : () -> ()
    }
    %scan3A_108 = arith.constant 20 : i32
    %dma_wait3A_109 = arith.constant 0 : i32
    %dma_wait3A_110 = arith.constant 0 : i32
    %dma_wait3A_111 = tpu.memref_slice %arg7[%dma_wait3A_109, %dma_wait3A_110] : memref<40x128xi32, #tpu.memory_space<vmem>> -> memref<1x128xi32, #tpu.memory_space<vmem>>
    %dma_wait3A_112 = tpu.memref_squeeze %dma_wait3A_111 : memref<1x128xi32, #tpu.memory_space<vmem>> -> memref<128xi32, #tpu.memory_space<vmem>>
    %dma_wait3A_113 = arith.constant 0 : i32
    %dma_wait3A_114 = arith.constant 0 : i32
    %dma_wait3A_115 = tpu.memref_slice %arg2[%dma_wait3A_113, %dma_wait3A_114] : memref<10240x128xf32, #tpu.memory_space<hbm>> -> memref<10240x128xf32, #tpu.memory_space<hbm>>
    tpu.wait_indirect_dma semaphore(%arg12 : memref<!tpu.dma_semaphore, #tpu.memory_space<semaphore_mem>>) src(%dma_wait3A_115 : memref<10240x128xf32, #tpu.memory_space<hbm>>) dst(%arg9 : memref<128x128xf32, #tpu.memory_space<vmem>>)
    %barrier3A_116 = arith.constant 0 : index
    tpu.barrier barrier_id(%barrier3A_116)
    %mul3A_117 = arith.constant 10240 : i32
    %mul3A_118 = arith.muli %arg0, %mul3A_117 : i32
    %add3A_119 = arith.addi %mul3A_118, %mul3A_2 : i32
    "tpu.region"() ({
      %run_scoped3A = tpu.sem_alloc : memref<!tpu.dma_semaphore, #tpu.memory_space<semaphore_mem>>
      %dma_start3A_120 = arith.constant 0 : i32
      %dma_start3A_121 = tpu.memref_slice %arg6[%add3A_119, %dma_start3A_120] : memref<20480x128xf32, #tpu.memory_space<hbm>> -> memref<640x128xf32, #tpu.memory_space<hbm>>
      %dma_start3A_122 = arith.constant 0 : i32
      %dma_start3A_123 = tpu.memref_slice %arg11[%mul3A_2, %dma_start3A_122] : memref<10240x128xf32, #tpu.memory_space<vmem_shared>> -> memref<640x128xf32, #tpu.memory_space<vmem_shared>>
      tpu.enqueue_dma source(%dma_start3A_123 : memref<640x128xf32, #tpu.memory_space<vmem_shared>>) target(%dma_start3A_121 : memref<640x128xf32, #tpu.memory_space<hbm>>) target_semaphore(%run_scoped3A : memref<!tpu.dma_semaphore, #tpu.memory_space<semaphore_mem>>)
      %dma_wait3A_124 = arith.constant 0 : i32
      %dma_wait3A_125 = tpu.memref_slice %arg6[%add3A_119, %dma_wait3A_124] : memref<20480x128xf32, #tpu.memory_space<hbm>> -> memref<640x128xf32, #tpu.memory_space<hbm>>
      %dma_wait3A_126 = arith.constant 0 : i32
      %dma_wait3A_127 = tpu.memref_slice %arg11[%mul3A_2, %dma_wait3A_126] : memref<10240x128xf32, #tpu.memory_space<vmem_shared>> -> memref<640x128xf32, #tpu.memory_space<vmem_shared>>
      tpu.wait_dma2 semaphore(%run_scoped3A : memref<!tpu.dma_semaphore, #tpu.memory_space<semaphore_mem>>) src(%dma_wait3A_127 : memref<640x128xf32, #tpu.memory_space<vmem_shared>>) dst(%dma_wait3A_125 : memref<640x128xf32, #tpu.memory_space<hbm>>)
      tpu.yield
    }) : () -> ()
    return
  }
}

#map = affine_map<(d0, d1) -> (0, 0)>
#map1 = affine_map<(d0, d1) -> (0, 0, 0, 0)>
module attributes {stable_mosaic.version = 14 : i64} {
  func.func @_agg(%arg0: i32, %arg1: i32, %arg2: memref<10240x128xf32, #tpu.memory_space<hbm>>, %arg3: memref<32x2x40x128xi32, #tpu.memory_space<hbm>>, %arg4: memref<32x2x40x128xi32, #tpu.memory_space<hbm>>, %arg5: memref<10240x128xf32, #tpu.memory_space<hbm>>, %arg6: memref<20480x128xf32, #tpu.memory_space<hbm>>, %arg7: memref<40x128xi32, #tpu.memory_space<vmem>>, %arg8: memref<40x128xi32, #tpu.memory_space<vmem>>, %arg9: memref<128x128xf32, #tpu.memory_space<vmem>>, %arg10: memref<128x128xf32, #tpu.memory_space<vmem>>, %arg11: memref<10240x128xf32, #tpu.memory_space<vmem_shared>>, %arg12: memref<!tpu.dma_semaphore, #tpu.memory_space<semaphore_mem>>, %arg13: memref<!tpu.dma_semaphore, #tpu.memory_space<semaphore_mem>>, %arg14: memref<!tpu.dma_semaphore, #tpu.memory_space<semaphore_mem>>) attributes {dimension_semantics = [#tpu.dimension_semantics<core_parallel>, #tpu.dimension_semantics<subcore_parallel>], iteration_bounds = array<i64: 2, 16>, scalar_prefetch = 0 : i64, scratch_operands = 8 : i64, tpu.core_type = #tpu.core_type<sc_vector_subcore>, window_params = [{transform_indices = #map}, {transform_indices = #map1}, {transform_indices = #map1}, {transform_indices = #map}, {transform_indices = #map}]} {
    %mul3A = arith.constant 16 : i32
    %mul3A_0 = arith.muli %arg0, %mul3A : i32
    %add3A = arith.addi %mul3A_0, %arg1 : i32
    %mul3A_1 = arith.constant 640 : i32
    %mul3A_2 = arith.muli %arg1, %mul3A_1 : i32
    "tpu.region"() ({
      %run_scoped3A = tpu.sem_alloc : memref<!tpu.dma_semaphore, #tpu.memory_space<semaphore_mem>>
      %dma_start3A_120 = arith.constant 0 : i32
      %dma_start3A_121 = tpu.memref_slice %arg11[%mul3A_2, %dma_start3A_120] : memref<10240x128xf32, #tpu.memory_space<vmem_shared>> -> memref<640x128xf32, #tpu.memory_space<vmem_shared>>
      %dma_start3A_122 = arith.constant 0 : i32
      %dma_start3A_123 = tpu.memref_slice %arg5[%mul3A_2, %dma_start3A_122] : memref<10240x128xf32, #tpu.memory_space<hbm>> -> memref<640x128xf32, #tpu.memory_space<hbm>>
      tpu.enqueue_dma source(%dma_start3A_123 : memref<640x128xf32, #tpu.memory_space<hbm>>) target(%dma_start3A_121 : memref<640x128xf32, #tpu.memory_space<vmem_shared>>) target_semaphore(%run_scoped3A : memref<!tpu.dma_semaphore, #tpu.memory_space<semaphore_mem>>)
      %dma_wait3A_124 = arith.constant 0 : i32
      %dma_wait3A_125 = tpu.memref_slice %arg11[%mul3A_2, %dma_wait3A_124] : memref<10240x128xf32, #tpu.memory_space<vmem_shared>> -> memref<640x128xf32, #tpu.memory_space<vmem_shared>>
      %dma_wait3A_126 = arith.constant 0 : i32
      %dma_wait3A_127 = tpu.memref_slice %arg5[%mul3A_2, %dma_wait3A_126] : memref<10240x128xf32, #tpu.memory_space<hbm>> -> memref<640x128xf32, #tpu.memory_space<hbm>>
      tpu.wait_dma2 semaphore(%run_scoped3A : memref<!tpu.dma_semaphore, #tpu.memory_space<semaphore_mem>>) src(%dma_wait3A_127 : memref<640x128xf32, #tpu.memory_space<hbm>>) dst(%dma_wait3A_125 : memref<640x128xf32, #tpu.memory_space<vmem_shared>>)
      tpu.yield
    }) : () -> ()
    %barrier3A = arith.constant 0 : index
    tpu.barrier barrier_id(%barrier3A)
    %dma_start3A = arith.constant 0 : i32
    %dma_start3A_3 = arith.constant 0 : i32
    %dma_start3A_4 = arith.constant 0 : i32
    %dma_start3A_5 = tpu.memref_slice %arg3[%add3A, %dma_start3A, %dma_start3A_3, %dma_start3A_4] : memref<32x2x40x128xi32, #tpu.memory_space<hbm>> -> memref<1x1x40x128xi32, #tpu.memory_space<hbm>>
    %dma_start3A_6 = tpu.memref_squeeze %dma_start3A_5 : memref<1x1x40x128xi32, #tpu.memory_space<hbm>> -> memref<40x128xi32, #tpu.memory_space<hbm>>
    %dma_start3A_7 = arith.constant 0 : i32
    %dma_start3A_8 = arith.constant 0 : i32
    %dma_start3A_9 = tpu.memref_slice %arg3[%add3A, %dma_start3A, %dma_start3A_7, %dma_start3A_8] : memref<32x2x40x128xi32, #tpu.memory_space<hbm>> -> memref<1x1x40x128xi32, #tpu.memory_space<hbm>>
    %dma_start3A_10 = tpu.memref_squeeze %dma_start3A_9 : memref<1x1x40x128xi32, #tpu.memory_space<hbm>> -> memref<40x128xi32, #tpu.memory_space<hbm>>
    tpu.enqueue_dma source(%dma_start3A_10 : memref<40x128xi32, #tpu.memory_space<hbm>>) target(%arg7 : memref<40x128xi32, #tpu.memory_space<vmem>>) target_semaphore(%arg14 : memref<!tpu.dma_semaphore, #tpu.memory_space<semaphore_mem>>)
    %dma_start3A_11 = arith.constant 0 : i32
    %dma_start3A_12 = arith.constant 0 : i32
    %dma_start3A_13 = arith.constant 0 : i32
    %dma_start3A_14 = tpu.memref_slice %arg4[%add3A, %dma_start3A_11, %dma_start3A_12, %dma_start3A_13] : memref<32x2x40x128xi32, #tpu.memory_space<hbm>> -> memref<1x1x40x128xi32, #tpu.memory_space<hbm>>
    %dma_start3A_15 = tpu.memref_squeeze %dma_start3A_14 : memref<1x1x40x128xi32, #tpu.memory_space<hbm>> -> memref<40x128xi32, #tpu.memory_space<hbm>>
    %dma_start3A_16 = arith.constant 0 : i32
    %dma_start3A_17 = arith.constant 0 : i32
    %dma_start3A_18 = tpu.memref_slice %arg4[%add3A, %dma_start3A_11, %dma_start3A_16, %dma_start3A_17] : memref<32x2x40x128xi32, #tpu.memory_space<hbm>> -> memref<1x1x40x128xi32, #tpu.memory_space<hbm>>
    %dma_start3A_19 = tpu.memref_squeeze %dma_start3A_18 : memref<1x1x40x128xi32, #tpu.memory_space<hbm>> -> memref<40x128xi32, #tpu.memory_space<hbm>>
    tpu.enqueue_dma source(%dma_start3A_19 : memref<40x128xi32, #tpu.memory_space<hbm>>) target(%arg8 : memref<40x128xi32, #tpu.memory_space<vmem>>) target_semaphore(%arg14 : memref<!tpu.dma_semaphore, #tpu.memory_space<semaphore_mem>>)
    %dma_wait3A = arith.constant 0 : i32
    %dma_wait3A_20 = arith.constant 0 : i32
    %dma_wait3A_21 = arith.constant 0 : i32
    %dma_wait3A_22 = arith.constant 0 : i32
    %dma_wait3A_23 = tpu.memref_slice %arg3[%dma_wait3A, %dma_wait3A_20, %dma_wait3A_21, %dma_wait3A_22] : memref<32x2x40x128xi32, #tpu.memory_space<hbm>> -> memref<1x1x40x128xi32, #tpu.memory_space<hbm>>
    %dma_wait3A_24 = tpu.memref_squeeze %dma_wait3A_23 : memref<1x1x40x128xi32, #tpu.memory_space<hbm>> -> memref<40x128xi32, #tpu.memory_space<hbm>>
    %dma_wait3A_25 = arith.constant 0 : i32
    %dma_wait3A_26 = arith.constant 0 : i32
    %dma_wait3A_27 = tpu.memref_slice %arg3[%dma_wait3A, %dma_wait3A_20, %dma_wait3A_25, %dma_wait3A_26] : memref<32x2x40x128xi32, #tpu.memory_space<hbm>> -> memref<1x1x40x128xi32, #tpu.memory_space<hbm>>
    %dma_wait3A_28 = tpu.memref_squeeze %dma_wait3A_27 : memref<1x1x40x128xi32, #tpu.memory_space<hbm>> -> memref<40x128xi32, #tpu.memory_space<hbm>>
    tpu.wait_dma2 semaphore(%arg14 : memref<!tpu.dma_semaphore, #tpu.memory_space<semaphore_mem>>) src(%dma_wait3A_28 : memref<40x128xi32, #tpu.memory_space<hbm>>) dst(%arg7 : memref<40x128xi32, #tpu.memory_space<vmem>>)
    %dma_wait3A_29 = arith.constant 0 : i32
    %dma_wait3A_30 = arith.constant 0 : i32
    %dma_wait3A_31 = arith.constant 0 : i32
    %dma_wait3A_32 = arith.constant 0 : i32
    %dma_wait3A_33 = tpu.memref_slice %arg3[%dma_wait3A_29, %dma_wait3A_30, %dma_wait3A_31, %dma_wait3A_32] : memref<32x2x40x128xi32, #tpu.memory_space<hbm>> -> memref<1x1x40x128xi32, #tpu.memory_space<hbm>>
    %dma_wait3A_34 = tpu.memref_squeeze %dma_wait3A_33 : memref<1x1x40x128xi32, #tpu.memory_space<hbm>> -> memref<40x128xi32, #tpu.memory_space<hbm>>
    %dma_wait3A_35 = arith.constant 0 : i32
    %dma_wait3A_36 = arith.constant 0 : i32
    %dma_wait3A_37 = tpu.memref_slice %arg3[%dma_wait3A_29, %dma_wait3A_30, %dma_wait3A_35, %dma_wait3A_36] : memref<32x2x40x128xi32, #tpu.memory_space<hbm>> -> memref<1x1x40x128xi32, #tpu.memory_space<hbm>>
    %dma_wait3A_38 = tpu.memref_squeeze %dma_wait3A_37 : memref<1x1x40x128xi32, #tpu.memory_space<hbm>> -> memref<40x128xi32, #tpu.memory_space<hbm>>
    tpu.wait_dma2 semaphore(%arg14 : memref<!tpu.dma_semaphore, #tpu.memory_space<semaphore_mem>>) src(%dma_wait3A_38 : memref<40x128xi32, #tpu.memory_space<hbm>>) dst(%arg8 : memref<40x128xi32, #tpu.memory_space<vmem>>)
    %dma_start3A_39 = arith.constant 0 : i32
    %dma_start3A_40 = arith.constant 0 : i32
    %dma_start3A_41 = tpu.memref_slice %arg7[%dma_start3A_39, %dma_start3A_40] : memref<40x128xi32, #tpu.memory_space<vmem>> -> memref<1x128xi32, #tpu.memory_space<vmem>>
    %dma_start3A_42 = tpu.memref_squeeze %dma_start3A_41 : memref<1x128xi32, #tpu.memory_space<vmem>> -> memref<128xi32, #tpu.memory_space<vmem>>
    %dma_start3A_43 = arith.constant 0 : i32
    %dma_start3A_44 = arith.constant 0 : i32
    %dma_start3A_45 = tpu.memref_slice %arg2[%dma_start3A_43, %dma_start3A_44] : memref<10240x128xf32, #tpu.memory_space<hbm>> -> memref<10240x128xf32, #tpu.memory_space<hbm>>
    tpu.enqueue_indirect_dma source(%dma_start3A_45 : memref<10240x128xf32, #tpu.memory_space<hbm>>) target(%arg9 : memref<128x128xf32, #tpu.memory_space<vmem>>) offsets(%dma_start3A_42 : memref<128xi32, #tpu.memory_space<vmem>>) semaphore(%arg12 : memref<!tpu.dma_semaphore, #tpu.memory_space<semaphore_mem>>)
    %scan3A = arith.constant 0 : i32
    %scan3A_46 = arith.constant 0 : i32
    %scan3A_47 = arith.constant 20 : i32
    %scan3A_48 = arith.addi %scan3A_46, %scan3A_47 : i32
    %scan3A_49 = arith.constant 1 : i32
    scf.for %scan3A_120 = %scan3A_46 to %scan3A_48 step %scan3A_49  : i32 {
      %mul3A_121 = arith.constant 2 : i32
      %mul3A_122 = arith.muli %mul3A_121, %scan3A_120 : i32
      %mul3A_123 = arith.constant 2 : i32
      %mul3A_124 = arith.muli %mul3A_123, %scan3A_120 : i32
      %add3A_125 = arith.constant 1 : i32
      %add3A_126 = arith.addi %mul3A_124, %add3A_125 : i32
      %mul3A_127 = arith.constant 2 : i32
      %mul3A_128 = arith.muli %mul3A_127, %scan3A_120 : i32
      %add3A_129 = arith.constant 2 : i32
      %add3A_130 = arith.addi %mul3A_128, %add3A_129 : i32
      %min3A = arith.constant 39 : i32
      %min3A_131 = arith.minsi %add3A_130, %min3A : i32
      %dma_wait3A_132 = arith.constant 0 : i32
      %dma_wait3A_133 = arith.constant 0 : i32
      %dma_wait3A_134 = tpu.memref_slice %arg7[%dma_wait3A_132, %dma_wait3A_133] : memref<40x128xi32, #tpu.memory_space<vmem>> -> memref<1x128xi32, #tpu.memory_space<vmem>>
      %dma_wait3A_135 = tpu.memref_squeeze %dma_wait3A_134 : memref<1x128xi32, #tpu.memory_space<vmem>> -> memref<128xi32, #tpu.memory_space<vmem>>
      %dma_wait3A_136 = arith.constant 0 : i32
      %dma_wait3A_137 = arith.constant 0 : i32
      %dma_wait3A_138 = tpu.memref_slice %arg2[%dma_wait3A_136, %dma_wait3A_137] : memref<10240x128xf32, #tpu.memory_space<hbm>> -> memref<10240x128xf32, #tpu.memory_space<hbm>>
      tpu.wait_indirect_dma semaphore(%arg12 : memref<!tpu.dma_semaphore, #tpu.memory_space<semaphore_mem>>) src(%dma_wait3A_138 : memref<10240x128xf32, #tpu.memory_space<hbm>>) dst(%arg9 : memref<128x128xf32, #tpu.memory_space<vmem>>)
      %dma_start3A_139 = arith.constant 0 : i32
      %dma_start3A_140 = tpu.memref_slice %arg7[%add3A_126, %dma_start3A_139] : memref<40x128xi32, #tpu.memory_space<vmem>> -> memref<1x128xi32, #tpu.memory_space<vmem>>
      %dma_start3A_141 = tpu.memref_squeeze %dma_start3A_140 : memref<1x128xi32, #tpu.memory_space<vmem>> -> memref<128xi32, #tpu.memory_space<vmem>>
      %dma_start3A_142 = arith.constant 0 : i32
      %dma_start3A_143 = arith.constant 0 : i32
      %dma_start3A_144 = tpu.memref_slice %arg2[%dma_start3A_142, %dma_start3A_143] : memref<10240x128xf32, #tpu.memory_space<hbm>> -> memref<10240x128xf32, #tpu.memory_space<hbm>>
      tpu.enqueue_indirect_dma source(%dma_start3A_144 : memref<10240x128xf32, #tpu.memory_space<hbm>>) target(%arg10 : memref<128x128xf32, #tpu.memory_space<vmem>>) offsets(%dma_start3A_141 : memref<128xi32, #tpu.memory_space<vmem>>) semaphore(%arg13 : memref<!tpu.dma_semaphore, #tpu.memory_space<semaphore_mem>>)
      "tpu.region"() ({
        %run_scoped3A = tpu.sem_alloc : memref<!tpu.dma_semaphore, #tpu.memory_space<semaphore_mem>>
        %dma_start3A_158 = arith.constant 0 : i32
        %dma_start3A_159 = tpu.memref_slice %arg8[%mul3A_122, %dma_start3A_158] : memref<40x128xi32, #tpu.memory_space<vmem>> -> memref<1x128xi32, #tpu.memory_space<vmem>>
        %dma_start3A_160 = tpu.memref_squeeze %dma_start3A_159 : memref<1x128xi32, #tpu.memory_space<vmem>> -> memref<128xi32, #tpu.memory_space<vmem>>
        %dma_start3A_161 = arith.constant 0 : i32
        %dma_start3A_162 = arith.constant 0 : i32
        %dma_start3A_163 = tpu.memref_slice %arg11[%dma_start3A_161, %dma_start3A_162] : memref<10240x128xf32, #tpu.memory_space<vmem_shared>> -> memref<10240x128xf32, #tpu.memory_space<vmem_shared>>
        tpu.enqueue_indirect_dma source(%arg9 : memref<128x128xf32, #tpu.memory_space<vmem>>) target(%dma_start3A_163 : memref<10240x128xf32, #tpu.memory_space<vmem_shared>>) offsets(%dma_start3A_160 : memref<128xi32, #tpu.memory_space<vmem>>) semaphore(%run_scoped3A : memref<!tpu.dma_semaphore, #tpu.memory_space<semaphore_mem>>) {add = true}
        %dma_wait3A_164 = arith.constant 0 : i32
        %dma_wait3A_165 = tpu.memref_slice %arg8[%mul3A_122, %dma_wait3A_164] : memref<40x128xi32, #tpu.memory_space<vmem>> -> memref<1x128xi32, #tpu.memory_space<vmem>>
        %dma_wait3A_166 = tpu.memref_squeeze %dma_wait3A_165 : memref<1x128xi32, #tpu.memory_space<vmem>> -> memref<128xi32, #tpu.memory_space<vmem>>
        %dma_wait3A_167 = arith.constant 0 : i32
        %dma_wait3A_168 = arith.constant 0 : i32
        %dma_wait3A_169 = tpu.memref_slice %arg11[%dma_wait3A_167, %dma_wait3A_168] : memref<10240x128xf32, #tpu.memory_space<vmem_shared>> -> memref<10240x128xf32, #tpu.memory_space<vmem_shared>>
        tpu.wait_indirect_dma semaphore(%run_scoped3A : memref<!tpu.dma_semaphore, #tpu.memory_space<semaphore_mem>>) src(%arg9 : memref<128x128xf32, #tpu.memory_space<vmem>>) dst(%dma_wait3A_169 : memref<10240x128xf32, #tpu.memory_space<vmem_shared>>)
        tpu.yield
      }) : () -> ()
      %dma_start3A_145 = arith.constant 0 : i32
      %dma_start3A_146 = tpu.memref_slice %arg7[%min3A_131, %dma_start3A_145] : memref<40x128xi32, #tpu.memory_space<vmem>> -> memref<1x128xi32, #tpu.memory_space<vmem>>
      %dma_start3A_147 = tpu.memref_squeeze %dma_start3A_146 : memref<1x128xi32, #tpu.memory_space<vmem>> -> memref<128xi32, #tpu.memory_space<vmem>>
      %dma_start3A_148 = arith.constant 0 : i32
      %dma_start3A_149 = arith.constant 0 : i32
      %dma_start3A_150 = tpu.memref_slice %arg2[%dma_start3A_148, %dma_start3A_149] : memref<10240x128xf32, #tpu.memory_space<hbm>> -> memref<10240x128xf32, #tpu.memory_space<hbm>>
      tpu.enqueue_indirect_dma source(%dma_start3A_150 : memref<10240x128xf32, #tpu.memory_space<hbm>>) target(%arg9 : memref<128x128xf32, #tpu.memory_space<vmem>>) offsets(%dma_start3A_147 : memref<128xi32, #tpu.memory_space<vmem>>) semaphore(%arg12 : memref<!tpu.dma_semaphore, #tpu.memory_space<semaphore_mem>>)
      %dma_wait3A_151 = arith.constant 0 : i32
      %dma_wait3A_152 = arith.constant 0 : i32
      %dma_wait3A_153 = tpu.memref_slice %arg7[%dma_wait3A_151, %dma_wait3A_152] : memref<40x128xi32, #tpu.memory_space<vmem>> -> memref<1x128xi32, #tpu.memory_space<vmem>>
      %dma_wait3A_154 = tpu.memref_squeeze %dma_wait3A_153 : memref<1x128xi32, #tpu.memory_space<vmem>> -> memref<128xi32, #tpu.memory_space<vmem>>
      %dma_wait3A_155 = arith.constant 0 : i32
      %dma_wait3A_156 = arith.constant 0 : i32
      %dma_wait3A_157 = tpu.memref_slice %arg2[%dma_wait3A_155, %dma_wait3A_156] : memref<10240x128xf32, #tpu.memory_space<hbm>> -> memref<10240x128xf32, #tpu.memory_space<hbm>>
      tpu.wait_indirect_dma semaphore(%arg13 : memref<!tpu.dma_semaphore, #tpu.memory_space<semaphore_mem>>) src(%dma_wait3A_157 : memref<10240x128xf32, #tpu.memory_space<hbm>>) dst(%arg10 : memref<128x128xf32, #tpu.memory_space<vmem>>)
      "tpu.region"() ({
        %run_scoped3A = tpu.sem_alloc : memref<!tpu.dma_semaphore, #tpu.memory_space<semaphore_mem>>
        %dma_start3A_158 = arith.constant 0 : i32
        %dma_start3A_159 = tpu.memref_slice %arg8[%add3A_126, %dma_start3A_158] : memref<40x128xi32, #tpu.memory_space<vmem>> -> memref<1x128xi32, #tpu.memory_space<vmem>>
        %dma_start3A_160 = tpu.memref_squeeze %dma_start3A_159 : memref<1x128xi32, #tpu.memory_space<vmem>> -> memref<128xi32, #tpu.memory_space<vmem>>
        %dma_start3A_161 = arith.constant 0 : i32
        %dma_start3A_162 = arith.constant 0 : i32
        %dma_start3A_163 = tpu.memref_slice %arg11[%dma_start3A_161, %dma_start3A_162] : memref<10240x128xf32, #tpu.memory_space<vmem_shared>> -> memref<10240x128xf32, #tpu.memory_space<vmem_shared>>
        tpu.enqueue_indirect_dma source(%arg10 : memref<128x128xf32, #tpu.memory_space<vmem>>) target(%dma_start3A_163 : memref<10240x128xf32, #tpu.memory_space<vmem_shared>>) offsets(%dma_start3A_160 : memref<128xi32, #tpu.memory_space<vmem>>) semaphore(%run_scoped3A : memref<!tpu.dma_semaphore, #tpu.memory_space<semaphore_mem>>) {add = true}
        %dma_wait3A_164 = arith.constant 0 : i32
        %dma_wait3A_165 = tpu.memref_slice %arg8[%add3A_126, %dma_wait3A_164] : memref<40x128xi32, #tpu.memory_space<vmem>> -> memref<1x128xi32, #tpu.memory_space<vmem>>
        %dma_wait3A_166 = tpu.memref_squeeze %dma_wait3A_165 : memref<1x128xi32, #tpu.memory_space<vmem>> -> memref<128xi32, #tpu.memory_space<vmem>>
        %dma_wait3A_167 = arith.constant 0 : i32
        %dma_wait3A_168 = arith.constant 0 : i32
        %dma_wait3A_169 = tpu.memref_slice %arg11[%dma_wait3A_167, %dma_wait3A_168] : memref<10240x128xf32, #tpu.memory_space<vmem_shared>> -> memref<10240x128xf32, #tpu.memory_space<vmem_shared>>
        tpu.wait_indirect_dma semaphore(%run_scoped3A : memref<!tpu.dma_semaphore, #tpu.memory_space<semaphore_mem>>) src(%arg10 : memref<128x128xf32, #tpu.memory_space<vmem>>) dst(%dma_wait3A_169 : memref<10240x128xf32, #tpu.memory_space<vmem_shared>>)
        tpu.yield
      }) : () -> ()
    }
    %scan3A_50 = arith.constant 20 : i32
    %dma_wait3A_51 = arith.constant 0 : i32
    %dma_wait3A_52 = arith.constant 0 : i32
    %dma_wait3A_53 = tpu.memref_slice %arg7[%dma_wait3A_51, %dma_wait3A_52] : memref<40x128xi32, #tpu.memory_space<vmem>> -> memref<1x128xi32, #tpu.memory_space<vmem>>
    %dma_wait3A_54 = tpu.memref_squeeze %dma_wait3A_53 : memref<1x128xi32, #tpu.memory_space<vmem>> -> memref<128xi32, #tpu.memory_space<vmem>>
    %dma_wait3A_55 = arith.constant 0 : i32
    %dma_wait3A_56 = arith.constant 0 : i32
    %dma_wait3A_57 = tpu.memref_slice %arg2[%dma_wait3A_55, %dma_wait3A_56] : memref<10240x128xf32, #tpu.memory_space<hbm>> -> memref<10240x128xf32, #tpu.memory_space<hbm>>
    tpu.wait_indirect_dma semaphore(%arg12 : memref<!tpu.dma_semaphore, #tpu.memory_space<semaphore_mem>>) src(%dma_wait3A_57 : memref<10240x128xf32, #tpu.memory_space<hbm>>) dst(%arg9 : memref<128x128xf32, #tpu.memory_space<vmem>>)
    %dma_start3A_58 = arith.constant 1 : i32
    %dma_start3A_59 = arith.constant 0 : i32
    %dma_start3A_60 = arith.constant 0 : i32
    %dma_start3A_61 = tpu.memref_slice %arg3[%add3A, %dma_start3A_58, %dma_start3A_59, %dma_start3A_60] : memref<32x2x40x128xi32, #tpu.memory_space<hbm>> -> memref<1x1x40x128xi32, #tpu.memory_space<hbm>>
    %dma_start3A_62 = tpu.memref_squeeze %dma_start3A_61 : memref<1x1x40x128xi32, #tpu.memory_space<hbm>> -> memref<40x128xi32, #tpu.memory_space<hbm>>
    %dma_start3A_63 = arith.constant 0 : i32
    %dma_start3A_64 = arith.constant 0 : i32
    %dma_start3A_65 = tpu.memref_slice %arg3[%add3A, %dma_start3A_58, %dma_start3A_63, %dma_start3A_64] : memref<32x2x40x128xi32, #tpu.memory_space<hbm>> -> memref<1x1x40x128xi32, #tpu.memory_space<hbm>>
    %dma_start3A_66 = tpu.memref_squeeze %dma_start3A_65 : memref<1x1x40x128xi32, #tpu.memory_space<hbm>> -> memref<40x128xi32, #tpu.memory_space<hbm>>
    tpu.enqueue_dma source(%dma_start3A_66 : memref<40x128xi32, #tpu.memory_space<hbm>>) target(%arg7 : memref<40x128xi32, #tpu.memory_space<vmem>>) target_semaphore(%arg14 : memref<!tpu.dma_semaphore, #tpu.memory_space<semaphore_mem>>)
    %dma_start3A_67 = arith.constant 1 : i32
    %dma_start3A_68 = arith.constant 0 : i32
    %dma_start3A_69 = arith.constant 0 : i32
    %dma_start3A_70 = tpu.memref_slice %arg4[%add3A, %dma_start3A_67, %dma_start3A_68, %dma_start3A_69] : memref<32x2x40x128xi32, #tpu.memory_space<hbm>> -> memref<1x1x40x128xi32, #tpu.memory_space<hbm>>
    %dma_start3A_71 = tpu.memref_squeeze %dma_start3A_70 : memref<1x1x40x128xi32, #tpu.memory_space<hbm>> -> memref<40x128xi32, #tpu.memory_space<hbm>>
    %dma_start3A_72 = arith.constant 0 : i32
    %dma_start3A_73 = arith.constant 0 : i32
    %dma_start3A_74 = tpu.memref_slice %arg4[%add3A, %dma_start3A_67, %dma_start3A_72, %dma_start3A_73] : memref<32x2x40x128xi32, #tpu.memory_space<hbm>> -> memref<1x1x40x128xi32, #tpu.memory_space<hbm>>
    %dma_start3A_75 = tpu.memref_squeeze %dma_start3A_74 : memref<1x1x40x128xi32, #tpu.memory_space<hbm>> -> memref<40x128xi32, #tpu.memory_space<hbm>>
    tpu.enqueue_dma source(%dma_start3A_75 : memref<40x128xi32, #tpu.memory_space<hbm>>) target(%arg8 : memref<40x128xi32, #tpu.memory_space<vmem>>) target_semaphore(%arg14 : memref<!tpu.dma_semaphore, #tpu.memory_space<semaphore_mem>>)
    %dma_wait3A_76 = arith.constant 0 : i32
    %dma_wait3A_77 = arith.constant 0 : i32
    %dma_wait3A_78 = arith.constant 0 : i32
    %dma_wait3A_79 = arith.constant 0 : i32
    %dma_wait3A_80 = tpu.memref_slice %arg3[%dma_wait3A_76, %dma_wait3A_77, %dma_wait3A_78, %dma_wait3A_79] : memref<32x2x40x128xi32, #tpu.memory_space<hbm>> -> memref<1x1x40x128xi32, #tpu.memory_space<hbm>>
    %dma_wait3A_81 = tpu.memref_squeeze %dma_wait3A_80 : memref<1x1x40x128xi32, #tpu.memory_space<hbm>> -> memref<40x128xi32, #tpu.memory_space<hbm>>
    %dma_wait3A_82 = arith.constant 0 : i32
    %dma_wait3A_83 = arith.constant 0 : i32
    %dma_wait3A_84 = tpu.memref_slice %arg3[%dma_wait3A_76, %dma_wait3A_77, %dma_wait3A_82, %dma_wait3A_83] : memref<32x2x40x128xi32, #tpu.memory_space<hbm>> -> memref<1x1x40x128xi32, #tpu.memory_space<hbm>>
    %dma_wait3A_85 = tpu.memref_squeeze %dma_wait3A_84 : memref<1x1x40x128xi32, #tpu.memory_space<hbm>> -> memref<40x128xi32, #tpu.memory_space<hbm>>
    tpu.wait_dma2 semaphore(%arg14 : memref<!tpu.dma_semaphore, #tpu.memory_space<semaphore_mem>>) src(%dma_wait3A_85 : memref<40x128xi32, #tpu.memory_space<hbm>>) dst(%arg7 : memref<40x128xi32, #tpu.memory_space<vmem>>)
    %dma_wait3A_86 = arith.constant 0 : i32
    %dma_wait3A_87 = arith.constant 0 : i32
    %dma_wait3A_88 = arith.constant 0 : i32
    %dma_wait3A_89 = arith.constant 0 : i32
    %dma_wait3A_90 = tpu.memref_slice %arg3[%dma_wait3A_86, %dma_wait3A_87, %dma_wait3A_88, %dma_wait3A_89] : memref<32x2x40x128xi32, #tpu.memory_space<hbm>> -> memref<1x1x40x128xi32, #tpu.memory_space<hbm>>
    %dma_wait3A_91 = tpu.memref_squeeze %dma_wait3A_90 : memref<1x1x40x128xi32, #tpu.memory_space<hbm>> -> memref<40x128xi32, #tpu.memory_space<hbm>>
    %dma_wait3A_92 = arith.constant 0 : i32
    %dma_wait3A_93 = arith.constant 0 : i32
    %dma_wait3A_94 = tpu.memref_slice %arg3[%dma_wait3A_86, %dma_wait3A_87, %dma_wait3A_92, %dma_wait3A_93] : memref<32x2x40x128xi32, #tpu.memory_space<hbm>> -> memref<1x1x40x128xi32, #tpu.memory_space<hbm>>
    %dma_wait3A_95 = tpu.memref_squeeze %dma_wait3A_94 : memref<1x1x40x128xi32, #tpu.memory_space<hbm>> -> memref<40x128xi32, #tpu.memory_space<hbm>>
    tpu.wait_dma2 semaphore(%arg14 : memref<!tpu.dma_semaphore, #tpu.memory_space<semaphore_mem>>) src(%dma_wait3A_95 : memref<40x128xi32, #tpu.memory_space<hbm>>) dst(%arg8 : memref<40x128xi32, #tpu.memory_space<vmem>>)
    %dma_start3A_96 = arith.constant 0 : i32
    %dma_start3A_97 = arith.constant 0 : i32
    %dma_start3A_98 = tpu.memref_slice %arg7[%dma_start3A_96, %dma_start3A_97] : memref<40x128xi32, #tpu.memory_space<vmem>> -> memref<1x128xi32, #tpu.memory_space<vmem>>
    %dma_start3A_99 = tpu.memref_squeeze %dma_start3A_98 : memref<1x128xi32, #tpu.memory_space<vmem>> -> memref<128xi32, #tpu.memory_space<vmem>>
    %dma_start3A_100 = arith.constant 0 : i32
    %dma_start3A_101 = arith.constant 0 : i32
    %dma_start3A_102 = tpu.memref_slice %arg2[%dma_start3A_100, %dma_start3A_101] : memref<10240x128xf32, #tpu.memory_space<hbm>> -> memref<10240x128xf32, #tpu.memory_space<hbm>>
    tpu.enqueue_indirect_dma source(%dma_start3A_102 : memref<10240x128xf32, #tpu.memory_space<hbm>>) target(%arg9 : memref<128x128xf32, #tpu.memory_space<vmem>>) offsets(%dma_start3A_99 : memref<128xi32, #tpu.memory_space<vmem>>) semaphore(%arg12 : memref<!tpu.dma_semaphore, #tpu.memory_space<semaphore_mem>>)
    %scan3A_103 = arith.constant 0 : i32
    %scan3A_104 = arith.constant 0 : i32
    %scan3A_105 = arith.constant 20 : i32
    %scan3A_106 = arith.addi %scan3A_104, %scan3A_105 : i32
    %scan3A_107 = arith.constant 1 : i32
    scf.for %scan3A_120 = %scan3A_104 to %scan3A_106 step %scan3A_107  : i32 {
      %mul3A_121 = arith.constant 2 : i32
      %mul3A_122 = arith.muli %mul3A_121, %scan3A_120 : i32
      %mul3A_123 = arith.constant 2 : i32
      %mul3A_124 = arith.muli %mul3A_123, %scan3A_120 : i32
      %add3A_125 = arith.constant 1 : i32
      %add3A_126 = arith.addi %mul3A_124, %add3A_125 : i32
      %mul3A_127 = arith.constant 2 : i32
      %mul3A_128 = arith.muli %mul3A_127, %scan3A_120 : i32
      %add3A_129 = arith.constant 2 : i32
      %add3A_130 = arith.addi %mul3A_128, %add3A_129 : i32
      %min3A = arith.constant 39 : i32
      %min3A_131 = arith.minsi %add3A_130, %min3A : i32
      %dma_wait3A_132 = arith.constant 0 : i32
      %dma_wait3A_133 = arith.constant 0 : i32
      %dma_wait3A_134 = tpu.memref_slice %arg7[%dma_wait3A_132, %dma_wait3A_133] : memref<40x128xi32, #tpu.memory_space<vmem>> -> memref<1x128xi32, #tpu.memory_space<vmem>>
      %dma_wait3A_135 = tpu.memref_squeeze %dma_wait3A_134 : memref<1x128xi32, #tpu.memory_space<vmem>> -> memref<128xi32, #tpu.memory_space<vmem>>
      %dma_wait3A_136 = arith.constant 0 : i32
      %dma_wait3A_137 = arith.constant 0 : i32
      %dma_wait3A_138 = tpu.memref_slice %arg2[%dma_wait3A_136, %dma_wait3A_137] : memref<10240x128xf32, #tpu.memory_space<hbm>> -> memref<10240x128xf32, #tpu.memory_space<hbm>>
      tpu.wait_indirect_dma semaphore(%arg12 : memref<!tpu.dma_semaphore, #tpu.memory_space<semaphore_mem>>) src(%dma_wait3A_138 : memref<10240x128xf32, #tpu.memory_space<hbm>>) dst(%arg9 : memref<128x128xf32, #tpu.memory_space<vmem>>)
      %dma_start3A_139 = arith.constant 0 : i32
      %dma_start3A_140 = tpu.memref_slice %arg7[%add3A_126, %dma_start3A_139] : memref<40x128xi32, #tpu.memory_space<vmem>> -> memref<1x128xi32, #tpu.memory_space<vmem>>
      %dma_start3A_141 = tpu.memref_squeeze %dma_start3A_140 : memref<1x128xi32, #tpu.memory_space<vmem>> -> memref<128xi32, #tpu.memory_space<vmem>>
      %dma_start3A_142 = arith.constant 0 : i32
      %dma_start3A_143 = arith.constant 0 : i32
      %dma_start3A_144 = tpu.memref_slice %arg2[%dma_start3A_142, %dma_start3A_143] : memref<10240x128xf32, #tpu.memory_space<hbm>> -> memref<10240x128xf32, #tpu.memory_space<hbm>>
      tpu.enqueue_indirect_dma source(%dma_start3A_144 : memref<10240x128xf32, #tpu.memory_space<hbm>>) target(%arg10 : memref<128x128xf32, #tpu.memory_space<vmem>>) offsets(%dma_start3A_141 : memref<128xi32, #tpu.memory_space<vmem>>) semaphore(%arg13 : memref<!tpu.dma_semaphore, #tpu.memory_space<semaphore_mem>>)
      "tpu.region"() ({
        %run_scoped3A = tpu.sem_alloc : memref<!tpu.dma_semaphore, #tpu.memory_space<semaphore_mem>>
        %dma_start3A_158 = arith.constant 0 : i32
        %dma_start3A_159 = tpu.memref_slice %arg8[%mul3A_122, %dma_start3A_158] : memref<40x128xi32, #tpu.memory_space<vmem>> -> memref<1x128xi32, #tpu.memory_space<vmem>>
        %dma_start3A_160 = tpu.memref_squeeze %dma_start3A_159 : memref<1x128xi32, #tpu.memory_space<vmem>> -> memref<128xi32, #tpu.memory_space<vmem>>
        %dma_start3A_161 = arith.constant 0 : i32
        %dma_start3A_162 = arith.constant 0 : i32
        %dma_start3A_163 = tpu.memref_slice %arg11[%dma_start3A_161, %dma_start3A_162] : memref<10240x128xf32, #tpu.memory_space<vmem_shared>> -> memref<10240x128xf32, #tpu.memory_space<vmem_shared>>
        tpu.enqueue_indirect_dma source(%arg9 : memref<128x128xf32, #tpu.memory_space<vmem>>) target(%dma_start3A_163 : memref<10240x128xf32, #tpu.memory_space<vmem_shared>>) offsets(%dma_start3A_160 : memref<128xi32, #tpu.memory_space<vmem>>) semaphore(%run_scoped3A : memref<!tpu.dma_semaphore, #tpu.memory_space<semaphore_mem>>) {add = true}
        %dma_wait3A_164 = arith.constant 0 : i32
        %dma_wait3A_165 = tpu.memref_slice %arg8[%mul3A_122, %dma_wait3A_164] : memref<40x128xi32, #tpu.memory_space<vmem>> -> memref<1x128xi32, #tpu.memory_space<vmem>>
        %dma_wait3A_166 = tpu.memref_squeeze %dma_wait3A_165 : memref<1x128xi32, #tpu.memory_space<vmem>> -> memref<128xi32, #tpu.memory_space<vmem>>
        %dma_wait3A_167 = arith.constant 0 : i32
        %dma_wait3A_168 = arith.constant 0 : i32
        %dma_wait3A_169 = tpu.memref_slice %arg11[%dma_wait3A_167, %dma_wait3A_168] : memref<10240x128xf32, #tpu.memory_space<vmem_shared>> -> memref<10240x128xf32, #tpu.memory_space<vmem_shared>>
        tpu.wait_indirect_dma semaphore(%run_scoped3A : memref<!tpu.dma_semaphore, #tpu.memory_space<semaphore_mem>>) src(%arg9 : memref<128x128xf32, #tpu.memory_space<vmem>>) dst(%dma_wait3A_169 : memref<10240x128xf32, #tpu.memory_space<vmem_shared>>)
        tpu.yield
      }) : () -> ()
      %dma_start3A_145 = arith.constant 0 : i32
      %dma_start3A_146 = tpu.memref_slice %arg7[%min3A_131, %dma_start3A_145] : memref<40x128xi32, #tpu.memory_space<vmem>> -> memref<1x128xi32, #tpu.memory_space<vmem>>
      %dma_start3A_147 = tpu.memref_squeeze %dma_start3A_146 : memref<1x128xi32, #tpu.memory_space<vmem>> -> memref<128xi32, #tpu.memory_space<vmem>>
      %dma_start3A_148 = arith.constant 0 : i32
      %dma_start3A_149 = arith.constant 0 : i32
      %dma_start3A_150 = tpu.memref_slice %arg2[%dma_start3A_148, %dma_start3A_149] : memref<10240x128xf32, #tpu.memory_space<hbm>> -> memref<10240x128xf32, #tpu.memory_space<hbm>>
      tpu.enqueue_indirect_dma source(%dma_start3A_150 : memref<10240x128xf32, #tpu.memory_space<hbm>>) target(%arg9 : memref<128x128xf32, #tpu.memory_space<vmem>>) offsets(%dma_start3A_147 : memref<128xi32, #tpu.memory_space<vmem>>) semaphore(%arg12 : memref<!tpu.dma_semaphore, #tpu.memory_space<semaphore_mem>>)
      %dma_wait3A_151 = arith.constant 0 : i32
      %dma_wait3A_152 = arith.constant 0 : i32
      %dma_wait3A_153 = tpu.memref_slice %arg7[%dma_wait3A_151, %dma_wait3A_152] : memref<40x128xi32, #tpu.memory_space<vmem>> -> memref<1x128xi32, #tpu.memory_space<vmem>>
      %dma_wait3A_154 = tpu.memref_squeeze %dma_wait3A_153 : memref<1x128xi32, #tpu.memory_space<vmem>> -> memref<128xi32, #tpu.memory_space<vmem>>
      %dma_wait3A_155 = arith.constant 0 : i32
      %dma_wait3A_156 = arith.constant 0 : i32
      %dma_wait3A_157 = tpu.memref_slice %arg2[%dma_wait3A_155, %dma_wait3A_156] : memref<10240x128xf32, #tpu.memory_space<hbm>> -> memref<10240x128xf32, #tpu.memory_space<hbm>>
      tpu.wait_indirect_dma semaphore(%arg13 : memref<!tpu.dma_semaphore, #tpu.memory_space<semaphore_mem>>) src(%dma_wait3A_157 : memref<10240x128xf32, #tpu.memory_space<hbm>>) dst(%arg10 : memref<128x128xf32, #tpu.memory_space<vmem>>)
      "tpu.region"() ({
        %run_scoped3A = tpu.sem_alloc : memref<!tpu.dma_semaphore, #tpu.memory_space<semaphore_mem>>
        %dma_start3A_158 = arith.constant 0 : i32
        %dma_start3A_159 = tpu.memref_slice %arg8[%add3A_126, %dma_start3A_158] : memref<40x128xi32, #tpu.memory_space<vmem>> -> memref<1x128xi32, #tpu.memory_space<vmem>>
        %dma_start3A_160 = tpu.memref_squeeze %dma_start3A_159 : memref<1x128xi32, #tpu.memory_space<vmem>> -> memref<128xi32, #tpu.memory_space<vmem>>
        %dma_start3A_161 = arith.constant 0 : i32
        %dma_start3A_162 = arith.constant 0 : i32
        %dma_start3A_163 = tpu.memref_slice %arg11[%dma_start3A_161, %dma_start3A_162] : memref<10240x128xf32, #tpu.memory_space<vmem_shared>> -> memref<10240x128xf32, #tpu.memory_space<vmem_shared>>
        tpu.enqueue_indirect_dma source(%arg10 : memref<128x128xf32, #tpu.memory_space<vmem>>) target(%dma_start3A_163 : memref<10240x128xf32, #tpu.memory_space<vmem_shared>>) offsets(%dma_start3A_160 : memref<128xi32, #tpu.memory_space<vmem>>) semaphore(%run_scoped3A : memref<!tpu.dma_semaphore, #tpu.memory_space<semaphore_mem>>) {add = true}
        %dma_wait3A_164 = arith.constant 0 : i32
        %dma_wait3A_165 = tpu.memref_slice %arg8[%add3A_126, %dma_wait3A_164] : memref<40x128xi32, #tpu.memory_space<vmem>> -> memref<1x128xi32, #tpu.memory_space<vmem>>
        %dma_wait3A_166 = tpu.memref_squeeze %dma_wait3A_165 : memref<1x128xi32, #tpu.memory_space<vmem>> -> memref<128xi32, #tpu.memory_space<vmem>>
        %dma_wait3A_167 = arith.constant 0 : i32
        %dma_wait3A_168 = arith.constant 0 : i32
        %dma_wait3A_169 = tpu.memref_slice %arg11[%dma_wait3A_167, %dma_wait3A_168] : memref<10240x128xf32, #tpu.memory_space<vmem_shared>> -> memref<10240x128xf32, #tpu.memory_space<vmem_shared>>
        tpu.wait_indirect_dma semaphore(%run_scoped3A : memref<!tpu.dma_semaphore, #tpu.memory_space<semaphore_mem>>) src(%arg10 : memref<128x128xf32, #tpu.memory_space<vmem>>) dst(%dma_wait3A_169 : memref<10240x128xf32, #tpu.memory_space<vmem_shared>>)
        tpu.yield
      }) : () -> ()
    }
    %scan3A_108 = arith.constant 20 : i32
    %dma_wait3A_109 = arith.constant 0 : i32
    %dma_wait3A_110 = arith.constant 0 : i32
    %dma_wait3A_111 = tpu.memref_slice %arg7[%dma_wait3A_109, %dma_wait3A_110] : memref<40x128xi32, #tpu.memory_space<vmem>> -> memref<1x128xi32, #tpu.memory_space<vmem>>
    %dma_wait3A_112 = tpu.memref_squeeze %dma_wait3A_111 : memref<1x128xi32, #tpu.memory_space<vmem>> -> memref<128xi32, #tpu.memory_space<vmem>>
    %dma_wait3A_113 = arith.constant 0 : i32
    %dma_wait3A_114 = arith.constant 0 : i32
    %dma_wait3A_115 = tpu.memref_slice %arg2[%dma_wait3A_113, %dma_wait3A_114] : memref<10240x128xf32, #tpu.memory_space<hbm>> -> memref<10240x128xf32, #tpu.memory_space<hbm>>
    tpu.wait_indirect_dma semaphore(%arg12 : memref<!tpu.dma_semaphore, #tpu.memory_space<semaphore_mem>>) src(%dma_wait3A_115 : memref<10240x128xf32, #tpu.memory_space<hbm>>) dst(%arg9 : memref<128x128xf32, #tpu.memory_space<vmem>>)
    %barrier3A_116 = arith.constant 0 : index
    tpu.barrier barrier_id(%barrier3A_116)
    %mul3A_117 = arith.constant 10240 : i32
    %mul3A_118 = arith.muli %arg0, %mul3A_117 : i32
    %add3A_119 = arith.addi %mul3A_118, %mul3A_2 : i32
    "tpu.region"() ({
      %run_scoped3A = tpu.sem_alloc : memref<!tpu.dma_semaphore, #tpu.memory_space<semaphore_mem>>
      %dma_start3A_120 = arith.constant 0 : i32
      %dma_start3A_121 = tpu.memref_slice %arg6[%add3A_119, %dma_start3A_120] : memref<20480x128xf32, #tpu.memory_space<hbm>> -> memref<640x128xf32, #tpu.memory_space<hbm>>
      %dma_start3A_122 = arith.constant 0 : i32
      %dma_start3A_123 = tpu.memref_slice %arg11[%mul3A_2, %dma_start3A_122] : memref<10240x128xf32, #tpu.memory_space<vmem_shared>> -> memref<640x128xf32, #tpu.memory_space<vmem_shared>>
      tpu.enqueue_dma source(%dma_start3A_123 : memref<640x128xf32, #tpu.memory_space<vmem_shared>>) target(%dma_start3A_121 : memref<640x128xf32, #tpu.memory_space<hbm>>) target_semaphore(%run_scoped3A : memref<!tpu.dma_semaphore, #tpu.memory_space<semaphore_mem>>)
      %dma_wait3A_124 = arith.constant 0 : i32
      %dma_wait3A_125 = tpu.memref_slice %arg6[%add3A_119, %dma_wait3A_124] : memref<20480x128xf32, #tpu.memory_space<hbm>> -> memref<640x128xf32, #tpu.memory_space<hbm>>
      %dma_wait3A_126 = arith.constant 0 : i32
      %dma_wait3A_127 = tpu.memref_slice %arg11[%mul3A_2, %dma_wait3A_126] : memref<10240x128xf32, #tpu.memory_space<vmem_shared>> -> memref<640x128xf32, #tpu.memory_space<vmem_shared>>
      tpu.wait_dma2 semaphore(%run_scoped3A : memref<!tpu.dma_semaphore, #tpu.memory_space<semaphore_mem>>) src(%dma_wait3A_127 : memref<640x128xf32, #tpu.memory_space<vmem_shared>>) dst(%dma_wait3A_125 : memref<640x128xf32, #tpu.memory_space<hbm>>)
      tpu.yield
    }) : () -> ()
    return
  }
}

#map = affine_map<(d0, d1) -> (0, 0)>
#map1 = affine_map<(d0, d1) -> (0, 0, 0, 0)>
module attributes {stable_mosaic.version = 14 : i64} {
  func.func @_agg(%arg0: i32, %arg1: i32, %arg2: memref<10240x128xf32, #tpu.memory_space<hbm>>, %arg3: memref<32x2x40x128xi32, #tpu.memory_space<hbm>>, %arg4: memref<32x2x40x128xi32, #tpu.memory_space<hbm>>, %arg5: memref<10240x128xf32, #tpu.memory_space<hbm>>, %arg6: memref<20480x128xf32, #tpu.memory_space<hbm>>, %arg7: memref<40x128xi32, #tpu.memory_space<vmem>>, %arg8: memref<40x128xi32, #tpu.memory_space<vmem>>, %arg9: memref<128x128xf32, #tpu.memory_space<vmem>>, %arg10: memref<128x128xf32, #tpu.memory_space<vmem>>, %arg11: memref<10240x128xf32, #tpu.memory_space<vmem_shared>>, %arg12: memref<!tpu.dma_semaphore, #tpu.memory_space<semaphore_mem>>, %arg13: memref<!tpu.dma_semaphore, #tpu.memory_space<semaphore_mem>>, %arg14: memref<!tpu.dma_semaphore, #tpu.memory_space<semaphore_mem>>) attributes {dimension_semantics = [#tpu.dimension_semantics<core_parallel>, #tpu.dimension_semantics<subcore_parallel>], iteration_bounds = array<i64: 2, 16>, scalar_prefetch = 0 : i64, scratch_operands = 8 : i64, tpu.core_type = #tpu.core_type<sc_vector_subcore>, window_params = [{transform_indices = #map}, {transform_indices = #map1}, {transform_indices = #map1}, {transform_indices = #map}, {transform_indices = #map}]} {
    %mul3A = arith.constant 16 : i32
    %mul3A_0 = arith.muli %arg0, %mul3A : i32
    %add3A = arith.addi %mul3A_0, %arg1 : i32
    %mul3A_1 = arith.constant 640 : i32
    %mul3A_2 = arith.muli %arg1, %mul3A_1 : i32
    "tpu.region"() ({
      %run_scoped3A = tpu.sem_alloc : memref<!tpu.dma_semaphore, #tpu.memory_space<semaphore_mem>>
      %dma_start3A_120 = arith.constant 0 : i32
      %dma_start3A_121 = tpu.memref_slice %arg11[%mul3A_2, %dma_start3A_120] : memref<10240x128xf32, #tpu.memory_space<vmem_shared>> -> memref<640x128xf32, #tpu.memory_space<vmem_shared>>
      %dma_start3A_122 = arith.constant 0 : i32
      %dma_start3A_123 = tpu.memref_slice %arg5[%mul3A_2, %dma_start3A_122] : memref<10240x128xf32, #tpu.memory_space<hbm>> -> memref<640x128xf32, #tpu.memory_space<hbm>>
      tpu.enqueue_dma source(%dma_start3A_123 : memref<640x128xf32, #tpu.memory_space<hbm>>) target(%dma_start3A_121 : memref<640x128xf32, #tpu.memory_space<vmem_shared>>) target_semaphore(%run_scoped3A : memref<!tpu.dma_semaphore, #tpu.memory_space<semaphore_mem>>)
      %dma_wait3A_124 = arith.constant 0 : i32
      %dma_wait3A_125 = tpu.memref_slice %arg11[%mul3A_2, %dma_wait3A_124] : memref<10240x128xf32, #tpu.memory_space<vmem_shared>> -> memref<640x128xf32, #tpu.memory_space<vmem_shared>>
      %dma_wait3A_126 = arith.constant 0 : i32
      %dma_wait3A_127 = tpu.memref_slice %arg5[%mul3A_2, %dma_wait3A_126] : memref<10240x128xf32, #tpu.memory_space<hbm>> -> memref<640x128xf32, #tpu.memory_space<hbm>>
      tpu.wait_dma2 semaphore(%run_scoped3A : memref<!tpu.dma_semaphore, #tpu.memory_space<semaphore_mem>>) src(%dma_wait3A_127 : memref<640x128xf32, #tpu.memory_space<hbm>>) dst(%dma_wait3A_125 : memref<640x128xf32, #tpu.memory_space<vmem_shared>>)
      tpu.yield
    }) : () -> ()
    %barrier3A = arith.constant 0 : index
    tpu.barrier barrier_id(%barrier3A)
    %dma_start3A = arith.constant 0 : i32
    %dma_start3A_3 = arith.constant 0 : i32
    %dma_start3A_4 = arith.constant 0 : i32
    %dma_start3A_5 = tpu.memref_slice %arg3[%add3A, %dma_start3A, %dma_start3A_3, %dma_start3A_4] : memref<32x2x40x128xi32, #tpu.memory_space<hbm>> -> memref<1x1x40x128xi32, #tpu.memory_space<hbm>>
    %dma_start3A_6 = tpu.memref_squeeze %dma_start3A_5 : memref<1x1x40x128xi32, #tpu.memory_space<hbm>> -> memref<40x128xi32, #tpu.memory_space<hbm>>
    %dma_start3A_7 = arith.constant 0 : i32
    %dma_start3A_8 = arith.constant 0 : i32
    %dma_start3A_9 = tpu.memref_slice %arg3[%add3A, %dma_start3A, %dma_start3A_7, %dma_start3A_8] : memref<32x2x40x128xi32, #tpu.memory_space<hbm>> -> memref<1x1x40x128xi32, #tpu.memory_space<hbm>>
    %dma_start3A_10 = tpu.memref_squeeze %dma_start3A_9 : memref<1x1x40x128xi32, #tpu.memory_space<hbm>> -> memref<40x128xi32, #tpu.memory_space<hbm>>
    tpu.enqueue_dma source(%dma_start3A_10 : memref<40x128xi32, #tpu.memory_space<hbm>>) target(%arg7 : memref<40x128xi32, #tpu.memory_space<vmem>>) target_semaphore(%arg14 : memref<!tpu.dma_semaphore, #tpu.memory_space<semaphore_mem>>)
    %dma_start3A_11 = arith.constant 0 : i32
    %dma_start3A_12 = arith.constant 0 : i32
    %dma_start3A_13 = arith.constant 0 : i32
    %dma_start3A_14 = tpu.memref_slice %arg4[%add3A, %dma_start3A_11, %dma_start3A_12, %dma_start3A_13] : memref<32x2x40x128xi32, #tpu.memory_space<hbm>> -> memref<1x1x40x128xi32, #tpu.memory_space<hbm>>
    %dma_start3A_15 = tpu.memref_squeeze %dma_start3A_14 : memref<1x1x40x128xi32, #tpu.memory_space<hbm>> -> memref<40x128xi32, #tpu.memory_space<hbm>>
    %dma_start3A_16 = arith.constant 0 : i32
    %dma_start3A_17 = arith.constant 0 : i32
    %dma_start3A_18 = tpu.memref_slice %arg4[%add3A, %dma_start3A_11, %dma_start3A_16, %dma_start3A_17] : memref<32x2x40x128xi32, #tpu.memory_space<hbm>> -> memref<1x1x40x128xi32, #tpu.memory_space<hbm>>
    %dma_start3A_19 = tpu.memref_squeeze %dma_start3A_18 : memref<1x1x40x128xi32, #tpu.memory_space<hbm>> -> memref<40x128xi32, #tpu.memory_space<hbm>>
    tpu.enqueue_dma source(%dma_start3A_19 : memref<40x128xi32, #tpu.memory_space<hbm>>) target(%arg8 : memref<40x128xi32, #tpu.memory_space<vmem>>) target_semaphore(%arg14 : memref<!tpu.dma_semaphore, #tpu.memory_space<semaphore_mem>>)
    %dma_wait3A = arith.constant 0 : i32
    %dma_wait3A_20 = arith.constant 0 : i32
    %dma_wait3A_21 = arith.constant 0 : i32
    %dma_wait3A_22 = arith.constant 0 : i32
    %dma_wait3A_23 = tpu.memref_slice %arg3[%dma_wait3A, %dma_wait3A_20, %dma_wait3A_21, %dma_wait3A_22] : memref<32x2x40x128xi32, #tpu.memory_space<hbm>> -> memref<1x1x40x128xi32, #tpu.memory_space<hbm>>
    %dma_wait3A_24 = tpu.memref_squeeze %dma_wait3A_23 : memref<1x1x40x128xi32, #tpu.memory_space<hbm>> -> memref<40x128xi32, #tpu.memory_space<hbm>>
    %dma_wait3A_25 = arith.constant 0 : i32
    %dma_wait3A_26 = arith.constant 0 : i32
    %dma_wait3A_27 = tpu.memref_slice %arg3[%dma_wait3A, %dma_wait3A_20, %dma_wait3A_25, %dma_wait3A_26] : memref<32x2x40x128xi32, #tpu.memory_space<hbm>> -> memref<1x1x40x128xi32, #tpu.memory_space<hbm>>
    %dma_wait3A_28 = tpu.memref_squeeze %dma_wait3A_27 : memref<1x1x40x128xi32, #tpu.memory_space<hbm>> -> memref<40x128xi32, #tpu.memory_space<hbm>>
    tpu.wait_dma2 semaphore(%arg14 : memref<!tpu.dma_semaphore, #tpu.memory_space<semaphore_mem>>) src(%dma_wait3A_28 : memref<40x128xi32, #tpu.memory_space<hbm>>) dst(%arg7 : memref<40x128xi32, #tpu.memory_space<vmem>>)
    %dma_wait3A_29 = arith.constant 0 : i32
    %dma_wait3A_30 = arith.constant 0 : i32
    %dma_wait3A_31 = arith.constant 0 : i32
    %dma_wait3A_32 = arith.constant 0 : i32
    %dma_wait3A_33 = tpu.memref_slice %arg3[%dma_wait3A_29, %dma_wait3A_30, %dma_wait3A_31, %dma_wait3A_32] : memref<32x2x40x128xi32, #tpu.memory_space<hbm>> -> memref<1x1x40x128xi32, #tpu.memory_space<hbm>>
    %dma_wait3A_34 = tpu.memref_squeeze %dma_wait3A_33 : memref<1x1x40x128xi32, #tpu.memory_space<hbm>> -> memref<40x128xi32, #tpu.memory_space<hbm>>
    %dma_wait3A_35 = arith.constant 0 : i32
    %dma_wait3A_36 = arith.constant 0 : i32
    %dma_wait3A_37 = tpu.memref_slice %arg3[%dma_wait3A_29, %dma_wait3A_30, %dma_wait3A_35, %dma_wait3A_36] : memref<32x2x40x128xi32, #tpu.memory_space<hbm>> -> memref<1x1x40x128xi32, #tpu.memory_space<hbm>>
    %dma_wait3A_38 = tpu.memref_squeeze %dma_wait3A_37 : memref<1x1x40x128xi32, #tpu.memory_space<hbm>> -> memref<40x128xi32, #tpu.memory_space<hbm>>
    tpu.wait_dma2 semaphore(%arg14 : memref<!tpu.dma_semaphore, #tpu.memory_space<semaphore_mem>>) src(%dma_wait3A_38 : memref<40x128xi32, #tpu.memory_space<hbm>>) dst(%arg8 : memref<40x128xi32, #tpu.memory_space<vmem>>)
    %dma_start3A_39 = arith.constant 0 : i32
    %dma_start3A_40 = arith.constant 0 : i32
    %dma_start3A_41 = tpu.memref_slice %arg7[%dma_start3A_39, %dma_start3A_40] : memref<40x128xi32, #tpu.memory_space<vmem>> -> memref<1x128xi32, #tpu.memory_space<vmem>>
    %dma_start3A_42 = tpu.memref_squeeze %dma_start3A_41 : memref<1x128xi32, #tpu.memory_space<vmem>> -> memref<128xi32, #tpu.memory_space<vmem>>
    %dma_start3A_43 = arith.constant 0 : i32
    %dma_start3A_44 = arith.constant 0 : i32
    %dma_start3A_45 = tpu.memref_slice %arg2[%dma_start3A_43, %dma_start3A_44] : memref<10240x128xf32, #tpu.memory_space<hbm>> -> memref<10240x128xf32, #tpu.memory_space<hbm>>
    tpu.enqueue_indirect_dma source(%dma_start3A_45 : memref<10240x128xf32, #tpu.memory_space<hbm>>) target(%arg9 : memref<128x128xf32, #tpu.memory_space<vmem>>) offsets(%dma_start3A_42 : memref<128xi32, #tpu.memory_space<vmem>>) semaphore(%arg12 : memref<!tpu.dma_semaphore, #tpu.memory_space<semaphore_mem>>)
    %scan3A = arith.constant 0 : i32
    %scan3A_46 = arith.constant 0 : i32
    %scan3A_47 = arith.constant 20 : i32
    %scan3A_48 = arith.addi %scan3A_46, %scan3A_47 : i32
    %scan3A_49 = arith.constant 1 : i32
    scf.for %scan3A_120 = %scan3A_46 to %scan3A_48 step %scan3A_49  : i32 {
      %mul3A_121 = arith.constant 2 : i32
      %mul3A_122 = arith.muli %mul3A_121, %scan3A_120 : i32
      %mul3A_123 = arith.constant 2 : i32
      %mul3A_124 = arith.muli %mul3A_123, %scan3A_120 : i32
      %add3A_125 = arith.constant 1 : i32
      %add3A_126 = arith.addi %mul3A_124, %add3A_125 : i32
      %mul3A_127 = arith.constant 2 : i32
      %mul3A_128 = arith.muli %mul3A_127, %scan3A_120 : i32
      %add3A_129 = arith.constant 2 : i32
      %add3A_130 = arith.addi %mul3A_128, %add3A_129 : i32
      %min3A = arith.constant 39 : i32
      %min3A_131 = arith.minsi %add3A_130, %min3A : i32
      %dma_wait3A_132 = arith.constant 0 : i32
      %dma_wait3A_133 = arith.constant 0 : i32
      %dma_wait3A_134 = tpu.memref_slice %arg7[%dma_wait3A_132, %dma_wait3A_133] : memref<40x128xi32, #tpu.memory_space<vmem>> -> memref<1x128xi32, #tpu.memory_space<vmem>>
      %dma_wait3A_135 = tpu.memref_squeeze %dma_wait3A_134 : memref<1x128xi32, #tpu.memory_space<vmem>> -> memref<128xi32, #tpu.memory_space<vmem>>
      %dma_wait3A_136 = arith.constant 0 : i32
      %dma_wait3A_137 = arith.constant 0 : i32
      %dma_wait3A_138 = tpu.memref_slice %arg2[%dma_wait3A_136, %dma_wait3A_137] : memref<10240x128xf32, #tpu.memory_space<hbm>> -> memref<10240x128xf32, #tpu.memory_space<hbm>>
      tpu.wait_indirect_dma semaphore(%arg12 : memref<!tpu.dma_semaphore, #tpu.memory_space<semaphore_mem>>) src(%dma_wait3A_138 : memref<10240x128xf32, #tpu.memory_space<hbm>>) dst(%arg9 : memref<128x128xf32, #tpu.memory_space<vmem>>)
      %dma_start3A_139 = arith.constant 0 : i32
      %dma_start3A_140 = tpu.memref_slice %arg7[%add3A_126, %dma_start3A_139] : memref<40x128xi32, #tpu.memory_space<vmem>> -> memref<1x128xi32, #tpu.memory_space<vmem>>
      %dma_start3A_141 = tpu.memref_squeeze %dma_start3A_140 : memref<1x128xi32, #tpu.memory_space<vmem>> -> memref<128xi32, #tpu.memory_space<vmem>>
      %dma_start3A_142 = arith.constant 0 : i32
      %dma_start3A_143 = arith.constant 0 : i32
      %dma_start3A_144 = tpu.memref_slice %arg2[%dma_start3A_142, %dma_start3A_143] : memref<10240x128xf32, #tpu.memory_space<hbm>> -> memref<10240x128xf32, #tpu.memory_space<hbm>>
      tpu.enqueue_indirect_dma source(%dma_start3A_144 : memref<10240x128xf32, #tpu.memory_space<hbm>>) target(%arg10 : memref<128x128xf32, #tpu.memory_space<vmem>>) offsets(%dma_start3A_141 : memref<128xi32, #tpu.memory_space<vmem>>) semaphore(%arg13 : memref<!tpu.dma_semaphore, #tpu.memory_space<semaphore_mem>>)
      "tpu.region"() ({
        %run_scoped3A = tpu.sem_alloc : memref<!tpu.dma_semaphore, #tpu.memory_space<semaphore_mem>>
        %dma_start3A_158 = arith.constant 0 : i32
        %dma_start3A_159 = tpu.memref_slice %arg8[%mul3A_122, %dma_start3A_158] : memref<40x128xi32, #tpu.memory_space<vmem>> -> memref<1x128xi32, #tpu.memory_space<vmem>>
        %dma_start3A_160 = tpu.memref_squeeze %dma_start3A_159 : memref<1x128xi32, #tpu.memory_space<vmem>> -> memref<128xi32, #tpu.memory_space<vmem>>
        %dma_start3A_161 = arith.constant 0 : i32
        %dma_start3A_162 = arith.constant 0 : i32
        %dma_start3A_163 = tpu.memref_slice %arg11[%dma_start3A_161, %dma_start3A_162] : memref<10240x128xf32, #tpu.memory_space<vmem_shared>> -> memref<10240x128xf32, #tpu.memory_space<vmem_shared>>
        tpu.enqueue_indirect_dma source(%arg9 : memref<128x128xf32, #tpu.memory_space<vmem>>) target(%dma_start3A_163 : memref<10240x128xf32, #tpu.memory_space<vmem_shared>>) offsets(%dma_start3A_160 : memref<128xi32, #tpu.memory_space<vmem>>) semaphore(%run_scoped3A : memref<!tpu.dma_semaphore, #tpu.memory_space<semaphore_mem>>) {add = true}
        %dma_wait3A_164 = arith.constant 0 : i32
        %dma_wait3A_165 = tpu.memref_slice %arg8[%mul3A_122, %dma_wait3A_164] : memref<40x128xi32, #tpu.memory_space<vmem>> -> memref<1x128xi32, #tpu.memory_space<vmem>>
        %dma_wait3A_166 = tpu.memref_squeeze %dma_wait3A_165 : memref<1x128xi32, #tpu.memory_space<vmem>> -> memref<128xi32, #tpu.memory_space<vmem>>
        %dma_wait3A_167 = arith.constant 0 : i32
        %dma_wait3A_168 = arith.constant 0 : i32
        %dma_wait3A_169 = tpu.memref_slice %arg11[%dma_wait3A_167, %dma_wait3A_168] : memref<10240x128xf32, #tpu.memory_space<vmem_shared>> -> memref<10240x128xf32, #tpu.memory_space<vmem_shared>>
        tpu.wait_indirect_dma semaphore(%run_scoped3A : memref<!tpu.dma_semaphore, #tpu.memory_space<semaphore_mem>>) src(%arg9 : memref<128x128xf32, #tpu.memory_space<vmem>>) dst(%dma_wait3A_169 : memref<10240x128xf32, #tpu.memory_space<vmem_shared>>)
        tpu.yield
      }) : () -> ()
      %dma_start3A_145 = arith.constant 0 : i32
      %dma_start3A_146 = tpu.memref_slice %arg7[%min3A_131, %dma_start3A_145] : memref<40x128xi32, #tpu.memory_space<vmem>> -> memref<1x128xi32, #tpu.memory_space<vmem>>
      %dma_start3A_147 = tpu.memref_squeeze %dma_start3A_146 : memref<1x128xi32, #tpu.memory_space<vmem>> -> memref<128xi32, #tpu.memory_space<vmem>>
      %dma_start3A_148 = arith.constant 0 : i32
      %dma_start3A_149 = arith.constant 0 : i32
      %dma_start3A_150 = tpu.memref_slice %arg2[%dma_start3A_148, %dma_start3A_149] : memref<10240x128xf32, #tpu.memory_space<hbm>> -> memref<10240x128xf32, #tpu.memory_space<hbm>>
      tpu.enqueue_indirect_dma source(%dma_start3A_150 : memref<10240x128xf32, #tpu.memory_space<hbm>>) target(%arg9 : memref<128x128xf32, #tpu.memory_space<vmem>>) offsets(%dma_start3A_147 : memref<128xi32, #tpu.memory_space<vmem>>) semaphore(%arg12 : memref<!tpu.dma_semaphore, #tpu.memory_space<semaphore_mem>>)
      %dma_wait3A_151 = arith.constant 0 : i32
      %dma_wait3A_152 = arith.constant 0 : i32
      %dma_wait3A_153 = tpu.memref_slice %arg7[%dma_wait3A_151, %dma_wait3A_152] : memref<40x128xi32, #tpu.memory_space<vmem>> -> memref<1x128xi32, #tpu.memory_space<vmem>>
      %dma_wait3A_154 = tpu.memref_squeeze %dma_wait3A_153 : memref<1x128xi32, #tpu.memory_space<vmem>> -> memref<128xi32, #tpu.memory_space<vmem>>
      %dma_wait3A_155 = arith.constant 0 : i32
      %dma_wait3A_156 = arith.constant 0 : i32
      %dma_wait3A_157 = tpu.memref_slice %arg2[%dma_wait3A_155, %dma_wait3A_156] : memref<10240x128xf32, #tpu.memory_space<hbm>> -> memref<10240x128xf32, #tpu.memory_space<hbm>>
      tpu.wait_indirect_dma semaphore(%arg13 : memref<!tpu.dma_semaphore, #tpu.memory_space<semaphore_mem>>) src(%dma_wait3A_157 : memref<10240x128xf32, #tpu.memory_space<hbm>>) dst(%arg10 : memref<128x128xf32, #tpu.memory_space<vmem>>)
      "tpu.region"() ({
        %run_scoped3A = tpu.sem_alloc : memref<!tpu.dma_semaphore, #tpu.memory_space<semaphore_mem>>
        %dma_start3A_158 = arith.constant 0 : i32
        %dma_start3A_159 = tpu.memref_slice %arg8[%add3A_126, %dma_start3A_158] : memref<40x128xi32, #tpu.memory_space<vmem>> -> memref<1x128xi32, #tpu.memory_space<vmem>>
        %dma_start3A_160 = tpu.memref_squeeze %dma_start3A_159 : memref<1x128xi32, #tpu.memory_space<vmem>> -> memref<128xi32, #tpu.memory_space<vmem>>
        %dma_start3A_161 = arith.constant 0 : i32
        %dma_start3A_162 = arith.constant 0 : i32
        %dma_start3A_163 = tpu.memref_slice %arg11[%dma_start3A_161, %dma_start3A_162] : memref<10240x128xf32, #tpu.memory_space<vmem_shared>> -> memref<10240x128xf32, #tpu.memory_space<vmem_shared>>
        tpu.enqueue_indirect_dma source(%arg10 : memref<128x128xf32, #tpu.memory_space<vmem>>) target(%dma_start3A_163 : memref<10240x128xf32, #tpu.memory_space<vmem_shared>>) offsets(%dma_start3A_160 : memref<128xi32, #tpu.memory_space<vmem>>) semaphore(%run_scoped3A : memref<!tpu.dma_semaphore, #tpu.memory_space<semaphore_mem>>) {add = true}
        %dma_wait3A_164 = arith.constant 0 : i32
        %dma_wait3A_165 = tpu.memref_slice %arg8[%add3A_126, %dma_wait3A_164] : memref<40x128xi32, #tpu.memory_space<vmem>> -> memref<1x128xi32, #tpu.memory_space<vmem>>
        %dma_wait3A_166 = tpu.memref_squeeze %dma_wait3A_165 : memref<1x128xi32, #tpu.memory_space<vmem>> -> memref<128xi32, #tpu.memory_space<vmem>>
        %dma_wait3A_167 = arith.constant 0 : i32
        %dma_wait3A_168 = arith.constant 0 : i32
        %dma_wait3A_169 = tpu.memref_slice %arg11[%dma_wait3A_167, %dma_wait3A_168] : memref<10240x128xf32, #tpu.memory_space<vmem_shared>> -> memref<10240x128xf32, #tpu.memory_space<vmem_shared>>
        tpu.wait_indirect_dma semaphore(%run_scoped3A : memref<!tpu.dma_semaphore, #tpu.memory_space<semaphore_mem>>) src(%arg10 : memref<128x128xf32, #tpu.memory_space<vmem>>) dst(%dma_wait3A_169 : memref<10240x128xf32, #tpu.memory_space<vmem_shared>>)
        tpu.yield
      }) : () -> ()
    }
    %scan3A_50 = arith.constant 20 : i32
    %dma_wait3A_51 = arith.constant 0 : i32
    %dma_wait3A_52 = arith.constant 0 : i32
    %dma_wait3A_53 = tpu.memref_slice %arg7[%dma_wait3A_51, %dma_wait3A_52] : memref<40x128xi32, #tpu.memory_space<vmem>> -> memref<1x128xi32, #tpu.memory_space<vmem>>
    %dma_wait3A_54 = tpu.memref_squeeze %dma_wait3A_53 : memref<1x128xi32, #tpu.memory_space<vmem>> -> memref<128xi32, #tpu.memory_space<vmem>>
    %dma_wait3A_55 = arith.constant 0 : i32
    %dma_wait3A_56 = arith.constant 0 : i32
    %dma_wait3A_57 = tpu.memref_slice %arg2[%dma_wait3A_55, %dma_wait3A_56] : memref<10240x128xf32, #tpu.memory_space<hbm>> -> memref<10240x128xf32, #tpu.memory_space<hbm>>
    tpu.wait_indirect_dma semaphore(%arg12 : memref<!tpu.dma_semaphore, #tpu.memory_space<semaphore_mem>>) src(%dma_wait3A_57 : memref<10240x128xf32, #tpu.memory_space<hbm>>) dst(%arg9 : memref<128x128xf32, #tpu.memory_space<vmem>>)
    %dma_start3A_58 = arith.constant 1 : i32
    %dma_start3A_59 = arith.constant 0 : i32
    %dma_start3A_60 = arith.constant 0 : i32
    %dma_start3A_61 = tpu.memref_slice %arg3[%add3A, %dma_start3A_58, %dma_start3A_59, %dma_start3A_60] : memref<32x2x40x128xi32, #tpu.memory_space<hbm>> -> memref<1x1x40x128xi32, #tpu.memory_space<hbm>>
    %dma_start3A_62 = tpu.memref_squeeze %dma_start3A_61 : memref<1x1x40x128xi32, #tpu.memory_space<hbm>> -> memref<40x128xi32, #tpu.memory_space<hbm>>
    %dma_start3A_63 = arith.constant 0 : i32
    %dma_start3A_64 = arith.constant 0 : i32
    %dma_start3A_65 = tpu.memref_slice %arg3[%add3A, %dma_start3A_58, %dma_start3A_63, %dma_start3A_64] : memref<32x2x40x128xi32, #tpu.memory_space<hbm>> -> memref<1x1x40x128xi32, #tpu.memory_space<hbm>>
    %dma_start3A_66 = tpu.memref_squeeze %dma_start3A_65 : memref<1x1x40x128xi32, #tpu.memory_space<hbm>> -> memref<40x128xi32, #tpu.memory_space<hbm>>
    tpu.enqueue_dma source(%dma_start3A_66 : memref<40x128xi32, #tpu.memory_space<hbm>>) target(%arg7 : memref<40x128xi32, #tpu.memory_space<vmem>>) target_semaphore(%arg14 : memref<!tpu.dma_semaphore, #tpu.memory_space<semaphore_mem>>)
    %dma_start3A_67 = arith.constant 1 : i32
    %dma_start3A_68 = arith.constant 0 : i32
    %dma_start3A_69 = arith.constant 0 : i32
    %dma_start3A_70 = tpu.memref_slice %arg4[%add3A, %dma_start3A_67, %dma_start3A_68, %dma_start3A_69] : memref<32x2x40x128xi32, #tpu.memory_space<hbm>> -> memref<1x1x40x128xi32, #tpu.memory_space<hbm>>
    %dma_start3A_71 = tpu.memref_squeeze %dma_start3A_70 : memref<1x1x40x128xi32, #tpu.memory_space<hbm>> -> memref<40x128xi32, #tpu.memory_space<hbm>>
    %dma_start3A_72 = arith.constant 0 : i32
    %dma_start3A_73 = arith.constant 0 : i32
    %dma_start3A_74 = tpu.memref_slice %arg4[%add3A, %dma_start3A_67, %dma_start3A_72, %dma_start3A_73] : memref<32x2x40x128xi32, #tpu.memory_space<hbm>> -> memref<1x1x40x128xi32, #tpu.memory_space<hbm>>
    %dma_start3A_75 = tpu.memref_squeeze %dma_start3A_74 : memref<1x1x40x128xi32, #tpu.memory_space<hbm>> -> memref<40x128xi32, #tpu.memory_space<hbm>>
    tpu.enqueue_dma source(%dma_start3A_75 : memref<40x128xi32, #tpu.memory_space<hbm>>) target(%arg8 : memref<40x128xi32, #tpu.memory_space<vmem>>) target_semaphore(%arg14 : memref<!tpu.dma_semaphore, #tpu.memory_space<semaphore_mem>>)
    %dma_wait3A_76 = arith.constant 0 : i32
    %dma_wait3A_77 = arith.constant 0 : i32
    %dma_wait3A_78 = arith.constant 0 : i32
    %dma_wait3A_79 = arith.constant 0 : i32
    %dma_wait3A_80 = tpu.memref_slice %arg3[%dma_wait3A_76, %dma_wait3A_77, %dma_wait3A_78, %dma_wait3A_79] : memref<32x2x40x128xi32, #tpu.memory_space<hbm>> -> memref<1x1x40x128xi32, #tpu.memory_space<hbm>>
    %dma_wait3A_81 = tpu.memref_squeeze %dma_wait3A_80 : memref<1x1x40x128xi32, #tpu.memory_space<hbm>> -> memref<40x128xi32, #tpu.memory_space<hbm>>
    %dma_wait3A_82 = arith.constant 0 : i32
    %dma_wait3A_83 = arith.constant 0 : i32
    %dma_wait3A_84 = tpu.memref_slice %arg3[%dma_wait3A_76, %dma_wait3A_77, %dma_wait3A_82, %dma_wait3A_83] : memref<32x2x40x128xi32, #tpu.memory_space<hbm>> -> memref<1x1x40x128xi32, #tpu.memory_space<hbm>>
    %dma_wait3A_85 = tpu.memref_squeeze %dma_wait3A_84 : memref<1x1x40x128xi32, #tpu.memory_space<hbm>> -> memref<40x128xi32, #tpu.memory_space<hbm>>
    tpu.wait_dma2 semaphore(%arg14 : memref<!tpu.dma_semaphore, #tpu.memory_space<semaphore_mem>>) src(%dma_wait3A_85 : memref<40x128xi32, #tpu.memory_space<hbm>>) dst(%arg7 : memref<40x128xi32, #tpu.memory_space<vmem>>)
    %dma_wait3A_86 = arith.constant 0 : i32
    %dma_wait3A_87 = arith.constant 0 : i32
    %dma_wait3A_88 = arith.constant 0 : i32
    %dma_wait3A_89 = arith.constant 0 : i32
    %dma_wait3A_90 = tpu.memref_slice %arg3[%dma_wait3A_86, %dma_wait3A_87, %dma_wait3A_88, %dma_wait3A_89] : memref<32x2x40x128xi32, #tpu.memory_space<hbm>> -> memref<1x1x40x128xi32, #tpu.memory_space<hbm>>
    %dma_wait3A_91 = tpu.memref_squeeze %dma_wait3A_90 : memref<1x1x40x128xi32, #tpu.memory_space<hbm>> -> memref<40x128xi32, #tpu.memory_space<hbm>>
    %dma_wait3A_92 = arith.constant 0 : i32
    %dma_wait3A_93 = arith.constant 0 : i32
    %dma_wait3A_94 = tpu.memref_slice %arg3[%dma_wait3A_86, %dma_wait3A_87, %dma_wait3A_92, %dma_wait3A_93] : memref<32x2x40x128xi32, #tpu.memory_space<hbm>> -> memref<1x1x40x128xi32, #tpu.memory_space<hbm>>
    %dma_wait3A_95 = tpu.memref_squeeze %dma_wait3A_94 : memref<1x1x40x128xi32, #tpu.memory_space<hbm>> -> memref<40x128xi32, #tpu.memory_space<hbm>>
    tpu.wait_dma2 semaphore(%arg14 : memref<!tpu.dma_semaphore, #tpu.memory_space<semaphore_mem>>) src(%dma_wait3A_95 : memref<40x128xi32, #tpu.memory_space<hbm>>) dst(%arg8 : memref<40x128xi32, #tpu.memory_space<vmem>>)
    %dma_start3A_96 = arith.constant 0 : i32
    %dma_start3A_97 = arith.constant 0 : i32
    %dma_start3A_98 = tpu.memref_slice %arg7[%dma_start3A_96, %dma_start3A_97] : memref<40x128xi32, #tpu.memory_space<vmem>> -> memref<1x128xi32, #tpu.memory_space<vmem>>
    %dma_start3A_99 = tpu.memref_squeeze %dma_start3A_98 : memref<1x128xi32, #tpu.memory_space<vmem>> -> memref<128xi32, #tpu.memory_space<vmem>>
    %dma_start3A_100 = arith.constant 0 : i32
    %dma_start3A_101 = arith.constant 0 : i32
    %dma_start3A_102 = tpu.memref_slice %arg2[%dma_start3A_100, %dma_start3A_101] : memref<10240x128xf32, #tpu.memory_space<hbm>> -> memref<10240x128xf32, #tpu.memory_space<hbm>>
    tpu.enqueue_indirect_dma source(%dma_start3A_102 : memref<10240x128xf32, #tpu.memory_space<hbm>>) target(%arg9 : memref<128x128xf32, #tpu.memory_space<vmem>>) offsets(%dma_start3A_99 : memref<128xi32, #tpu.memory_space<vmem>>) semaphore(%arg12 : memref<!tpu.dma_semaphore, #tpu.memory_space<semaphore_mem>>)
    %scan3A_103 = arith.constant 0 : i32
    %scan3A_104 = arith.constant 0 : i32
    %scan3A_105 = arith.constant 20 : i32
    %scan3A_106 = arith.addi %scan3A_104, %scan3A_105 : i32
    %scan3A_107 = arith.constant 1 : i32
    scf.for %scan3A_120 = %scan3A_104 to %scan3A_106 step %scan3A_107  : i32 {
      %mul3A_121 = arith.constant 2 : i32
      %mul3A_122 = arith.muli %mul3A_121, %scan3A_120 : i32
      %mul3A_123 = arith.constant 2 : i32
      %mul3A_124 = arith.muli %mul3A_123, %scan3A_120 : i32
      %add3A_125 = arith.constant 1 : i32
      %add3A_126 = arith.addi %mul3A_124, %add3A_125 : i32
      %mul3A_127 = arith.constant 2 : i32
      %mul3A_128 = arith.muli %mul3A_127, %scan3A_120 : i32
      %add3A_129 = arith.constant 2 : i32
      %add3A_130 = arith.addi %mul3A_128, %add3A_129 : i32
      %min3A = arith.constant 39 : i32
      %min3A_131 = arith.minsi %add3A_130, %min3A : i32
      %dma_wait3A_132 = arith.constant 0 : i32
      %dma_wait3A_133 = arith.constant 0 : i32
      %dma_wait3A_134 = tpu.memref_slice %arg7[%dma_wait3A_132, %dma_wait3A_133] : memref<40x128xi32, #tpu.memory_space<vmem>> -> memref<1x128xi32, #tpu.memory_space<vmem>>
      %dma_wait3A_135 = tpu.memref_squeeze %dma_wait3A_134 : memref<1x128xi32, #tpu.memory_space<vmem>> -> memref<128xi32, #tpu.memory_space<vmem>>
      %dma_wait3A_136 = arith.constant 0 : i32
      %dma_wait3A_137 = arith.constant 0 : i32
      %dma_wait3A_138 = tpu.memref_slice %arg2[%dma_wait3A_136, %dma_wait3A_137] : memref<10240x128xf32, #tpu.memory_space<hbm>> -> memref<10240x128xf32, #tpu.memory_space<hbm>>
      tpu.wait_indirect_dma semaphore(%arg12 : memref<!tpu.dma_semaphore, #tpu.memory_space<semaphore_mem>>) src(%dma_wait3A_138 : memref<10240x128xf32, #tpu.memory_space<hbm>>) dst(%arg9 : memref<128x128xf32, #tpu.memory_space<vmem>>)
      %dma_start3A_139 = arith.constant 0 : i32
      %dma_start3A_140 = tpu.memref_slice %arg7[%add3A_126, %dma_start3A_139] : memref<40x128xi32, #tpu.memory_space<vmem>> -> memref<1x128xi32, #tpu.memory_space<vmem>>
      %dma_start3A_141 = tpu.memref_squeeze %dma_start3A_140 : memref<1x128xi32, #tpu.memory_space<vmem>> -> memref<128xi32, #tpu.memory_space<vmem>>
      %dma_start3A_142 = arith.constant 0 : i32
      %dma_start3A_143 = arith.constant 0 : i32
      %dma_start3A_144 = tpu.memref_slice %arg2[%dma_start3A_142, %dma_start3A_143] : memref<10240x128xf32, #tpu.memory_space<hbm>> -> memref<10240x128xf32, #tpu.memory_space<hbm>>
      tpu.enqueue_indirect_dma source(%dma_start3A_144 : memref<10240x128xf32, #tpu.memory_space<hbm>>) target(%arg10 : memref<128x128xf32, #tpu.memory_space<vmem>>) offsets(%dma_start3A_141 : memref<128xi32, #tpu.memory_space<vmem>>) semaphore(%arg13 : memref<!tpu.dma_semaphore, #tpu.memory_space<semaphore_mem>>)
      "tpu.region"() ({
        %run_scoped3A = tpu.sem_alloc : memref<!tpu.dma_semaphore, #tpu.memory_space<semaphore_mem>>
        %dma_start3A_158 = arith.constant 0 : i32
        %dma_start3A_159 = tpu.memref_slice %arg8[%mul3A_122, %dma_start3A_158] : memref<40x128xi32, #tpu.memory_space<vmem>> -> memref<1x128xi32, #tpu.memory_space<vmem>>
        %dma_start3A_160 = tpu.memref_squeeze %dma_start3A_159 : memref<1x128xi32, #tpu.memory_space<vmem>> -> memref<128xi32, #tpu.memory_space<vmem>>
        %dma_start3A_161 = arith.constant 0 : i32
        %dma_start3A_162 = arith.constant 0 : i32
        %dma_start3A_163 = tpu.memref_slice %arg11[%dma_start3A_161, %dma_start3A_162] : memref<10240x128xf32, #tpu.memory_space<vmem_shared>> -> memref<10240x128xf32, #tpu.memory_space<vmem_shared>>
        tpu.enqueue_indirect_dma source(%arg9 : memref<128x128xf32, #tpu.memory_space<vmem>>) target(%dma_start3A_163 : memref<10240x128xf32, #tpu.memory_space<vmem_shared>>) offsets(%dma_start3A_160 : memref<128xi32, #tpu.memory_space<vmem>>) semaphore(%run_scoped3A : memref<!tpu.dma_semaphore, #tpu.memory_space<semaphore_mem>>) {add = true}
        %dma_wait3A_164 = arith.constant 0 : i32
        %dma_wait3A_165 = tpu.memref_slice %arg8[%mul3A_122, %dma_wait3A_164] : memref<40x128xi32, #tpu.memory_space<vmem>> -> memref<1x128xi32, #tpu.memory_space<vmem>>
        %dma_wait3A_166 = tpu.memref_squeeze %dma_wait3A_165 : memref<1x128xi32, #tpu.memory_space<vmem>> -> memref<128xi32, #tpu.memory_space<vmem>>
        %dma_wait3A_167 = arith.constant 0 : i32
        %dma_wait3A_168 = arith.constant 0 : i32
        %dma_wait3A_169 = tpu.memref_slice %arg11[%dma_wait3A_167, %dma_wait3A_168] : memref<10240x128xf32, #tpu.memory_space<vmem_shared>> -> memref<10240x128xf32, #tpu.memory_space<vmem_shared>>
        tpu.wait_indirect_dma semaphore(%run_scoped3A : memref<!tpu.dma_semaphore, #tpu.memory_space<semaphore_mem>>) src(%arg9 : memref<128x128xf32, #tpu.memory_space<vmem>>) dst(%dma_wait3A_169 : memref<10240x128xf32, #tpu.memory_space<vmem_shared>>)
        tpu.yield
      }) : () -> ()
      %dma_start3A_145 = arith.constant 0 : i32
      %dma_start3A_146 = tpu.memref_slice %arg7[%min3A_131, %dma_start3A_145] : memref<40x128xi32, #tpu.memory_space<vmem>> -> memref<1x128xi32, #tpu.memory_space<vmem>>
      %dma_start3A_147 = tpu.memref_squeeze %dma_start3A_146 : memref<1x128xi32, #tpu.memory_space<vmem>> -> memref<128xi32, #tpu.memory_space<vmem>>
      %dma_start3A_148 = arith.constant 0 : i32
      %dma_start3A_149 = arith.constant 0 : i32
      %dma_start3A_150 = tpu.memref_slice %arg2[%dma_start3A_148, %dma_start3A_149] : memref<10240x128xf32, #tpu.memory_space<hbm>> -> memref<10240x128xf32, #tpu.memory_space<hbm>>
      tpu.enqueue_indirect_dma source(%dma_start3A_150 : memref<10240x128xf32, #tpu.memory_space<hbm>>) target(%arg9 : memref<128x128xf32, #tpu.memory_space<vmem>>) offsets(%dma_start3A_147 : memref<128xi32, #tpu.memory_space<vmem>>) semaphore(%arg12 : memref<!tpu.dma_semaphore, #tpu.memory_space<semaphore_mem>>)
      %dma_wait3A_151 = arith.constant 0 : i32
      %dma_wait3A_152 = arith.constant 0 : i32
      %dma_wait3A_153 = tpu.memref_slice %arg7[%dma_wait3A_151, %dma_wait3A_152] : memref<40x128xi32, #tpu.memory_space<vmem>> -> memref<1x128xi32, #tpu.memory_space<vmem>>
      %dma_wait3A_154 = tpu.memref_squeeze %dma_wait3A_153 : memref<1x128xi32, #tpu.memory_space<vmem>> -> memref<128xi32, #tpu.memory_space<vmem>>
      %dma_wait3A_155 = arith.constant 0 : i32
      %dma_wait3A_156 = arith.constant 0 : i32
      %dma_wait3A_157 = tpu.memref_slice %arg2[%dma_wait3A_155, %dma_wait3A_156] : memref<10240x128xf32, #tpu.memory_space<hbm>> -> memref<10240x128xf32, #tpu.memory_space<hbm>>
      tpu.wait_indirect_dma semaphore(%arg13 : memref<!tpu.dma_semaphore, #tpu.memory_space<semaphore_mem>>) src(%dma_wait3A_157 : memref<10240x128xf32, #tpu.memory_space<hbm>>) dst(%arg10 : memref<128x128xf32, #tpu.memory_space<vmem>>)
      "tpu.region"() ({
        %run_scoped3A = tpu.sem_alloc : memref<!tpu.dma_semaphore, #tpu.memory_space<semaphore_mem>>
        %dma_start3A_158 = arith.constant 0 : i32
        %dma_start3A_159 = tpu.memref_slice %arg8[%add3A_126, %dma_start3A_158] : memref<40x128xi32, #tpu.memory_space<vmem>> -> memref<1x128xi32, #tpu.memory_space<vmem>>
        %dma_start3A_160 = tpu.memref_squeeze %dma_start3A_159 : memref<1x128xi32, #tpu.memory_space<vmem>> -> memref<128xi32, #tpu.memory_space<vmem>>
        %dma_start3A_161 = arith.constant 0 : i32
        %dma_start3A_162 = arith.constant 0 : i32
        %dma_start3A_163 = tpu.memref_slice %arg11[%dma_start3A_161, %dma_start3A_162] : memref<10240x128xf32, #tpu.memory_space<vmem_shared>> -> memref<10240x128xf32, #tpu.memory_space<vmem_shared>>
        tpu.enqueue_indirect_dma source(%arg10 : memref<128x128xf32, #tpu.memory_space<vmem>>) target(%dma_start3A_163 : memref<10240x128xf32, #tpu.memory_space<vmem_shared>>) offsets(%dma_start3A_160 : memref<128xi32, #tpu.memory_space<vmem>>) semaphore(%run_scoped3A : memref<!tpu.dma_semaphore, #tpu.memory_space<semaphore_mem>>) {add = true}
        %dma_wait3A_164 = arith.constant 0 : i32
        %dma_wait3A_165 = tpu.memref_slice %arg8[%add3A_126, %dma_wait3A_164] : memref<40x128xi32, #tpu.memory_space<vmem>> -> memref<1x128xi32, #tpu.memory_space<vmem>>
        %dma_wait3A_166 = tpu.memref_squeeze %dma_wait3A_165 : memref<1x128xi32, #tpu.memory_space<vmem>> -> memref<128xi32, #tpu.memory_space<vmem>>
        %dma_wait3A_167 = arith.constant 0 : i32
        %dma_wait3A_168 = arith.constant 0 : i32
        %dma_wait3A_169 = tpu.memref_slice %arg11[%dma_wait3A_167, %dma_wait3A_168] : memref<10240x128xf32, #tpu.memory_space<vmem_shared>> -> memref<10240x128xf32, #tpu.memory_space<vmem_shared>>
        tpu.wait_indirect_dma semaphore(%run_scoped3A : memref<!tpu.dma_semaphore, #tpu.memory_space<semaphore_mem>>) src(%arg10 : memref<128x128xf32, #tpu.memory_space<vmem>>) dst(%dma_wait3A_169 : memref<10240x128xf32, #tpu.memory_space<vmem_shared>>)
        tpu.yield
      }) : () -> ()
    }
    %scan3A_108 = arith.constant 20 : i32
    %dma_wait3A_109 = arith.constant 0 : i32
    %dma_wait3A_110 = arith.constant 0 : i32
    %dma_wait3A_111 = tpu.memref_slice %arg7[%dma_wait3A_109, %dma_wait3A_110] : memref<40x128xi32, #tpu.memory_space<vmem>> -> memref<1x128xi32, #tpu.memory_space<vmem>>
    %dma_wait3A_112 = tpu.memref_squeeze %dma_wait3A_111 : memref<1x128xi32, #tpu.memory_space<vmem>> -> memref<128xi32, #tpu.memory_space<vmem>>
    %dma_wait3A_113 = arith.constant 0 : i32
    %dma_wait3A_114 = arith.constant 0 : i32
    %dma_wait3A_115 = tpu.memref_slice %arg2[%dma_wait3A_113, %dma_wait3A_114] : memref<10240x128xf32, #tpu.memory_space<hbm>> -> memref<10240x128xf32, #tpu.memory_space<hbm>>
    tpu.wait_indirect_dma semaphore(%arg12 : memref<!tpu.dma_semaphore, #tpu.memory_space<semaphore_mem>>) src(%dma_wait3A_115 : memref<10240x128xf32, #tpu.memory_space<hbm>>) dst(%arg9 : memref<128x128xf32, #tpu.memory_space<vmem>>)
    %barrier3A_116 = arith.constant 0 : index
    tpu.barrier barrier_id(%barrier3A_116)
    %mul3A_117 = arith.constant 10240 : i32
    %mul3A_118 = arith.muli %arg0, %mul3A_117 : i32
    %add3A_119 = arith.addi %mul3A_118, %mul3A_2 : i32
    "tpu.region"() ({
      %run_scoped3A = tpu.sem_alloc : memref<!tpu.dma_semaphore, #tpu.memory_space<semaphore_mem>>
      %dma_start3A_120 = arith.constant 0 : i32
      %dma_start3A_121 = tpu.memref_slice %arg6[%add3A_119, %dma_start3A_120] : memref<20480x128xf32, #tpu.memory_space<hbm>> -> memref<640x128xf32, #tpu.memory_space<hbm>>
      %dma_start3A_122 = arith.constant 0 : i32
      %dma_start3A_123 = tpu.memref_slice %arg11[%mul3A_2, %dma_start3A_122] : memref<10240x128xf32, #tpu.memory_space<vmem_shared>> -> memref<640x128xf32, #tpu.memory_space<vmem_shared>>
      tpu.enqueue_dma source(%dma_start3A_123 : memref<640x128xf32, #tpu.memory_space<vmem_shared>>) target(%dma_start3A_121 : memref<640x128xf32, #tpu.memory_space<hbm>>) target_semaphore(%run_scoped3A : memref<!tpu.dma_semaphore, #tpu.memory_space<semaphore_mem>>)
      %dma_wait3A_124 = arith.constant 0 : i32
      %dma_wait3A_125 = tpu.memref_slice %arg6[%add3A_119, %dma_wait3A_124] : memref<20480x128xf32, #tpu.memory_space<hbm>> -> memref<640x128xf32, #tpu.memory_space<hbm>>
      %dma_wait3A_126 = arith.constant 0 : i32
      %dma_wait3A_127 = tpu.memref_slice %arg11[%mul3A_2, %dma_wait3A_126] : memref<10240x128xf32, #tpu.memory_space<vmem_shared>> -> memref<640x128xf32, #tpu.memory_space<vmem_shared>>
      tpu.wait_dma2 semaphore(%run_scoped3A : memref<!tpu.dma_semaphore, #tpu.memory_space<semaphore_mem>>) src(%dma_wait3A_127 : memref<640x128xf32, #tpu.memory_space<vmem_shared>>) dst(%dma_wait3A_125 : memref<640x128xf32, #tpu.memory_space<hbm>>)
      tpu.yield
    }) : () -> ()
    return
  }
}

module attributes {stable_mosaic.version = 14 : i64} {
  func.func @body(%arg0: i32, %arg1: memref<512x128xf32, #tpu.memory_space<vmem>>, %arg2: memref<512x16xf32, #tpu.memory_space<vmem>>, %arg3: memref<1x128xf32, #tpu.memory_space<vmem>>, %arg4: memref<512x128xf32, #tpu.memory_space<vmem>>) attributes {dimension_semantics = [#tpu.dimension_semantics<arbitrary>], iteration_bounds = array<i64: 20>, scalar_prefetch = 0 : i64, scratch_operands = 0 : i64, tpu.core_type = #tpu.core_type<tc>, window_params = [{transform_indices = @transform_0, window_bounds = array<i64: 512, 128>}, {transform_indices = @transform_1, window_bounds = array<i64: 512, 16>}, {pipeline_mode = #tpu.pipeline_mode<synchronous>, transform_indices = @transform_2, window_bounds = array<i64: 1, 128>}, {transform_indices = @transform_3, window_bounds = array<i64: 512, 128>}]} {
    %get3A = arith.constant 0 : index
    %get3A_0 = arith.constant 0 : index
    %get3A_1 = vector.load %arg2[%get3A, %get3A_0] : memref<512x16xf32, #tpu.memory_space<vmem>>, vector<512x1xf32>
    %gt3A = arith.constant 5.000000e-01 : f32
    %gt3A_2 = vector.broadcast %gt3A : f32 to vector<512x1xf32>
    %gt3A_3 = arith.cmpf ogt, %get3A_1, %gt3A_2 : vector<512x1xf32>
    %get3A_4 = arith.constant 0 : index
    %get3A_5 = arith.constant 0 : index
    %get3A_6 = vector.load %arg3[%get3A_4, %get3A_5] : memref<1x128xf32, #tpu.memory_space<vmem>>, vector<1x128xf32>
    %get3A_7 = arith.constant 0 : index
    %get3A_8 = arith.constant 0 : index
    %get3A_9 = vector.load %arg1[%get3A_7, %get3A_8] : memref<512x128xf32, #tpu.memory_space<vmem>>, vector<512x128xf32>
    %broadcast_in_dim3A = vector.shape_cast %gt3A_3 : vector<512x1xi1> to vector<512x1xi1>
    %broadcast_in_dim3A_10 = vector.broadcast %broadcast_in_dim3A : vector<512x1xi1> to vector<512x128xi1>
    %broadcast_in_dim3A_11 = vector.shape_cast %get3A_6 : vector<1x128xf32> to vector<1x128xf32>
    %broadcast_in_dim3A_12 = vector.broadcast %broadcast_in_dim3A_11 : vector<1x128xf32> to vector<512x128xf32>
    %select_n3A = arith.select %broadcast_in_dim3A_10, %broadcast_in_dim3A_12, %get3A_9 : vector<512x128xi1>, vector<512x128xf32>
    %swap3A = arith.constant 0 : index
    %swap3A_13 = arith.constant 0 : index
    %swap3A_14 = vector.load %arg4[%swap3A, %swap3A_13] : memref<512x128xf32, #tpu.memory_space<vmem>>, vector<512x128xf32>
    tpu.vector_store %arg4[%swap3A, %swap3A_13], %select_n3A {strides = array<i32>} : memref<512x128xf32, #tpu.memory_space<vmem>>, vector<512x128xf32>,
    return
  }
  func.func @transform_0(%arg0: i32) -> (i32, i32) {
    %c0_i32 = arith.constant 0 : i32
    %c0_i32_0 = arith.constant 0 : i32
    return %arg0, %c0_i32 : i32, i32
  }
  func.func @transform_1(%arg0: i32) -> (i32, i32) {
    %c0_i32 = arith.constant 0 : i32
    %c0_i32_0 = arith.constant 0 : i32
    return %arg0, %c0_i32 : i32, i32
  }
  func.func @transform_2(%arg0: i32) -> (i32, i32) {
    %c0_i32 = arith.constant 0 : i32
    %c0_i32_0 = arith.constant 0 : i32
    %c0_i32_1 = arith.constant 0 : i32
    return %c0_i32, %c0_i32_0 : i32, i32
  }
  func.func @transform_3(%arg0: i32) -> (i32, i32) {
    %c0_i32 = arith.constant 0 : i32
    %c0_i32_0 = arith.constant 0 : i32
    return %arg0, %c0_i32 : i32, i32
  }
}

module attributes {stable_mosaic.version = 14 : i64} {
  func.func @body(%arg0: i32, %arg1: memref<512x128xf32, #tpu.memory_space<vmem>>, %arg2: memref<512x128xf32, #tpu.memory_space<vmem>>, %arg3: memref<512x16xf32, #tpu.memory_space<vmem>>, %arg4: memref<512x16xf32, #tpu.memory_space<vmem>>, %arg5: memref<512x128xf32, #tpu.memory_space<vmem>>, %arg6: memref<128x128xf32, #tpu.memory_space<vmem>>, %arg7: memref<128x128xf32, #tpu.memory_space<vmem>>, %arg8: memref<1x128xf32, #tpu.memory_space<vmem>>, %arg9: memref<512x128xf32, #tpu.memory_space<vmem>>) attributes {dimension_semantics = [#tpu.dimension_semantics<arbitrary>], iteration_bounds = array<i64: 20>, scalar_prefetch = 0 : i64, scratch_operands = 0 : i64, tpu.core_type = #tpu.core_type<tc>, window_params = [{transform_indices = @transform_0, window_bounds = array<i64: 512, 128>}, {transform_indices = @transform_1, window_bounds = array<i64: 512, 128>}, {transform_indices = @transform_2, window_bounds = array<i64: 512, 16>}, {transform_indices = @transform_3, window_bounds = array<i64: 512, 16>}, {transform_indices = @transform_4, window_bounds = array<i64: 512, 128>}, {pipeline_mode = #tpu.pipeline_mode<synchronous>, transform_indices = @transform_5, window_bounds = array<i64: 128, 128>}, {pipeline_mode = #tpu.pipeline_mode<synchronous>, transform_indices = @transform_6, window_bounds = array<i64: 128, 128>}, {pipeline_mode = #tpu.pipeline_mode<synchronous>, transform_indices = @transform_7, window_bounds = array<i64: 1, 128>}, {transform_indices = @transform_8, window_bounds = array<i64: 512, 128>}]} {
    %get3A = arith.constant 0 : index
    %get3A_0 = arith.constant 0 : index
    %get3A_1 = vector.load %arg3[%get3A, %get3A_0] : memref<512x16xf32, #tpu.memory_space<vmem>>, vector<512x1xf32>
    %get3A_2 = arith.constant 0 : index
    %get3A_3 = arith.constant 0 : index
    %get3A_4 = vector.load %arg4[%get3A_2, %get3A_3] : memref<512x16xf32, #tpu.memory_space<vmem>>, vector<512x1xf32>
    %add3A = arith.addf %get3A_1, %get3A_4 : vector<512x1xf32>
    %max3A = arith.constant 1.000000e+00 : f32
    %max3A_5 = vector.broadcast %max3A : f32 to vector<512x1xf32>
    %max3A_6 = arith.maximumf %add3A, %max3A_5 : vector<512x1xf32>
    %get3A_7 = arith.constant 0 : index
    %get3A_8 = arith.constant 0 : index
    %get3A_9 = vector.load %arg1[%get3A_7, %get3A_8] : memref<512x128xf32, #tpu.memory_space<vmem>>, vector<512x128xf32>
    %get3A_10 = arith.constant 0 : index
    %get3A_11 = arith.constant 0 : index
    %get3A_12 = vector.load %arg2[%get3A_10, %get3A_11] : memref<512x128xf32, #tpu.memory_space<vmem>>, vector<512x128xf32>
    %add3A_13 = arith.addf %get3A_9, %get3A_12 : vector<512x128xf32>
    %div3A = vector.broadcast %max3A_6 : vector<512x1xf32> to vector<512x128xf32>
    %div3A_14 = arith.divf %add3A_13, %div3A : vector<512x128xf32>
    %get3A_15 = arith.constant 0 : index
    %get3A_16 = arith.constant 0 : index
    %get3A_17 = vector.load %arg6[%get3A_15, %get3A_16] : memref<128x128xf32, #tpu.memory_space<vmem>>, vector<128x128xf32>
    %dot_general3A = arith.constant dense<0.000000e+00> : vector<512x128xf32>
    %dot_general3A_18 = tpu.matmul %div3A_14, %get3A_17, %dot_general3A {dimension_numbers = #tpu.dot_dimension_numbers<[1], [0], [0], [1], [0, 0, 1, 1], [], []>, transpose_lhs_hint = false} : vector<512x128xf32>, vector<128x128xf32>, vector<512x128xf32> -> vector<512x128xf32>
    %get3A_19 = arith.constant 0 : index
    %get3A_20 = arith.constant 0 : index
    %get3A_21 = vector.load %arg5[%get3A_19, %get3A_20] : memref<512x128xf32, #tpu.memory_space<vmem>>, vector<512x128xf32>
    %get3A_22 = arith.constant 0 : index
    %get3A_23 = arith.constant 0 : index
    %get3A_24 = vector.load %arg7[%get3A_22, %get3A_23] : memref<128x128xf32, #tpu.memory_space<vmem>>, vector<128x128xf32>
    %dot_general3A_25 = arith.constant dense<0.000000e+00> : vector<512x128xf32>
    %dot_general3A_26 = tpu.matmul %get3A_21, %get3A_24, %dot_general3A_25 {dimension_numbers = #tpu.dot_dimension_numbers<[1], [0], [0], [1], [0, 0, 1, 1], [], []>, transpose_lhs_hint = false} : vector<512x128xf32>, vector<128x128xf32>, vector<512x128xf32> -> vector<512x128xf32>
    %add3A_27 = arith.addf %dot_general3A_18, %dot_general3A_26 : vector<512x128xf32>
    %get3A_28 = arith.constant 0 : index
    %get3A_29 = arith.constant 0 : index
    %get3A_30 = vector.load %arg8[%get3A_28, %get3A_29] : memref<1x128xf32, #tpu.memory_space<vmem>>, vector<1x128xf32>
    %add3A_31 = vector.broadcast %get3A_30 : vector<1x128xf32> to vector<512x128xf32>
    %add3A_32 = arith.addf %add3A_27, %add3A_31 : vector<512x128xf32>
    %max3A_33 = arith.constant 0.000000e+00 : f32
    %max3A_34 = vector.broadcast %max3A_33 : f32 to vector<512x128xf32>
    %max3A_35 = arith.maximumf %add3A_32, %max3A_34 : vector<512x128xf32>
    %swap3A = arith.constant 0 : index
    %swap3A_36 = arith.constant 0 : index
    %swap3A_37 = vector.load %arg9[%swap3A, %swap3A_36] : memref<512x128xf32, #tpu.memory_space<vmem>>, vector<512x128xf32>
    tpu.vector_store %arg9[%swap3A, %swap3A_36], %max3A_35 {strides = array<i32>} : memref<512x128xf32, #tpu.memory_space<vmem>>, vector<512x128xf32>,
    return
  }
  func.func @transform_0(%arg0: i32) -> (i32, i32) {
    %c0_i32 = arith.constant 0 : i32
    %c0_i32_0 = arith.constant 0 : i32
    return %arg0, %c0_i32 : i32, i32
  }
  func.func @transform_1(%arg0: i32) -> (i32, i32) {
    %c0_i32 = arith.constant 0 : i32
    %c0_i32_0 = arith.constant 0 : i32
    return %arg0, %c0_i32 : i32, i32
  }
  func.func @transform_2(%arg0: i32) -> (i32, i32) {
    %c0_i32 = arith.constant 0 : i32
    %c0_i32_0 = arith.constant 0 : i32
    return %arg0, %c0_i32 : i32, i32
  }
  func.func @transform_3(%arg0: i32) -> (i32, i32) {
    %c0_i32 = arith.constant 0 : i32
    %c0_i32_0 = arith.constant 0 : i32
    return %arg0, %c0_i32 : i32, i32
  }
  func.func @transform_4(%arg0: i32) -> (i32, i32) {
    %c0_i32 = arith.constant 0 : i32
    %c0_i32_0 = arith.constant 0 : i32
    return %arg0, %c0_i32 : i32, i32
  }
  func.func @transform_5(%arg0: i32) -> (i32, i32) {
    %c0_i32 = arith.constant 0 : i32
    %c0_i32_0 = arith.constant 0 : i32
    %c0_i32_1 = arith.constant 0 : i32
    return %c0_i32, %c0_i32_0 : i32, i32
  }
  func.func @transform_6(%arg0: i32) -> (i32, i32) {
    %c0_i32 = arith.constant 0 : i32
    %c0_i32_0 = arith.constant 0 : i32
    %c0_i32_1 = arith.constant 0 : i32
    return %c0_i32, %c0_i32_0 : i32, i32
  }
  func.func @transform_7(%arg0: i32) -> (i32, i32) {
    %c0_i32 = arith.constant 0 : i32
    %c0_i32_0 = arith.constant 0 : i32
    %c0_i32_1 = arith.constant 0 : i32
    return %c0_i32, %c0_i32_0 : i32, i32
  }
  func.func @transform_8(%arg0: i32) -> (i32, i32) {
    %c0_i32 = arith.constant 0 : i32
    %c0_i32_0 = arith.constant 0 : i32
    return %arg0, %c0_i32 : i32, i32
  }
}

module attributes {stable_mosaic.version = 14 : i64} {
  func.func @body(%arg0: i32, %arg1: memref<512x128xf32, #tpu.memory_space<vmem>>, %arg2: memref<512x128xf32, #tpu.memory_space<vmem>>, %arg3: memref<512x16xf32, #tpu.memory_space<vmem>>, %arg4: memref<512x16xf32, #tpu.memory_space<vmem>>, %arg5: memref<512x128xf32, #tpu.memory_space<vmem>>, %arg6: memref<128x128xf32, #tpu.memory_space<vmem>>, %arg7: memref<128x128xf32, #tpu.memory_space<vmem>>, %arg8: memref<1x128xf32, #tpu.memory_space<vmem>>, %arg9: memref<512x128xf32, #tpu.memory_space<vmem>>) attributes {dimension_semantics = [#tpu.dimension_semantics<arbitrary>], iteration_bounds = array<i64: 20>, scalar_prefetch = 0 : i64, scratch_operands = 0 : i64, tpu.core_type = #tpu.core_type<tc>, window_params = [{transform_indices = @transform_0, window_bounds = array<i64: 512, 128>}, {transform_indices = @transform_1, window_bounds = array<i64: 512, 128>}, {transform_indices = @transform_2, window_bounds = array<i64: 512, 16>}, {transform_indices = @transform_3, window_bounds = array<i64: 512, 16>}, {transform_indices = @transform_4, window_bounds = array<i64: 512, 128>}, {pipeline_mode = #tpu.pipeline_mode<synchronous>, transform_indices = @transform_5, window_bounds = array<i64: 128, 128>}, {pipeline_mode = #tpu.pipeline_mode<synchronous>, transform_indices = @transform_6, window_bounds = array<i64: 128, 128>}, {pipeline_mode = #tpu.pipeline_mode<synchronous>, transform_indices = @transform_7, window_bounds = array<i64: 1, 128>}, {transform_indices = @transform_8, window_bounds = array<i64: 512, 128>}]} {
    %get3A = arith.constant 0 : index
    %get3A_0 = arith.constant 0 : index
    %get3A_1 = vector.load %arg3[%get3A, %get3A_0] : memref<512x16xf32, #tpu.memory_space<vmem>>, vector<512x1xf32>
    %get3A_2 = arith.constant 0 : index
    %get3A_3 = arith.constant 0 : index
    %get3A_4 = vector.load %arg4[%get3A_2, %get3A_3] : memref<512x16xf32, #tpu.memory_space<vmem>>, vector<512x1xf32>
    %add3A = arith.addf %get3A_1, %get3A_4 : vector<512x1xf32>
    %max3A = arith.constant 1.000000e+00 : f32
    %max3A_5 = vector.broadcast %max3A : f32 to vector<512x1xf32>
    %max3A_6 = arith.maximumf %add3A, %max3A_5 : vector<512x1xf32>
    %get3A_7 = arith.constant 0 : index
    %get3A_8 = arith.constant 0 : index
    %get3A_9 = vector.load %arg1[%get3A_7, %get3A_8] : memref<512x128xf32, #tpu.memory_space<vmem>>, vector<512x128xf32>
    %get3A_10 = arith.constant 0 : index
    %get3A_11 = arith.constant 0 : index
    %get3A_12 = vector.load %arg2[%get3A_10, %get3A_11] : memref<512x128xf32, #tpu.memory_space<vmem>>, vector<512x128xf32>
    %add3A_13 = arith.addf %get3A_9, %get3A_12 : vector<512x128xf32>
    %div3A = vector.broadcast %max3A_6 : vector<512x1xf32> to vector<512x128xf32>
    %div3A_14 = arith.divf %add3A_13, %div3A : vector<512x128xf32>
    %get3A_15 = arith.constant 0 : index
    %get3A_16 = arith.constant 0 : index
    %get3A_17 = vector.load %arg6[%get3A_15, %get3A_16] : memref<128x128xf32, #tpu.memory_space<vmem>>, vector<128x128xf32>
    %dot_general3A = arith.constant dense<0.000000e+00> : vector<512x128xf32>
    %dot_general3A_18 = tpu.matmul %div3A_14, %get3A_17, %dot_general3A {dimension_numbers = #tpu.dot_dimension_numbers<[1], [0], [0], [1], [0, 0, 1, 1], [], []>, transpose_lhs_hint = false} : vector<512x128xf32>, vector<128x128xf32>, vector<512x128xf32> -> vector<512x128xf32>
    %get3A_19 = arith.constant 0 : index
    %get3A_20 = arith.constant 0 : index
    %get3A_21 = vector.load %arg5[%get3A_19, %get3A_20] : memref<512x128xf32, #tpu.memory_space<vmem>>, vector<512x128xf32>
    %get3A_22 = arith.constant 0 : index
    %get3A_23 = arith.constant 0 : index
    %get3A_24 = vector.load %arg7[%get3A_22, %get3A_23] : memref<128x128xf32, #tpu.memory_space<vmem>>, vector<128x128xf32>
    %dot_general3A_25 = arith.constant dense<0.000000e+00> : vector<512x128xf32>
    %dot_general3A_26 = tpu.matmul %get3A_21, %get3A_24, %dot_general3A_25 {dimension_numbers = #tpu.dot_dimension_numbers<[1], [0], [0], [1], [0, 0, 1, 1], [], []>, transpose_lhs_hint = false} : vector<512x128xf32>, vector<128x128xf32>, vector<512x128xf32> -> vector<512x128xf32>
    %add3A_27 = arith.addf %dot_general3A_18, %dot_general3A_26 : vector<512x128xf32>
    %get3A_28 = arith.constant 0 : index
    %get3A_29 = arith.constant 0 : index
    %get3A_30 = vector.load %arg8[%get3A_28, %get3A_29] : memref<1x128xf32, #tpu.memory_space<vmem>>, vector<1x128xf32>
    %add3A_31 = vector.broadcast %get3A_30 : vector<1x128xf32> to vector<512x128xf32>
    %add3A_32 = arith.addf %add3A_27, %add3A_31 : vector<512x128xf32>
    %swap3A = arith.constant 0 : index
    %swap3A_33 = arith.constant 0 : index
    %swap3A_34 = vector.load %arg9[%swap3A, %swap3A_33] : memref<512x128xf32, #tpu.memory_space<vmem>>, vector<512x128xf32>
    tpu.vector_store %arg9[%swap3A, %swap3A_33], %add3A_32 {strides = array<i32>} : memref<512x128xf32, #tpu.memory_space<vmem>>, vector<512x128xf32>,
    return
  }
  func.func @transform_0(%arg0: i32) -> (i32, i32) {
    %c0_i32 = arith.constant 0 : i32
    %c0_i32_0 = arith.constant 0 : i32
    return %arg0, %c0_i32 : i32, i32
  }
  func.func @transform_1(%arg0: i32) -> (i32, i32) {
    %c0_i32 = arith.constant 0 : i32
    %c0_i32_0 = arith.constant 0 : i32
    return %arg0, %c0_i32 : i32, i32
  }
  func.func @transform_2(%arg0: i32) -> (i32, i32) {
    %c0_i32 = arith.constant 0 : i32
    %c0_i32_0 = arith.constant 0 : i32
    return %arg0, %c0_i32 : i32, i32
  }
  func.func @transform_3(%arg0: i32) -> (i32, i32) {
    %c0_i32 = arith.constant 0 : i32
    %c0_i32_0 = arith.constant 0 : i32
    return %arg0, %c0_i32 : i32, i32
  }
  func.func @transform_4(%arg0: i32) -> (i32, i32) {
    %c0_i32 = arith.constant 0 : i32
    %c0_i32_0 = arith.constant 0 : i32
    return %arg0, %c0_i32 : i32, i32
  }
  func.func @transform_5(%arg0: i32) -> (i32, i32) {
    %c0_i32 = arith.constant 0 : i32
    %c0_i32_0 = arith.constant 0 : i32
    %c0_i32_1 = arith.constant 0 : i32
    return %c0_i32, %c0_i32_0 : i32, i32
  }
  func.func @transform_6(%arg0: i32) -> (i32, i32) {
    %c0_i32 = arith.constant 0 : i32
    %c0_i32_0 = arith.constant 0 : i32
    %c0_i32_1 = arith.constant 0 : i32
    return %c0_i32, %c0_i32_0 : i32, i32
  }
  func.func @transform_7(%arg0: i32) -> (i32, i32) {
    %c0_i32 = arith.constant 0 : i32
    %c0_i32_0 = arith.constant 0 : i32
    %c0_i32_1 = arith.constant 0 : i32
    return %c0_i32, %c0_i32_0 : i32, i32
  }
  func.func @transform_8(%arg0: i32) -> (i32, i32) {
    %c0_i32 = arith.constant 0 : i32
    %c0_i32_0 = arith.constant 0 : i32
    return %arg0, %c0_i32 : i32, i32
  }
}

module attributes {stable_mosaic.version = 14 : i64} {
  func.func @body(%arg0: i32, %arg1: memref<512x128xf32, #tpu.memory_space<vmem>>, %arg2: memref<512x128xf32, #tpu.memory_space<vmem>>, %arg3: memref<512x16xf32, #tpu.memory_space<vmem>>, %arg4: memref<512x16xf32, #tpu.memory_space<vmem>>, %arg5: memref<128x128xf32, #tpu.memory_space<vmem>>, %arg6: memref<1x128xf32, #tpu.memory_space<vmem>>, %arg7: memref<1x1xf32, #tpu.memory_space<vmem>>, %arg8: memref<128x128xf32, #tpu.memory_space<vmem>>, %arg9: memref<1x128xf32, #tpu.memory_space<vmem>>, %arg10: memref<1x1xf32, #tpu.memory_space<vmem>>, %arg11: memref<1x1xf32, #tpu.memory_space<vmem>>) attributes {dimension_semantics = [#tpu.dimension_semantics<arbitrary>], iteration_bounds = array<i64: 20>, scalar_prefetch = 0 : i64, scratch_operands = 0 : i64, tpu.core_type = #tpu.core_type<tc>, window_params = [{transform_indices = @transform_0, window_bounds = array<i64: 512, 128>}, {transform_indices = @transform_1, window_bounds = array<i64: 512, 128>}, {transform_indices = @transform_2, window_bounds = array<i64: 512, 16>}, {transform_indices = @transform_3, window_bounds = array<i64: 512, 16>}, {pipeline_mode = #tpu.pipeline_mode<synchronous>, transform_indices = @transform_4, window_bounds = array<i64: 128, 128>}, {pipeline_mode = #tpu.pipeline_mode<synchronous>, transform_indices = @transform_5, window_bounds = array<i64: 1, 128>}, {pipeline_mode = #tpu.pipeline_mode<synchronous>, transform_indices = @transform_6, window_bounds = array<i64: 1, 1>}, {pipeline_mode = #tpu.pipeline_mode<synchronous>, transform_indices = @transform_7, window_bounds = array<i64: 128, 128>}, {pipeline_mode = #tpu.pipeline_mode<synchronous>, transform_indices = @transform_8, window_bounds = array<i64: 1, 128>}, {pipeline_mode = #tpu.pipeline_mode<synchronous>, transform_indices = @transform_9, window_bounds = array<i64: 1, 1>}, {pipeline_mode = #tpu.pipeline_mode<synchronous>, transform_indices = @transform_10, window_bounds = array<i64: 1, 1>}]} {
    %eq3A = arith.constant 0 : i32
    %eq3A_0 = arith.cmpi eq, %arg0, %eq3A : i32
    %convert_element_type3A = arith.extui %eq3A_0 : i1 to i32
    %cond3A = arith.constant 0 : i32
    %cond3A_1 = arith.cmpi ne, %convert_element_type3A, %cond3A : i32
    scf.if %cond3A_1 {
      %broadcast_in_dim3A_87 = arith.constant 0.000000e+00 : f32
      %broadcast_in_dim3A_88 = vector.broadcast %broadcast_in_dim3A_87 : f32 to vector<1x1xf32>
      %swap3A_89 = arith.constant 0 : index
      %swap3A_90 = arith.constant 0 : index
      %swap3A_91 = vector.load %arg10[%swap3A_89, %swap3A_90] : memref<1x1xf32, #tpu.memory_space<vmem>>, vector<1x1xf32>
      tpu.vector_store %arg10[%swap3A_89, %swap3A_90], %broadcast_in_dim3A_88 {strides = array<i32>} : memref<1x1xf32, #tpu.memory_space<vmem>>, vector<1x1xf32>,
      %broadcast_in_dim3A_92 = arith.constant 0.000000e+00 : f32
      %broadcast_in_dim3A_93 = vector.broadcast %broadcast_in_dim3A_92 : f32 to vector<1x1xf32>
      %swap3A_94 = arith.constant 0 : index
      %swap3A_95 = arith.constant 0 : index
      %swap3A_96 = vector.load %arg11[%swap3A_94, %swap3A_95] : memref<1x1xf32, #tpu.memory_space<vmem>>, vector<1x1xf32>
      tpu.vector_store %arg11[%swap3A_94, %swap3A_95], %broadcast_in_dim3A_93 {strides = array<i32>} : memref<1x1xf32, #tpu.memory_space<vmem>>, vector<1x1xf32>,
    } else {
    }
    %get3A = arith.constant 0 : index
    %get3A_2 = arith.constant 0 : index
    %get3A_3 = vector.load %arg1[%get3A, %get3A_2] : memref<512x128xf32, #tpu.memory_space<vmem>>, vector<512x128xf32>
    %get3A_4 = arith.constant 0 : index
    %get3A_5 = arith.constant 0 : index
    %get3A_6 = vector.load %arg5[%get3A_4, %get3A_5] : memref<128x128xf32, #tpu.memory_space<vmem>>, vector<128x128xf32>
    %dot_general3A = arith.constant dense<0.000000e+00> : vector<512x128xf32>
    %dot_general3A_7 = tpu.matmul %get3A_3, %get3A_6, %dot_general3A {dimension_numbers = #tpu.dot_dimension_numbers<[1], [0], [0], [1], [0, 0, 1, 1], [], []>, transpose_lhs_hint = false} : vector<512x128xf32>, vector<128x128xf32>, vector<512x128xf32> -> vector<512x128xf32>
    %get3A_8 = arith.constant 0 : index
    %get3A_9 = arith.constant 0 : index
    %get3A_10 = vector.load %arg6[%get3A_8, %get3A_9] : memref<1x128xf32, #tpu.memory_space<vmem>>, vector<1x128xf32>
    %add3A = vector.broadcast %get3A_10 : vector<1x128xf32> to vector<512x128xf32>
    %add3A_11 = arith.addf %dot_general3A_7, %add3A : vector<512x128xf32>
    %ge3A = arith.constant 0.000000e+00 : f32
    %ge3A_12 = vector.broadcast %ge3A : f32 to vector<512x128xf32>
    %ge3A_13 = arith.cmpf oge, %add3A_11, %ge3A_12 : vector<512x128xf32>
    %get3A_14 = arith.constant 0 : index
    %get3A_15 = arith.constant 0 : index
    %get3A_16 = vector.load %arg7[%get3A_14, %get3A_15] : memref<1x1xf32, #tpu.memory_space<vmem>>, vector<1x1xf32>
    %mul3A = vector.broadcast %get3A_16 : vector<1x1xf32> to vector<512x128xf32>
    %mul3A_17 = arith.mulf %mul3A, %add3A_11 : vector<512x128xf32>
    %select_n3A = arith.select %ge3A_13, %add3A_11, %mul3A_17 : vector<512x128xi1>, vector<512x128xf32>
    %get3A_18 = arith.constant 0 : index
    %get3A_19 = arith.constant 0 : index
    %get3A_20 = vector.load %arg8[%get3A_18, %get3A_19] : memref<128x128xf32, #tpu.memory_space<vmem>>, vector<128x128xf32>
    %dot_general3A_21 = arith.constant dense<0.000000e+00> : vector<512x128xf32>
    %dot_general3A_22 = tpu.matmul %select_n3A, %get3A_20, %dot_general3A_21 {dimension_numbers = #tpu.dot_dimension_numbers<[1], [0], [0], [1], [0, 0, 1, 1], [], []>, transpose_lhs_hint = false} : vector<512x128xf32>, vector<128x128xf32>, vector<512x128xf32> -> vector<512x128xf32>
    %get3A_23 = arith.constant 0 : index
    %get3A_24 = arith.constant 0 : index
    %get3A_25 = vector.load %arg9[%get3A_23, %get3A_24] : memref<1x128xf32, #tpu.memory_space<vmem>>, vector<1x128xf32>
    %add3A_26 = vector.broadcast %get3A_25 : vector<1x128xf32> to vector<512x128xf32>
    %add3A_27 = arith.addf %dot_general3A_22, %add3A_26 : vector<512x128xf32>
    %get3A_28 = arith.constant 0 : index
    %get3A_29 = arith.constant 0 : index
    %get3A_30 = vector.load %arg2[%get3A_28, %get3A_29] : memref<512x128xf32, #tpu.memory_space<vmem>>, vector<512x128xf32>
    %mul3A_31 = arith.mulf %add3A_27, %get3A_30 : vector<512x128xf32>
    %reduce_sum3A = arith.constant dense<0.000000e+00> : vector<512xf32>
    %reduce_sum3A_32 = vector.multi_reduction <add>, %mul3A_31, %reduce_sum3A [1] : vector<512x128xf32> to vector<512xf32>
    %broadcast_in_dim3A = vector.shape_cast %reduce_sum3A_32 : vector<512xf32> to vector<512x1xf32>
    %mul3A_33 = arith.mulf %add3A_27, %add3A_27 : vector<512x128xf32>
    %reduce_sum3A_34 = arith.constant dense<0.000000e+00> : vector<512xf32>
    %reduce_sum3A_35 = vector.multi_reduction <add>, %mul3A_33, %reduce_sum3A_34 [1] : vector<512x128xf32> to vector<512xf32>
    %broadcast_in_dim3A_36 = vector.shape_cast %reduce_sum3A_35 : vector<512xf32> to vector<512x1xf32>
    %sqrt3A = math.sqrt %broadcast_in_dim3A_36 : vector<512x1xf32>
    %max3A = arith.constant 9.99999993E-9 : f32
    %max3A_37 = vector.broadcast %max3A : f32 to vector<512x1xf32>
    %max3A_38 = arith.maximumf %sqrt3A, %max3A_37 : vector<512x1xf32>
    %mul3A_39 = arith.mulf %get3A_30, %get3A_30 : vector<512x128xf32>
    %reduce_sum3A_40 = arith.constant dense<0.000000e+00> : vector<512xf32>
    %reduce_sum3A_41 = vector.multi_reduction <add>, %mul3A_39, %reduce_sum3A_40 [1] : vector<512x128xf32> to vector<512xf32>
    %broadcast_in_dim3A_42 = vector.shape_cast %reduce_sum3A_41 : vector<512xf32> to vector<512x1xf32>
    %sqrt3A_43 = math.sqrt %broadcast_in_dim3A_42 : vector<512x1xf32>
    %max3A_44 = arith.constant 9.99999993E-9 : f32
    %max3A_45 = vector.broadcast %max3A_44 : f32 to vector<512x1xf32>
    %max3A_46 = arith.maximumf %sqrt3A_43, %max3A_45 : vector<512x1xf32>
    %mul3A_47 = arith.mulf %max3A_38, %max3A_46 : vector<512x1xf32>
    %div3A = arith.divf %broadcast_in_dim3A, %mul3A_47 : vector<512x1xf32>
    %get3A_48 = arith.constant 0 : index
    %get3A_49 = arith.constant 0 : index
    %get3A_50 = vector.load %arg3[%get3A_48, %get3A_49] : memref<512x16xf32, #tpu.memory_space<vmem>>, vector<512x1xf32>
    %get3A_51 = arith.constant 0 : index
    %get3A_52 = arith.constant 0 : index
    %get3A_53 = vector.load %arg4[%get3A_51, %get3A_52] : memref<512x16xf32, #tpu.memory_space<vmem>>, vector<512x1xf32>
    %eq3A_54 = arith.constant 0.000000e+00 : f32
    %eq3A_55 = vector.broadcast %eq3A_54 : f32 to vector<512x1xf32>
    %eq3A_56 = arith.cmpf oeq, %get3A_53, %eq3A_55 : vector<512x1xf32>
    %convert_element_type3A_57 = arith.extui %eq3A_56 : vector<512x1xi1> to vector<512x1xi32>
    %convert_element_type3A_58 = arith.sitofp %convert_element_type3A_57 : vector<512x1xi32> to vector<512x1xf32>
    %mul3A_59 = arith.mulf %get3A_50, %convert_element_type3A_58 : vector<512x1xf32>
    %get3A_60 = arith.constant 0 : index
    %get3A_61 = arith.constant 0 : index
    %get3A_62 = vector.load %arg10[%get3A_60, %get3A_61] : memref<1x1xf32, #tpu.memory_space<vmem>>, vector<1x1xf32>
    %sub3A = arith.constant 1.000000e+00 : f32
    %sub3A_63 = vector.broadcast %sub3A : f32 to vector<512x1xf32>
    %sub3A_64 = arith.subf %sub3A_63, %div3A : vector<512x1xf32>
    %mul3A_65 = arith.mulf %sub3A_64, %mul3A_59 : vector<512x1xf32>
    %reduce_sum3A_66 = vector.shape_cast %mul3A_65 : vector<512x1xf32> to vector<1x512x1xf32>
    %reduce_sum3A_67 = arith.constant dense<0.000000e+00> : vector<1xf32>
    %reduce_sum3A_68 = vector.multi_reduction <add>, %reduce_sum3A_66, %reduce_sum3A_67 [1, 2] : vector<1x512x1xf32> to vector<1xf32>
    %reduce_sum3A_69 = vector.shape_cast %reduce_sum3A_68 : vector<1xf32> to vector<1x1x1xf32>
    %reduce_sum3A_70 = vector.extract %reduce_sum3A_69[0, 0, 0] : f32 from vector<1x1x1xf32>
    %reshape3A = vector.broadcast %reduce_sum3A_70 : f32 to vector<1x1xf32>
    %add3A_71 = arith.addf %get3A_62, %reshape3A : vector<1x1xf32>
    %swap3A = arith.constant 0 : index
    %swap3A_72 = arith.constant 0 : index
    %swap3A_73 = vector.load %arg10[%swap3A, %swap3A_72] : memref<1x1xf32, #tpu.memory_space<vmem>>, vector<1x1xf32>
    tpu.vector_store %arg10[%swap3A, %swap3A_72], %add3A_71 {strides = array<i32>} : memref<1x1xf32, #tpu.memory_space<vmem>>, vector<1x1xf32>,
    %get3A_74 = arith.constant 0 : index
    %get3A_75 = arith.constant 0 : index
    %get3A_76 = vector.load %arg11[%get3A_74, %get3A_75] : memref<1x1xf32, #tpu.memory_space<vmem>>, vector<1x1xf32>
    %reduce_sum3A_77 = vector.shape_cast %mul3A_59 : vector<512x1xf32> to vector<1x512x1xf32>
    %reduce_sum3A_78 = arith.constant dense<0.000000e+00> : vector<1xf32>
    %reduce_sum3A_79 = vector.multi_reduction <add>, %reduce_sum3A_77, %reduce_sum3A_78 [1, 2] : vector<1x512x1xf32> to vector<1xf32>
    %reduce_sum3A_80 = vector.shape_cast %reduce_sum3A_79 : vector<1xf32> to vector<1x1x1xf32>
    %reduce_sum3A_81 = vector.extract %reduce_sum3A_80[0, 0, 0] : f32 from vector<1x1x1xf32>
    %reshape3A_82 = vector.broadcast %reduce_sum3A_81 : f32 to vector<1x1xf32>
    %add3A_83 = arith.addf %get3A_76, %reshape3A_82 : vector<1x1xf32>
    %swap3A_84 = arith.constant 0 : index
    %swap3A_85 = arith.constant 0 : index
    %swap3A_86 = vector.load %arg11[%swap3A_84, %swap3A_85] : memref<1x1xf32, #tpu.memory_space<vmem>>, vector<1x1xf32>
    tpu.vector_store %arg11[%swap3A_84, %swap3A_85], %add3A_83 {strides = array<i32>} : memref<1x1xf32, #tpu.memory_space<vmem>>, vector<1x1xf32>,
    return
  }
  func.func @transform_0(%arg0: i32) -> (i32, i32) {
    %c0_i32 = arith.constant 0 : i32
    %c0_i32_0 = arith.constant 0 : i32
    return %arg0, %c0_i32 : i32, i32
  }
  func.func @transform_1(%arg0: i32) -> (i32, i32) {
    %c0_i32 = arith.constant 0 : i32
    %c0_i32_0 = arith.constant 0 : i32
    return %arg0, %c0_i32 : i32, i32
  }
  func.func @transform_2(%arg0: i32) -> (i32, i32) {
    %c0_i32 = arith.constant 0 : i32
    %c0_i32_0 = arith.constant 0 : i32
    return %arg0, %c0_i32 : i32, i32
  }
  func.func @transform_3(%arg0: i32) -> (i32, i32) {
    %c0_i32 = arith.constant 0 : i32
    %c0_i32_0 = arith.constant 0 : i32
    return %arg0, %c0_i32 : i32, i32
  }
  func.func @transform_4(%arg0: i32) -> (i32, i32) {
    %c0_i32 = arith.constant 0 : i32
    %c0_i32_0 = arith.constant 0 : i32
    %c0_i32_1 = arith.constant 0 : i32
    return %c0_i32, %c0_i32_0 : i32, i32
  }
  func.func @transform_5(%arg0: i32) -> (i32, i32) {
    %c0_i32 = arith.constant 0 : i32
    %c0_i32_0 = arith.constant 0 : i32
    %c0_i32_1 = arith.constant 0 : i32
    return %c0_i32, %c0_i32_0 : i32, i32
  }
  func.func @transform_6(%arg0: i32) -> (i32, i32) {
    %c0_i32 = arith.constant 0 : i32
    %c0_i32_0 = arith.constant 0 : i32
    %c0_i32_1 = arith.constant 0 : i32
    return %c0_i32, %c0_i32_0 : i32, i32
  }
  func.func @transform_7(%arg0: i32) -> (i32, i32) {
    %c0_i32 = arith.constant 0 : i32
    %c0_i32_0 = arith.constant 0 : i32
    %c0_i32_1 = arith.constant 0 : i32
    return %c0_i32, %c0_i32_0 : i32, i32
  }
  func.func @transform_8(%arg0: i32) -> (i32, i32) {
    %c0_i32 = arith.constant 0 : i32
    %c0_i32_0 = arith.constant 0 : i32
    %c0_i32_1 = arith.constant 0 : i32
    return %c0_i32, %c0_i32_0 : i32, i32
  }
  func.func @transform_9(%arg0: i32) -> (i32, i32) {
    %c0_i32 = arith.constant 0 : i32
    %c0_i32_0 = arith.constant 0 : i32
    %c0_i32_1 = arith.constant 0 : i32
    return %c0_i32, %c0_i32_0 : i32, i32
  }
  func.func @transform_10(%arg0: i32) -> (i32, i32) {
    %c0_i32 = arith.constant 0 : i32
    %c0_i32_0 = arith.constant 0 : i32
    %c0_i32_1 = arith.constant 0 : i32
    return %c0_i32, %c0_i32_0 : i32, i32
  }
}

</mosaic_0001>

<sc_bundles>
// kernel: kernel.13.cloned.1.call-start
scs
__scs_entry_jumppad:
0x0: {  	(pc) =	sbr.rel $0x88, $3  }
0x1: {  	(tag) =	ssettag $0x0;
	lr =	simm.s32 $0x1  }
0x2: {  	[smem:$0x3F8C] =	sst lr;
	_ =	strace $0xD0000000  }
0x3: {  	_ = 	snop  }
0x4: {  	_ = 	snop  }
0x5: {  	_ = 	snop  }
0x6: {  	_ = 	snop  }
0x7: {  	_ = 	snop  }
__scs_overlays_trampoline_lowered:
0x8: {  	[smem:$0x3F9B] =	sst s0  }
0x9: {  	[smem:$0x3F9C] =	sst s1  }
0xa: {  	[smem:$0x3F9D] =	sst s2  }
0xb: {  	[smem:$0x3F9E] =	sst s3  }
0xc: {  	[smem:$0x3F9F] =	sst s4  }
0xd: {  	[smem:$0x3FA0] =	sst s5  }
0xe: {  	[smem:$0x3FA1] =	sst s6  }
0xf: {  	[smem:$0x3FA2] =	sst s7  }
0x10: {  	[smem:$0x3FA3] =	sst s8  }
0x11: {  	[smem:$0x3FA4] =	sst s9;
	s0 =	simm.s32 @!p0 $0x0  }
0x12: {  	s1 =	sld [smem:$0x3F8A];
	s0 =	simm.s32 @p0 $0x1  }
0x13: {  	[smem:$0x3FA5] =	sst s0;
	s0 =	simm.s32 @!p1 $0x0  }
0x14: {  	s2 =	sld [smem:$0x3F89];
	s0 =	simm.s32 @p1 $0x1  }
0x15: {  	[smem:$0x3FA6] =	sst s0;
	s0 =	simm.s32 @!p2 $0x0  }
0x16: {  	s3 =	sld [smem:$0x3FDB];
	s0 =	simm.s32 @p2 $0x1  }
0x17: {  	s4 =	simm.s32 $0x1BF5;
	[smem:$0x3FA8] =	sst s0  }
0x18: {  	s0 =	sld [smem:$0x3F8B];
	_ =	swait.ge [sflag:s4], $0x0  }
0x19: {  	s7 =	sld [smem:$0x3F8C]  }
0x1a: {  	s8 =	sadd.s32 $0xFFFFE003, lr  }
0x1b: {  	s9 =	sadd.s32 $0xFFFFFEF7, lr;
	s5 =	simm.s32 $0xFFFFFFFF;
	p2 =	slt.u32 s8, $0xFFFFF086  }
0x1c: {  	p1 =	slt.u32 s9, $0xF7A;
	s5 =	simm.s32 @!p2 $0x0  }
0x1d: {  	s5 =	simm.s32 @p1 $0x1;
	p0 =	seq.s32 s7, s2  }
0x1e: {  	s7 =	smul.u32 @!p0 $0xF7A, s2;
	p2 =	seq.s32 @!p0 s5, $0x0  }
0x1f: {  	s9 =	smul.u32 $0xF7A, s1;
	s8 =	simm.s32 @!p0 $0x1BF5;
	p2 =	por !p2, p0  }
0x20: {  	[sflag:s8] =	ssyncset.s32 @!p0 $0xFFFFF086;
	s6 =	sadd.s32 @!p0 s3, s7;
	s7 =	simm.s32 @!p0 $0x108  }
0x21: {  	s3 =	sadd.s32 s3, s9;
	s6 =	sadd.s32 @!p0 $0x88, s6;
	s7 =	simm.s32 @p2 $0x1082  }
0x22: {  	[simem:s7], [sflag:s8] =	dma.local @!p0 [hbm:s6], $0xF7A  }
0x23: {  	s9 =	sor.u32 $0xD0000000, s2;
	s6 =	simm.s32 $0x108;
	_ =	swait.ge @!p0 [sflag:s8], $0x0  }
0x24: {  	s3 =	sadd.s32 $0x88, s3;
	s6 =	simm.s32 @!p1 $0x1082;
	[sflag:s4] =	ssyncset.s32 $0xFFFFF086  }
0x25: {  	[simem:s6], [sflag:s4] =	dma.local [hbm:s3], $0xF7A  }
0x26: {  	[smem:$0x3F8C] =	sst s1;
	(tag) =	ssettag s2;
	_ =	strace s9  }
0x27: {  	s1 =	sld [smem:$0x3F9C]  }
0x28: {  	s2 =	sld [smem:$0x3F9D]  }
0x29: {  	s4 =	sld [smem:$0x3F9F]  }
0x2a: {  	p0 =	seq.s32 s5, $0x0;
	s5 =	sld [smem:$0x3FA0]  }
0x2b: {  	s6 =	sld [smem:$0x3FA1]  }
0x2c: {  	s7 =	sld [smem:$0x3FA2]  }
0x2d: {  	s3 =	simm.s32 $0x108;
	s8 =	sld [smem:$0x3FA3]  }
0x2e: {  	s3 =	simm.s32 @!p0 $0x1082;
	s9 =	sld [smem:$0x3FA4]  }
0x2f: {  	lr =	sadd.s32 s0, s3;
	s0 =	sld [smem:$0x3F9B]  }
0x30: {  	s3 =	sld [smem:$0x3F9E]  }
0x31: {  	[smem:$0x3FA7] =	sst s10  }
0x32: {  	s10 =	sld [smem:$0x3FA5];
	_ =	sdelay $0x3  }
0x33: {  	p0 =	seq.s32 s10, $0x1;
	s10 =	sld [smem:$0x3FA7];
	_ =	sdelay $0x3  }
0x34: {  	[smem:$0x3FA7] =	sst s10  }
0x35: {  	s10 =	sld [smem:$0x3FA6];
	_ =	sdelay $0x3  }
0x36: {  	p1 =	seq.s32 s10, $0x1;
	s10 =	sld [smem:$0x3FA7];
	_ =	sdelay $0x3  }
0x37: {  	[smem:$0x3FA7] =	sst s10  }
0x38: {  	s10 =	sld [smem:$0x3FA8]  }
0x39: {  	_ = 	snop;
	(pc) =	sbr.ind lr, $3  }
0x3a: {  	_ = 	snop  }
0x3b: {  	_ = 	snop  }
0x3c: {  	p2 =	seq.s32 s10, $0x1;
	s10 =	sld [smem:$0x3FA7]  }
0x3d: {  	_ =	shalt  }
0x3e: {  	_ =	shalt  }
0x3f: {  	_ =	shalt  }
0x40: {  	_ =	shalt  }
0x41: {  	_ =	shalt  }
0x42: {  	_ =	shalt  }
0x43: {  	_ =	shalt  }
0x44: {  	_ =	shalt  }
0x45: {  	_ =	shalt  }
0x46: {  	_ =	shalt  }
0x47: {  	_ =	shalt  }
0x48: {  	_ =	shalt  }
0x49: {  	_ =	shalt  }
0x4a: {  	_ =	shalt  }
0x4b: {  	_ =	shalt  }
0x4c: {  	_ =	shalt  }
0x4d: {  	_ =	shalt  }
0x4e: {  	_ =	shalt  }
0x4f: {  	_ =	shalt  }
0x50: {  	_ =	shalt  }
0x51: {  	_ =	shalt  }
0x52: {  	_ =	shalt  }
0x53: {  	_ =	shalt  }
0x54: {  	_ =	shalt  }
0x55: {  	_ =	shalt  }
0x56: {  	_ =	shalt  }
0x57: {  	_ =	shalt  }
0x58: {  	_ =	shalt  }
0x59: {  	_ =	shalt  }
0x5a: {  	_ =	shalt  }
0x5b: {  	_ =	shalt  }
0x5c: {  	_ =	shalt  }
0x5d: {  	_ =	shalt  }
0x5e: {  	_ =	shalt  }
0x5f: {  	_ =	shalt  }
0x60: {  	_ =	shalt  }
0x61: {  	_ =	shalt  }
0x62: {  	_ =	shalt  }
0x63: {  	_ =	shalt  }
0x64: {  	_ =	shalt  }
0x65: {  	_ =	shalt  }
0x66: {  	_ =	shalt  }
0x67: {  	_ =	shalt  }
0x68: {  	_ =	shalt  }
0x69: {  	_ =	shalt  }
0x6a: {  	_ =	shalt  }
0x6b: {  	_ =	shalt  }
0x6c: {  	_ =	shalt  }
0x6d: {  	_ =	shalt  }
0x6e: {  	_ =	shalt  }
0x6f: {  	_ =	shalt  }
0x70: {  	_ =	shalt  }
0x71: {  	_ =	shalt  }
0x72: {  	_ =	shalt  }
0x73: {  	_ =	shalt  }
0x74: {  	_ =	shalt  }
0x75: {  	_ =	shalt  }
0x76: {  	_ =	shalt  }
0x77: {  	_ =	shalt  }
0x78: {  	_ =	shalt  }
0x79: {  	_ =	shalt  }
0x7a: {  	_ =	shalt  }
0x7b: {  	_ =	shalt  }
0x7c: {  	_ =	shalt  }
0x7d: {  	_ =	shalt  }
0x7e: {  	_ =	shalt  }
0x7f: {  	_ =	shalt  }
0x80: {  	_ =	shalt  }
0x81: {  	_ =	shalt  }
0x82: {  	_ =	shalt  }
0x83: {  	_ =	shalt  }
0x84: {  	_ =	shalt  }
0x85: {  	_ =	shalt  }
0x86: {  	_ =	shalt  }
0x87: {  	_ =	shalt  }
.Lfunc_end0:
.L_simem_size_0:
called_computation_lowered:
.L_overlay_start_0:
0x88: {  	s2 =	sld [smem:$0x3FD9]  }
0x89: {  	s3 =	sld [smem:$0x3FFE];
	_ =	sdelay $0x1  }
0x8a: {  	s1 =	srdreg.scid  }
0x8b: {  	s0 =	sand.u32 $0x1, s1  }
0x8c: {  	s16 =	sshll.u32 s0, $0xA;
	s2 =	sadd.s32 s3, s2  }
0x8d: {  	s2 =	sadd.s32 s2, s16  }
0x8e: {  	[smem:$0x3FB3] =	sst s2  }
0x8f: {  	_ = 	snop  }
0x90: {  	(tm) =	ssettm $0x1  }
0x91: {  	s17 =	sld [smem:$0x3FFB];
	_ =	sdelay $0x3  }
0x92: {  	_ =	strace s17  }
0x93: {  	s2 =	sld [smem:$0x3FFC];
	_ =	sdelay $0x3  }
0x94: {  	_ =	strace s2  }
0x95: {  	s2 =	sld [smem:$0x3FFD];
	_ =	sdelay $0x3  }
0x96: {  	_ =	strace s2  }
0x97: {  	_ =	strace $0x8FFFFFFF  }
0x98: {  	s18 =	sld [smem:$0x3FDB];
	_ =	sdelay $0x1  }
0x99: {  	s19 =	simm.s32 $_scs_section_size  }
0x9a: {  	s4 =	simm.s32 $_size__tile_overlayer_lowered;
	s5 =	simm.s32 $_tile_overlayer_lowered  }
0x9b: {  	s22 =	simm.s32 $0x1BFF;
	s21 =	sshll.u32 s5, $0x1;
	s2 =	sadd.s32 s19, s18  }
0x9c: {  	s6 =	simm.s32 $0x0;
	s20 =	sshll.u32 s4, $0x1;
	s4 =	sadd.s32 s21, s2  }
0x9d: {  	[timem:s6], [sflag:s22] =	dma.local [hbm:s4], s20  }
0x9e: {  	_ =	swait.ge [sflag:s22], s20  }
0x9f: {  	s3 =	ssub.s32 $0x0, s20;
	[sflag:s22] =	ssyncset.done $0x0  }
0xa0: {  	[sflag:s22] =	ssyncadd.s32 s3;
	_ =	sdelay $0x1  }
0xa1: {  	s23 =	simm.s32 $0x1B8B  }
0xa2: {  	_ =	swait.ge [sflag:s23], $0x1  }
0xa3: {  	[sflag:s23] =	ssyncset.done $0x0  }
0xa4: {  	s25 =	simm.s32 $0x1B8E;
	s24 =	sld [smem:$0x3FFE];
	[sflag:s23] =	ssyncadd.s32 $0xFFFFFFFF  }
0xa5: {  	s26 =	simm.s32 $execute0_lowered;
	[smem:$0x3FD2] =	sst s25  }
0xa6: {  	s4 =	sshll.u32 s26, $0x1;
	_ =	strace $0x80000046;
	[dreg:$0x1] =	wrdreg $0xFFFFFFFF  }
0xa7: {  	s28 =	simm.s32 $_size_execute0_lowered;
	s2 =	sadd.s32 s2, s4;
	[dreg:$0x0] =	wrdreg $0x0  }
0xa8: {  	s4 =	sshll.u32 s28, $0x1;
	[dreg:$0x2] =	wrdreg s2  }
0xa9: {  	[dreg:$0x3] =	wrdreg s4  }
0xaa: {  	[dreg:$0x4] =	wrdreg $0xC0  }
0xab: {  	_ =	task [dreg:s6], $0x5FFFF  }
0xac: {  	[dreg:$0x1] =	wrdreg $0xFFFFFFFF  }
0xad: {  	[dreg:$0x0] =	wrdreg $0x60  }
0xae: {  	[dreg:$0x2] =	wrdreg s24  }
0xaf: {  	[dreg:$0x3] =	wrdreg $0xA8000  }
0xb0: {  	[dreg:$0x4] =	wrdreg $0x9  }
0xb1: {  	_ =	task.clear_ibuf [dreg:s6], $0x5FFFF;
	_ =	strace $0x90000046  }
0xb2: {  	s29 =	simm.s32 $0x9;
	_ =	strace $0x80000048  }
0xb3: {  	_ =	swait.ge [sflag:s29], $0x1  }
0xb4: {  	[sflag:s29] =	ssyncadd.s32 $0xFFFFFFFF  }
0xb5: {  	_ =	strace $0x90000048  }
0xb6: {  	_ =	sfence  }
0xb7: {  	s30 =	sld [smem:$0x0];
	_ =	sdelay $0x2  }
0xb8: {  	s31 =	sshll.u32 s1, $0xD;
	s1 =	sshrl.u32 s1, $0x2  }
0xb9: {  	s3 =	sand.u32 $0x4000, s31;
	s1 =	sadd.s32 s1, s30  }
0xba: {  	s0 =	sor.u32 s3, s0;
	s1 =	sshll.u32 s1, $0x11  }
0xbb: {  	s0 =	sor.u32 s1, s0  }
0xbc: {  	s0 =	sadd.s32 $0x8F2B, s0  }
0xbd: {  	[sflag:s0] =	ssyncadd.remote.s32 $0x1  }
0xbe: {  	_ =	sfence.sel $0xFFFF  }
0xbf: {  	[dreg:$0x0] =	wrdreg $0xFFFFFFFF;
	(pc) =	sbr.abs _section_cstart, $3  }
0xc0: {  	[dreg:$0x1] =	wrdreg $0xFFFFFFFF  }
0xc1: {  	_ =	task.clear_ibuf [dreg:s6], $0x2FFFF;
	_ =	strace $0x9FFFFFFF  }
0xc2: {  	(tm) =	ssettm $0x7FFFFFFF  }
0xc3: {  	_ =	shalt  }
tec
execute0_lowered:
.L_overlay_start_1:
0x0: {  	(tag) =	ssettag $0x1  }
0x1: {  	s5 =	rddreg [dreg:$0x0]  }
0x2: {  	s1 =	rddreg [dreg:$0x1]  }
0x3: {  	s0 =	rddreg [dreg:$0x2];
	s3 =	simm.s32 $0x0;
	s2 =	stileid.u32  }
0x4: {  	s6 =	srdreg.scid;
	s16 =	simm.s32 $0x3;
	s17 =	simm.s32 $0x80  }
0x5: {  	s18 =	simm.s32 $0x2800;
	s19 =	simm.s32 $0x1;
	s20 =	simm.s32 $0x6800  }
0x6: {  	s21 =	simm.s32 $0x2;
	s22 =	simm.s32 $0x1380;
	s23 =	simm.s32 $0x2700  }
0x7: {  	s24 =	simm.s32 $0x2780;
	s25 =	simm.s32 $0x0;
	[smem:$0x7FF] =	sst s3  }
0x8: {  	s4 =	sadd.s32 $0x67600, s5;
	s7 =	smul.u32 $0x2800, s2;
	s6 =	sand.u32 $0x1, s6  }
0x9: {  	s9 =	sadd.s32 $0x35600, s5;
	s10 =	sadd.s32 $0x2B600, s5;
	s12 =	smul.u32 $0x50000, s2  }
0xa: {  	s30 =	sshll.u32 s2, $0x6;
	_ =	strace $0x80000047;
	s8 =	smul.u32 $0x28000, s6  }
0xb: {  	s13 =	sshll.u32 s6, $0x4;
	s6 =	ssub.s32 $0x2, s6;
	s11 =	sadd.s32 s7, s5  }
0xc: {  	s28 =	sor.u32 s2, s13;
	s29 =	sshrl.u32 s6, $0x1;
	s12 =	sshrl.u32 s12, $0x2  }
0xd: {  	s7 =	sadd.s32 s7, s8;
	s8 =	smul.u32 $0x2800, s28;
	s13 =	ssub.s32 s6, s29  }
0xe: {  	s15 =	sadd.s32 s12, s1;
	s6 =	sor.u32 $0x1C04, s30;
	s14 =	sadd.s32 s7, s5  }
0xf: {  	s5 =	sadd.s32 $0x8F600, s11;
	s12 =	smax.u32 s13, $0x1;
	s13 =	sshrl.u32 s15, $0x3  }
0x10: {  	s15 =	simm.s32 $0x1400;
	s8 =	sshrl.u32 s8, $0x3;
	s11 =	sadd.s32 $0xB7600, s14  }
0x11: {  	s14 =	simm.s32 $0x4;
	s7 =	sadd.s32 s9, s8;
	s31 =	sadd.s32 $0x280, s8  }
0x12: {  	s8 =	sadd.s32 s10, s8;
	s9 =	sadd.s32 s9, s31;
	s10 =	sadd.s32 s10, s31  }
.LBB2_1:
0x13: {  	[spmem:s13], [sflag:s6] =	dma.local [hbm:s5], $0x2800  }
0x14: {  	_ =	swait.ge [sflag:s14], $0x2800  }
0x15: {  	[sflag:s14] =	ssyncset.done $0x0  }
0x16: {  	[sflag:s14] =	ssyncadd.s32 $0xFFFFD800  }
0x17: {  	[bflag:$0x0] =	sbarrier.arrive $0xFFFF  }
0x18: {  	[tilespmem:s3], [sflag:$0x3] =	stream.linear.gather [hbm4b:s7+s3], $0x1400, $0x38;
	[tilespmem:$0x1E800] =	vst v63  }
0x19: {  	_ = 	snop  }
0x1a: {  	[tilespmem:s15], [sflag:$0x3] =	stream.linear.gather [hbm4b:s8+s3], $0x1400, $0x38;
	[tilespmem:$0x1E800] =	vst v63  }
0x1b: {  	_ =	swait.ge [sflag:s16], $0x1400  }
0x1c: {  	[sflag:s16] =	ssyncset.done $0x0  }
0x1d: {  	[sflag:s16] =	ssyncadd.s32 $0xFFFFEC00  }
0x1e: {  	_ =	swait.ge [sflag:s16], $0x1400  }
0x1f: {  	[sflag:s16] =	ssyncset.done $0x0  }
0x20: {  	[sflag:s16] =	ssyncadd.s32 $0xFFFFEC00  }
0x21: {  	[tilespmem:s18], [sflag:$0x1] =	stream.indirect.gather [hbm4b:s4+s17], $0x80, s3, s17, $0xb8;
	[tilespmem:$0x1E800] =	vst v63  }
0x22: {  	_ =	swait.ge [sflag:s19], $0x4000  }
0x23: {  	[sflag:s19] =	ssyncset.done $0x0  }
0x24: {  	s26 =	simm.s32 $0x80;
	[sflag:s19] =	ssyncadd.s32 $0xFFFFC000  }
0x25: {  	[tilespmem:s20], [sflag:$0x2] =	stream.indirect.gather [hbm4b:s4+s17], $0x80, s26, s17, $0xb8;
	[tilespmem:$0x1E800] =	vst v63  }
0x26: {  	s29 =	simm.s32 $0x1400  }
0x27: {  	[spmem:s1] =	stream.indirect.scatter.add.f32 [tilespmem:s18], [sflag:$0x4], $0x80, s29, s17, $0xb8;
	[tilespmem:$0x1E800] =	vst v63  }
0x28: {  	_ =	swait.ge [sflag:s14], $0x4000  }
0x29: {  	[sflag:s14] =	ssyncset.done $0x0  }
0x2a: {  	s30 =	simm.s32 $0x100;
	[sflag:s14] =	ssyncadd.s32 $0xFFFFC000  }
0x2b: {  	[tilespmem:s18], [sflag:$0x1] =	stream.indirect.gather [hbm4b:s4+s17], $0x80, s30, s17, $0xb8;
	[tilespmem:$0x1E800] =	vst v63  }
0x2c: {  	_ =	swait.ge [sflag:s21], $0x4000  }
0x2d: {  	[sflag:s21] =	ssyncset.done $0x0  }
0x2e: {  	s31 =	simm.s32 $0x1480;
	[sflag:s21] =	ssyncadd.s32 $0xFFFFC000  }
0x2f: {  	[spmem:s1] =	stream.indirect.scatter.add.f32 [tilespmem:s20], [sflag:$0x4], $0x80, s31, s17, $0xb8;
	[tilespmem:$0x1E800] =	vst v63  }
0x30: {  	_ =	swait.ge [sflag:s14], $0x4000  }
0x31: {  	s26 =	simm.s32 $0x400;
	[sflag:s14] =	ssyncset.done $0x0  }
.LBB2_2:
0x32: {  	p0 =	sne.s32 s26, $0x4800  }
0x33: {  	[sflag:s14] =	ssyncadd.s32 $0xFFFFC000;
	s28 =	smov.u32 s26;
	s26 =	sadd.s32 $0x400, s26  }
0x34: {  	_ =	swait.ge [sflag:s19], $0x4000  }
0x35: {  	s28 =	sshra.s32 s28, $0x2;
	[sflag:s19] =	ssyncset.done $0x0  }
0x36: {  	s29 =	sadd.s32 $0x80, s28;
	[sflag:s19] =	ssyncadd.s32 $0xFFFFC000  }
0x37: {  	[tilespmem:s20], [sflag:$0x2] =	stream.indirect.gather [hbm4b:s4+s17], $0x80, s29, s17, $0xb8;
	[tilespmem:$0x1E800] =	vst v63  }
0x38: {  	s29 =	sadd.s32 $0x1400, s28  }
0x39: {  	[spmem:s1] =	stream.indirect.scatter.add.f32 [tilespmem:s18], [sflag:$0x4], $0x80, s29, s17, $0xb8;
	[tilespmem:$0x1E800] =	vst v63  }
0x3a: {  	_ =	swait.ge [sflag:s14], $0x4000  }
0x3b: {  	[sflag:s14] =	ssyncset.done $0x0  }
0x3c: {  	s29 =	sadd.s32 $0x100, s28;
	[sflag:s14] =	ssyncadd.s32 $0xFFFFC000  }
0x3d: {  	[tilespmem:s18], [sflag:$0x1] =	stream.indirect.gather [hbm4b:s4+s17], $0x80, s29, s17, $0xb8;
	[tilespmem:$0x1E800] =	vst v63  }
0x3e: {  	_ =	swait.ge [sflag:s21], $0x4000  }
.Ltmp0:
0x3f: {  	[sflag:s21] =	ssyncset.done $0x0;
	(pc) =	sbr.rel @p0 .LBB2_2-.Ltmp0, $4  }
0x40: {  	s28 =	sadd.s32 $0x1480, s28;
	[sflag:s21] =	ssyncadd.s32 $0xFFFFC000  }
0x41: {  	[spmem:s1] =	stream.indirect.scatter.add.f32 [tilespmem:s20], [sflag:$0x4], $0x80, s28, s17, $0xb8;
	[tilespmem:$0x1E800] =	vst v63  }
0x42: {  	_ =	swait.ge [sflag:s14], $0x4000  }
0x43: {  	[sflag:s14] =	ssyncset.done $0x0  }
0x44: {  	[sflag:s14] =	ssyncadd.s32 $0xFFFFC000  }
0x45: {  	_ =	swait.ge [sflag:s19], $0x4000  }
0x46: {  	[sflag:s19] =	ssyncset.done $0x0  }
0x47: {  	[sflag:s19] =	ssyncadd.s32 $0xFFFFC000  }
0x48: {  	[tilespmem:s20], [sflag:$0x2] =	stream.indirect.gather [hbm4b:s4+s17], $0x80, s22, s17, $0xb8;
	[tilespmem:$0x1E800] =	vst v63  }
0x49: {  	_ = 	snop  }
0x4a: {  	[spmem:s1] =	stream.indirect.scatter.add.f32 [tilespmem:s18], [sflag:$0x4], $0x80, s23, s17, $0xb8;
	[tilespmem:$0x1E800] =	vst v63  }
0x4b: {  	_ =	swait.ge [sflag:s14], $0x4000  }
0x4c: {  	[sflag:s14] =	ssyncset.done $0x0  }
0x4d: {  	[sflag:s14] =	ssyncadd.s32 $0xFFFFC000  }
0x4e: {  	[tilespmem:s18], [sflag:$0x1] =	stream.indirect.gather [hbm4b:s4+s17], $0x80, s22, s17, $0xb8;
	[tilespmem:$0x1E800] =	vst v63  }
0x4f: {  	_ =	swait.ge [sflag:s21], $0x4000  }
0x50: {  	[sflag:s21] =	ssyncset.done $0x0  }
0x51: {  	[sflag:s21] =	ssyncadd.s32 $0xFFFFC000  }
0x52: {  	[spmem:s1] =	stream.indirect.scatter.add.f32 [tilespmem:s20], [sflag:$0x4], $0x80, s24, s17, $0xb8;
	[tilespmem:$0x1E800] =	vst v63  }
0x53: {  	_ =	swait.ge [sflag:s14], $0x4000  }
0x54: {  	[sflag:s14] =	ssyncset.done $0x0  }
0x55: {  	[sflag:s14] =	ssyncadd.s32 $0xFFFFC000  }
0x56: {  	_ =	swait.ge [sflag:s19], $0x4000  }
0x57: {  	[sflag:s19] =	ssyncset.done $0x0  }
0x58: {  	s26 =	simm.s32 $0x0;
	[sflag:s19] =	ssyncadd.s32 $0xFFFFC000  }
0x59: {  	[tilespmem:s26], [sflag:$0x3] =	stream.linear.gather [hbm4b:s9+s26], $0x1400, $0x38;
	[tilespmem:$0x1E800] =	vst v63  }
0x5a: {  	_ = 	snop  }
0x5b: {  	[tilespmem:s15], [sflag:$0x3] =	stream.linear.gather [hbm4b:s10+s26], $0x1400, $0x38;
	[tilespmem:$0x1E800] =	vst v63  }
0x5c: {  	_ =	swait.ge [sflag:s16], $0x1400  }
0x5d: {  	[sflag:s16] =	ssyncset.done $0x0  }
0x5e: {  	[sflag:s16] =	ssyncadd.s32 $0xFFFFEC00  }
0x5f: {  	_ =	swait.ge [sflag:s16], $0x1400  }
0x60: {  	[sflag:s16] =	ssyncset.done $0x0  }
0x61: {  	[sflag:s16] =	ssyncadd.s32 $0xFFFFEC00  }
0x62: {  	[tilespmem:s18], [sflag:$0x1] =	stream.indirect.gather [hbm4b:s4+s17], $0x80, s26, s17, $0xb8;
	[tilespmem:$0x1E800] =	vst v63  }
0x63: {  	_ =	swait.ge [sflag:s19], $0x4000  }
0x64: {  	[sflag:s19] =	ssyncset.done $0x0  }
0x65: {  	s28 =	simm.s32 $0x80;
	[sflag:s19] =	ssyncadd.s32 $0xFFFFC000  }
0x66: {  	[tilespmem:s20], [sflag:$0x2] =	stream.indirect.gather [hbm4b:s4+s17], $0x80, s28, s17, $0xb8;
	[tilespmem:$0x1E800] =	vst v63  }
0x67: {  	s29 =	simm.s32 $0x1400  }
0x68: {  	[spmem:s1] =	stream.indirect.scatter.add.f32 [tilespmem:s18], [sflag:$0x4], $0x80, s29, s17, $0xb8;
	[tilespmem:$0x1E800] =	vst v63  }
0x69: {  	_ =	swait.ge [sflag:s14], $0x4000  }
0x6a: {  	[sflag:s14] =	ssyncset.done $0x0  }
0x6b: {  	s30 =	simm.s32 $0x100;
	[sflag:s14] =	ssyncadd.s32 $0xFFFFC000  }
0x6c: {  	[tilespmem:s18], [sflag:$0x1] =	stream.indirect.gather [hbm4b:s4+s17], $0x80, s30, s17, $0xb8;
	[tilespmem:$0x1E800] =	vst v63  }
0x6d: {  	_ =	swait.ge [sflag:s21], $0x4000  }
0x6e: {  	[sflag:s21] =	ssyncset.done $0x0  }
0x6f: {  	s31 =	simm.s32 $0x1480;
	[sflag:s21] =	ssyncadd.s32 $0xFFFFC000  }
0x70: {  	[spmem:s1] =	stream.indirect.scatter.add.f32 [tilespmem:s20], [sflag:$0x4], $0x80, s31, s17, $0xb8;
	[tilespmem:$0x1E800] =	vst v63  }
0x71: {  	_ =	swait.ge [sflag:s14], $0x4000  }
0x72: {  	s26 =	simm.s32 $0x400;
	[sflag:s14] =	ssyncset.done $0x0  }
.LBB2_4:
0x73: {  	p0 =	sne.s32 s26, $0x4800  }
0x74: {  	[sflag:s14] =	ssyncadd.s32 $0xFFFFC000;
	s28 =	smov.u32 s26;
	s26 =	sadd.s32 $0x400, s26  }
0x75: {  	_ =	swait.ge [sflag:s19], $0x4000  }
0x76: {  	s28 =	sshra.s32 s28, $0x2;
	[sflag:s19] =	ssyncset.done $0x0  }
0x77: {  	s29 =	sadd.s32 $0x80, s28;
	[sflag:s19] =	ssyncadd.s32 $0xFFFFC000  }
0x78: {  	[tilespmem:s20], [sflag:$0x2] =	stream.indirect.gather [hbm4b:s4+s17], $0x80, s29, s17, $0xb8;
	[tilespmem:$0x1E800] =	vst v63  }
0x79: {  	s29 =	sadd.s32 $0x1400, s28  }
0x7a: {  	[spmem:s1] =	stream.indirect.scatter.add.f32 [tilespmem:s18], [sflag:$0x4], $0x80, s29, s17, $0xb8;
	[tilespmem:$0x1E800] =	vst v63  }
0x7b: {  	_ =	swait.ge [sflag:s14], $0x4000  }
0x7c: {  	[sflag:s14] =	ssyncset.done $0x0  }
0x7d: {  	s29 =	sadd.s32 $0x100, s28;
	[sflag:s14] =	ssyncadd.s32 $0xFFFFC000  }
0x7e: {  	[tilespmem:s18], [sflag:$0x1] =	stream.indirect.gather [hbm4b:s4+s17], $0x80, s29, s17, $0xb8;
	[tilespmem:$0x1E800] =	vst v63  }
0x7f: {  	_ =	swait.ge [sflag:s21], $0x4000  }
.Ltmp1:
0x80: {  	[sflag:s21] =	ssyncset.done $0x0;
	(pc) =	sbr.rel @p0 .LBB2_4-.Ltmp1, $4  }
0x81: {  	s28 =	sadd.s32 $0x1480, s28;
	[sflag:s21] =	ssyncadd.s32 $0xFFFFC000  }
0x82: {  	[spmem:s1] =	stream.indirect.scatter.add.f32 [tilespmem:s20], [sflag:$0x4], $0x80, s28, s17, $0xb8;
	[tilespmem:$0x1E800] =	vst v63  }
0x83: {  	_ =	swait.ge [sflag:s14], $0x4000  }
0x84: {  	[sflag:s14] =	ssyncset.done $0x0  }
0x85: {  	[sflag:s14] =	ssyncadd.s32 $0xFFFFC000  }
0x86: {  	_ =	swait.ge [sflag:s19], $0x4000  }
0x87: {  	[sflag:s19] =	ssyncset.done $0x0  }
0x88: {  	[sflag:s19] =	ssyncadd.s32 $0xFFFFC000  }
0x89: {  	[tilespmem:s20], [sflag:$0x2] =	stream.indirect.gather [hbm4b:s4+s17], $0x80, s22, s17, $0xb8;
	[tilespmem:$0x1E800] =	vst v63  }
0x8a: {  	_ = 	snop  }
0x8b: {  	[spmem:s1] =	stream.indirect.scatter.add.f32 [tilespmem:s18], [sflag:$0x4], $0x80, s23, s17, $0xb8;
	[tilespmem:$0x1E800] =	vst v63  }
0x8c: {  	_ =	swait.ge [sflag:s14], $0x4000  }
0x8d: {  	[sflag:s14] =	ssyncset.done $0x0  }
0x8e: {  	[sflag:s14] =	ssyncadd.s32 $0xFFFFC000  }
0x8f: {  	[tilespmem:s18], [sflag:$0x1] =	stream.indirect.gather [hbm4b:s4+s17], $0x80, s22, s17, $0xb8;
	[tilespmem:$0x1E800] =	vst v63  }
0x90: {  	_ =	swait.ge [sflag:s21], $0x4000  }
0x91: {  	[sflag:s21] =	ssyncset.done $0x0  }
0x92: {  	[sflag:s21] =	ssyncadd.s32 $0xFFFFC000  }
0x93: {  	[spmem:s1] =	stream.indirect.scatter.add.f32 [tilespmem:s20], [sflag:$0x4], $0x80, s24, s17, $0xb8;
	[tilespmem:$0x1E800] =	vst v63  }
0x94: {  	_ =	swait.ge [sflag:s14], $0x4000  }
0x95: {  	[sflag:s14] =	ssyncset.done $0x0  }
0x96: {  	[sflag:s14] =	ssyncadd.s32 $0xFFFFC000  }
0x97: {  	_ =	swait.ge [sflag:s19], $0x4000  }
0x98: {  	s25 =	sadd.s32 $0x1, s25;
	[sflag:s19] =	ssyncset.done $0x0  }
0x99: {  	p0 =	sne.s32 s25, s12;
	[sflag:s19] =	ssyncadd.s32 $0xFFFFC000  }
.Ltmp2:
0x9a: {  	[bflag:$0x0] =	sbarrier.arrive $0xFFFF;
	(pc) =	sbr.rel @p0 .LBB2_1-.Ltmp2, $4  }
0x9b: {  	[hbm:s11], [sflag:s6] =	dma.local [spmem:s13], $0x2800  }
0x9c: {  	_ =	swait.ge [sflag:s14], $0x2800  }
0x9d: {  	[sflag:s14] =	ssyncset.done $0x0  }
0x9e: {  	[sflag:s14] =	ssyncadd.s32 $0xFFFFD800  }
0x9f: {  	_ =	sfence.sel $0x180000  }
0xa0: {  	[bflag:$0x0] =	sbarrier.arrive $0xFFFF  }
0xa1: {  	p0 =	sne.s32 s2, $0x0;
	_ =	strace $0x90000047  }
0xa2: {  	s0 =	sadd.s32 @!p0 $0x100000, s0;
	[bflag:$0x2] =	sbarrier.arrive $0xFFFF  }
0xa3: {  	[sflag:s0] =	ssyncadd.tile.s32 @!p0 $0x1;
	_ =	shalt  }
.Lfunc_end2:
_tile_overlayer_lowered:
.L_overlay_start_2:
0xa4: {  	(tag) =	ssettag $0x2  }
0xa5: {  	s0 =	rddreg [dreg:$0x0];
	s2 =	stileid.u32  }
0xa6: {  	s1 =	rddreg [dreg:$0x1];
	p0 =	sne.s32 s2, $0x0  }
0xa7: {  	s3 =	rddreg [dreg:$0x2];
	[bflag:$0x3] =	sbarrier.arrive $0xFFFF;
	s2 =	simm.s32 @!p0 $0x1C04  }
0xa8: {  	[timem:s3], [sflag:s2] =	dma.local @!p0 [hbm:s0], s1  }
0xa9: {  	s0 =	simm.s32 @!p0 $0x4  }
0xaa: {  	_ =	swait.ge @!p0 [sflag:s0], s1  }
0xab: {  	s1 =	ssub.s32 @!p0 $0x0, s1;
	[sflag:s0] =	ssyncset.done @!p0 $0x0  }
0xac: {  	[sflag:s0] =	ssyncadd.s32 @!p0 s1  }
0xad: {  	[bflag:$0x3] =	sbarrier.arrive $0xFFFF  }
0xae: {  	_ =	shalt  }

// kernel: kernel.16.cloned.1.call-start
scs
__scs_entry_jumppad:
0x0: {  	(pc) =	sbr.rel $0x88, $3  }
0x1: {  	(tag) =	ssettag $0x0;
	lr =	simm.s32 $0x1  }
0x2: {  	[smem:$0x3F8C] =	sst lr;
	_ =	strace $0xD0000000  }
0x3: {  	_ = 	snop  }
0x4: {  	_ = 	snop  }
0x5: {  	_ = 	snop  }
0x6: {  	_ = 	snop  }
0x7: {  	_ = 	snop  }
__scs_overlays_trampoline_lowered:
0x8: {  	[smem:$0x3F9B] =	sst s0  }
0x9: {  	[smem:$0x3F9C] =	sst s1  }
0xa: {  	[smem:$0x3F9D] =	sst s2  }
0xb: {  	[smem:$0x3F9E] =	sst s3  }
0xc: {  	[smem:$0x3F9F] =	sst s4  }
0xd: {  	[smem:$0x3FA0] =	sst s5  }
0xe: {  	[smem:$0x3FA1] =	sst s6  }
0xf: {  	[smem:$0x3FA2] =	sst s7  }
0x10: {  	[smem:$0x3FA3] =	sst s8  }
0x11: {  	[smem:$0x3FA4] =	sst s9;
	s0 =	simm.s32 @!p0 $0x0  }
0x12: {  	s1 =	sld [smem:$0x3F8A];
	s0 =	simm.s32 @p0 $0x1  }
0x13: {  	[smem:$0x3FA5] =	sst s0;
	s0 =	simm.s32 @!p1 $0x0  }
0x14: {  	s2 =	sld [smem:$0x3F89];
	s0 =	simm.s32 @p1 $0x1  }
0x15: {  	[smem:$0x3FA6] =	sst s0;
	s0 =	simm.s32 @!p2 $0x0  }
0x16: {  	s3 =	sld [smem:$0x3FDB];
	s0 =	simm.s32 @p2 $0x1  }
0x17: {  	s4 =	simm.s32 $0x1BF5;
	[smem:$0x3FA8] =	sst s0  }
0x18: {  	s0 =	sld [smem:$0x3F8B];
	_ =	swait.ge [sflag:s4], $0x0  }
0x19: {  	s7 =	sld [smem:$0x3F8C]  }
0x1a: {  	s8 =	sadd.s32 $0xFFFFE003, lr  }
0x1b: {  	s9 =	sadd.s32 $0xFFFFFEF7, lr;
	s5 =	simm.s32 $0xFFFFFFFF;
	p2 =	slt.u32 s8, $0xFFFFF086  }
0x1c: {  	p1 =	slt.u32 s9, $0xF7A;
	s5 =	simm.s32 @!p2 $0x0  }
0x1d: {  	s5 =	simm.s32 @p1 $0x1;
	p0 =	seq.s32 s7, s2  }
0x1e: {  	s7 =	smul.u32 @!p0 $0xF7A, s2;
	p2 =	seq.s32 @!p0 s5, $0x0  }
0x1f: {  	s9 =	smul.u32 $0xF7A, s1;
	s8 =	simm.s32 @!p0 $0x1BF5;
	p2 =	por !p2, p0  }
0x20: {  	[sflag:s8] =	ssyncset.s32 @!p0 $0xFFFFF086;
	s6 =	sadd.s32 @!p0 s3, s7;
	s7 =	simm.s32 @!p0 $0x108  }
0x21: {  	s3 =	sadd.s32 s3, s9;
	s6 =	sadd.s32 @!p0 $0x88, s6;
	s7 =	simm.s32 @p2 $0x1082  }
0x22: {  	[simem:s7], [sflag:s8] =	dma.local @!p0 [hbm:s6], $0xF7A  }
0x23: {  	s9 =	sor.u32 $0xD0000000, s2;
	s6 =	simm.s32 $0x108;
	_ =	swait.ge @!p0 [sflag:s8], $0x0  }
0x24: {  	s3 =	sadd.s32 $0x88, s3;
	s6 =	simm.s32 @!p1 $0x1082;
	[sflag:s4] =	ssyncset.s32 $0xFFFFF086  }
0x25: {  	[simem:s6], [sflag:s4] =	dma.local [hbm:s3], $0xF7A  }
0x26: {  	[smem:$0x3F8C] =	sst s1;
	(tag) =	ssettag s2;
	_ =	strace s9  }
0x27: {  	s1 =	sld [smem:$0x3F9C]  }
0x28: {  	s2 =	sld [smem:$0x3F9D]  }
0x29: {  	s4 =	sld [smem:$0x3F9F]  }
0x2a: {  	p0 =	seq.s32 s5, $0x0;
	s5 =	sld [smem:$0x3FA0]  }
0x2b: {  	s6 =	sld [smem:$0x3FA1]  }
0x2c: {  	s7 =	sld [smem:$0x3FA2]  }
0x2d: {  	s3 =	simm.s32 $0x108;
	s8 =	sld [smem:$0x3FA3]  }
0x2e: {  	s3 =	simm.s32 @!p0 $0x1082;
	s9 =	sld [smem:$0x3FA4]  }
0x2f: {  	lr =	sadd.s32 s0, s3;
	s0 =	sld [smem:$0x3F9B]  }
0x30: {  	s3 =	sld [smem:$0x3F9E]  }
0x31: {  	[smem:$0x3FA7] =	sst s10  }
0x32: {  	s10 =	sld [smem:$0x3FA5];
	_ =	sdelay $0x3  }
0x33: {  	p0 =	seq.s32 s10, $0x1;
	s10 =	sld [smem:$0x3FA7];
	_ =	sdelay $0x3  }
0x34: {  	[smem:$0x3FA7] =	sst s10  }
0x35: {  	s10 =	sld [smem:$0x3FA6];
	_ =	sdelay $0x3  }
0x36: {  	p1 =	seq.s32 s10, $0x1;
	s10 =	sld [smem:$0x3FA7];
	_ =	sdelay $0x3  }
0x37: {  	[smem:$0x3FA7] =	sst s10  }
0x38: {  	s10 =	sld [smem:$0x3FA8]  }
0x39: {  	_ = 	snop;
	(pc) =	sbr.ind lr, $3  }
0x3a: {  	_ = 	snop  }
0x3b: {  	_ = 	snop  }
0x3c: {  	p2 =	seq.s32 s10, $0x1;
	s10 =	sld [smem:$0x3FA7]  }
0x3d: {  	_ =	shalt  }
0x3e: {  	_ =	shalt  }
0x3f: {  	_ =	shalt  }
0x40: {  	_ =	shalt  }
0x41: {  	_ =	shalt  }
0x42: {  	_ =	shalt  }
0x43: {  	_ =	shalt  }
0x44: {  	_ =	shalt  }
0x45: {  	_ =	shalt  }
0x46: {  	_ =	shalt  }
0x47: {  	_ =	shalt  }
0x48: {  	_ =	shalt  }
0x49: {  	_ =	shalt  }
0x4a: {  	_ =	shalt  }
0x4b: {  	_ =	shalt  }
0x4c: {  	_ =	shalt  }
0x4d: {  	_ =	shalt  }
0x4e: {  	_ =	shalt  }
0x4f: {  	_ =	shalt  }
0x50: {  	_ =	shalt  }
0x51: {  	_ =	shalt  }
0x52: {  	_ =	shalt  }
0x53: {  	_ =	shalt  }
0x54: {  	_ =	shalt  }
0x55: {  	_ =	shalt  }
0x56: {  	_ =	shalt  }
0x57: {  	_ =	shalt  }
0x58: {  	_ =	shalt  }
0x59: {  	_ =	shalt  }
0x5a: {  	_ =	shalt  }
0x5b: {  	_ =	shalt  }
0x5c: {  	_ =	shalt  }
0x5d: {  	_ =	shalt  }
0x5e: {  	_ =	shalt  }
0x5f: {  	_ =	shalt  }
0x60: {  	_ =	shalt  }
0x61: {  	_ =	shalt  }
0x62: {  	_ =	shalt  }
0x63: {  	_ =	shalt  }
0x64: {  	_ =	shalt  }
0x65: {  	_ =	shalt  }
0x66: {  	_ =	shalt  }
0x67: {  	_ =	shalt  }
0x68: {  	_ =	shalt  }
0x69: {  	_ =	shalt  }
0x6a: {  	_ =	shalt  }
0x6b: {  	_ =	shalt  }
0x6c: {  	_ =	shalt  }
0x6d: {  	_ =	shalt  }
0x6e: {  	_ =	shalt  }
0x6f: {  	_ =	shalt  }
0x70: {  	_ =	shalt  }
0x71: {  	_ =	shalt  }
0x72: {  	_ =	shalt  }
0x73: {  	_ =	shalt  }
0x74: {  	_ =	shalt  }
0x75: {  	_ =	shalt  }
0x76: {  	_ =	shalt  }
0x77: {  	_ =	shalt  }
0x78: {  	_ =	shalt  }
0x79: {  	_ =	shalt  }
0x7a: {  	_ =	shalt  }
0x7b: {  	_ =	shalt  }
0x7c: {  	_ =	shalt  }
0x7d: {  	_ =	shalt  }
0x7e: {  	_ =	shalt  }
0x7f: {  	_ =	shalt  }
0x80: {  	_ =	shalt  }
0x81: {  	_ =	shalt  }
0x82: {  	_ =	shalt  }
0x83: {  	_ =	shalt  }
0x84: {  	_ =	shalt  }
0x85: {  	_ =	shalt  }
0x86: {  	_ =	shalt  }
0x87: {  	_ =	shalt  }
.Lfunc_end0:
.L_simem_size_0:
called_computation.1_lowered:
.L_overlay_start_0:
0x88: {  	s2 =	sld [smem:$0x3FD9]  }
0x89: {  	s3 =	sld [smem:$0x3FFE];
	_ =	sdelay $0x1  }
0x8a: {  	s1 =	srdreg.scid  }
0x8b: {  	s0 =	sand.u32 $0x1, s1  }
0x8c: {  	s17 =	sshll.u32 s0, $0xA;
	s2 =	sadd.s32 s3, s2  }
0x8d: {  	s2 =	sadd.s32 s2, s17  }
0x8e: {  	[smem:$0x3FB3] =	sst s2  }
0x8f: {  	_ = 	snop  }
0x90: {  	(tm) =	ssettm $0x1  }
0x91: {  	s18 =	sld [smem:$0x3FFB];
	_ =	sdelay $0x3  }
0x92: {  	_ =	strace s18  }
0x93: {  	s2 =	sld [smem:$0x3FFC];
	_ =	sdelay $0x3  }
0x94: {  	_ =	strace s2  }
0x95: {  	s2 =	sld [smem:$0x3FFD];
	_ =	sdelay $0x3  }
0x96: {  	_ =	strace s2  }
0x97: {  	_ =	strace $0x8FFFFFFF  }
0x98: {  	s19 =	sld [smem:$0x3FDB];
	_ =	sdelay $0x1  }
0x99: {  	s20 =	simm.s32 $_scs_section_size  }
0x9a: {  	s4 =	simm.s32 $_size__tile_overlayer_lowered;
	s5 =	simm.s32 $_tile_overlayer_lowered  }
0x9b: {  	s6 =	simm.s32 $0x1BFF;
	s21 =	sshll.u32 s5, $0x1;
	s3 =	sadd.s32 s20, s19  }
0x9c: {  	s22 =	simm.s32 $0x0;
	s4 =	sshll.u32 s4, $0x1;
	s5 =	sadd.s32 s21, s3  }
0x9d: {  	[timem:s22], [sflag:s6] =	dma.local [hbm:s5], s4  }
0x9e: {  	_ =	swait.ge [sflag:s6], s4  }
0x9f: {  	s4 =	ssub.s32 $0x0, s4;
	[sflag:s6] =	ssyncset.done $0x0  }
0xa0: {  	[sflag:s6] =	ssyncadd.s32 s4;
	_ =	sdelay $0x1  }
0xa1: {  	s23 =	simm.s32 $0x1B8B  }
0xa2: {  	_ =	swait.ge [sflag:s23], $0x1  }
0xa3: {  	[sflag:s23] =	ssyncset.done $0x0  }
0xa4: {  	[sflag:s23] =	ssyncadd.s32 $0xFFFFFFFF  }
0xa5: {  	s4 =	sld [smem:$0x0]  }
0xa6: {  	s5 =	sand.u32 $0xFFFFFFFE, s1  }
0xa7: {  	p0 =	sne.s32 s1, s5  }
0xa8: {  	s5 =	sshll.u32 @p0 s5, $0xE  }
0xa9: {  	s5 =	sadd.s32 @p0 $0x11B8D, s5;
	s6 =	sshll.u32 @p0 s4, $0x11  }
0xaa: {  	s5 =	sor.u32 @p0 s6, s5  }
0xab: {  	[sflag:s5] =	ssyncadd.remote.s32 @p0 $0x1;
	_ =	sdelay $0x1  }
0xac: {  	s5 =	simm.s32 @p0 $0x1B8D  }
0xad: {  	_ =	swait.eq @p0 [sflag:s5], $0x1  }
0xae: {  	[sflag:s5] =	ssyncadd.s32 @p0 $0xFFFFFFFF  }
0xaf: {  	s6 =	sshll.u32 @!p0 s1, $0xE  }
0xb0: {  	s6 =	sor.u32 @!p0 $0x4000, s6;
	s5 =	simm.s32 @!p0 $0x1B8D  }
0xb1: {  	s4 =	sshll.u32 @!p0 s4, $0x11;
	s6 =	sadd.s32 @!p0 $0x11B8D, s6;
	_ =	swait.eq @!p0 [sflag:s5], $0x1  }
0xb2: {  	s4 =	sor.u32 @!p0 s4, s6;
	[sflag:s5] =	ssyncadd.s32 @!p0 $0xFFFFFFFF  }
0xb3: {  	s25 =	simm.s32 $0x1B8E;
	s24 =	sld [smem:$0x3FFE];
	[sflag:s4] =	ssyncadd.remote.s32 @!p0 $0x1  }
0xb4: {  	s26 =	simm.s32 $execute0_lowered;
	[smem:$0x3FD2] =	sst s25  }
0xb5: {  	s5 =	sshll.u32 s26, $0x1;
	_ =	strace $0x80000049;
	[dreg:$0x1] =	wrdreg $0xFFFFFFFF  }
0xb6: {  	s28 =	simm.s32 $_size_execute0_lowered;
	s3 =	sadd.s32 s3, s5;
	[dreg:$0x0] =	wrdreg $0x0  }
0xb7: {  	s5 =	sshll.u32 s28, $0x1;
	[dreg:$0x2] =	wrdreg s3  }
0xb8: {  	[dreg:$0x3] =	wrdreg s5  }
0xb9: {  	[dreg:$0x4] =	wrdreg $0xC0  }
0xba: {  	_ =	task [dreg:s22], $0x5FFFF  }
0xbb: {  	[dreg:$0x1] =	wrdreg $0xFFFFFFFF  }
0xbc: {  	[dreg:$0x0] =	wrdreg $0x60  }
0xbd: {  	[dreg:$0x2] =	wrdreg s24  }
0xbe: {  	[dreg:$0x3] =	wrdreg $0x54000  }
0xbf: {  	[dreg:$0x4] =	wrdreg $0xA  }
0xc0: {  	_ =	task.clear_ibuf [dreg:s22], $0x5FFFF;
	_ =	strace $0x90000049  }
0xc1: {  	s29 =	simm.s32 $0xA;
	_ =	strace $0x8000004B  }
0xc2: {  	_ =	swait.ge [sflag:s29], $0x1  }
0xc3: {  	[sflag:s29] =	ssyncadd.s32 $0xFFFFFFFF  }
0xc4: {  	_ =	strace $0x9000004B  }
0xc5: {  	_ =	sfence  }
0xc6: {  	s30 =	sld [smem:$0x0];
	_ =	sdelay $0x2  }
0xc7: {  	s31 =	sshll.u32 s1, $0xD;
	s1 =	sshrl.u32 s1, $0x2  }
0xc8: {  	s4 =	sand.u32 $0x4000, s31;
	s1 =	sadd.s32 s1, s30  }
0xc9: {  	s0 =	sor.u32 s4, s0;
	s1 =	sshll.u32 s1, $0x11  }
0xca: {  	s0 =	sor.u32 s1, s0  }
0xcb: {  	s0 =	sadd.s32 $0x8F2B, s0  }
0xcc: {  	[sflag:s0] =	ssyncadd.remote.s32 $0x1  }
0xcd: {  	_ =	sfence.sel $0xFFFF  }
0xce: {  	[dreg:$0x0] =	wrdreg $0xFFFFFFFF;
	(pc) =	sbr.abs _section_cstart, $3  }
0xcf: {  	[dreg:$0x1] =	wrdreg $0xFFFFFFFF  }
0xd0: {  	_ =	task.clear_ibuf [dreg:s22], $0x2FFFF;
	_ =	strace $0x9FFFFFFF  }
0xd1: {  	(tm) =	ssettm $0x7FFFFFFF  }
tec
execute0_lowered:
.L_overlay_start_1:
0x0: {  	(tag) =	ssettag $0x1  }
0x1: {  	s0 =	srdreg.scid;
	s5 =	rddreg [dreg:$0x0]  }
0x2: {  	s2 =	rddreg [dreg:$0x1];
	s4 =	sand.u32 $0x1, s0;
	s0 =	stileid.u32  }
0x3: {  	s3 =	simm.s32 $0x0;
	s14 =	simm.s32 $0x80;
	s7 =	smul.u32 $0x2800, s0  }
0x4: {  	s15 =	simm.s32 $0x0;
	[smem:$0x7FF] =	sst s3;
	s8 =	smul.u32 $0x28000, s4  }
0x5: {  	s1 =	sshll.u32 s4, $0x4;
	s28 =	ssub.s32 $0x2, s4;
	s10 =	smul.u32 $0x50000, s0  }
0x6: {  	s4 =	sadd.s32 $0x107600, s5;
	s31 =	sshll.u32 s0, $0x6;
	s1 =	sor.u32 s0, s1  }
0x7: {  	s29 =	sshrl.u32 s28, $0x1;
	s6 =	smul.u32 $0x2800, s1;
	s1 =	rddreg [dreg:$0x2]  }
0x8: {  	_ =	strace $0x8000004A;
	s26 =	sadd.s32 s7, s5;
	s7 =	sadd.s32 s7, s8  }
0x9: {  	s12 =	ssub.s32 s28, s29;
	s30 =	sshrl.u32 s10, $0x2;
	s11 =	sadd.s32 s7, s5  }
0xa: {  	s13 =	sadd.s32 s30, s2;
	s10 =	smax.u32 s12, $0x1;
	s6 =	sshrl.u32 s6, $0x3  }
0xb: {  	s12 =	simm.s32 $0x1;
	s9 =	sadd.s32 s6, s5;
	s5 =	sadd.s32 $0x8F600, s26  }
0xc: {  	s6 =	sor.u32 $0x1C01, s31;
	s7 =	sadd.s32 $0x2B600, s9;
	s8 =	sadd.s32 $0x2B880, s9  }
0xd: {  	s9 =	sadd.s32 $0x107E00, s11;
	s11 =	sshrl.u32 s13, $0x3;
	s13 =	simm.s32 $0x1400  }
.LBB2_1:
0xe: {  	[spmem:s11], [sflag:s6] =	dma.local [hbm:s5], $0x2800  }
0xf: {  	_ =	swait.ge [sflag:s12], $0x2800  }
0x10: {  	[sflag:s12] =	ssyncset.done $0x0  }
0x11: {  	[sflag:s12] =	ssyncadd.s32 $0xFFFFD800  }
0x12: {  	[tilespmem:s13], [sflag:$0x1] =	stream.linear.gather [hbm4b:s4+s3], $0x4000, $0x38;
	[tilespmem:$0x19400] =	vst v63  }
0x13: {  	_ =	swait.ge [sflag:s12], $0x4000  }
0x14: {  	[sflag:s12] =	ssyncset.done $0x0  }
0x15: {  	[sflag:s12] =	ssyncadd.s32 $0xFFFFC000  }
0x16: {  	[bflag:$0x0] =	sbarrier.arrive $0xFFFF  }
0x17: {  	[tilespmem:s3], [sflag:$0x1] =	stream.linear.gather [hbm4b:s7+s3], $0x1400, $0x38;
	[tilespmem:$0x19400] =	vst v63  }
0x18: {  	_ =	swait.ge [sflag:s12], $0x1400  }
0x19: {  	[sflag:s12] =	ssyncset.done $0x0  }
0x1a: {  	s16 =	simm.s32 $0x0;
	[sflag:s12] =	ssyncadd.s32 $0xFFFFEC00  }
0x1b: {  	[spmem:s2] =	stream.indirect.scatter.add.f32 [tilespmem:s13], [sflag:$0x1], $0x80, s16, s14, $0xb8;
	[tilespmem:$0x19400] =	vst v63  }
0x1c: {  	_ =	swait.ge [sflag:s12], $0x4000  }
0x1d: {  	s16 =	simm.s32 $0x200;
	[sflag:s12] =	ssyncset.done $0x0  }
.LBB2_2:
0x1e: {  	s17 =	sshra.s32 s16, $0x2;
	[sflag:s12] =	ssyncadd.s32 $0xFFFFC000;
	p0 =	sne.s32 s16, $0x4E00  }
0x1f: {  	[spmem:s2] =	stream.indirect.scatter.add.f32 [tilespmem:s13], [sflag:$0x1], $0x80, s17, s14, $0xb8;
	[tilespmem:$0x19400] =	vst v63  }
.Ltmp0:
0x20: {  	_ = 	snop;
	(pc) =	sbr.rel @p0 .LBB2_2-.Ltmp0, $4  }
0x21: {  	_ = 	snop  }
0x22: {  	s16 =	sadd.s32 $0x200, s16  }
0x23: {  	_ =	swait.ge [sflag:s12], $0x4000  }
0x24: {  	[sflag:s12] =	ssyncset.done $0x0  }
0x25: {  	[sflag:s12] =	ssyncadd.s32 $0xFFFFC000;
	s16 =	simm.s32 $0x0  }
0x26: {  	[tilespmem:s16], [sflag:$0x1] =	stream.linear.gather [hbm4b:s8+s16], $0x1400, $0x38;
	[tilespmem:$0x19400] =	vst v63  }
0x27: {  	_ =	swait.ge [sflag:s12], $0x1400  }
0x28: {  	[sflag:s12] =	ssyncset.done $0x0  }
0x29: {  	s31 =	simm.s32 $0x0;
	[sflag:s12] =	ssyncadd.s32 $0xFFFFEC00  }
0x2a: {  	[spmem:s2] =	stream.indirect.scatter.add.f32 [tilespmem:s13], [sflag:$0x1], $0x80, s31, s14, $0xb8;
	[tilespmem:$0x19400] =	vst v63  }
0x2b: {  	_ =	swait.ge [sflag:s12], $0x4000  }
0x2c: {  	s16 =	simm.s32 $0x200;
	[sflag:s12] =	ssyncset.done $0x0  }
.LBB2_4:
0x2d: {  	s17 =	sshra.s32 s16, $0x2;
	[sflag:s12] =	ssyncadd.s32 $0xFFFFC000;
	p0 =	sne.s32 s16, $0x4E00  }
0x2e: {  	[spmem:s2] =	stream.indirect.scatter.add.f32 [tilespmem:s13], [sflag:$0x1], $0x80, s17, s14, $0xb8;
	[tilespmem:$0x19400] =	vst v63  }
.Ltmp1:
0x2f: {  	_ = 	snop;
	(pc) =	sbr.rel @p0 .LBB2_4-.Ltmp1, $4  }
0x30: {  	_ = 	snop  }
0x31: {  	s16 =	sadd.s32 $0x200, s16  }
0x32: {  	_ =	swait.ge [sflag:s12], $0x4000  }
0x33: {  	[sflag:s12] =	ssyncset.done $0x0  }
0x34: {  	s15 =	sadd.s32 $0x1, s15  }
0x35: {  	[sflag:s12] =	ssyncadd.s32 $0xFFFFC000;
	p0 =	sne.s32 s15, s10  }
.Ltmp2:
0x36: {  	[bflag:$0x0] =	sbarrier.arrive $0xFFFF;
	(pc) =	sbr.rel @p0 .LBB2_1-.Ltmp2, $4  }
0x37: {  	[hbm:s9], [sflag:s6] =	dma.local [spmem:s11], $0x2800  }
0x38: {  	_ =	swait.ge [sflag:s12], $0x2800  }
0x39: {  	[sflag:s12] =	ssyncset.done $0x0  }
0x3a: {  	[sflag:s12] =	ssyncadd.s32 $0xFFFFD800  }
0x3b: {  	_ =	sfence.sel $0x180000  }
0x3c: {  	[bflag:$0x0] =	sbarrier.arrive $0xFFFF  }
0x3d: {  	p0 =	sne.s32 s0, $0x0;
	_ =	strace $0x9000004A  }
0x3e: {  	s0 =	sadd.s32 @!p0 $0x100000, s1;
	[bflag:$0x2] =	sbarrier.arrive $0xFFFF  }
0x3f: {  	[sflag:s0] =	ssyncadd.tile.s32 @!p0 $0x1;
	_ =	shalt  }
.Lfunc_end2:
_tile_overlayer_lowered:
.L_overlay_start_2:
0x40: {  	(tag) =	ssettag $0x2  }
0x41: {  	s0 =	rddreg [dreg:$0x0];
	s2 =	stileid.u32  }
0x42: {  	s1 =	rddreg [dreg:$0x1];
	p0 =	sne.s32 s2, $0x0  }
0x43: {  	s3 =	rddreg [dreg:$0x2];
	[bflag:$0x3] =	sbarrier.arrive $0xFFFF;
	s2 =	simm.s32 @!p0 $0x1C01  }
0x44: {  	[timem:s3], [sflag:s2] =	dma.local @!p0 [hbm:s0], s1  }
0x45: {  	s0 =	simm.s32 @!p0 $0x1  }
0x46: {  	_ =	swait.ge @!p0 [sflag:s0], s1  }
0x47: {  	s1 =	ssub.s32 @!p0 $0x0, s1;
	[sflag:s0] =	ssyncset.done @!p0 $0x0  }
0x48: {  	[sflag:s0] =	ssyncadd.s32 @!p0 s1  }
0x49: {  	[bflag:$0x3] =	sbarrier.arrive $0xFFFF  }
0x4a: {  	_ =	shalt  }

// kernel: kernel.19.cloned.1.call-start
scs
__scs_entry_jumppad:
0x0: {  	(pc) =	sbr.rel $0x88, $3  }
0x1: {  	(tag) =	ssettag $0x0;
	lr =	simm.s32 $0x1  }
0x2: {  	[smem:$0x3F8C] =	sst lr;
	_ =	strace $0xD0000000  }
0x3: {  	_ = 	snop  }
0x4: {  	_ = 	snop  }
0x5: {  	_ = 	snop  }
0x6: {  	_ = 	snop  }
0x7: {  	_ = 	snop  }
__scs_overlays_trampoline_lowered:
0x8: {  	[smem:$0x3F9B] =	sst s0  }
0x9: {  	[smem:$0x3F9C] =	sst s1  }
0xa: {  	[smem:$0x3F9D] =	sst s2  }
0xb: {  	[smem:$0x3F9E] =	sst s3  }
0xc: {  	[smem:$0x3F9F] =	sst s4  }
0xd: {  	[smem:$0x3FA0] =	sst s5  }
0xe: {  	[smem:$0x3FA1] =	sst s6  }
0xf: {  	[smem:$0x3FA2] =	sst s7  }
0x10: {  	[smem:$0x3FA3] =	sst s8  }
0x11: {  	[smem:$0x3FA4] =	sst s9;
	s0 =	simm.s32 @!p0 $0x0  }
0x12: {  	s1 =	sld [smem:$0x3F8A];
	s0 =	simm.s32 @p0 $0x1  }
0x13: {  	[smem:$0x3FA5] =	sst s0;
	s0 =	simm.s32 @!p1 $0x0  }
0x14: {  	s2 =	sld [smem:$0x3F89];
	s0 =	simm.s32 @p1 $0x1  }
0x15: {  	[smem:$0x3FA6] =	sst s0;
	s0 =	simm.s32 @!p2 $0x0  }
0x16: {  	s3 =	sld [smem:$0x3FDB];
	s0 =	simm.s32 @p2 $0x1  }
0x17: {  	s4 =	simm.s32 $0x1BF5;
	[smem:$0x3FA8] =	sst s0  }
0x18: {  	s0 =	sld [smem:$0x3F8B];
	_ =	swait.ge [sflag:s4], $0x0  }
0x19: {  	s7 =	sld [smem:$0x3F8C]  }
0x1a: {  	s8 =	sadd.s32 $0xFFFFE003, lr  }
0x1b: {  	s9 =	sadd.s32 $0xFFFFFEF7, lr;
	s5 =	simm.s32 $0xFFFFFFFF;
	p2 =	slt.u32 s8, $0xFFFFF086  }
0x1c: {  	p1 =	slt.u32 s9, $0xF7A;
	s5 =	simm.s32 @!p2 $0x0  }
0x1d: {  	s5 =	simm.s32 @p1 $0x1;
	p0 =	seq.s32 s7, s2  }
0x1e: {  	s7 =	smul.u32 @!p0 $0xF7A, s2;
	p2 =	seq.s32 @!p0 s5, $0x0  }
0x1f: {  	s9 =	smul.u32 $0xF7A, s1;
	s8 =	simm.s32 @!p0 $0x1BF5;
	p2 =	por !p2, p0  }
0x20: {  	[sflag:s8] =	ssyncset.s32 @!p0 $0xFFFFF086;
	s6 =	sadd.s32 @!p0 s3, s7;
	s7 =	simm.s32 @!p0 $0x108  }
0x21: {  	s3 =	sadd.s32 s3, s9;
	s6 =	sadd.s32 @!p0 $0x88, s6;
	s7 =	simm.s32 @p2 $0x1082  }
0x22: {  	[simem:s7], [sflag:s8] =	dma.local @!p0 [hbm:s6], $0xF7A  }
0x23: {  	s9 =	sor.u32 $0xD0000000, s2;
	s6 =	simm.s32 $0x108;
	_ =	swait.ge @!p0 [sflag:s8], $0x0  }
0x24: {  	s3 =	sadd.s32 $0x88, s3;
	s6 =	simm.s32 @!p1 $0x1082;
	[sflag:s4] =	ssyncset.s32 $0xFFFFF086  }
0x25: {  	[simem:s6], [sflag:s4] =	dma.local [hbm:s3], $0xF7A  }
0x26: {  	[smem:$0x3F8C] =	sst s1;
	(tag) =	ssettag s2;
	_ =	strace s9  }
0x27: {  	s1 =	sld [smem:$0x3F9C]  }
0x28: {  	s2 =	sld [smem:$0x3F9D]  }
0x29: {  	s4 =	sld [smem:$0x3F9F]  }
0x2a: {  	p0 =	seq.s32 s5, $0x0;
	s5 =	sld [smem:$0x3FA0]  }
0x2b: {  	s6 =	sld [smem:$0x3FA1]  }
0x2c: {  	s7 =	sld [smem:$0x3FA2]  }
0x2d: {  	s3 =	simm.s32 $0x108;
	s8 =	sld [smem:$0x3FA3]  }
0x2e: {  	s3 =	simm.s32 @!p0 $0x1082;
	s9 =	sld [smem:$0x3FA4]  }
0x2f: {  	lr =	sadd.s32 s0, s3;
	s0 =	sld [smem:$0x3F9B]  }
0x30: {  	s3 =	sld [smem:$0x3F9E]  }
0x31: {  	[smem:$0x3FA7] =	sst s10  }
0x32: {  	s10 =	sld [smem:$0x3FA5];
	_ =	sdelay $0x3  }
0x33: {  	p0 =	seq.s32 s10, $0x1;
	s10 =	sld [smem:$0x3FA7];
	_ =	sdelay $0x3  }
0x34: {  	[smem:$0x3FA7] =	sst s10  }
0x35: {  	s10 =	sld [smem:$0x3FA6];
	_ =	sdelay $0x3  }
0x36: {  	p1 =	seq.s32 s10, $0x1;
	s10 =	sld [smem:$0x3FA7];
	_ =	sdelay $0x3  }
0x37: {  	[smem:$0x3FA7] =	sst s10  }
0x38: {  	s10 =	sld [smem:$0x3FA8]  }
0x39: {  	_ = 	snop;
	(pc) =	sbr.ind lr, $3  }
0x3a: {  	_ = 	snop  }
0x3b: {  	_ = 	snop  }
0x3c: {  	p2 =	seq.s32 s10, $0x1;
	s10 =	sld [smem:$0x3FA7]  }
0x3d: {  	_ =	shalt  }
0x3e: {  	_ =	shalt  }
0x3f: {  	_ =	shalt  }
0x40: {  	_ =	shalt  }
0x41: {  	_ =	shalt  }
0x42: {  	_ =	shalt  }
0x43: {  	_ =	shalt  }
0x44: {  	_ =	shalt  }
0x45: {  	_ =	shalt  }
0x46: {  	_ =	shalt  }
0x47: {  	_ =	shalt  }
0x48: {  	_ =	shalt  }
0x49: {  	_ =	shalt  }
0x4a: {  	_ =	shalt  }
0x4b: {  	_ =	shalt  }
0x4c: {  	_ =	shalt  }
0x4d: {  	_ =	shalt  }
0x4e: {  	_ =	shalt  }
0x4f: {  	_ =	shalt  }
0x50: {  	_ =	shalt  }
0x51: {  	_ =	shalt  }
0x52: {  	_ =	shalt  }
0x53: {  	_ =	shalt  }
0x54: {  	_ =	shalt  }
0x55: {  	_ =	shalt  }
0x56: {  	_ =	shalt  }
0x57: {  	_ =	shalt  }
0x58: {  	_ =	shalt  }
0x59: {  	_ =	shalt  }
0x5a: {  	_ =	shalt  }
0x5b: {  	_ =	shalt  }
0x5c: {  	_ =	shalt  }
0x5d: {  	_ =	shalt  }
0x5e: {  	_ =	shalt  }
0x5f: {  	_ =	shalt  }
0x60: {  	_ =	shalt  }
0x61: {  	_ =	shalt  }
0x62: {  	_ =	shalt  }
0x63: {  	_ =	shalt  }
0x64: {  	_ =	shalt  }
0x65: {  	_ =	shalt  }
0x66: {  	_ =	shalt  }
0x67: {  	_ =	shalt  }
0x68: {  	_ =	shalt  }
0x69: {  	_ =	shalt  }
0x6a: {  	_ =	shalt  }
0x6b: {  	_ =	shalt  }
0x6c: {  	_ =	shalt  }
0x6d: {  	_ =	shalt  }
0x6e: {  	_ =	shalt  }
0x6f: {  	_ =	shalt  }
0x70: {  	_ =	shalt  }
0x71: {  	_ =	shalt  }
0x72: {  	_ =	shalt  }
0x73: {  	_ =	shalt  }
0x74: {  	_ =	shalt  }
0x75: {  	_ =	shalt  }
0x76: {  	_ =	shalt  }
0x77: {  	_ =	shalt  }
0x78: {  	_ =	shalt  }
0x79: {  	_ =	shalt  }
0x7a: {  	_ =	shalt  }
0x7b: {  	_ =	shalt  }
0x7c: {  	_ =	shalt  }
0x7d: {  	_ =	shalt  }
0x7e: {  	_ =	shalt  }
0x7f: {  	_ =	shalt  }
0x80: {  	_ =	shalt  }
0x81: {  	_ =	shalt  }
0x82: {  	_ =	shalt  }
0x83: {  	_ =	shalt  }
0x84: {  	_ =	shalt  }
0x85: {  	_ =	shalt  }
0x86: {  	_ =	shalt  }
0x87: {  	_ =	shalt  }
.Lfunc_end0:
.L_simem_size_0:
called_computation.2_lowered:
.L_overlay_start_0:
0x88: {  	s2 =	sld [smem:$0x3FD9]  }
0x89: {  	s3 =	sld [smem:$0x3FFE];
	_ =	sdelay $0x1  }
0x8a: {  	s1 =	srdreg.scid  }
0x8b: {  	s0 =	sand.u32 $0x1, s1  }
0x8c: {  	s16 =	sshll.u32 s0, $0xA;
	s2 =	sadd.s32 s3, s2  }
0x8d: {  	s2 =	sadd.s32 s2, s16  }
0x8e: {  	[smem:$0x3FB3] =	sst s2  }
0x8f: {  	_ = 	snop  }
0x90: {  	(tm) =	ssettm $0x1  }
0x91: {  	s17 =	sld [smem:$0x3FFB];
	_ =	sdelay $0x3  }
0x92: {  	_ =	strace s17  }
0x93: {  	s2 =	sld [smem:$0x3FFC];
	_ =	sdelay $0x3  }
0x94: {  	_ =	strace s2  }
0x95: {  	s2 =	sld [smem:$0x3FFD];
	_ =	sdelay $0x3  }
0x96: {  	_ =	strace s2  }
0x97: {  	_ =	strace $0x8FFFFFFF  }
0x98: {  	s18 =	sld [smem:$0x3FDB];
	_ =	sdelay $0x1  }
0x99: {  	s19 =	simm.s32 $_scs_section_size  }
0x9a: {  	s4 =	simm.s32 $_size__tile_overlayer_lowered;
	s5 =	simm.s32 $_tile_overlayer_lowered  }
0x9b: {  	s22 =	simm.s32 $0x1BFF;
	s21 =	sshll.u32 s5, $0x1;
	s2 =	sadd.s32 s19, s18  }
0x9c: {  	s6 =	simm.s32 $0x0;
	s20 =	sshll.u32 s4, $0x1;
	s4 =	sadd.s32 s21, s2  }
0x9d: {  	[timem:s6], [sflag:s22] =	dma.local [hbm:s4], s20  }
0x9e: {  	_ =	swait.ge [sflag:s22], s20  }
0x9f: {  	s3 =	ssub.s32 $0x0, s20;
	[sflag:s22] =	ssyncset.done $0x0  }
0xa0: {  	[sflag:s22] =	ssyncadd.s32 s3;
	_ =	sdelay $0x1  }
0xa1: {  	s23 =	simm.s32 $0x1B8B  }
0xa2: {  	_ =	swait.ge [sflag:s23], $0x1  }
0xa3: {  	[sflag:s23] =	ssyncset.done $0x0  }
0xa4: {  	s25 =	simm.s32 $0x1B8E;
	s24 =	sld [smem:$0x3FFE];
	[sflag:s23] =	ssyncadd.s32 $0xFFFFFFFF  }
0xa5: {  	s26 =	simm.s32 $execute0_lowered;
	[smem:$0x3FD2] =	sst s25  }
0xa6: {  	s4 =	sshll.u32 s26, $0x1;
	_ =	strace $0x8000004C;
	[dreg:$0x1] =	wrdreg $0xFFFFFFFF  }
0xa7: {  	s28 =	simm.s32 $_size_execute0_lowered;
	s2 =	sadd.s32 s2, s4;
	[dreg:$0x0] =	wrdreg $0x0  }
0xa8: {  	s4 =	sshll.u32 s28, $0x1;
	[dreg:$0x2] =	wrdreg s2  }
0xa9: {  	[dreg:$0x3] =	wrdreg s4  }
0xaa: {  	[dreg:$0x4] =	wrdreg $0xC0  }
0xab: {  	_ =	task [dreg:s6], $0x5FFFF  }
0xac: {  	[dreg:$0x1] =	wrdreg $0xFFFFFFFF  }
0xad: {  	[dreg:$0x0] =	wrdreg $0x60  }
0xae: {  	[dreg:$0x2] =	wrdreg s24  }
0xaf: {  	[dreg:$0x3] =	wrdreg $0xA8000  }
0xb0: {  	[dreg:$0x4] =	wrdreg $0x9  }
0xb1: {  	_ =	task.clear_ibuf [dreg:s6], $0x5FFFF;
	_ =	strace $0x9000004C  }
0xb2: {  	s29 =	simm.s32 $0x9;
	_ =	strace $0x8000004E  }
0xb3: {  	_ =	swait.ge [sflag:s29], $0x1  }
0xb4: {  	[sflag:s29] =	ssyncadd.s32 $0xFFFFFFFF  }
0xb5: {  	_ =	strace $0x9000004E  }
0xb6: {  	_ =	sfence  }
0xb7: {  	s30 =	sld [smem:$0x0];
	_ =	sdelay $0x2  }
0xb8: {  	s31 =	sshll.u32 s1, $0xD;
	s1 =	sshrl.u32 s1, $0x2  }
0xb9: {  	s3 =	sand.u32 $0x4000, s31;
	s1 =	sadd.s32 s1, s30  }
0xba: {  	s0 =	sor.u32 s3, s0;
	s1 =	sshll.u32 s1, $0x11  }
0xbb: {  	s0 =	sor.u32 s1, s0  }
0xbc: {  	s0 =	sadd.s32 $0x8F2B, s0  }
0xbd: {  	[sflag:s0] =	ssyncadd.remote.s32 $0x1  }
0xbe: {  	_ =	sfence.sel $0xFFFF  }
0xbf: {  	[dreg:$0x0] =	wrdreg $0xFFFFFFFF;
	(pc) =	sbr.abs _section_cstart, $3  }
0xc0: {  	[dreg:$0x1] =	wrdreg $0xFFFFFFFF  }
0xc1: {  	_ =	task.clear_ibuf [dreg:s6], $0x2FFFF;
	_ =	strace $0x9FFFFFFF  }
0xc2: {  	(tm) =	ssettm $0x7FFFFFFF  }
0xc3: {  	_ =	shalt  }
tec
execute0_lowered:
.L_overlay_start_1:
0x0: {  	(tag) =	ssettag $0x1  }
0x1: {  	s5 =	rddreg [dreg:$0x0]  }
0x2: {  	s1 =	rddreg [dreg:$0x1]  }
0x3: {  	s0 =	rddreg [dreg:$0x2];
	s3 =	simm.s32 $0x0;
	s2 =	stileid.u32  }
0x4: {  	s6 =	srdreg.scid;
	s16 =	simm.s32 $0x3;
	s17 =	simm.s32 $0x80  }
0x5: {  	s18 =	simm.s32 $0x2800;
	s19 =	simm.s32 $0x1;
	s20 =	simm.s32 $0x6800  }
0x6: {  	s21 =	simm.s32 $0x2;
	s22 =	simm.s32 $0x1380;
	s23 =	simm.s32 $0x2700  }
0x7: {  	s24 =	simm.s32 $0x2780;
	s25 =	simm.s32 $0x0;
	[smem:$0x7FF] =	sst s3  }
0x8: {  	s4 =	sadd.s32 $0x67600, s5;
	s7 =	smul.u32 $0x2800, s2;
	s6 =	sand.u32 $0x1, s6  }
0x9: {  	s9 =	sadd.s32 $0x35600, s5;
	s10 =	sadd.s32 $0x2B600, s5;
	s12 =	smul.u32 $0x50000, s2  }
0xa: {  	s30 =	sshll.u32 s2, $0x6;
	_ =	strace $0x8000004D;
	s8 =	smul.u32 $0x28000, s6  }
0xb: {  	s13 =	sshll.u32 s6, $0x4;
	s6 =	ssub.s32 $0x2, s6;
	s11 =	sadd.s32 s7, s5  }
0xc: {  	s28 =	sor.u32 s2, s13;
	s29 =	sshrl.u32 s6, $0x1;
	s12 =	sshrl.u32 s12, $0x2  }
0xd: {  	s7 =	sadd.s32 s7, s8;
	s8 =	smul.u32 $0x2800, s28;
	s13 =	ssub.s32 s6, s29  }
0xe: {  	s15 =	sadd.s32 s12, s1;
	s6 =	sor.u32 $0x1C04, s30;
	s14 =	sadd.s32 s7, s5  }
0xf: {  	s5 =	sadd.s32 $0x8F600, s11;
	s12 =	smax.u32 s13, $0x1;
	s13 =	sshrl.u32 s15, $0x3  }
0x10: {  	s15 =	simm.s32 $0x1400;
	s8 =	sshrl.u32 s8, $0x3;
	s11 =	sadd.s32 $0xDF600, s14  }
0x11: {  	s14 =	simm.s32 $0x4;
	s7 =	sadd.s32 s9, s8;
	s31 =	sadd.s32 $0x280, s8  }
0x12: {  	s8 =	sadd.s32 s10, s8;
	s9 =	sadd.s32 s9, s31;
	s10 =	sadd.s32 s10, s31  }
.LBB2_1:
0x13: {  	[spmem:s13], [sflag:s6] =	dma.local [hbm:s5], $0x2800  }
0x14: {  	_ =	swait.ge [sflag:s14], $0x2800  }
0x15: {  	[sflag:s14] =	ssyncset.done $0x0  }
0x16: {  	[sflag:s14] =	ssyncadd.s32 $0xFFFFD800  }
0x17: {  	[bflag:$0x0] =	sbarrier.arrive $0xFFFF  }
0x18: {  	[tilespmem:s3], [sflag:$0x3] =	stream.linear.gather [hbm4b:s7+s3], $0x1400, $0x38;
	[tilespmem:$0x1E800] =	vst v63  }
0x19: {  	_ = 	snop  }
0x1a: {  	[tilespmem:s15], [sflag:$0x3] =	stream.linear.gather [hbm4b:s8+s3], $0x1400, $0x38;
	[tilespmem:$0x1E800] =	vst v63  }
0x1b: {  	_ =	swait.ge [sflag:s16], $0x1400  }
0x1c: {  	[sflag:s16] =	ssyncset.done $0x0  }
0x1d: {  	[sflag:s16] =	ssyncadd.s32 $0xFFFFEC00  }
0x1e: {  	_ =	swait.ge [sflag:s16], $0x1400  }
0x1f: {  	[sflag:s16] =	ssyncset.done $0x0  }
0x20: {  	[sflag:s16] =	ssyncadd.s32 $0xFFFFEC00  }
0x21: {  	[tilespmem:s18], [sflag:$0x1] =	stream.indirect.gather [hbm4b:s4+s17], $0x80, s3, s17, $0xb8;
	[tilespmem:$0x1E800] =	vst v63  }
0x22: {  	_ =	swait.ge [sflag:s19], $0x4000  }
0x23: {  	[sflag:s19] =	ssyncset.done $0x0  }
0x24: {  	s26 =	simm.s32 $0x80;
	[sflag:s19] =	ssyncadd.s32 $0xFFFFC000  }
0x25: {  	[tilespmem:s20], [sflag:$0x2] =	stream.indirect.gather [hbm4b:s4+s17], $0x80, s26, s17, $0xb8;
	[tilespmem:$0x1E800] =	vst v63  }
0x26: {  	s29 =	simm.s32 $0x1400  }
0x27: {  	[spmem:s1] =	stream.indirect.scatter.add.f32 [tilespmem:s18], [sflag:$0x4], $0x80, s29, s17, $0xb8;
	[tilespmem:$0x1E800] =	vst v63  }
0x28: {  	_ =	swait.ge [sflag:s14], $0x4000  }
0x29: {  	[sflag:s14] =	ssyncset.done $0x0  }
0x2a: {  	s30 =	simm.s32 $0x100;
	[sflag:s14] =	ssyncadd.s32 $0xFFFFC000  }
0x2b: {  	[tilespmem:s18], [sflag:$0x1] =	stream.indirect.gather [hbm4b:s4+s17], $0x80, s30, s17, $0xb8;
	[tilespmem:$0x1E800] =	vst v63  }
0x2c: {  	_ =	swait.ge [sflag:s21], $0x4000  }
0x2d: {  	[sflag:s21] =	ssyncset.done $0x0  }
0x2e: {  	s31 =	simm.s32 $0x1480;
	[sflag:s21] =	ssyncadd.s32 $0xFFFFC000  }
0x2f: {  	[spmem:s1] =	stream.indirect.scatter.add.f32 [tilespmem:s20], [sflag:$0x4], $0x80, s31, s17, $0xb8;
	[tilespmem:$0x1E800] =	vst v63  }
0x30: {  	_ =	swait.ge [sflag:s14], $0x4000  }
0x31: {  	s26 =	simm.s32 $0x400;
	[sflag:s14] =	ssyncset.done $0x0  }
.LBB2_2:
0x32: {  	p0 =	sne.s32 s26, $0x4800  }
0x33: {  	[sflag:s14] =	ssyncadd.s32 $0xFFFFC000;
	s28 =	smov.u32 s26;
	s26 =	sadd.s32 $0x400, s26  }
0x34: {  	_ =	swait.ge [sflag:s19], $0x4000  }
0x35: {  	s28 =	sshra.s32 s28, $0x2;
	[sflag:s19] =	ssyncset.done $0x0  }
0x36: {  	s29 =	sadd.s32 $0x80, s28;
	[sflag:s19] =	ssyncadd.s32 $0xFFFFC000  }
0x37: {  	[tilespmem:s20], [sflag:$0x2] =	stream.indirect.gather [hbm4b:s4+s17], $0x80, s29, s17, $0xb8;
	[tilespmem:$0x1E800] =	vst v63  }
0x38: {  	s29 =	sadd.s32 $0x1400, s28  }
0x39: {  	[spmem:s1] =	stream.indirect.scatter.add.f32 [tilespmem:s18], [sflag:$0x4], $0x80, s29, s17, $0xb8;
	[tilespmem:$0x1E800] =	vst v63  }
0x3a: {  	_ =	swait.ge [sflag:s14], $0x4000  }
0x3b: {  	[sflag:s14] =	ssyncset.done $0x0  }
0x3c: {  	s29 =	sadd.s32 $0x100, s28;
	[sflag:s14] =	ssyncadd.s32 $0xFFFFC000  }
0x3d: {  	[tilespmem:s18], [sflag:$0x1] =	stream.indirect.gather [hbm4b:s4+s17], $0x80, s29, s17, $0xb8;
	[tilespmem:$0x1E800] =	vst v63  }
0x3e: {  	_ =	swait.ge [sflag:s21], $0x4000  }
.Ltmp0:
0x3f: {  	[sflag:s21] =	ssyncset.done $0x0;
	(pc) =	sbr.rel @p0 .LBB2_2-.Ltmp0, $4  }
0x40: {  	s28 =	sadd.s32 $0x1480, s28;
	[sflag:s21] =	ssyncadd.s32 $0xFFFFC000  }
0x41: {  	[spmem:s1] =	stream.indirect.scatter.add.f32 [tilespmem:s20], [sflag:$0x4], $0x80, s28, s17, $0xb8;
	[tilespmem:$0x1E800] =	vst v63  }
0x42: {  	_ =	swait.ge [sflag:s14], $0x4000  }
0x43: {  	[sflag:s14] =	ssyncset.done $0x0  }
0x44: {  	[sflag:s14] =	ssyncadd.s32 $0xFFFFC000  }
0x45: {  	_ =	swait.ge [sflag:s19], $0x4000  }
0x46: {  	[sflag:s19] =	ssyncset.done $0x0  }
0x47: {  	[sflag:s19] =	ssyncadd.s32 $0xFFFFC000  }
0x48: {  	[tilespmem:s20], [sflag:$0x2] =	stream.indirect.gather [hbm4b:s4+s17], $0x80, s22, s17, $0xb8;
	[tilespmem:$0x1E800] =	vst v63  }
0x49: {  	_ = 	snop  }
0x4a: {  	[spmem:s1] =	stream.indirect.scatter.add.f32 [tilespmem:s18], [sflag:$0x4], $0x80, s23, s17, $0xb8;
	[tilespmem:$0x1E800] =	vst v63  }
0x4b: {  	_ =	swait.ge [sflag:s14], $0x4000  }
0x4c: {  	[sflag:s14] =	ssyncset.done $0x0  }
0x4d: {  	[sflag:s14] =	ssyncadd.s32 $0xFFFFC000  }
0x4e: {  	[tilespmem:s18], [sflag:$0x1] =	stream.indirect.gather [hbm4b:s4+s17], $0x80, s22, s17, $0xb8;
	[tilespmem:$0x1E800] =	vst v63  }
0x4f: {  	_ =	swait.ge [sflag:s21], $0x4000  }
0x50: {  	[sflag:s21] =	ssyncset.done $0x0  }
0x51: {  	[sflag:s21] =	ssyncadd.s32 $0xFFFFC000  }
0x52: {  	[spmem:s1] =	stream.indirect.scatter.add.f32 [tilespmem:s20], [sflag:$0x4], $0x80, s24, s17, $0xb8;
	[tilespmem:$0x1E800] =	vst v63  }
0x53: {  	_ =	swait.ge [sflag:s14], $0x4000  }
0x54: {  	[sflag:s14] =	ssyncset.done $0x0  }
0x55: {  	[sflag:s14] =	ssyncadd.s32 $0xFFFFC000  }
0x56: {  	_ =	swait.ge [sflag:s19], $0x4000  }
0x57: {  	[sflag:s19] =	ssyncset.done $0x0  }
0x58: {  	s26 =	simm.s32 $0x0;
	[sflag:s19] =	ssyncadd.s32 $0xFFFFC000  }
0x59: {  	[tilespmem:s26], [sflag:$0x3] =	stream.linear.gather [hbm4b:s9+s26], $0x1400, $0x38;
	[tilespmem:$0x1E800] =	vst v63  }
0x5a: {  	_ = 	snop  }
0x5b: {  	[tilespmem:s15], [sflag:$0x3] =	stream.linear.gather [hbm4b:s10+s26], $0x1400, $0x38;
	[tilespmem:$0x1E800] =	vst v63  }
0x5c: {  	_ =	swait.ge [sflag:s16], $0x1400  }
0x5d: {  	[sflag:s16] =	ssyncset.done $0x0  }
0x5e: {  	[sflag:s16] =	ssyncadd.s32 $0xFFFFEC00  }
0x5f: {  	_ =	swait.ge [sflag:s16], $0x1400  }
0x60: {  	[sflag:s16] =	ssyncset.done $0x0  }
0x61: {  	[sflag:s16] =	ssyncadd.s32 $0xFFFFEC00  }
0x62: {  	[tilespmem:s18], [sflag:$0x1] =	stream.indirect.gather [hbm4b:s4+s17], $0x80, s26, s17, $0xb8;
	[tilespmem:$0x1E800] =	vst v63  }
0x63: {  	_ =	swait.ge [sflag:s19], $0x4000  }
0x64: {  	[sflag:s19] =	ssyncset.done $0x0  }
0x65: {  	s28 =	simm.s32 $0x80;
	[sflag:s19] =	ssyncadd.s32 $0xFFFFC000  }
0x66: {  	[tilespmem:s20], [sflag:$0x2] =	stream.indirect.gather [hbm4b:s4+s17], $0x80, s28, s17, $0xb8;
	[tilespmem:$0x1E800] =	vst v63  }
0x67: {  	s29 =	simm.s32 $0x1400  }
0x68: {  	[spmem:s1] =	stream.indirect.scatter.add.f32 [tilespmem:s18], [sflag:$0x4], $0x80, s29, s17, $0xb8;
	[tilespmem:$0x1E800] =	vst v63  }
0x69: {  	_ =	swait.ge [sflag:s14], $0x4000  }
0x6a: {  	[sflag:s14] =	ssyncset.done $0x0  }
0x6b: {  	s30 =	simm.s32 $0x100;
	[sflag:s14] =	ssyncadd.s32 $0xFFFFC000  }
0x6c: {  	[tilespmem:s18], [sflag:$0x1] =	stream.indirect.gather [hbm4b:s4+s17], $0x80, s30, s17, $0xb8;
	[tilespmem:$0x1E800] =	vst v63  }
0x6d: {  	_ =	swait.ge [sflag:s21], $0x4000  }
0x6e: {  	[sflag:s21] =	ssyncset.done $0x0  }
0x6f: {  	s31 =	simm.s32 $0x1480;
	[sflag:s21] =	ssyncadd.s32 $0xFFFFC000  }
0x70: {  	[spmem:s1] =	stream.indirect.scatter.add.f32 [tilespmem:s20], [sflag:$0x4], $0x80, s31, s17, $0xb8;
	[tilespmem:$0x1E800] =	vst v63  }
0x71: {  	_ =	swait.ge [sflag:s14], $0x4000  }
0x72: {  	s26 =	simm.s32 $0x400;
	[sflag:s14] =	ssyncset.done $0x0  }
.LBB2_4:
0x73: {  	p0 =	sne.s32 s26, $0x4800  }
0x74: {  	[sflag:s14] =	ssyncadd.s32 $0xFFFFC000;
	s28 =	smov.u32 s26;
	s26 =	sadd.s32 $0x400, s26  }
0x75: {  	_ =	swait.ge [sflag:s19], $0x4000  }
0x76: {  	s28 =	sshra.s32 s28, $0x2;
	[sflag:s19] =	ssyncset.done $0x0  }
0x77: {  	s29 =	sadd.s32 $0x80, s28;
	[sflag:s19] =	ssyncadd.s32 $0xFFFFC000  }
0x78: {  	[tilespmem:s20], [sflag:$0x2] =	stream.indirect.gather [hbm4b:s4+s17], $0x80, s29, s17, $0xb8;
	[tilespmem:$0x1E800] =	vst v63  }
0x79: {  	s29 =	sadd.s32 $0x1400, s28  }
0x7a: {  	[spmem:s1] =	stream.indirect.scatter.add.f32 [tilespmem:s18], [sflag:$0x4], $0x80, s29, s17, $0xb8;
	[tilespmem:$0x1E800] =	vst v63  }
0x7b: {  	_ =	swait.ge [sflag:s14], $0x4000  }
0x7c: {  	[sflag:s14] =	ssyncset.done $0x0  }
0x7d: {  	s29 =	sadd.s32 $0x100, s28;
	[sflag:s14] =	ssyncadd.s32 $0xFFFFC000  }
0x7e: {  	[tilespmem:s18], [sflag:$0x1] =	stream.indirect.gather [hbm4b:s4+s17], $0x80, s29, s17, $0xb8;
	[tilespmem:$0x1E800] =	vst v63  }
0x7f: {  	_ =	swait.ge [sflag:s21], $0x4000  }
.Ltmp1:
0x80: {  	[sflag:s21] =	ssyncset.done $0x0;
	(pc) =	sbr.rel @p0 .LBB2_4-.Ltmp1, $4  }
0x81: {  	s28 =	sadd.s32 $0x1480, s28;
	[sflag:s21] =	ssyncadd.s32 $0xFFFFC000  }
0x82: {  	[spmem:s1] =	stream.indirect.scatter.add.f32 [tilespmem:s20], [sflag:$0x4], $0x80, s28, s17, $0xb8;
	[tilespmem:$0x1E800] =	vst v63  }
0x83: {  	_ =	swait.ge [sflag:s14], $0x4000  }
0x84: {  	[sflag:s14] =	ssyncset.done $0x0  }
0x85: {  	[sflag:s14] =	ssyncadd.s32 $0xFFFFC000  }
0x86: {  	_ =	swait.ge [sflag:s19], $0x4000  }
0x87: {  	[sflag:s19] =	ssyncset.done $0x0  }
0x88: {  	[sflag:s19] =	ssyncadd.s32 $0xFFFFC000  }
0x89: {  	[tilespmem:s20], [sflag:$0x2] =	stream.indirect.gather [hbm4b:s4+s17], $0x80, s22, s17, $0xb8;
	[tilespmem:$0x1E800] =	vst v63  }
0x8a: {  	_ = 	snop  }
0x8b: {  	[spmem:s1] =	stream.indirect.scatter.add.f32 [tilespmem:s18], [sflag:$0x4], $0x80, s23, s17, $0xb8;
	[tilespmem:$0x1E800] =	vst v63  }
0x8c: {  	_ =	swait.ge [sflag:s14], $0x4000  }
0x8d: {  	[sflag:s14] =	ssyncset.done $0x0  }
0x8e: {  	[sflag:s14] =	ssyncadd.s32 $0xFFFFC000  }
0x8f: {  	[tilespmem:s18], [sflag:$0x1] =	stream.indirect.gather [hbm4b:s4+s17], $0x80, s22, s17, $0xb8;
	[tilespmem:$0x1E800] =	vst v63  }
0x90: {  	_ =	swait.ge [sflag:s21], $0x4000  }
0x91: {  	[sflag:s21] =	ssyncset.done $0x0  }
0x92: {  	[sflag:s21] =	ssyncadd.s32 $0xFFFFC000  }
0x93: {  	[spmem:s1] =	stream.indirect.scatter.add.f32 [tilespmem:s20], [sflag:$0x4], $0x80, s24, s17, $0xb8;
	[tilespmem:$0x1E800] =	vst v63  }
0x94: {  	_ =	swait.ge [sflag:s14], $0x4000  }
0x95: {  	[sflag:s14] =	ssyncset.done $0x0  }
0x96: {  	[sflag:s14] =	ssyncadd.s32 $0xFFFFC000  }
0x97: {  	_ =	swait.ge [sflag:s19], $0x4000  }
0x98: {  	s25 =	sadd.s32 $0x1, s25;
	[sflag:s19] =	ssyncset.done $0x0  }
0x99: {  	p0 =	sne.s32 s25, s12;
	[sflag:s19] =	ssyncadd.s32 $0xFFFFC000  }
.Ltmp2:
0x9a: {  	[bflag:$0x0] =	sbarrier.arrive $0xFFFF;
	(pc) =	sbr.rel @p0 .LBB2_1-.Ltmp2, $4  }
0x9b: {  	[hbm:s11], [sflag:s6] =	dma.local [spmem:s13], $0x2800  }
0x9c: {  	_ =	swait.ge [sflag:s14], $0x2800  }
0x9d: {  	[sflag:s14] =	ssyncset.done $0x0  }
0x9e: {  	[sflag:s14] =	ssyncadd.s32 $0xFFFFD800  }
0x9f: {  	_ =	sfence.sel $0x180000  }
0xa0: {  	[bflag:$0x0] =	sbarrier.arrive $0xFFFF  }
0xa1: {  	p0 =	sne.s32 s2, $0x0;
	_ =	strace $0x9000004D  }
0xa2: {  	s0 =	sadd.s32 @!p0 $0x100000, s0;
	[bflag:$0x2] =	sbarrier.arrive $0xFFFF  }
0xa3: {  	[sflag:s0] =	ssyncadd.tile.s32 @!p0 $0x1;
	_ =	shalt  }
.Lfunc_end2:
_tile_overlayer_lowered:
.L_overlay_start_2:
0xa4: {  	(tag) =	ssettag $0x2  }
0xa5: {  	s0 =	rddreg [dreg:$0x0];
	s2 =	stileid.u32  }
0xa6: {  	s1 =	rddreg [dreg:$0x1];
	p0 =	sne.s32 s2, $0x0  }
0xa7: {  	s3 =	rddreg [dreg:$0x2];
	[bflag:$0x3] =	sbarrier.arrive $0xFFFF;
	s2 =	simm.s32 @!p0 $0x1C04  }
0xa8: {  	[timem:s3], [sflag:s2] =	dma.local @!p0 [hbm:s0], s1  }
0xa9: {  	s0 =	simm.s32 @!p0 $0x4  }
0xaa: {  	_ =	swait.ge @!p0 [sflag:s0], s1  }
0xab: {  	s1 =	ssub.s32 @!p0 $0x0, s1;
	[sflag:s0] =	ssyncset.done @!p0 $0x0  }
0xac: {  	[sflag:s0] =	ssyncadd.s32 @!p0 s1  }
0xad: {  	[bflag:$0x3] =	sbarrier.arrive $0xFFFF  }
0xae: {  	_ =	shalt  }

// kernel: kernel.22.cloned.1.call-start
scs
__scs_entry_jumppad:
0x0: {  	(pc) =	sbr.rel $0x88, $3  }
0x1: {  	(tag) =	ssettag $0x0;
	lr =	simm.s32 $0x1  }
0x2: {  	[smem:$0x3F8C] =	sst lr;
	_ =	strace $0xD0000000  }
0x3: {  	_ = 	snop  }
0x4: {  	_ = 	snop  }
0x5: {  	_ = 	snop  }
0x6: {  	_ = 	snop  }
0x7: {  	_ = 	snop  }
__scs_overlays_trampoline_lowered:
0x8: {  	[smem:$0x3F9B] =	sst s0  }
0x9: {  	[smem:$0x3F9C] =	sst s1  }
0xa: {  	[smem:$0x3F9D] =	sst s2  }
0xb: {  	[smem:$0x3F9E] =	sst s3  }
0xc: {  	[smem:$0x3F9F] =	sst s4  }
0xd: {  	[smem:$0x3FA0] =	sst s5  }
0xe: {  	[smem:$0x3FA1] =	sst s6  }
0xf: {  	[smem:$0x3FA2] =	sst s7  }
0x10: {  	[smem:$0x3FA3] =	sst s8  }
0x11: {  	[smem:$0x3FA4] =	sst s9;
	s0 =	simm.s32 @!p0 $0x0  }
0x12: {  	s1 =	sld [smem:$0x3F8A];
	s0 =	simm.s32 @p0 $0x1  }
0x13: {  	[smem:$0x3FA5] =	sst s0;
	s0 =	simm.s32 @!p1 $0x0  }
0x14: {  	s2 =	sld [smem:$0x3F89];
	s0 =	simm.s32 @p1 $0x1  }
0x15: {  	[smem:$0x3FA6] =	sst s0;
	s0 =	simm.s32 @!p2 $0x0  }
0x16: {  	s3 =	sld [smem:$0x3FDB];
	s0 =	simm.s32 @p2 $0x1  }
0x17: {  	s4 =	simm.s32 $0x1BF5;
	[smem:$0x3FA8] =	sst s0  }
0x18: {  	s0 =	sld [smem:$0x3F8B];
	_ =	swait.ge [sflag:s4], $0x0  }
0x19: {  	s7 =	sld [smem:$0x3F8C]  }
0x1a: {  	s8 =	sadd.s32 $0xFFFFE003, lr  }
0x1b: {  	s9 =	sadd.s32 $0xFFFFFEF7, lr;
	s5 =	simm.s32 $0xFFFFFFFF;
	p2 =	slt.u32 s8, $0xFFFFF086  }
0x1c: {  	p1 =	slt.u32 s9, $0xF7A;
	s5 =	simm.s32 @!p2 $0x0  }
0x1d: {  	s5 =	simm.s32 @p1 $0x1;
	p0 =	seq.s32 s7, s2  }
0x1e: {  	s7 =	smul.u32 @!p0 $0xF7A, s2;
	p2 =	seq.s32 @!p0 s5, $0x0  }
0x1f: {  	s9 =	smul.u32 $0xF7A, s1;
	s8 =	simm.s32 @!p0 $0x1BF5;
	p2 =	por !p2, p0  }
0x20: {  	[sflag:s8] =	ssyncset.s32 @!p0 $0xFFFFF086;
	s6 =	sadd.s32 @!p0 s3, s7;
	s7 =	simm.s32 @!p0 $0x108  }
0x21: {  	s3 =	sadd.s32 s3, s9;
	s6 =	sadd.s32 @!p0 $0x88, s6;
	s7 =	simm.s32 @p2 $0x1082  }
0x22: {  	[simem:s7], [sflag:s8] =	dma.local @!p0 [hbm:s6], $0xF7A  }
0x23: {  	s9 =	sor.u32 $0xD0000000, s2;
	s6 =	simm.s32 $0x108;
	_ =	swait.ge @!p0 [sflag:s8], $0x0  }
0x24: {  	s3 =	sadd.s32 $0x88, s3;
	s6 =	simm.s32 @!p1 $0x1082;
	[sflag:s4] =	ssyncset.s32 $0xFFFFF086  }
0x25: {  	[simem:s6], [sflag:s4] =	dma.local [hbm:s3], $0xF7A  }
0x26: {  	[smem:$0x3F8C] =	sst s1;
	(tag) =	ssettag s2;
	_ =	strace s9  }
0x27: {  	s1 =	sld [smem:$0x3F9C]  }
0x28: {  	s2 =	sld [smem:$0x3F9D]  }
0x29: {  	s4 =	sld [smem:$0x3F9F]  }
0x2a: {  	p0 =	seq.s32 s5, $0x0;
	s5 =	sld [smem:$0x3FA0]  }
0x2b: {  	s6 =	sld [smem:$0x3FA1]  }
0x2c: {  	s7 =	sld [smem:$0x3FA2]  }
0x2d: {  	s3 =	simm.s32 $0x108;
	s8 =	sld [smem:$0x3FA3]  }
0x2e: {  	s3 =	simm.s32 @!p0 $0x1082;
	s9 =	sld [smem:$0x3FA4]  }
0x2f: {  	lr =	sadd.s32 s0, s3;
	s0 =	sld [smem:$0x3F9B]  }
0x30: {  	s3 =	sld [smem:$0x3F9E]  }
0x31: {  	[smem:$0x3FA7] =	sst s10  }
0x32: {  	s10 =	sld [smem:$0x3FA5];
	_ =	sdelay $0x3  }
0x33: {  	p0 =	seq.s32 s10, $0x1;
	s10 =	sld [smem:$0x3FA7];
	_ =	sdelay $0x3  }
0x34: {  	[smem:$0x3FA7] =	sst s10  }
0x35: {  	s10 =	sld [smem:$0x3FA6];
	_ =	sdelay $0x3  }
0x36: {  	p1 =	seq.s32 s10, $0x1;
	s10 =	sld [smem:$0x3FA7];
	_ =	sdelay $0x3  }
0x37: {  	[smem:$0x3FA7] =	sst s10  }
0x38: {  	s10 =	sld [smem:$0x3FA8]  }
0x39: {  	_ = 	snop;
	(pc) =	sbr.ind lr, $3  }
0x3a: {  	_ = 	snop  }
0x3b: {  	_ = 	snop  }
0x3c: {  	p2 =	seq.s32 s10, $0x1;
	s10 =	sld [smem:$0x3FA7]  }
0x3d: {  	_ =	shalt  }
0x3e: {  	_ =	shalt  }
0x3f: {  	_ =	shalt  }
0x40: {  	_ =	shalt  }
0x41: {  	_ =	shalt  }
0x42: {  	_ =	shalt  }
0x43: {  	_ =	shalt  }
0x44: {  	_ =	shalt  }
0x45: {  	_ =	shalt  }
0x46: {  	_ =	shalt  }
0x47: {  	_ =	shalt  }
0x48: {  	_ =	shalt  }
0x49: {  	_ =	shalt  }
0x4a: {  	_ =	shalt  }
0x4b: {  	_ =	shalt  }
0x4c: {  	_ =	shalt  }
0x4d: {  	_ =	shalt  }
0x4e: {  	_ =	shalt  }
0x4f: {  	_ =	shalt  }
0x50: {  	_ =	shalt  }
0x51: {  	_ =	shalt  }
0x52: {  	_ =	shalt  }
0x53: {  	_ =	shalt  }
0x54: {  	_ =	shalt  }
0x55: {  	_ =	shalt  }
0x56: {  	_ =	shalt  }
0x57: {  	_ =	shalt  }
0x58: {  	_ =	shalt  }
0x59: {  	_ =	shalt  }
0x5a: {  	_ =	shalt  }
0x5b: {  	_ =	shalt  }
0x5c: {  	_ =	shalt  }
0x5d: {  	_ =	shalt  }
0x5e: {  	_ =	shalt  }
0x5f: {  	_ =	shalt  }
0x60: {  	_ =	shalt  }
0x61: {  	_ =	shalt  }
0x62: {  	_ =	shalt  }
0x63: {  	_ =	shalt  }
0x64: {  	_ =	shalt  }
0x65: {  	_ =	shalt  }
0x66: {  	_ =	shalt  }
0x67: {  	_ =	shalt  }
0x68: {  	_ =	shalt  }
0x69: {  	_ =	shalt  }
0x6a: {  	_ =	shalt  }
0x6b: {  	_ =	shalt  }
0x6c: {  	_ =	shalt  }
0x6d: {  	_ =	shalt  }
0x6e: {  	_ =	shalt  }
0x6f: {  	_ =	shalt  }
0x70: {  	_ =	shalt  }
0x71: {  	_ =	shalt  }
0x72: {  	_ =	shalt  }
0x73: {  	_ =	shalt  }
0x74: {  	_ =	shalt  }
0x75: {  	_ =	shalt  }
0x76: {  	_ =	shalt  }
0x77: {  	_ =	shalt  }
0x78: {  	_ =	shalt  }
0x79: {  	_ =	shalt  }
0x7a: {  	_ =	shalt  }
0x7b: {  	_ =	shalt  }
0x7c: {  	_ =	shalt  }
0x7d: {  	_ =	shalt  }
0x7e: {  	_ =	shalt  }
0x7f: {  	_ =	shalt  }
0x80: {  	_ =	shalt  }
0x81: {  	_ =	shalt  }
0x82: {  	_ =	shalt  }
0x83: {  	_ =	shalt  }
0x84: {  	_ =	shalt  }
0x85: {  	_ =	shalt  }
0x86: {  	_ =	shalt  }
0x87: {  	_ =	shalt  }
.Lfunc_end0:
.L_simem_size_0:
called_computation.3_lowered:
.L_overlay_start_0:
0x88: {  	s2 =	sld [smem:$0x3FD9]  }
0x89: {  	s3 =	sld [smem:$0x3FFE];
	_ =	sdelay $0x1  }
0x8a: {  	s1 =	srdreg.scid  }
0x8b: {  	s0 =	sand.u32 $0x1, s1  }
0x8c: {  	s16 =	sshll.u32 s0, $0xA;
	s2 =	sadd.s32 s3, s2  }
0x8d: {  	s2 =	sadd.s32 s2, s16  }
0x8e: {  	[smem:$0x3FB3] =	sst s2  }
0x8f: {  	_ = 	snop  }
0x90: {  	(tm) =	ssettm $0x1  }
0x91: {  	s17 =	sld [smem:$0x3FFB];
	_ =	sdelay $0x3  }
0x92: {  	_ =	strace s17  }
0x93: {  	s2 =	sld [smem:$0x3FFC];
	_ =	sdelay $0x3  }
0x94: {  	_ =	strace s2  }
0x95: {  	s2 =	sld [smem:$0x3FFD];
	_ =	sdelay $0x3  }
0x96: {  	_ =	strace s2  }
0x97: {  	_ =	strace $0x8FFFFFFF  }
0x98: {  	s18 =	sld [smem:$0x3FDB];
	_ =	sdelay $0x1  }
0x99: {  	s19 =	simm.s32 $_scs_section_size  }
0x9a: {  	s4 =	simm.s32 $_size__tile_overlayer_lowered;
	s5 =	simm.s32 $_tile_overlayer_lowered  }
0x9b: {  	s22 =	simm.s32 $0x1BFF;
	s21 =	sshll.u32 s5, $0x1;
	s2 =	sadd.s32 s19, s18  }
0x9c: {  	s6 =	simm.s32 $0x0;
	s20 =	sshll.u32 s4, $0x1;
	s4 =	sadd.s32 s21, s2  }
0x9d: {  	[timem:s6], [sflag:s22] =	dma.local [hbm:s4], s20  }
0x9e: {  	_ =	swait.ge [sflag:s22], s20  }
0x9f: {  	s3 =	ssub.s32 $0x0, s20;
	[sflag:s22] =	ssyncset.done $0x0  }
0xa0: {  	[sflag:s22] =	ssyncadd.s32 s3;
	_ =	sdelay $0x1  }
0xa1: {  	s23 =	simm.s32 $0x1B8B  }
0xa2: {  	_ =	swait.ge [sflag:s23], $0x1  }
0xa3: {  	[sflag:s23] =	ssyncset.done $0x0  }
0xa4: {  	s25 =	simm.s32 $0x1B8E;
	s24 =	sld [smem:$0x3FFE];
	[sflag:s23] =	ssyncadd.s32 $0xFFFFFFFF  }
0xa5: {  	s26 =	simm.s32 $execute0_lowered;
	[smem:$0x3FD2] =	sst s25  }
0xa6: {  	s4 =	sshll.u32 s26, $0x1;
	_ =	strace $0x8000004F;
	[dreg:$0x1] =	wrdreg $0xFFFFFFFF  }
0xa7: {  	s28 =	simm.s32 $_size_execute0_lowered;
	s2 =	sadd.s32 s2, s4;
	[dreg:$0x0] =	wrdreg $0x0  }
0xa8: {  	s4 =	sshll.u32 s28, $0x1;
	[dreg:$0x2] =	wrdreg s2  }
0xa9: {  	[dreg:$0x3] =	wrdreg s4  }
0xaa: {  	[dreg:$0x4] =	wrdreg $0xC0  }
0xab: {  	_ =	task [dreg:s6], $0x5FFFF  }
0xac: {  	[dreg:$0x1] =	wrdreg $0xFFFFFFFF  }
0xad: {  	[dreg:$0x0] =	wrdreg $0x60  }
0xae: {  	[dreg:$0x2] =	wrdreg s24  }
0xaf: {  	[dreg:$0x3] =	wrdreg $0xA8000  }
0xb0: {  	[dreg:$0x4] =	wrdreg $0x9  }
0xb1: {  	_ =	task.clear_ibuf [dreg:s6], $0x5FFFF;
	_ =	strace $0x9000004F  }
0xb2: {  	s29 =	simm.s32 $0x9;
	_ =	strace $0x80000051  }
0xb3: {  	_ =	swait.ge [sflag:s29], $0x1  }
0xb4: {  	[sflag:s29] =	ssyncadd.s32 $0xFFFFFFFF  }
0xb5: {  	_ =	strace $0x90000051  }
0xb6: {  	_ =	sfence  }
0xb7: {  	s30 =	sld [smem:$0x0];
	_ =	sdelay $0x2  }
0xb8: {  	s31 =	sshll.u32 s1, $0xD;
	s1 =	sshrl.u32 s1, $0x2  }
0xb9: {  	s3 =	sand.u32 $0x4000, s31;
	s1 =	sadd.s32 s1, s30  }
0xba: {  	s0 =	sor.u32 s3, s0;
	s1 =	sshll.u32 s1, $0x11  }
0xbb: {  	s0 =	sor.u32 s1, s0  }
0xbc: {  	s0 =	sadd.s32 $0x8F2B, s0  }
0xbd: {  	[sflag:s0] =	ssyncadd.remote.s32 $0x1  }
0xbe: {  	_ =	sfence.sel $0xFFFF  }
0xbf: {  	[dreg:$0x0] =	wrdreg $0xFFFFFFFF;
	(pc) =	sbr.abs _section_cstart, $3  }
0xc0: {  	[dreg:$0x1] =	wrdreg $0xFFFFFFFF  }
0xc1: {  	_ =	task.clear_ibuf [dreg:s6], $0x2FFFF;
	_ =	strace $0x9FFFFFFF  }
0xc2: {  	(tm) =	ssettm $0x7FFFFFFF  }
0xc3: {  	_ =	shalt  }
tec
execute0_lowered:
.L_overlay_start_1:
0x0: {  	(tag) =	ssettag $0x1  }
0x1: {  	s5 =	rddreg [dreg:$0x0]  }
0x2: {  	s1 =	rddreg [dreg:$0x1]  }
0x3: {  	s0 =	rddreg [dreg:$0x2];
	s3 =	simm.s32 $0x0;
	s2 =	stileid.u32  }
0x4: {  	s6 =	srdreg.scid;
	s16 =	simm.s32 $0x3;
	s17 =	simm.s32 $0x80  }
0x5: {  	s18 =	simm.s32 $0x2800;
	s19 =	simm.s32 $0x1;
	s20 =	simm.s32 $0x6800  }
0x6: {  	s21 =	simm.s32 $0x2;
	s22 =	simm.s32 $0x1380;
	s23 =	simm.s32 $0x2700  }
0x7: {  	s24 =	simm.s32 $0x2780;
	s25 =	simm.s32 $0x0;
	[smem:$0x7FF] =	sst s3  }
0x8: {  	s4 =	sadd.s32 $0x67600, s5;
	s7 =	smul.u32 $0x2800, s2;
	s6 =	sand.u32 $0x1, s6  }
0x9: {  	s9 =	sadd.s32 $0x35600, s5;
	s10 =	sadd.s32 $0x2B600, s5;
	s12 =	smul.u32 $0x50000, s2  }
0xa: {  	s30 =	sshll.u32 s2, $0x6;
	_ =	strace $0x80000050;
	s8 =	smul.u32 $0x28000, s6  }
0xb: {  	s13 =	sshll.u32 s6, $0x4;
	s6 =	ssub.s32 $0x2, s6;
	s11 =	sadd.s32 s7, s5  }
0xc: {  	s28 =	sor.u32 s2, s13;
	s29 =	sshrl.u32 s6, $0x1;
	s12 =	sshrl.u32 s12, $0x2  }
0xd: {  	s7 =	sadd.s32 s7, s8;
	s8 =	smul.u32 $0x2800, s28;
	s13 =	ssub.s32 s6, s29  }
0xe: {  	s15 =	sadd.s32 s12, s1;
	s6 =	sor.u32 $0x1C04, s30;
	s14 =	sadd.s32 s7, s5  }
0xf: {  	s5 =	sadd.s32 $0x8F600, s11;
	s12 =	smax.u32 s13, $0x1;
	s13 =	sshrl.u32 s15, $0x3  }
0x10: {  	s15 =	simm.s32 $0x1400;
	s8 =	sshrl.u32 s8, $0x3;
	s11 =	sadd.s32 $0xDF600, s14  }
0x11: {  	s14 =	simm.s32 $0x4;
	s7 =	sadd.s32 s9, s8;
	s31 =	sadd.s32 $0x280, s8  }
0x12: {  	s8 =	sadd.s32 s10, s8;
	s9 =	sadd.s32 s9, s31;
	s10 =	sadd.s32 s10, s31  }
.LBB2_1:
0x13: {  	[spmem:s13], [sflag:s6] =	dma.local [hbm:s5], $0x2800  }
0x14: {  	_ =	swait.ge [sflag:s14], $0x2800  }
0x15: {  	[sflag:s14] =	ssyncset.done $0x0  }
0x16: {  	[sflag:s14] =	ssyncadd.s32 $0xFFFFD800  }
0x17: {  	[bflag:$0x0] =	sbarrier.arrive $0xFFFF  }
0x18: {  	[tilespmem:s3], [sflag:$0x3] =	stream.linear.gather [hbm4b:s7+s3], $0x1400, $0x38;
	[tilespmem:$0x1E800] =	vst v63  }
0x19: {  	_ = 	snop  }
0x1a: {  	[tilespmem:s15], [sflag:$0x3] =	stream.linear.gather [hbm4b:s8+s3], $0x1400, $0x38;
	[tilespmem:$0x1E800] =	vst v63  }
0x1b: {  	_ =	swait.ge [sflag:s16], $0x1400  }
0x1c: {  	[sflag:s16] =	ssyncset.done $0x0  }
0x1d: {  	[sflag:s16] =	ssyncadd.s32 $0xFFFFEC00  }
0x1e: {  	_ =	swait.ge [sflag:s16], $0x1400  }
0x1f: {  	[sflag:s16] =	ssyncset.done $0x0  }
0x20: {  	[sflag:s16] =	ssyncadd.s32 $0xFFFFEC00  }
0x21: {  	[tilespmem:s18], [sflag:$0x1] =	stream.indirect.gather [hbm4b:s4+s17], $0x80, s3, s17, $0xb8;
	[tilespmem:$0x1E800] =	vst v63  }
0x22: {  	_ =	swait.ge [sflag:s19], $0x4000  }
0x23: {  	[sflag:s19] =	ssyncset.done $0x0  }
0x24: {  	s26 =	simm.s32 $0x80;
	[sflag:s19] =	ssyncadd.s32 $0xFFFFC000  }
0x25: {  	[tilespmem:s20], [sflag:$0x2] =	stream.indirect.gather [hbm4b:s4+s17], $0x80, s26, s17, $0xb8;
	[tilespmem:$0x1E800] =	vst v63  }
0x26: {  	s29 =	simm.s32 $0x1400  }
0x27: {  	[spmem:s1] =	stream.indirect.scatter.add.f32 [tilespmem:s18], [sflag:$0x4], $0x80, s29, s17, $0xb8;
	[tilespmem:$0x1E800] =	vst v63  }
0x28: {  	_ =	swait.ge [sflag:s14], $0x4000  }
0x29: {  	[sflag:s14] =	ssyncset.done $0x0  }
0x2a: {  	s30 =	simm.s32 $0x100;
	[sflag:s14] =	ssyncadd.s32 $0xFFFFC000  }
0x2b: {  	[tilespmem:s18], [sflag:$0x1] =	stream.indirect.gather [hbm4b:s4+s17], $0x80, s30, s17, $0xb8;
	[tilespmem:$0x1E800] =	vst v63  }
0x2c: {  	_ =	swait.ge [sflag:s21], $0x4000  }
0x2d: {  	[sflag:s21] =	ssyncset.done $0x0  }
0x2e: {  	s31 =	simm.s32 $0x1480;
	[sflag:s21] =	ssyncadd.s32 $0xFFFFC000  }
0x2f: {  	[spmem:s1] =	stream.indirect.scatter.add.f32 [tilespmem:s20], [sflag:$0x4], $0x80, s31, s17, $0xb8;
	[tilespmem:$0x1E800] =	vst v63  }
0x30: {  	_ =	swait.ge [sflag:s14], $0x4000  }
0x31: {  	s26 =	simm.s32 $0x400;
	[sflag:s14] =	ssyncset.done $0x0  }
.LBB2_2:
0x32: {  	p0 =	sne.s32 s26, $0x4800  }
0x33: {  	[sflag:s14] =	ssyncadd.s32 $0xFFFFC000;
	s28 =	smov.u32 s26;
	s26 =	sadd.s32 $0x400, s26  }
0x34: {  	_ =	swait.ge [sflag:s19], $0x4000  }
0x35: {  	s28 =	sshra.s32 s28, $0x2;
	[sflag:s19] =	ssyncset.done $0x0  }
0x36: {  	s29 =	sadd.s32 $0x80, s28;
	[sflag:s19] =	ssyncadd.s32 $0xFFFFC000  }
0x37: {  	[tilespmem:s20], [sflag:$0x2] =	stream.indirect.gather [hbm4b:s4+s17], $0x80, s29, s17, $0xb8;
	[tilespmem:$0x1E800] =	vst v63  }
0x38: {  	s29 =	sadd.s32 $0x1400, s28  }
0x39: {  	[spmem:s1] =	stream.indirect.scatter.add.f32 [tilespmem:s18], [sflag:$0x4], $0x80, s29, s17, $0xb8;
	[tilespmem:$0x1E800] =	vst v63  }
0x3a: {  	_ =	swait.ge [sflag:s14], $0x4000  }
0x3b: {  	[sflag:s14] =	ssyncset.done $0x0  }
0x3c: {  	s29 =	sadd.s32 $0x100, s28;
	[sflag:s14] =	ssyncadd.s32 $0xFFFFC000  }
0x3d: {  	[tilespmem:s18], [sflag:$0x1] =	stream.indirect.gather [hbm4b:s4+s17], $0x80, s29, s17, $0xb8;
	[tilespmem:$0x1E800] =	vst v63  }
0x3e: {  	_ =	swait.ge [sflag:s21], $0x4000  }
.Ltmp0:
0x3f: {  	[sflag:s21] =	ssyncset.done $0x0;
	(pc) =	sbr.rel @p0 .LBB2_2-.Ltmp0, $4  }
0x40: {  	s28 =	sadd.s32 $0x1480, s28;
	[sflag:s21] =	ssyncadd.s32 $0xFFFFC000  }
0x41: {  	[spmem:s1] =	stream.indirect.scatter.add.f32 [tilespmem:s20], [sflag:$0x4], $0x80, s28, s17, $0xb8;
	[tilespmem:$0x1E800] =	vst v63  }
0x42: {  	_ =	swait.ge [sflag:s14], $0x4000  }
0x43: {  	[sflag:s14] =	ssyncset.done $0x0  }
0x44: {  	[sflag:s14] =	ssyncadd.s32 $0xFFFFC000  }
0x45: {  	_ =	swait.ge [sflag:s19], $0x4000  }
0x46: {  	[sflag:s19] =	ssyncset.done $0x0  }
0x47: {  	[sflag:s19] =	ssyncadd.s32 $0xFFFFC000  }
0x48: {  	[tilespmem:s20], [sflag:$0x2] =	stream.indirect.gather [hbm4b:s4+s17], $0x80, s22, s17, $0xb8;
	[tilespmem:$0x1E800] =	vst v63  }
0x49: {  	_ = 	snop  }
0x4a: {  	[spmem:s1] =	stream.indirect.scatter.add.f32 [tilespmem:s18], [sflag:$0x4], $0x80, s23, s17, $0xb8;
	[tilespmem:$0x1E800] =	vst v63  }
0x4b: {  	_ =	swait.ge [sflag:s14], $0x4000  }
0x4c: {  	[sflag:s14] =	ssyncset.done $0x0  }
0x4d: {  	[sflag:s14] =	ssyncadd.s32 $0xFFFFC000  }
0x4e: {  	[tilespmem:s18], [sflag:$0x1] =	stream.indirect.gather [hbm4b:s4+s17], $0x80, s22, s17, $0xb8;
	[tilespmem:$0x1E800] =	vst v63  }
0x4f: {  	_ =	swait.ge [sflag:s21], $0x4000  }
0x50: {  	[sflag:s21] =	ssyncset.done $0x0  }
0x51: {  	[sflag:s21] =	ssyncadd.s32 $0xFFFFC000  }
0x52: {  	[spmem:s1] =	stream.indirect.scatter.add.f32 [tilespmem:s20], [sflag:$0x4], $0x80, s24, s17, $0xb8;
	[tilespmem:$0x1E800] =	vst v63  }
0x53: {  	_ =	swait.ge [sflag:s14], $0x4000  }
0x54: {  	[sflag:s14] =	ssyncset.done $0x0  }
0x55: {  	[sflag:s14] =	ssyncadd.s32 $0xFFFFC000  }
0x56: {  	_ =	swait.ge [sflag:s19], $0x4000  }
0x57: {  	[sflag:s19] =	ssyncset.done $0x0  }
0x58: {  	s26 =	simm.s32 $0x0;
	[sflag:s19] =	ssyncadd.s32 $0xFFFFC000  }
0x59: {  	[tilespmem:s26], [sflag:$0x3] =	stream.linear.gather [hbm4b:s9+s26], $0x1400, $0x38;
	[tilespmem:$0x1E800] =	vst v63  }
0x5a: {  	_ = 	snop  }
0x5b: {  	[tilespmem:s15], [sflag:$0x3] =	stream.linear.gather [hbm4b:s10+s26], $0x1400, $0x38;
	[tilespmem:$0x1E800] =	vst v63  }
0x5c: {  	_ =	swait.ge [sflag:s16], $0x1400  }
0x5d: {  	[sflag:s16] =	ssyncset.done $0x0  }
0x5e: {  	[sflag:s16] =	ssyncadd.s32 $0xFFFFEC00  }
0x5f: {  	_ =	swait.ge [sflag:s16], $0x1400  }
0x60: {  	[sflag:s16] =	ssyncset.done $0x0  }
0x61: {  	[sflag:s16] =	ssyncadd.s32 $0xFFFFEC00  }
0x62: {  	[tilespmem:s18], [sflag:$0x1] =	stream.indirect.gather [hbm4b:s4+s17], $0x80, s26, s17, $0xb8;
	[tilespmem:$0x1E800] =	vst v63  }
0x63: {  	_ =	swait.ge [sflag:s19], $0x4000  }
0x64: {  	[sflag:s19] =	ssyncset.done $0x0  }
0x65: {  	s28 =	simm.s32 $0x80;
	[sflag:s19] =	ssyncadd.s32 $0xFFFFC000  }
0x66: {  	[tilespmem:s20], [sflag:$0x2] =	stream.indirect.gather [hbm4b:s4+s17], $0x80, s28, s17, $0xb8;
	[tilespmem:$0x1E800] =	vst v63  }
0x67: {  	s29 =	simm.s32 $0x1400  }
0x68: {  	[spmem:s1] =	stream.indirect.scatter.add.f32 [tilespmem:s18], [sflag:$0x4], $0x80, s29, s17, $0xb8;
	[tilespmem:$0x1E800] =	vst v63  }
0x69: {  	_ =	swait.ge [sflag:s14], $0x4000  }
0x6a: {  	[sflag:s14] =	ssyncset.done $0x0  }
0x6b: {  	s30 =	simm.s32 $0x100;
	[sflag:s14] =	ssyncadd.s32 $0xFFFFC000  }
0x6c: {  	[tilespmem:s18], [sflag:$0x1] =	stream.indirect.gather [hbm4b:s4+s17], $0x80, s30, s17, $0xb8;
	[tilespmem:$0x1E800] =	vst v63  }
0x6d: {  	_ =	swait.ge [sflag:s21], $0x4000  }
0x6e: {  	[sflag:s21] =	ssyncset.done $0x0  }
0x6f: {  	s31 =	simm.s32 $0x1480;
	[sflag:s21] =	ssyncadd.s32 $0xFFFFC000  }
0x70: {  	[spmem:s1] =	stream.indirect.scatter.add.f32 [tilespmem:s20], [sflag:$0x4], $0x80, s31, s17, $0xb8;
	[tilespmem:$0x1E800] =	vst v63  }
0x71: {  	_ =	swait.ge [sflag:s14], $0x4000  }
0x72: {  	s26 =	simm.s32 $0x400;
	[sflag:s14] =	ssyncset.done $0x0  }
.LBB2_4:
0x73: {  	p0 =	sne.s32 s26, $0x4800  }
0x74: {  	[sflag:s14] =	ssyncadd.s32 $0xFFFFC000;
	s28 =	smov.u32 s26;
	s26 =	sadd.s32 $0x400, s26  }
0x75: {  	_ =	swait.ge [sflag:s19], $0x4000  }
0x76: {  	s28 =	sshra.s32 s28, $0x2;
	[sflag:s19] =	ssyncset.done $0x0  }
0x77: {  	s29 =	sadd.s32 $0x80, s28;
	[sflag:s19] =	ssyncadd.s32 $0xFFFFC000  }
0x78: {  	[tilespmem:s20], [sflag:$0x2] =	stream.indirect.gather [hbm4b:s4+s17], $0x80, s29, s17, $0xb8;
	[tilespmem:$0x1E800] =	vst v63  }
0x79: {  	s29 =	sadd.s32 $0x1400, s28  }
0x7a: {  	[spmem:s1] =	stream.indirect.scatter.add.f32 [tilespmem:s18], [sflag:$0x4], $0x80, s29, s17, $0xb8;
	[tilespmem:$0x1E800] =	vst v63  }
0x7b: {  	_ =	swait.ge [sflag:s14], $0x4000  }
0x7c: {  	[sflag:s14] =	ssyncset.done $0x0  }
0x7d: {  	s29 =	sadd.s32 $0x100, s28;
	[sflag:s14] =	ssyncadd.s32 $0xFFFFC000  }
0x7e: {  	[tilespmem:s18], [sflag:$0x1] =	stream.indirect.gather [hbm4b:s4+s17], $0x80, s29, s17, $0xb8;
	[tilespmem:$0x1E800] =	vst v63  }
0x7f: {  	_ =	swait.ge [sflag:s21], $0x4000  }
.Ltmp1:
0x80: {  	[sflag:s21] =	ssyncset.done $0x0;
	(pc) =	sbr.rel @p0 .LBB2_4-.Ltmp1, $4  }
0x81: {  	s28 =	sadd.s32 $0x1480, s28;
	[sflag:s21] =	ssyncadd.s32 $0xFFFFC000  }
0x82: {  	[spmem:s1] =	stream.indirect.scatter.add.f32 [tilespmem:s20], [sflag:$0x4], $0x80, s28, s17, $0xb8;
	[tilespmem:$0x1E800] =	vst v63  }
0x83: {  	_ =	swait.ge [sflag:s14], $0x4000  }
0x84: {  	[sflag:s14] =	ssyncset.done $0x0  }
0x85: {  	[sflag:s14] =	ssyncadd.s32 $0xFFFFC000  }
0x86: {  	_ =	swait.ge [sflag:s19], $0x4000  }
0x87: {  	[sflag:s19] =	ssyncset.done $0x0  }
0x88: {  	[sflag:s19] =	ssyncadd.s32 $0xFFFFC000  }
0x89: {  	[tilespmem:s20], [sflag:$0x2] =	stream.indirect.gather [hbm4b:s4+s17], $0x80, s22, s17, $0xb8;
	[tilespmem:$0x1E800] =	vst v63  }
0x8a: {  	_ = 	snop  }
0x8b: {  	[spmem:s1] =	stream.indirect.scatter.add.f32 [tilespmem:s18], [sflag:$0x4], $0x80, s23, s17, $0xb8;
	[tilespmem:$0x1E800] =	vst v63  }
0x8c: {  	_ =	swait.ge [sflag:s14], $0x4000  }
0x8d: {  	[sflag:s14] =	ssyncset.done $0x0  }
0x8e: {  	[sflag:s14] =	ssyncadd.s32 $0xFFFFC000  }
0x8f: {  	[tilespmem:s18], [sflag:$0x1] =	stream.indirect.gather [hbm4b:s4+s17], $0x80, s22, s17, $0xb8;
	[tilespmem:$0x1E800] =	vst v63  }
0x90: {  	_ =	swait.ge [sflag:s21], $0x4000  }
0x91: {  	[sflag:s21] =	ssyncset.done $0x0  }
0x92: {  	[sflag:s21] =	ssyncadd.s32 $0xFFFFC000  }
0x93: {  	[spmem:s1] =	stream.indirect.scatter.add.f32 [tilespmem:s20], [sflag:$0x4], $0x80, s24, s17, $0xb8;
	[tilespmem:$0x1E800] =	vst v63  }
0x94: {  	_ =	swait.ge [sflag:s14], $0x4000  }
0x95: {  	[sflag:s14] =	ssyncset.done $0x0  }
0x96: {  	[sflag:s14] =	ssyncadd.s32 $0xFFFFC000  }
0x97: {  	_ =	swait.ge [sflag:s19], $0x4000  }
0x98: {  	s25 =	sadd.s32 $0x1, s25;
	[sflag:s19] =	ssyncset.done $0x0  }
0x99: {  	p0 =	sne.s32 s25, s12;
	[sflag:s19] =	ssyncadd.s32 $0xFFFFC000  }
.Ltmp2:
0x9a: {  	[bflag:$0x0] =	sbarrier.arrive $0xFFFF;
	(pc) =	sbr.rel @p0 .LBB2_1-.Ltmp2, $4  }
0x9b: {  	[hbm:s11], [sflag:s6] =	dma.local [spmem:s13], $0x2800  }
0x9c: {  	_ =	swait.ge [sflag:s14], $0x2800  }
0x9d: {  	[sflag:s14] =	ssyncset.done $0x0  }
0x9e: {  	[sflag:s14] =	ssyncadd.s32 $0xFFFFD800  }
0x9f: {  	_ =	sfence.sel $0x180000  }
0xa0: {  	[bflag:$0x0] =	sbarrier.arrive $0xFFFF  }
0xa1: {  	p0 =	sne.s32 s2, $0x0;
	_ =	strace $0x90000050  }
0xa2: {  	s0 =	sadd.s32 @!p0 $0x100000, s0;
	[bflag:$0x2] =	sbarrier.arrive $0xFFFF  }
0xa3: {  	[sflag:s0] =	ssyncadd.tile.s32 @!p0 $0x1;
	_ =	shalt  }
.Lfunc_end2:
_tile_overlayer_lowered:
.L_overlay_start_2:
0xa4: {  	(tag) =	ssettag $0x2  }
0xa5: {  	s0 =	rddreg [dreg:$0x0];
	s2 =	stileid.u32  }
0xa6: {  	s1 =	rddreg [dreg:$0x1];
	p0 =	sne.s32 s2, $0x0  }
0xa7: {  	s3 =	rddreg [dreg:$0x2];
	[bflag:$0x3] =	sbarrier.arrive $0xFFFF;
	s2 =	simm.s32 @!p0 $0x1C04  }
0xa8: {  	[timem:s3], [sflag:s2] =	dma.local @!p0 [hbm:s0], s1  }
0xa9: {  	s0 =	simm.s32 @!p0 $0x4  }
0xaa: {  	_ =	swait.ge @!p0 [sflag:s0], s1  }
0xab: {  	s1 =	ssub.s32 @!p0 $0x0, s1;
	[sflag:s0] =	ssyncset.done @!p0 $0x0  }
0xac: {  	[sflag:s0] =	ssyncadd.s32 @!p0 s1  }
0xad: {  	[bflag:$0x3] =	sbarrier.arrive $0xFFFF  }
0xae: {  	_ =	shalt  }

// kernel: kernel.25.cloned.1.call-start
scs
__scs_entry_jumppad:
0x0: {  	(pc) =	sbr.rel $0x88, $3  }
0x1: {  	(tag) =	ssettag $0x0;
	lr =	simm.s32 $0x1  }
0x2: {  	[smem:$0x3F8C] =	sst lr;
	_ =	strace $0xD0000000  }
0x3: {  	_ = 	snop  }
0x4: {  	_ = 	snop  }
0x5: {  	_ = 	snop  }
0x6: {  	_ = 	snop  }
0x7: {  	_ = 	snop  }
__scs_overlays_trampoline_lowered:
0x8: {  	[smem:$0x3F9B] =	sst s0  }
0x9: {  	[smem:$0x3F9C] =	sst s1  }
0xa: {  	[smem:$0x3F9D] =	sst s2  }
0xb: {  	[smem:$0x3F9E] =	sst s3  }
0xc: {  	[smem:$0x3F9F] =	sst s4  }
0xd: {  	[smem:$0x3FA0] =	sst s5  }
0xe: {  	[smem:$0x3FA1] =	sst s6  }
0xf: {  	[smem:$0x3FA2] =	sst s7  }
0x10: {  	[smem:$0x3FA3] =	sst s8  }
0x11: {  	[smem:$0x3FA4] =	sst s9;
	s0 =	simm.s32 @!p0 $0x0  }
0x12: {  	s1 =	sld [smem:$0x3F8A];
	s0 =	simm.s32 @p0 $0x1  }
0x13: {  	[smem:$0x3FA5] =	sst s0;
	s0 =	simm.s32 @!p1 $0x0  }
0x14: {  	s2 =	sld [smem:$0x3F89];
	s0 =	simm.s32 @p1 $0x1  }
0x15: {  	[smem:$0x3FA6] =	sst s0;
	s0 =	simm.s32 @!p2 $0x0  }
0x16: {  	s3 =	sld [smem:$0x3FDB];
	s0 =	simm.s32 @p2 $0x1  }
0x17: {  	s4 =	simm.s32 $0x1BF5;
	[smem:$0x3FA8] =	sst s0  }
0x18: {  	s0 =	sld [smem:$0x3F8B];
	_ =	swait.ge [sflag:s4], $0x0  }
0x19: {  	s7 =	sld [smem:$0x3F8C]  }
0x1a: {  	s8 =	sadd.s32 $0xFFFFE003, lr  }
0x1b: {  	s9 =	sadd.s32 $0xFFFFFEF7, lr;
	s5 =	simm.s32 $0xFFFFFFFF;
	p2 =	slt.u32 s8, $0xFFFFF086  }
0x1c: {  	p1 =	slt.u32 s9, $0xF7A;
	s5 =	simm.s32 @!p2 $0x0  }
0x1d: {  	s5 =	simm.s32 @p1 $0x1;
	p0 =	seq.s32 s7, s2  }
0x1e: {  	s7 =	smul.u32 @!p0 $0xF7A, s2;
	p2 =	seq.s32 @!p0 s5, $0x0  }
0x1f: {  	s9 =	smul.u32 $0xF7A, s1;
	s8 =	simm.s32 @!p0 $0x1BF5;
	p2 =	por !p2, p0  }
0x20: {  	[sflag:s8] =	ssyncset.s32 @!p0 $0xFFFFF086;
	s6 =	sadd.s32 @!p0 s3, s7;
	s7 =	simm.s32 @!p0 $0x108  }
0x21: {  	s3 =	sadd.s32 s3, s9;
	s6 =	sadd.s32 @!p0 $0x88, s6;
	s7 =	simm.s32 @p2 $0x1082  }
0x22: {  	[simem:s7], [sflag:s8] =	dma.local @!p0 [hbm:s6], $0xF7A  }
0x23: {  	s9 =	sor.u32 $0xD0000000, s2;
	s6 =	simm.s32 $0x108;
	_ =	swait.ge @!p0 [sflag:s8], $0x0  }
0x24: {  	s3 =	sadd.s32 $0x88, s3;
	s6 =	simm.s32 @!p1 $0x1082;
	[sflag:s4] =	ssyncset.s32 $0xFFFFF086  }
0x25: {  	[simem:s6], [sflag:s4] =	dma.local [hbm:s3], $0xF7A  }
0x26: {  	[smem:$0x3F8C] =	sst s1;
	(tag) =	ssettag s2;
	_ =	strace s9  }
0x27: {  	s1 =	sld [smem:$0x3F9C]  }
0x28: {  	s2 =	sld [smem:$0x3F9D]  }
0x29: {  	s4 =	sld [smem:$0x3F9F]  }
0x2a: {  	p0 =	seq.s32 s5, $0x0;
	s5 =	sld [smem:$0x3FA0]  }
0x2b: {  	s6 =	sld [smem:$0x3FA1]  }
0x2c: {  	s7 =	sld [smem:$0x3FA2]  }
0x2d: {  	s3 =	simm.s32 $0x108;
	s8 =	sld [smem:$0x3FA3]  }
0x2e: {  	s3 =	simm.s32 @!p0 $0x1082;
	s9 =	sld [smem:$0x3FA4]  }
0x2f: {  	lr =	sadd.s32 s0, s3;
	s0 =	sld [smem:$0x3F9B]  }
0x30: {  	s3 =	sld [smem:$0x3F9E]  }
0x31: {  	[smem:$0x3FA7] =	sst s10  }
0x32: {  	s10 =	sld [smem:$0x3FA5];
	_ =	sdelay $0x3  }
0x33: {  	p0 =	seq.s32 s10, $0x1;
	s10 =	sld [smem:$0x3FA7];
	_ =	sdelay $0x3  }
0x34: {  	[smem:$0x3FA7] =	sst s10  }
0x35: {  	s10 =	sld [smem:$0x3FA6];
	_ =	sdelay $0x3  }
0x36: {  	p1 =	seq.s32 s10, $0x1;
	s10 =	sld [smem:$0x3FA7];
	_ =	sdelay $0x3  }
0x37: {  	[smem:$0x3FA7] =	sst s10  }
0x38: {  	s10 =	sld [smem:$0x3FA8]  }
0x39: {  	_ = 	snop;
	(pc) =	sbr.ind lr, $3  }
0x3a: {  	_ = 	snop  }
0x3b: {  	_ = 	snop  }
0x3c: {  	p2 =	seq.s32 s10, $0x1;
	s10 =	sld [smem:$0x3FA7]  }
0x3d: {  	_ =	shalt  }
0x3e: {  	_ =	shalt  }
0x3f: {  	_ =	shalt  }
0x40: {  	_ =	shalt  }
0x41: {  	_ =	shalt  }
0x42: {  	_ =	shalt  }
0x43: {  	_ =	shalt  }
0x44: {  	_ =	shalt  }
0x45: {  	_ =	shalt  }
0x46: {  	_ =	shalt  }
0x47: {  	_ =	shalt  }
0x48: {  	_ =	shalt  }
0x49: {  	_ =	shalt  }
0x4a: {  	_ =	shalt  }
0x4b: {  	_ =	shalt  }
0x4c: {  	_ =	shalt  }
0x4d: {  	_ =	shalt  }
0x4e: {  	_ =	shalt  }
0x4f: {  	_ =	shalt  }
0x50: {  	_ =	shalt  }
0x51: {  	_ =	shalt  }
0x52: {  	_ =	shalt  }
0x53: {  	_ =	shalt  }
0x54: {  	_ =	shalt  }
0x55: {  	_ =	shalt  }
0x56: {  	_ =	shalt  }
0x57: {  	_ =	shalt  }
0x58: {  	_ =	shalt  }
0x59: {  	_ =	shalt  }
0x5a: {  	_ =	shalt  }
0x5b: {  	_ =	shalt  }
0x5c: {  	_ =	shalt  }
0x5d: {  	_ =	shalt  }
0x5e: {  	_ =	shalt  }
0x5f: {  	_ =	shalt  }
0x60: {  	_ =	shalt  }
0x61: {  	_ =	shalt  }
0x62: {  	_ =	shalt  }
0x63: {  	_ =	shalt  }
0x64: {  	_ =	shalt  }
0x65: {  	_ =	shalt  }
0x66: {  	_ =	shalt  }
0x67: {  	_ =	shalt  }
0x68: {  	_ =	shalt  }
0x69: {  	_ =	shalt  }
0x6a: {  	_ =	shalt  }
0x6b: {  	_ =	shalt  }
0x6c: {  	_ =	shalt  }
0x6d: {  	_ =	shalt  }
0x6e: {  	_ =	shalt  }
0x6f: {  	_ =	shalt  }
0x70: {  	_ =	shalt  }
0x71: {  	_ =	shalt  }
0x72: {  	_ =	shalt  }
0x73: {  	_ =	shalt  }
0x74: {  	_ =	shalt  }
0x75: {  	_ =	shalt  }
0x76: {  	_ =	shalt  }
0x77: {  	_ =	shalt  }
0x78: {  	_ =	shalt  }
0x79: {  	_ =	shalt  }
0x7a: {  	_ =	shalt  }
0x7b: {  	_ =	shalt  }
0x7c: {  	_ =	shalt  }
0x7d: {  	_ =	shalt  }
0x7e: {  	_ =	shalt  }
0x7f: {  	_ =	shalt  }
0x80: {  	_ =	shalt  }
0x81: {  	_ =	shalt  }
0x82: {  	_ =	shalt  }
0x83: {  	_ =	shalt  }
0x84: {  	_ =	shalt  }
0x85: {  	_ =	shalt  }
0x86: {  	_ =	shalt  }
0x87: {  	_ =	shalt  }
.Lfunc_end0:
.L_simem_size_0:
called_computation.4_lowered:
.L_overlay_start_0:
0x88: {  	s2 =	sld [smem:$0x3FD9]  }
0x89: {  	s3 =	sld [smem:$0x3FFE];
	_ =	sdelay $0x1  }
0x8a: {  	s1 =	srdreg.scid  }
0x8b: {  	s0 =	sand.u32 $0x1, s1  }
0x8c: {  	s16 =	sshll.u32 s0, $0xA;
	s2 =	sadd.s32 s3, s2  }
0x8d: {  	s2 =	sadd.s32 s2, s16  }
0x8e: {  	[smem:$0x3FB3] =	sst s2  }
0x8f: {  	_ = 	snop  }
0x90: {  	(tm) =	ssettm $0x1  }
0x91: {  	s17 =	sld [smem:$0x3FFB];
	_ =	sdelay $0x3  }
0x92: {  	_ =	strace s17  }
0x93: {  	s2 =	sld [smem:$0x3FFC];
	_ =	sdelay $0x3  }
0x94: {  	_ =	strace s2  }
0x95: {  	s2 =	sld [smem:$0x3FFD];
	_ =	sdelay $0x3  }
0x96: {  	_ =	strace s2  }
0x97: {  	_ =	strace $0x8FFFFFFF  }
0x98: {  	s18 =	sld [smem:$0x3FDB];
	_ =	sdelay $0x1  }
0x99: {  	s19 =	simm.s32 $_scs_section_size  }
0x9a: {  	s4 =	simm.s32 $_size__tile_overlayer_lowered;
	s5 =	simm.s32 $_tile_overlayer_lowered  }
0x9b: {  	s22 =	simm.s32 $0x1BFF;
	s21 =	sshll.u32 s5, $0x1;
	s2 =	sadd.s32 s19, s18  }
0x9c: {  	s6 =	simm.s32 $0x0;
	s20 =	sshll.u32 s4, $0x1;
	s4 =	sadd.s32 s21, s2  }
0x9d: {  	[timem:s6], [sflag:s22] =	dma.local [hbm:s4], s20  }
0x9e: {  	_ =	swait.ge [sflag:s22], s20  }
0x9f: {  	s3 =	ssub.s32 $0x0, s20;
	[sflag:s22] =	ssyncset.done $0x0  }
0xa0: {  	[sflag:s22] =	ssyncadd.s32 s3;
	_ =	sdelay $0x1  }
0xa1: {  	s23 =	simm.s32 $0x1B8B  }
0xa2: {  	_ =	swait.ge [sflag:s23], $0x1  }
0xa3: {  	[sflag:s23] =	ssyncset.done $0x0  }
0xa4: {  	s25 =	simm.s32 $0x1B8E;
	s24 =	sld [smem:$0x3FFE];
	[sflag:s23] =	ssyncadd.s32 $0xFFFFFFFF  }
0xa5: {  	s26 =	simm.s32 $execute0_lowered;
	[smem:$0x3FD2] =	sst s25  }
0xa6: {  	s4 =	sshll.u32 s26, $0x1;
	_ =	strace $0x80000052;
	[dreg:$0x1] =	wrdreg $0xFFFFFFFF  }
0xa7: {  	s28 =	simm.s32 $_size_execute0_lowered;
	s2 =	sadd.s32 s2, s4;
	[dreg:$0x0] =	wrdreg $0x0  }
0xa8: {  	s4 =	sshll.u32 s28, $0x1;
	[dreg:$0x2] =	wrdreg s2  }
0xa9: {  	[dreg:$0x3] =	wrdreg s4  }
0xaa: {  	[dreg:$0x4] =	wrdreg $0xC0  }
0xab: {  	_ =	task [dreg:s6], $0x5FFFF  }
0xac: {  	[dreg:$0x1] =	wrdreg $0xFFFFFFFF  }
0xad: {  	[dreg:$0x0] =	wrdreg $0x60  }
0xae: {  	[dreg:$0x2] =	wrdreg s24  }
0xaf: {  	[dreg:$0x3] =	wrdreg $0xA8000  }
0xb0: {  	[dreg:$0x4] =	wrdreg $0x9  }
0xb1: {  	_ =	task.clear_ibuf [dreg:s6], $0x5FFFF;
	_ =	strace $0x90000052  }
0xb2: {  	s29 =	simm.s32 $0x9;
	_ =	strace $0x80000054  }
0xb3: {  	_ =	swait.ge [sflag:s29], $0x1  }
0xb4: {  	[sflag:s29] =	ssyncadd.s32 $0xFFFFFFFF  }
0xb5: {  	_ =	strace $0x90000054  }
0xb6: {  	_ =	sfence  }
0xb7: {  	s30 =	sld [smem:$0x0];
	_ =	sdelay $0x2  }
0xb8: {  	s31 =	sshll.u32 s1, $0xD;
	s1 =	sshrl.u32 s1, $0x2  }
0xb9: {  	s3 =	sand.u32 $0x4000, s31;
	s1 =	sadd.s32 s1, s30  }
0xba: {  	s0 =	sor.u32 s3, s0;
	s1 =	sshll.u32 s1, $0x11  }
0xbb: {  	s0 =	sor.u32 s1, s0  }
0xbc: {  	s0 =	sadd.s32 $0x8F2B, s0  }
0xbd: {  	[sflag:s0] =	ssyncadd.remote.s32 $0x1  }
0xbe: {  	_ =	sfence.sel $0xFFFF  }
0xbf: {  	[dreg:$0x0] =	wrdreg $0xFFFFFFFF;
	(pc) =	sbr.abs _section_cstart, $3  }
0xc0: {  	[dreg:$0x1] =	wrdreg $0xFFFFFFFF  }
0xc1: {  	_ =	task.clear_ibuf [dreg:s6], $0x2FFFF;
	_ =	strace $0x9FFFFFFF  }
0xc2: {  	(tm) =	ssettm $0x7FFFFFFF  }
0xc3: {  	_ =	shalt  }
tec
execute0_lowered:
.L_overlay_start_1:
0x0: {  	(tag) =	ssettag $0x1  }
0x1: {  	s5 =	rddreg [dreg:$0x0]  }
0x2: {  	s1 =	rddreg [dreg:$0x1]  }
0x3: {  	s0 =	rddreg [dreg:$0x2];
	s3 =	simm.s32 $0x0;
	s2 =	stileid.u32  }
0x4: {  	s6 =	srdreg.scid;
	s16 =	simm.s32 $0x3;
	s17 =	simm.s32 $0x80  }
0x5: {  	s18 =	simm.s32 $0x2800;
	s19 =	simm.s32 $0x1;
	s20 =	simm.s32 $0x6800  }
0x6: {  	s21 =	simm.s32 $0x2;
	s22 =	simm.s32 $0x1380;
	s23 =	simm.s32 $0x2700  }
0x7: {  	s24 =	simm.s32 $0x2780;
	s25 =	simm.s32 $0x0;
	[smem:$0x7FF] =	sst s3  }
0x8: {  	s4 =	sadd.s32 $0x67600, s5;
	s7 =	smul.u32 $0x2800, s2;
	s6 =	sand.u32 $0x1, s6  }
0x9: {  	s9 =	sadd.s32 $0x35600, s5;
	s10 =	sadd.s32 $0x2B600, s5;
	s12 =	smul.u32 $0x50000, s2  }
0xa: {  	s30 =	sshll.u32 s2, $0x6;
	_ =	strace $0x80000053;
	s8 =	smul.u32 $0x28000, s6  }
0xb: {  	s13 =	sshll.u32 s6, $0x4;
	s6 =	ssub.s32 $0x2, s6;
	s11 =	sadd.s32 s7, s5  }
0xc: {  	s28 =	sor.u32 s2, s13;
	s29 =	sshrl.u32 s6, $0x1;
	s12 =	sshrl.u32 s12, $0x2  }
0xd: {  	s7 =	sadd.s32 s7, s8;
	s8 =	smul.u32 $0x2800, s28;
	s13 =	ssub.s32 s6, s29  }
0xe: {  	s15 =	sadd.s32 s12, s1;
	s6 =	sor.u32 $0x1C04, s30;
	s14 =	sadd.s32 s7, s5  }
0xf: {  	s5 =	sadd.s32 $0x8F600, s11;
	s12 =	smax.u32 s13, $0x1;
	s13 =	sshrl.u32 s15, $0x3  }
0x10: {  	s15 =	simm.s32 $0x1400;
	s8 =	sshrl.u32 s8, $0x3;
	s11 =	sadd.s32 $0xDF600, s14  }
0x11: {  	s14 =	simm.s32 $0x4;
	s7 =	sadd.s32 s9, s8;
	s31 =	sadd.s32 $0x280, s8  }
0x12: {  	s8 =	sadd.s32 s10, s8;
	s9 =	sadd.s32 s9, s31;
	s10 =	sadd.s32 s10, s31  }
.LBB2_1:
0x13: {  	[spmem:s13], [sflag:s6] =	dma.local [hbm:s5], $0x2800  }
0x14: {  	_ =	swait.ge [sflag:s14], $0x2800  }
0x15: {  	[sflag:s14] =	ssyncset.done $0x0  }
0x16: {  	[sflag:s14] =	ssyncadd.s32 $0xFFFFD800  }
0x17: {  	[bflag:$0x0] =	sbarrier.arrive $0xFFFF  }
0x18: {  	[tilespmem:s3], [sflag:$0x3] =	stream.linear.gather [hbm4b:s7+s3], $0x1400, $0x38;
	[tilespmem:$0x1E800] =	vst v63  }
0x19: {  	_ = 	snop  }
0x1a: {  	[tilespmem:s15], [sflag:$0x3] =	stream.linear.gather [hbm4b:s8+s3], $0x1400, $0x38;
	[tilespmem:$0x1E800] =	vst v63  }
0x1b: {  	_ =	swait.ge [sflag:s16], $0x1400  }
0x1c: {  	[sflag:s16] =	ssyncset.done $0x0  }
0x1d: {  	[sflag:s16] =	ssyncadd.s32 $0xFFFFEC00  }
0x1e: {  	_ =	swait.ge [sflag:s16], $0x1400  }
0x1f: {  	[sflag:s16] =	ssyncset.done $0x0  }
0x20: {  	[sflag:s16] =	ssyncadd.s32 $0xFFFFEC00  }
0x21: {  	[tilespmem:s18], [sflag:$0x1] =	stream.indirect.gather [hbm4b:s4+s17], $0x80, s3, s17, $0xb8;
	[tilespmem:$0x1E800] =	vst v63  }
0x22: {  	_ =	swait.ge [sflag:s19], $0x4000  }
0x23: {  	[sflag:s19] =	ssyncset.done $0x0  }
0x24: {  	s26 =	simm.s32 $0x80;
	[sflag:s19] =	ssyncadd.s32 $0xFFFFC000  }
0x25: {  	[tilespmem:s20], [sflag:$0x2] =	stream.indirect.gather [hbm4b:s4+s17], $0x80, s26, s17, $0xb8;
	[tilespmem:$0x1E800] =	vst v63  }
0x26: {  	s29 =	simm.s32 $0x1400  }
0x27: {  	[spmem:s1] =	stream.indirect.scatter.add.f32 [tilespmem:s18], [sflag:$0x4], $0x80, s29, s17, $0xb8;
	[tilespmem:$0x1E800] =	vst v63  }
0x28: {  	_ =	swait.ge [sflag:s14], $0x4000  }
0x29: {  	[sflag:s14] =	ssyncset.done $0x0  }
0x2a: {  	s30 =	simm.s32 $0x100;
	[sflag:s14] =	ssyncadd.s32 $0xFFFFC000  }
0x2b: {  	[tilespmem:s18], [sflag:$0x1] =	stream.indirect.gather [hbm4b:s4+s17], $0x80, s30, s17, $0xb8;
	[tilespmem:$0x1E800] =	vst v63  }
0x2c: {  	_ =	swait.ge [sflag:s21], $0x4000  }
0x2d: {  	[sflag:s21] =	ssyncset.done $0x0  }
0x2e: {  	s31 =	simm.s32 $0x1480;
	[sflag:s21] =	ssyncadd.s32 $0xFFFFC000  }
0x2f: {  	[spmem:s1] =	stream.indirect.scatter.add.f32 [tilespmem:s20], [sflag:$0x4], $0x80, s31, s17, $0xb8;
	[tilespmem:$0x1E800] =	vst v63  }
0x30: {  	_ =	swait.ge [sflag:s14], $0x4000  }
0x31: {  	s26 =	simm.s32 $0x400;
	[sflag:s14] =	ssyncset.done $0x0  }
.LBB2_2:
0x32: {  	p0 =	sne.s32 s26, $0x4800  }
0x33: {  	[sflag:s14] =	ssyncadd.s32 $0xFFFFC000;
	s28 =	smov.u32 s26;
	s26 =	sadd.s32 $0x400, s26  }
0x34: {  	_ =	swait.ge [sflag:s19], $0x4000  }
0x35: {  	s28 =	sshra.s32 s28, $0x2;
	[sflag:s19] =	ssyncset.done $0x0  }
0x36: {  	s29 =	sadd.s32 $0x80, s28;
	[sflag:s19] =	ssyncadd.s32 $0xFFFFC000  }
0x37: {  	[tilespmem:s20], [sflag:$0x2] =	stream.indirect.gather [hbm4b:s4+s17], $0x80, s29, s17, $0xb8;
	[tilespmem:$0x1E800] =	vst v63  }
0x38: {  	s29 =	sadd.s32 $0x1400, s28  }
0x39: {  	[spmem:s1] =	stream.indirect.scatter.add.f32 [tilespmem:s18], [sflag:$0x4], $0x80, s29, s17, $0xb8;
	[tilespmem:$0x1E800] =	vst v63  }
0x3a: {  	_ =	swait.ge [sflag:s14], $0x4000  }
0x3b: {  	[sflag:s14] =	ssyncset.done $0x0  }
0x3c: {  	s29 =	sadd.s32 $0x100, s28;
	[sflag:s14] =	ssyncadd.s32 $0xFFFFC000  }
0x3d: {  	[tilespmem:s18], [sflag:$0x1] =	stream.indirect.gather [hbm4b:s4+s17], $0x80, s29, s17, $0xb8;
	[tilespmem:$0x1E800] =	vst v63  }
0x3e: {  	_ =	swait.ge [sflag:s21], $0x4000  }
.Ltmp0:
0x3f: {  	[sflag:s21] =	ssyncset.done $0x0;
	(pc) =	sbr.rel @p0 .LBB2_2-.Ltmp0, $4  }
0x40: {  	s28 =	sadd.s32 $0x1480, s28;
	[sflag:s21] =	ssyncadd.s32 $0xFFFFC000  }
0x41: {  	[spmem:s1] =	stream.indirect.scatter.add.f32 [tilespmem:s20], [sflag:$0x4], $0x80, s28, s17, $0xb8;
	[tilespmem:$0x1E800] =	vst v63  }
0x42: {  	_ =	swait.ge [sflag:s14], $0x4000  }
0x43: {  	[sflag:s14] =	ssyncset.done $0x0  }
0x44: {  	[sflag:s14] =	ssyncadd.s32 $0xFFFFC000  }
0x45: {  	_ =	swait.ge [sflag:s19], $0x4000  }
0x46: {  	[sflag:s19] =	ssyncset.done $0x0  }
0x47: {  	[sflag:s19] =	ssyncadd.s32 $0xFFFFC000  }
0x48: {  	[tilespmem:s20], [sflag:$0x2] =	stream.indirect.gather [hbm4b:s4+s17], $0x80, s22, s17, $0xb8;
	[tilespmem:$0x1E800] =	vst v63  }
0x49: {  	_ = 	snop  }
0x4a: {  	[spmem:s1] =	stream.indirect.scatter.add.f32 [tilespmem:s18], [sflag:$0x4], $0x80, s23, s17, $0xb8;
	[tilespmem:$0x1E800] =	vst v63  }
0x4b: {  	_ =	swait.ge [sflag:s14], $0x4000  }
0x4c: {  	[sflag:s14] =	ssyncset.done $0x0  }
0x4d: {  	[sflag:s14] =	ssyncadd.s32 $0xFFFFC000  }
0x4e: {  	[tilespmem:s18], [sflag:$0x1] =	stream.indirect.gather [hbm4b:s4+s17], $0x80, s22, s17, $0xb8;
	[tilespmem:$0x1E800] =	vst v63  }
0x4f: {  	_ =	swait.ge [sflag:s21], $0x4000  }
0x50: {  	[sflag:s21] =	ssyncset.done $0x0  }
0x51: {  	[sflag:s21] =	ssyncadd.s32 $0xFFFFC000  }
0x52: {  	[spmem:s1] =	stream.indirect.scatter.add.f32 [tilespmem:s20], [sflag:$0x4], $0x80, s24, s17, $0xb8;
	[tilespmem:$0x1E800] =	vst v63  }
0x53: {  	_ =	swait.ge [sflag:s14], $0x4000  }
0x54: {  	[sflag:s14] =	ssyncset.done $0x0  }
0x55: {  	[sflag:s14] =	ssyncadd.s32 $0xFFFFC000  }
0x56: {  	_ =	swait.ge [sflag:s19], $0x4000  }
0x57: {  	[sflag:s19] =	ssyncset.done $0x0  }
0x58: {  	s26 =	simm.s32 $0x0;
	[sflag:s19] =	ssyncadd.s32 $0xFFFFC000  }
0x59: {  	[tilespmem:s26], [sflag:$0x3] =	stream.linear.gather [hbm4b:s9+s26], $0x1400, $0x38;
	[tilespmem:$0x1E800] =	vst v63  }
0x5a: {  	_ = 	snop  }
0x5b: {  	[tilespmem:s15], [sflag:$0x3] =	stream.linear.gather [hbm4b:s10+s26], $0x1400, $0x38;
	[tilespmem:$0x1E800] =	vst v63  }
0x5c: {  	_ =	swait.ge [sflag:s16], $0x1400  }
0x5d: {  	[sflag:s16] =	ssyncset.done $0x0  }
0x5e: {  	[sflag:s16] =	ssyncadd.s32 $0xFFFFEC00  }
0x5f: {  	_ =	swait.ge [sflag:s16], $0x1400  }
0x60: {  	[sflag:s16] =	ssyncset.done $0x0  }
0x61: {  	[sflag:s16] =	ssyncadd.s32 $0xFFFFEC00  }
0x62: {  	[tilespmem:s18], [sflag:$0x1] =	stream.indirect.gather [hbm4b:s4+s17], $0x80, s26, s17, $0xb8;
	[tilespmem:$0x1E800] =	vst v63  }
0x63: {  	_ =	swait.ge [sflag:s19], $0x4000  }
0x64: {  	[sflag:s19] =	ssyncset.done $0x0  }
0x65: {  	s28 =	simm.s32 $0x80;
	[sflag:s19] =	ssyncadd.s32 $0xFFFFC000  }
0x66: {  	[tilespmem:s20], [sflag:$0x2] =	stream.indirect.gather [hbm4b:s4+s17], $0x80, s28, s17, $0xb8;
	[tilespmem:$0x1E800] =	vst v63  }
0x67: {  	s29 =	simm.s32 $0x1400  }
0x68: {  	[spmem:s1] =	stream.indirect.scatter.add.f32 [tilespmem:s18], [sflag:$0x4], $0x80, s29, s17, $0xb8;
	[tilespmem:$0x1E800] =	vst v63  }
0x69: {  	_ =	swait.ge [sflag:s14], $0x4000  }
0x6a: {  	[sflag:s14] =	ssyncset.done $0x0  }
0x6b: {  	s30 =	simm.s32 $0x100;
	[sflag:s14] =	ssyncadd.s32 $0xFFFFC000  }
0x6c: {  	[tilespmem:s18], [sflag:$0x1] =	stream.indirect.gather [hbm4b:s4+s17], $0x80, s30, s17, $0xb8;
	[tilespmem:$0x1E800] =	vst v63  }
0x6d: {  	_ =	swait.ge [sflag:s21], $0x4000  }
0x6e: {  	[sflag:s21] =	ssyncset.done $0x0  }
0x6f: {  	s31 =	simm.s32 $0x1480;
	[sflag:s21] =	ssyncadd.s32 $0xFFFFC000  }
0x70: {  	[spmem:s1] =	stream.indirect.scatter.add.f32 [tilespmem:s20], [sflag:$0x4], $0x80, s31, s17, $0xb8;
	[tilespmem:$0x1E800] =	vst v63  }
0x71: {  	_ =	swait.ge [sflag:s14], $0x4000  }
0x72: {  	s26 =	simm.s32 $0x400;
	[sflag:s14] =	ssyncset.done $0x0  }
.LBB2_4:
0x73: {  	p0 =	sne.s32 s26, $0x4800  }
0x74: {  	[sflag:s14] =	ssyncadd.s32 $0xFFFFC000;
	s28 =	smov.u32 s26;
	s26 =	sadd.s32 $0x400, s26  }
0x75: {  	_ =	swait.ge [sflag:s19], $0x4000  }
0x76: {  	s28 =	sshra.s32 s28, $0x2;
	[sflag:s19] =	ssyncset.done $0x0  }
0x77: {  	s29 =	sadd.s32 $0x80, s28;
	[sflag:s19] =	ssyncadd.s32 $0xFFFFC000  }
0x78: {  	[tilespmem:s20], [sflag:$0x2] =	stream.indirect.gather [hbm4b:s4+s17], $0x80, s29, s17, $0xb8;
	[tilespmem:$0x1E800] =	vst v63  }
0x79: {  	s29 =	sadd.s32 $0x1400, s28  }
0x7a: {  	[spmem:s1] =	stream.indirect.scatter.add.f32 [tilespmem:s18], [sflag:$0x4], $0x80, s29, s17, $0xb8;
	[tilespmem:$0x1E800] =	vst v63  }
0x7b: {  	_ =	swait.ge [sflag:s14], $0x4000  }
0x7c: {  	[sflag:s14] =	ssyncset.done $0x0  }
0x7d: {  	s29 =	sadd.s32 $0x100, s28;
	[sflag:s14] =	ssyncadd.s32 $0xFFFFC000  }
0x7e: {  	[tilespmem:s18], [sflag:$0x1] =	stream.indirect.gather [hbm4b:s4+s17], $0x80, s29, s17, $0xb8;
	[tilespmem:$0x1E800] =	vst v63  }
0x7f: {  	_ =	swait.ge [sflag:s21], $0x4000  }
.Ltmp1:
0x80: {  	[sflag:s21] =	ssyncset.done $0x0;
	(pc) =	sbr.rel @p0 .LBB2_4-.Ltmp1, $4  }
0x81: {  	s28 =	sadd.s32 $0x1480, s28;
	[sflag:s21] =	ssyncadd.s32 $0xFFFFC000  }
0x82: {  	[spmem:s1] =	stream.indirect.scatter.add.f32 [tilespmem:s20], [sflag:$0x4], $0x80, s28, s17, $0xb8;
	[tilespmem:$0x1E800] =	vst v63  }
0x83: {  	_ =	swait.ge [sflag:s14], $0x4000  }
0x84: {  	[sflag:s14] =	ssyncset.done $0x0  }
0x85: {  	[sflag:s14] =	ssyncadd.s32 $0xFFFFC000  }
0x86: {  	_ =	swait.ge [sflag:s19], $0x4000  }
0x87: {  	[sflag:s19] =	ssyncset.done $0x0  }
0x88: {  	[sflag:s19] =	ssyncadd.s32 $0xFFFFC000  }
0x89: {  	[tilespmem:s20], [sflag:$0x2] =	stream.indirect.gather [hbm4b:s4+s17], $0x80, s22, s17, $0xb8;
	[tilespmem:$0x1E800] =	vst v63  }
0x8a: {  	_ = 	snop  }
0x8b: {  	[spmem:s1] =	stream.indirect.scatter.add.f32 [tilespmem:s18], [sflag:$0x4], $0x80, s23, s17, $0xb8;
	[tilespmem:$0x1E800] =	vst v63  }
0x8c: {  	_ =	swait.ge [sflag:s14], $0x4000  }
0x8d: {  	[sflag:s14] =	ssyncset.done $0x0  }
0x8e: {  	[sflag:s14] =	ssyncadd.s32 $0xFFFFC000  }
0x8f: {  	[tilespmem:s18], [sflag:$0x1] =	stream.indirect.gather [hbm4b:s4+s17], $0x80, s22, s17, $0xb8;
	[tilespmem:$0x1E800] =	vst v63  }
0x90: {  	_ =	swait.ge [sflag:s21], $0x4000  }
0x91: {  	[sflag:s21] =	ssyncset.done $0x0  }
0x92: {  	[sflag:s21] =	ssyncadd.s32 $0xFFFFC000  }
0x93: {  	[spmem:s1] =	stream.indirect.scatter.add.f32 [tilespmem:s20], [sflag:$0x4], $0x80, s24, s17, $0xb8;
	[tilespmem:$0x1E800] =	vst v63  }
0x94: {  	_ =	swait.ge [sflag:s14], $0x4000  }
0x95: {  	[sflag:s14] =	ssyncset.done $0x0  }
0x96: {  	[sflag:s14] =	ssyncadd.s32 $0xFFFFC000  }
0x97: {  	_ =	swait.ge [sflag:s19], $0x4000  }
0x98: {  	s25 =	sadd.s32 $0x1, s25;
	[sflag:s19] =	ssyncset.done $0x0  }
0x99: {  	p0 =	sne.s32 s25, s12;
	[sflag:s19] =	ssyncadd.s32 $0xFFFFC000  }
.Ltmp2:
0x9a: {  	[bflag:$0x0] =	sbarrier.arrive $0xFFFF;
	(pc) =	sbr.rel @p0 .LBB2_1-.Ltmp2, $4  }
0x9b: {  	[hbm:s11], [sflag:s6] =	dma.local [spmem:s13], $0x2800  }
0x9c: {  	_ =	swait.ge [sflag:s14], $0x2800  }
0x9d: {  	[sflag:s14] =	ssyncset.done $0x0  }
0x9e: {  	[sflag:s14] =	ssyncadd.s32 $0xFFFFD800  }
0x9f: {  	_ =	sfence.sel $0x180000  }
0xa0: {  	[bflag:$0x0] =	sbarrier.arrive $0xFFFF  }
0xa1: {  	p0 =	sne.s32 s2, $0x0;
	_ =	strace $0x90000053  }
0xa2: {  	s0 =	sadd.s32 @!p0 $0x100000, s0;
	[bflag:$0x2] =	sbarrier.arrive $0xFFFF  }
0xa3: {  	[sflag:s0] =	ssyncadd.tile.s32 @!p0 $0x1;
	_ =	shalt  }
.Lfunc_end2:
_tile_overlayer_lowered:
.L_overlay_start_2:
0xa4: {  	(tag) =	ssettag $0x2  }
0xa5: {  	s0 =	rddreg [dreg:$0x0];
	s2 =	stileid.u32  }
0xa6: {  	s1 =	rddreg [dreg:$0x1];
	p0 =	sne.s32 s2, $0x0  }
0xa7: {  	s3 =	rddreg [dreg:$0x2];
	[bflag:$0x3] =	sbarrier.arrive $0xFFFF;
	s2 =	simm.s32 @!p0 $0x1C04  }
0xa8: {  	[timem:s3], [sflag:s2] =	dma.local @!p0 [hbm:s0], s1  }
0xa9: {  	s0 =	simm.s32 @!p0 $0x4  }
0xaa: {  	_ =	swait.ge @!p0 [sflag:s0], s1  }
0xab: {  	s1 =	ssub.s32 @!p0 $0x0, s1;
	[sflag:s0] =	ssyncset.done @!p0 $0x0  }
0xac: {  	[sflag:s0] =	ssyncadd.s32 @!p0 s1  }
0xad: {  	[bflag:$0x3] =	sbarrier.arrive $0xFFFF  }
0xae: {  	_ =	shalt  }

</sc_bundles>
